<compile_context>
chip_gen: v7x
topology: tpu7x:2x2x1
jax: 0.10.2.dev20260603
libtpu: 0.0.44.dev20260713+nightly
codegen_flags: <defaults>
</compile_context>

<pallas_src>
import functools

import jax
import jax.numpy as jnp
from jax import lax
from jax.experimental import pallas as pl
from jax.experimental.pallas import tpu as pltpu
from jax.experimental.pallas import tpu_sc as plsc

N_NODES = 10000
N_EDGES = 320000
IN_DIM = 128
HIDDEN_DIM = 128
Z_DIM = 64

B = 64
NBUF = 4
NC, NS = 2, 16
NW = NC * NS
EPT = N_EDGES // NW
NBT = EPT // B
TAIL = EPT - NBT * B
CH = 3
CBT = NBT // CH
CROUNDS = CBT // NBUF
CW = CBT * B
STRIPE = 624
STRIPE_REM = N_NODES - NS * STRIPE

_mesh = plsc.VectorSubcoreMesh(core_axis_name="c", subcore_axis_name="s")


@functools.partial(
    pl.kernel,
    mesh=_mesh,
    compiler_params=pltpu.CompilerParams(needs_layout_passes=False),
    out_type=jax.ShapeDtypeStruct((NW * N_NODES,), jnp.float32),
    scratch_types=[
        pltpu.VMEM((EPT,), jnp.int32),
        pltpu.VMEM((N_NODES,), jnp.float32),
    ],
)
def _sc_deg(dst1d, zeros_hbm, out, dvm, tabv):
    tid = lax.axis_index("c") * NS + lax.axis_index("s")
    pltpu.sync_copy(dst1d.at[pl.ds(tid * EPT, EPT)], dvm)
    pltpu.sync_copy(zeros_hbm, tabv)
    ones = jnp.ones((16,), jnp.float32)

    def body(i, carry):
        for u in range(4):
            iv = dvm[pl.ds((i * 4 + u) * 16, 16)]
            plsc.addupdate_scatter(tabv, [iv], ones)
        return carry

    lax.fori_loop(0, EPT // 64, body, 0)
    iv = dvm[pl.ds(EPT - 16, 16)]
    plsc.addupdate_scatter(tabv, [iv], ones)
    for r in range(N_NODES // 1000):
        pltpu.sync_copy(tabv.at[pl.ds(r * 1000, 1000)],
                        out.at[pl.ds(r * NW * 1000 + tid * 1000, 1000)])


@functools.partial(
    pl.kernel,
    mesh=_mesh,
    out_type=jax.ShapeDtypeStruct((NC, N_NODES, HIDDEN_DIM), jnp.float32),
    scratch_types=[
        [pltpu.VMEM((CW,), jnp.int32)] * 2,
        [pltpu.VMEM((CW,), jnp.int32)] * 2,
        [pltpu.VMEM((B, HIDDEN_DIM), jnp.float32)] * NBUF,
        pltpu.VMEM_SHARED((N_NODES, HIDDEN_DIM), jnp.float32),
        [pltpu.SemaphoreType.DMA] * NBUF,
        [pltpu.SemaphoreType.DMA] * NBUF,
        pltpu.SemaphoreType.DMA,
    ],
)
def _sc_spmm(table, src1d, dst1d, zeros_hbm, out,
             svm, dvm, rows, acc, gsem, ssem, psem):
    c = lax.axis_index("c")
    s = lax.axis_index("s")
    r0 = s * STRIPE
    @pl.when(c == 0)
    def _():
        pltpu.sync_copy(table.at[pl.ds(r0, STRIPE)], acc.at[pl.ds(r0, STRIPE)])

        @pl.when(s == NS - 1)
        def _():
            pltpu.sync_copy(table.at[pl.ds(NS * STRIPE, STRIPE_REM)],
                            acc.at[pl.ds(NS * STRIPE, STRIPE_REM)])

    @pl.when(c == 1)
    def _():
        pltpu.sync_copy(zeros_hbm.at[pl.ds(r0, STRIPE)],
                        acc.at[pl.ds(r0, STRIPE)])

        @pl.when(s == NS - 1)
        def _():
            pltpu.sync_copy(zeros_hbm.at[pl.ds(NS * STRIPE, STRIPE_REM)],
                            acc.at[pl.ds(NS * STRIPE, STRIPE_REM)])

    w = (c * NS + s) * EPT
    plsc.subcore_barrier()

    def sv(j):
        return svm.at[pl.ds(j * B, B)]

    def dv(j):
        return dvm.at[pl.ds(j * B, B)]

    def gstart(p, j, u):
        pltpu.async_copy(table.at[svm[p].at[pl.ds(j * B, B)]], rows[u], gsem[u])

    def gwait(p, j, u):
        pltpu.make_async_copy(table.at[svm[p].at[pl.ds(j * B, B)]],
                              rows[u], gsem[u]).wait()

    def sstart(p, j, u):
        pltpu.async_copy(rows[u], acc.at[dvm[p].at[pl.ds(j * B, B)]],
                         ssem[u], add=True)

    def swait(p, j, u):
        pltpu.make_async_copy(rows[u], acc.at[dvm[p].at[pl.ds(j * B, B)]],
                              ssem[u]).wait()

    pltpu.sync_copy(src1d.at[pl.ds(w, CW)], svm[0])
    pltpu.sync_copy(dst1d.at[pl.ds(w, CW)], dvm[0])
    gstart(0, 0, 0)
    gstart(0, 1, 1)

    for ck in range(CH):
        p = ck % 2
        q = 1 - p
        for u in range(NBUF):
            gwait(p, u, u)
            sstart(p, u, u)
            wn = (u + 2) % NBUF
            if u < 2:
                if ck > 0:
                    swait(1 - p, CBT - 2 + u, wn)
            else:
                swait(p, u - 2, wn)
            gstart(p, u + 2, wn)
        if ck < CH - 1:
            wn_ = w + (ck + 1) * CW
            pltpu.async_copy(src1d.at[pl.ds(wn_, CW)], svm[q], psem)
            pltpu.async_copy(dst1d.at[pl.ds(wn_, CW)], dvm[q], psem)

        def body(r, carry):
            for u in range(NBUF):
                j = NBUF * r + u
                gwait(p, j, u)
                sstart(p, j, u)
                wn = (u + 2) % NBUF
                swait(p, j - 2, wn)
                gstart(p, j + 2, wn)
            return carry

        lax.fori_loop(1, CROUNDS - 1, body, 0)

        for u in range(NBUF):
            j = CBT - NBUF + u
            gwait(p, j, u)
            sstart(p, j, u)
            wn = (u + 2) % NBUF
            swait(p, j - 2, wn)
            if u < 2:
                gstart(p, j + 2, wn)
            elif ck < CH - 1:
                if u == 2:
                    pltpu.make_async_copy(src1d.at[pl.ds(0, CW)], svm[q],
                                          psem).wait()
                    pltpu.make_async_copy(dst1d.at[pl.ds(0, CW)], dvm[q],
                                          psem).wait()
                gstart(q, u - 2, wn)

    pf = (CH - 1) % 2
    swait(pf, CBT - 2, (CBT - 2) % NBUF)
    swait(pf, CBT - 1, (CBT - 1) % NBUF)

    pltpu.sync_copy(src1d.at[pl.ds(w + NBT * B, TAIL)], svm[0].at[pl.ds(0, TAIL)])
    pltpu.sync_copy(dst1d.at[pl.ds(w + NBT * B, TAIL)], dvm[0].at[pl.ds(0, TAIL)])
    rt = rows[0].at[pl.ds(0, TAIL)]
    pltpu.async_copy(table.at[svm[0].at[pl.ds(0, TAIL)]], rt, gsem[0]).wait()
    pltpu.sync_copy(rt, acc.at[dvm[0].at[pl.ds(0, TAIL)]], add=True)

    plsc.subcore_barrier()
    pltpu.sync_copy(acc.at[pl.ds(r0, STRIPE)], out.at[c].at[pl.ds(r0, STRIPE)])

    @pl.when(s == NS - 1)
    def _():
        pltpu.sync_copy(acc.at[pl.ds(NS * STRIPE, STRIPE_REM)],
                        out.at[c].at[pl.ds(NS * STRIPE, STRIPE_REM)])


R = 1000
GRID = N_NODES // R
def _dinv_of(degp_ref):
    ones = jnp.ones((NW, HIDDEN_DIM), jnp.float32)
    deg = lax.dot_general(degp_ref[0], ones, (((0,), (0,)), ((), ())),
                          preferred_element_type=jnp.float32)
    return lax.rsqrt(deg + 1.0)


def _tc1_body(x_ref, w_ref, degp_ref, o_ref):
    h0 = jnp.dot(x_ref[...], w_ref[...], preferred_element_type=jnp.float32)
    o_ref[...] = h0 * _dinv_of(degp_ref)


def _tc2_body(s_ref, degp_ref, b_ref, o_ref):
    dinv = _dinv_of(degp_ref)
    h1 = jnp.maximum(dinv * (s_ref[0] + s_ref[1]) + b_ref[...], 0.0)
    o_ref[...] = dinv * h1


def _tc3_body(s_ref, degp_ref, wm_ref, bm_ref, wl_ref, bl_ref,
              mu_ref, lv_ref):
    g = _dinv_of(degp_ref) * (s_ref[0] + s_ref[1])
    mu_ref[...] = jnp.dot(g, wm_ref[...], preferred_element_type=jnp.float32) + bm_ref[...]
    lv_ref[...] = jnp.dot(g, wl_ref[...], preferred_element_type=jnp.float32) + bl_ref[...]


def _row_spec(d):
    return pl.BlockSpec((R, d), lambda i: (i, 0))


def _part_spec(d):
    return pl.BlockSpec((NC, R, d), lambda i: (0, i, 0))


_deg_spec = pl.BlockSpec((1, NW, R), lambda i: (i, 0, 0))


def _full_spec(a, b):
    return pl.BlockSpec((a, b), lambda i: (0, 0))


_tc1 = pl.pallas_call(
    _tc1_body,
    grid=(GRID,),
    in_specs=[_row_spec(IN_DIM), _full_spec(IN_DIM, HIDDEN_DIM), _deg_spec],
    out_specs=_row_spec(HIDDEN_DIM),
    out_shape=jax.ShapeDtypeStruct((N_NODES, HIDDEN_DIM), jnp.float32),
)

_tc2 = pl.pallas_call(
    _tc2_body,
    grid=(GRID,),
    in_specs=[_part_spec(HIDDEN_DIM), _deg_spec,
              _full_spec(1, HIDDEN_DIM)],
    out_specs=_row_spec(HIDDEN_DIM),
    out_shape=jax.ShapeDtypeStruct((N_NODES, HIDDEN_DIM), jnp.float32),
)

_tc3 = pl.pallas_call(
    _tc3_body,
    grid=(GRID,),
    in_specs=[_part_spec(HIDDEN_DIM), _deg_spec,
              _full_spec(HIDDEN_DIM, Z_DIM), _full_spec(1, Z_DIM),
              _full_spec(HIDDEN_DIM, Z_DIM), _full_spec(1, Z_DIM)],
    out_specs=[_row_spec(Z_DIM), _row_spec(Z_DIM)],
    out_shape=[jax.ShapeDtypeStruct((N_NODES, Z_DIM), jnp.float32),
               jax.ShapeDtypeStruct((N_NODES, Z_DIM), jnp.float32)],
)


def kernel(x, edge_index, W1, b1, Wmu, bmu, Wlv, blv):
    src1d = edge_index[0].astype(jnp.int32).reshape(N_EDGES)
    dst1d = edge_index[1].astype(jnp.int32).reshape(N_EDGES)
    z1 = jnp.zeros((N_NODES,), jnp.float32)
    z_h = jnp.zeros((N_NODES, HIDDEN_DIM), jnp.float32)

    degp = _sc_deg(dst1d, z1).reshape(GRID, NW, R)
    h0s = _tc1(x, W1, degp)
    s1 = _sc_spmm(h0s, src1d, dst1d, z_h)
    h1s = _tc2(s1, degp, b1.reshape(1, HIDDEN_DIM))
    s2 = _sc_spmm(h1s, src1d, dst1d, z_h)
    mu, lv = _tc3(s2, degp, Wmu, bmu.reshape(1, Z_DIM),
                  Wlv, blv.reshape(1, Z_DIM))
    return (mu, lv)

# --- scband reference (transcript-rebuilt; emitter-appended) ---
"""Pipeline reference for scband-gcnencoder-12077448036459 (READ-ONLY COPY).

The authoritative reference and input builder live on the scoring server;
editing this copy changes nothing except your own understanding.
"""

import jax, jax.numpy as jnp
import numpy as np

N_NODES = 10000
N_EDGES = 320000
IN_DIM = 128
HIDDEN_DIM = 128
Z_DIM = 64


def gcn_conv(x, W, b, src, dst, n_nodes):
    # PyG GCNConv: x' = D^{-1/2} (A + I) D^{-1/2} (x W) + b
    h = x @ W
    loop = jnp.arange(n_nodes, dtype=src.dtype)
    src2 = jnp.concatenate([src, loop])
    dst2 = jnp.concatenate([dst, loop])
    ones = jnp.ones(src2.shape[0], dtype=h.dtype)
    deg = jax.ops.segment_sum(ones, dst2, num_segments=n_nodes)
    dinv = jnp.where(deg > 0, jax.lax.rsqrt(jnp.maximum(deg, 1e-12)), 0.0)
    norm = dinv[src2] * dinv[dst2]
    msgs = h[src2] * norm[:, None]
    out = jax.ops.segment_sum(msgs, dst2, num_segments=n_nodes)
    return out + b


def setup_inputs(seed: int = 0) -> dict:
    key = jax.random.key(seed)
    k_x, k_e, k_w1, k_b1, k_wm, k_bm, k_wl, k_bl = jax.random.split(key, 8)
    x = jax.random.normal(k_x, (N_NODES, IN_DIM), dtype=jnp.float32)
    edge_index = jax.random.randint(k_e, (2, N_EDGES), 0, N_NODES, dtype=jnp.int64 if jax.config.jax_enable_x64 else jnp.int32)
    s1 = 1.0 / np.sqrt(IN_DIM)
    s2 = 1.0 / np.sqrt(HIDDEN_DIM)
    W1 = jax.random.uniform(k_w1, (IN_DIM, HIDDEN_DIM), dtype=jnp.float32, minval=-s1, maxval=s1)
    b1 = jnp.zeros((HIDDEN_DIM,), dtype=jnp.float32)
    Wmu = jax.random.uniform(k_wm, (HIDDEN_DIM, Z_DIM), dtype=jnp.float32, minval=-s2, maxval=s2)
    bmu = jnp.zeros((Z_DIM,), dtype=jnp.float32)
    Wlv = jax.random.uniform(k_wl, (HIDDEN_DIM, Z_DIM), dtype=jnp.float32, minval=-s2, maxval=s2)
    blv = jnp.zeros((Z_DIM,), dtype=jnp.float32)
    return {"x": x, "edge_index": edge_index, "W1": W1, "b1": b1, "Wmu": Wmu, "bmu": bmu, "Wlv": Wlv, "blv": blv}


def reference(x, edge_index, W1, b1, Wmu, bmu, Wlv, blv):
    src = edge_index[0]
    dst = edge_index[1]
    h = jax.nn.relu(gcn_conv(x, W1, b1, src, dst, N_NODES))
    mu = gcn_conv(h, Wmu, bmu, src, dst, N_NODES)
    logvar = gcn_conv(h, Wlv, blv, src, dst, N_NODES)
    return (mu, logvar)

if __name__ == "__main__":
    import jax
    _d = setup_inputs()
    print(jax.jit(kernel)(*tuple(_d.values())))

</pallas_src>

<mosaic_0001>
#map = affine_map<(d0, d1) -> (0, 0)>
#map1 = affine_map<(d0, d1) -> (0)>
#map2 = affine_map<(d0, d1) -> (0, 0, 0)>
module attributes {stable_mosaic.version = 14 : i64} {
  func.func @_sc_spmm(%arg0: i32, %arg1: i32, %arg2: memref<10000x128xf32, #tpu.memory_space<hbm>>, %arg3: memref<320000xi32, #tpu.memory_space<hbm>>, %arg4: memref<320000xi32, #tpu.memory_space<hbm>>, %arg5: memref<10000x128xf32, #tpu.memory_space<hbm>>, %arg6: memref<2x10000x128xf32, #tpu.memory_space<hbm>>, %arg7: memref<3328xi32, #tpu.memory_space<vmem>>, %arg8: memref<3328xi32, #tpu.memory_space<vmem>>, %arg9: memref<3328xi32, #tpu.memory_space<vmem>>, %arg10: memref<3328xi32, #tpu.memory_space<vmem>>, %arg11: memref<64x128xf32, #tpu.memory_space<vmem>>, %arg12: memref<64x128xf32, #tpu.memory_space<vmem>>, %arg13: memref<64x128xf32, #tpu.memory_space<vmem>>, %arg14: memref<64x128xf32, #tpu.memory_space<vmem>>, %arg15: memref<10000x128xf32, #tpu.memory_space<vmem_shared>>, %arg16: memref<!tpu.dma_semaphore, #tpu.memory_space<semaphore_mem>>, %arg17: memref<!tpu.dma_semaphore, #tpu.memory_space<semaphore_mem>>, %arg18: memref<!tpu.dma_semaphore, #tpu.memory_space<semaphore_mem>>, %arg19: memref<!tpu.dma_semaphore, #tpu.memory_space<semaphore_mem>>, %arg20: memref<!tpu.dma_semaphore, #tpu.memory_space<semaphore_mem>>, %arg21: memref<!tpu.dma_semaphore, #tpu.memory_space<semaphore_mem>>, %arg22: memref<!tpu.dma_semaphore, #tpu.memory_space<semaphore_mem>>, %arg23: memref<!tpu.dma_semaphore, #tpu.memory_space<semaphore_mem>>, %arg24: memref<!tpu.dma_semaphore, #tpu.memory_space<semaphore_mem>>) attributes {dimension_semantics = [#tpu.dimension_semantics<core_parallel>, #tpu.dimension_semantics<subcore_parallel>], iteration_bounds = array<i64: 2, 16>, scalar_prefetch = 0 : i64, scratch_operands = 18 : i64, tpu.core_type = #tpu.core_type<sc_vector_subcore>, window_params = [{transform_indices = #map}, {transform_indices = #map1}, {transform_indices = #map1}, {transform_indices = #map}, {transform_indices = #map2}]} {
    %mul3A = arith.constant 624 : i32
    %mul3A_0 = arith.muli %arg1, %mul3A : i32
    %eq3A = arith.constant 0 : i32
    %eq3A_1 = arith.cmpi eq, %arg0, %eq3A : i32
    %convert_element_type3A = arith.extui %eq3A_1 : i1 to i32
    %cond3A = arith.constant 0 : i32
    %cond3A_2 = arith.cmpi ne, %convert_element_type3A, %cond3A : i32
    scf.if %cond3A_2 {
      "tpu.region"() ({
        %run_scoped3A = tpu.sem_alloc : memref<!tpu.dma_semaphore, #tpu.memory_space<semaphore_mem>>
        %dma_start3A_566 = arith.constant 0 : i32
        %dma_start3A_567 = tpu.memref_slice %arg15[%mul3A_0, %dma_start3A_566] : memref<10000x128xf32, #tpu.memory_space<vmem_shared>> -> memref<624x128xf32, #tpu.memory_space<vmem_shared>>
        %dma_start3A_568 = arith.constant 0 : i32
        %dma_start3A_569 = tpu.memref_slice %arg2[%mul3A_0, %dma_start3A_568] : memref<10000x128xf32, #tpu.memory_space<hbm>> -> memref<624x128xf32, #tpu.memory_space<hbm>>
        tpu.enqueue_dma source(%dma_start3A_569 : memref<624x128xf32, #tpu.memory_space<hbm>>) target(%dma_start3A_567 : memref<624x128xf32, #tpu.memory_space<vmem_shared>>) target_semaphore(%run_scoped3A : memref<!tpu.dma_semaphore, #tpu.memory_space<semaphore_mem>>)
        %dma_wait3A_570 = arith.constant 0 : i32
        %dma_wait3A_571 = tpu.memref_slice %arg15[%mul3A_0, %dma_wait3A_570] : memref<10000x128xf32, #tpu.memory_space<vmem_shared>> -> memref<624x128xf32, #tpu.memory_space<vmem_shared>>
        %dma_wait3A_572 = arith.constant 0 : i32
        %dma_wait3A_573 = tpu.memref_slice %arg2[%mul3A_0, %dma_wait3A_572] : memref<10000x128xf32, #tpu.memory_space<hbm>> -> memref<624x128xf32, #tpu.memory_space<hbm>>
        tpu.wait_dma2 semaphore(%run_scoped3A : memref<!tpu.dma_semaphore, #tpu.memory_space<semaphore_mem>>) src(%dma_wait3A_573 : memref<624x128xf32, #tpu.memory_space<hbm>>) dst(%dma_wait3A_571 : memref<624x128xf32, #tpu.memory_space<vmem_shared>>)
        tpu.yield
      }) : () -> ()
      %eq3A_561 = arith.constant 15 : i32
      %eq3A_562 = arith.cmpi eq, %arg1, %eq3A_561 : i32
      %convert_element_type3A_563 = arith.extui %eq3A_562 : i1 to i32
      %cond3A_564 = arith.constant 0 : i32
      %cond3A_565 = arith.cmpi ne, %convert_element_type3A_563, %cond3A_564 : i32
      scf.if %cond3A_565 {
        "tpu.region"() ({
          %run_scoped3A = tpu.sem_alloc : memref<!tpu.dma_semaphore, #tpu.memory_space<semaphore_mem>>
          %dma_start3A_566 = arith.constant 9984 : i32
          %dma_start3A_567 = arith.constant 0 : i32
          %dma_start3A_568 = tpu.memref_slice %arg15[%dma_start3A_566, %dma_start3A_567] : memref<10000x128xf32, #tpu.memory_space<vmem_shared>> -> memref<16x128xf32, #tpu.memory_space<vmem_shared>>
          %dma_start3A_569 = arith.constant 9984 : i32
          %dma_start3A_570 = arith.constant 0 : i32
          %dma_start3A_571 = tpu.memref_slice %arg2[%dma_start3A_569, %dma_start3A_570] : memref<10000x128xf32, #tpu.memory_space<hbm>> -> memref<16x128xf32, #tpu.memory_space<hbm>>
          tpu.enqueue_dma source(%dma_start3A_571 : memref<16x128xf32, #tpu.memory_space<hbm>>) target(%dma_start3A_568 : memref<16x128xf32, #tpu.memory_space<vmem_shared>>) target_semaphore(%run_scoped3A : memref<!tpu.dma_semaphore, #tpu.memory_space<semaphore_mem>>)
          %dma_wait3A_572 = arith.constant 9984 : i32
          %dma_wait3A_573 = arith.constant 0 : i32
          %dma_wait3A_574 = tpu.memref_slice %arg15[%dma_wait3A_572, %dma_wait3A_573] : memref<10000x128xf32, #tpu.memory_space<vmem_shared>> -> memref<16x128xf32, #tpu.memory_space<vmem_shared>>
          %dma_wait3A_575 = arith.constant 9984 : i32
          %dma_wait3A_576 = arith.constant 0 : i32
          %dma_wait3A_577 = tpu.memref_slice %arg2[%dma_wait3A_575, %dma_wait3A_576] : memref<10000x128xf32, #tpu.memory_space<hbm>> -> memref<16x128xf32, #tpu.memory_space<hbm>>
          tpu.wait_dma2 semaphore(%run_scoped3A : memref<!tpu.dma_semaphore, #tpu.memory_space<semaphore_mem>>) src(%dma_wait3A_577 : memref<16x128xf32, #tpu.memory_space<hbm>>) dst(%dma_wait3A_574 : memref<16x128xf32, #tpu.memory_space<vmem_shared>>)
          tpu.yield
        }) : () -> ()
      } else {
      }
    } else {
    }
    %eq3A_3 = arith.constant 1 : i32
    %eq3A_4 = arith.cmpi eq, %arg0, %eq3A_3 : i32
    %convert_element_type3A_5 = arith.extui %eq3A_4 : i1 to i32
    %cond3A_6 = arith.constant 0 : i32
    %cond3A_7 = arith.cmpi ne, %convert_element_type3A_5, %cond3A_6 : i32
    scf.if %cond3A_7 {
      "tpu.region"() ({
        %run_scoped3A = tpu.sem_alloc : memref<!tpu.dma_semaphore, #tpu.memory_space<semaphore_mem>>
        %dma_start3A_566 = arith.constant 0 : i32
        %dma_start3A_567 = tpu.memref_slice %arg15[%mul3A_0, %dma_start3A_566] : memref<10000x128xf32, #tpu.memory_space<vmem_shared>> -> memref<624x128xf32, #tpu.memory_space<vmem_shared>>
        %dma_start3A_568 = arith.constant 0 : i32
        %dma_start3A_569 = tpu.memref_slice %arg5[%mul3A_0, %dma_start3A_568] : memref<10000x128xf32, #tpu.memory_space<hbm>> -> memref<624x128xf32, #tpu.memory_space<hbm>>
        tpu.enqueue_dma source(%dma_start3A_569 : memref<624x128xf32, #tpu.memory_space<hbm>>) target(%dma_start3A_567 : memref<624x128xf32, #tpu.memory_space<vmem_shared>>) target_semaphore(%run_scoped3A : memref<!tpu.dma_semaphore, #tpu.memory_space<semaphore_mem>>)
        %dma_wait3A_570 = arith.constant 0 : i32
        %dma_wait3A_571 = tpu.memref_slice %arg15[%mul3A_0, %dma_wait3A_570] : memref<10000x128xf32, #tpu.memory_space<vmem_shared>> -> memref<624x128xf32, #tpu.memory_space<vmem_shared>>
        %dma_wait3A_572 = arith.constant 0 : i32
        %dma_wait3A_573 = tpu.memref_slice %arg5[%mul3A_0, %dma_wait3A_572] : memref<10000x128xf32, #tpu.memory_space<hbm>> -> memref<624x128xf32, #tpu.memory_space<hbm>>
        tpu.wait_dma2 semaphore(%run_scoped3A : memref<!tpu.dma_semaphore, #tpu.memory_space<semaphore_mem>>) src(%dma_wait3A_573 : memref<624x128xf32, #tpu.memory_space<hbm>>) dst(%dma_wait3A_571 : memref<624x128xf32, #tpu.memory_space<vmem_shared>>)
        tpu.yield
      }) : () -> ()
      %eq3A_561 = arith.constant 15 : i32
      %eq3A_562 = arith.cmpi eq, %arg1, %eq3A_561 : i32
      %convert_element_type3A_563 = arith.extui %eq3A_562 : i1 to i32
      %cond3A_564 = arith.constant 0 : i32
      %cond3A_565 = arith.cmpi ne, %convert_element_type3A_563, %cond3A_564 : i32
      scf.if %cond3A_565 {
        "tpu.region"() ({
          %run_scoped3A = tpu.sem_alloc : memref<!tpu.dma_semaphore, #tpu.memory_space<semaphore_mem>>
          %dma_start3A_566 = arith.constant 9984 : i32
          %dma_start3A_567 = arith.constant 0 : i32
          %dma_start3A_568 = tpu.memref_slice %arg15[%dma_start3A_566, %dma_start3A_567] : memref<10000x128xf32, #tpu.memory_space<vmem_shared>> -> memref<16x128xf32, #tpu.memory_space<vmem_shared>>
          %dma_start3A_569 = arith.constant 9984 : i32
          %dma_start3A_570 = arith.constant 0 : i32
          %dma_start3A_571 = tpu.memref_slice %arg5[%dma_start3A_569, %dma_start3A_570] : memref<10000x128xf32, #tpu.memory_space<hbm>> -> memref<16x128xf32, #tpu.memory_space<hbm>>
          tpu.enqueue_dma source(%dma_start3A_571 : memref<16x128xf32, #tpu.memory_space<hbm>>) target(%dma_start3A_568 : memref<16x128xf32, #tpu.memory_space<vmem_shared>>) target_semaphore(%run_scoped3A : memref<!tpu.dma_semaphore, #tpu.memory_space<semaphore_mem>>)
          %dma_wait3A_572 = arith.constant 9984 : i32
          %dma_wait3A_573 = arith.constant 0 : i32
          %dma_wait3A_574 = tpu.memref_slice %arg15[%dma_wait3A_572, %dma_wait3A_573] : memref<10000x128xf32, #tpu.memory_space<vmem_shared>> -> memref<16x128xf32, #tpu.memory_space<vmem_shared>>
          %dma_wait3A_575 = arith.constant 9984 : i32
          %dma_wait3A_576 = arith.constant 0 : i32
          %dma_wait3A_577 = tpu.memref_slice %arg5[%dma_wait3A_575, %dma_wait3A_576] : memref<10000x128xf32, #tpu.memory_space<hbm>> -> memref<16x128xf32, #tpu.memory_space<hbm>>
          tpu.wait_dma2 semaphore(%run_scoped3A : memref<!tpu.dma_semaphore, #tpu.memory_space<semaphore_mem>>) src(%dma_wait3A_577 : memref<16x128xf32, #tpu.memory_space<hbm>>) dst(%dma_wait3A_574 : memref<16x128xf32, #tpu.memory_space<vmem_shared>>)
          tpu.yield
        }) : () -> ()
      } else {
      }
    } else {
    }
    %mul3A_8 = arith.constant 16 : i32
    %mul3A_9 = arith.muli %arg0, %mul3A_8 : i32
    %add3A = arith.addi %mul3A_9, %arg1 : i32
    %mul3A_10 = arith.constant 10000 : i32
    %mul3A_11 = arith.muli %add3A, %mul3A_10 : i32
    %barrier3A = arith.constant 0 : index
    tpu.barrier barrier_id(%barrier3A)
    "tpu.region"() ({
      %run_scoped3A = tpu.sem_alloc : memref<!tpu.dma_semaphore, #tpu.memory_space<semaphore_mem>>
      %dma_start3A_561 = tpu.memref_slice %arg3[%mul3A_11] : memref<320000xi32, #tpu.memory_space<hbm>> -> memref<3328xi32, #tpu.memory_space<hbm>>
      %dma_start3A_562 = tpu.memref_slice %arg3[%mul3A_11] : memref<320000xi32, #tpu.memory_space<hbm>> -> memref<3328xi32, #tpu.memory_space<hbm>>
      tpu.enqueue_dma source(%dma_start3A_562 : memref<3328xi32, #tpu.memory_space<hbm>>) target(%arg7 : memref<3328xi32, #tpu.memory_space<vmem>>) target_semaphore(%run_scoped3A : memref<!tpu.dma_semaphore, #tpu.memory_space<semaphore_mem>>)
      %dma_wait3A_563 = tpu.memref_slice %arg3[%mul3A_11] : memref<320000xi32, #tpu.memory_space<hbm>> -> memref<3328xi32, #tpu.memory_space<hbm>>
      %dma_wait3A_564 = tpu.memref_slice %arg3[%mul3A_11] : memref<320000xi32, #tpu.memory_space<hbm>> -> memref<3328xi32, #tpu.memory_space<hbm>>
      tpu.wait_dma2 semaphore(%run_scoped3A : memref<!tpu.dma_semaphore, #tpu.memory_space<semaphore_mem>>) src(%dma_wait3A_564 : memref<3328xi32, #tpu.memory_space<hbm>>) dst(%arg7 : memref<3328xi32, #tpu.memory_space<vmem>>)
      tpu.yield
    }) : () -> ()
    "tpu.region"() ({
      %run_scoped3A = tpu.sem_alloc : memref<!tpu.dma_semaphore, #tpu.memory_space<semaphore_mem>>
      %dma_start3A_561 = tpu.memref_slice %arg4[%mul3A_11] : memref<320000xi32, #tpu.memory_space<hbm>> -> memref<3328xi32, #tpu.memory_space<hbm>>
      %dma_start3A_562 = tpu.memref_slice %arg4[%mul3A_11] : memref<320000xi32, #tpu.memory_space<hbm>> -> memref<3328xi32, #tpu.memory_space<hbm>>
      tpu.enqueue_dma source(%dma_start3A_562 : memref<3328xi32, #tpu.memory_space<hbm>>) target(%arg9 : memref<3328xi32, #tpu.memory_space<vmem>>) target_semaphore(%run_scoped3A : memref<!tpu.dma_semaphore, #tpu.memory_space<semaphore_mem>>)
      %dma_wait3A_563 = tpu.memref_slice %arg4[%mul3A_11] : memref<320000xi32, #tpu.memory_space<hbm>> -> memref<3328xi32, #tpu.memory_space<hbm>>
      %dma_wait3A_564 = tpu.memref_slice %arg4[%mul3A_11] : memref<320000xi32, #tpu.memory_space<hbm>> -> memref<3328xi32, #tpu.memory_space<hbm>>
      tpu.wait_dma2 semaphore(%run_scoped3A : memref<!tpu.dma_semaphore, #tpu.memory_space<semaphore_mem>>) src(%dma_wait3A_564 : memref<3328xi32, #tpu.memory_space<hbm>>) dst(%arg9 : memref<3328xi32, #tpu.memory_space<vmem>>)
      tpu.yield
    }) : () -> ()
    %dma_start3A = arith.constant 0 : i32
    %dma_start3A_12 = tpu.memref_slice %arg7[%dma_start3A] : memref<3328xi32, #tpu.memory_space<vmem>> -> memref<64xi32, #tpu.memory_space<vmem>>
    %dma_start3A_13 = arith.constant 0 : i32
    %dma_start3A_14 = arith.constant 0 : i32
    %dma_start3A_15 = tpu.memref_slice %arg2[%dma_start3A_13, %dma_start3A_14] : memref<10000x128xf32, #tpu.memory_space<hbm>> -> memref<10000x128xf32, #tpu.memory_space<hbm>>
    tpu.enqueue_indirect_dma source(%dma_start3A_15 : memref<10000x128xf32, #tpu.memory_space<hbm>>) target(%arg11 : memref<64x128xf32, #tpu.memory_space<vmem>>) offsets(%dma_start3A_12 : memref<64xi32, #tpu.memory_space<vmem>>) semaphore(%arg16 : memref<!tpu.dma_semaphore, #tpu.memory_space<semaphore_mem>>)
    %dma_start3A_16 = arith.constant 64 : i32
    %dma_start3A_17 = tpu.memref_slice %arg7[%dma_start3A_16] : memref<3328xi32, #tpu.memory_space<vmem>> -> memref<64xi32, #tpu.memory_space<vmem>>
    %dma_start3A_18 = arith.constant 0 : i32
    %dma_start3A_19 = arith.constant 0 : i32
    %dma_start3A_20 = tpu.memref_slice %arg2[%dma_start3A_18, %dma_start3A_19] : memref<10000x128xf32, #tpu.memory_space<hbm>> -> memref<10000x128xf32, #tpu.memory_space<hbm>>
    tpu.enqueue_indirect_dma source(%dma_start3A_20 : memref<10000x128xf32, #tpu.memory_space<hbm>>) target(%arg12 : memref<64x128xf32, #tpu.memory_space<vmem>>) offsets(%dma_start3A_17 : memref<64xi32, #tpu.memory_space<vmem>>) semaphore(%arg17 : memref<!tpu.dma_semaphore, #tpu.memory_space<semaphore_mem>>)
    %dma_wait3A = arith.constant 0 : i32
    %dma_wait3A_21 = tpu.memref_slice %arg7[%dma_wait3A] : memref<3328xi32, #tpu.memory_space<vmem>> -> memref<64xi32, #tpu.memory_space<vmem>>
    %dma_wait3A_22 = arith.constant 0 : i32
    %dma_wait3A_23 = arith.constant 0 : i32
    %dma_wait3A_24 = tpu.memref_slice %arg2[%dma_wait3A_22, %dma_wait3A_23] : memref<10000x128xf32, #tpu.memory_space<hbm>> -> memref<10000x128xf32, #tpu.memory_space<hbm>>
    tpu.wait_indirect_dma semaphore(%arg16 : memref<!tpu.dma_semaphore, #tpu.memory_space<semaphore_mem>>) src(%dma_wait3A_24 : memref<10000x128xf32, #tpu.memory_space<hbm>>) dst(%arg11 : memref<64x128xf32, #tpu.memory_space<vmem>>)
    %dma_start3A_25 = arith.constant 0 : i32
    %dma_start3A_26 = tpu.memref_slice %arg9[%dma_start3A_25] : memref<3328xi32, #tpu.memory_space<vmem>> -> memref<64xi32, #tpu.memory_space<vmem>>
    %dma_start3A_27 = arith.constant 0 : i32
    %dma_start3A_28 = arith.constant 0 : i32
    %dma_start3A_29 = tpu.memref_slice %arg15[%dma_start3A_27, %dma_start3A_28] : memref<10000x128xf32, #tpu.memory_space<vmem_shared>> -> memref<10000x128xf32, #tpu.memory_space<vmem_shared>>
    tpu.enqueue_indirect_dma source(%arg11 : memref<64x128xf32, #tpu.memory_space<vmem>>) target(%dma_start3A_29 : memref<10000x128xf32, #tpu.memory_space<vmem_shared>>) offsets(%dma_start3A_26 : memref<64xi32, #tpu.memory_space<vmem>>) semaphore(%arg20 : memref<!tpu.dma_semaphore, #tpu.memory_space<semaphore_mem>>) {add = true}
    %dma_start3A_30 = arith.constant 128 : i32
    %dma_start3A_31 = tpu.memref_slice %arg7[%dma_start3A_30] : memref<3328xi32, #tpu.memory_space<vmem>> -> memref<64xi32, #tpu.memory_space<vmem>>
    %dma_start3A_32 = arith.constant 0 : i32
    %dma_start3A_33 = arith.constant 0 : i32
    %dma_start3A_34 = tpu.memref_slice %arg2[%dma_start3A_32, %dma_start3A_33] : memref<10000x128xf32, #tpu.memory_space<hbm>> -> memref<10000x128xf32, #tpu.memory_space<hbm>>
    tpu.enqueue_indirect_dma source(%dma_start3A_34 : memref<10000x128xf32, #tpu.memory_space<hbm>>) target(%arg13 : memref<64x128xf32, #tpu.memory_space<vmem>>) offsets(%dma_start3A_31 : memref<64xi32, #tpu.memory_space<vmem>>) semaphore(%arg18 : memref<!tpu.dma_semaphore, #tpu.memory_space<semaphore_mem>>)
    %dma_wait3A_35 = arith.constant 64 : i32
    %dma_wait3A_36 = tpu.memref_slice %arg7[%dma_wait3A_35] : memref<3328xi32, #tpu.memory_space<vmem>> -> memref<64xi32, #tpu.memory_space<vmem>>
    %dma_wait3A_37 = arith.constant 0 : i32
    %dma_wait3A_38 = arith.constant 0 : i32
    %dma_wait3A_39 = tpu.memref_slice %arg2[%dma_wait3A_37, %dma_wait3A_38] : memref<10000x128xf32, #tpu.memory_space<hbm>> -> memref<10000x128xf32, #tpu.memory_space<hbm>>
    tpu.wait_indirect_dma semaphore(%arg17 : memref<!tpu.dma_semaphore, #tpu.memory_space<semaphore_mem>>) src(%dma_wait3A_39 : memref<10000x128xf32, #tpu.memory_space<hbm>>) dst(%arg12 : memref<64x128xf32, #tpu.memory_space<vmem>>)
    %dma_start3A_40 = arith.constant 64 : i32
    %dma_start3A_41 = tpu.memref_slice %arg9[%dma_start3A_40] : memref<3328xi32, #tpu.memory_space<vmem>> -> memref<64xi32, #tpu.memory_space<vmem>>
    %dma_start3A_42 = arith.constant 0 : i32
    %dma_start3A_43 = arith.constant 0 : i32
    %dma_start3A_44 = tpu.memref_slice %arg15[%dma_start3A_42, %dma_start3A_43] : memref<10000x128xf32, #tpu.memory_space<vmem_shared>> -> memref<10000x128xf32, #tpu.memory_space<vmem_shared>>
    tpu.enqueue_indirect_dma source(%arg12 : memref<64x128xf32, #tpu.memory_space<vmem>>) target(%dma_start3A_44 : memref<10000x128xf32, #tpu.memory_space<vmem_shared>>) offsets(%dma_start3A_41 : memref<64xi32, #tpu.memory_space<vmem>>) semaphore(%arg21 : memref<!tpu.dma_semaphore, #tpu.memory_space<semaphore_mem>>) {add = true}
    %dma_start3A_45 = arith.constant 192 : i32
    %dma_start3A_46 = tpu.memref_slice %arg7[%dma_start3A_45] : memref<3328xi32, #tpu.memory_space<vmem>> -> memref<64xi32, #tpu.memory_space<vmem>>
    %dma_start3A_47 = arith.constant 0 : i32
    %dma_start3A_48 = arith.constant 0 : i32
    %dma_start3A_49 = tpu.memref_slice %arg2[%dma_start3A_47, %dma_start3A_48] : memref<10000x128xf32, #tpu.memory_space<hbm>> -> memref<10000x128xf32, #tpu.memory_space<hbm>>
    tpu.enqueue_indirect_dma source(%dma_start3A_49 : memref<10000x128xf32, #tpu.memory_space<hbm>>) target(%arg14 : memref<64x128xf32, #tpu.memory_space<vmem>>) offsets(%dma_start3A_46 : memref<64xi32, #tpu.memory_space<vmem>>) semaphore(%arg19 : memref<!tpu.dma_semaphore, #tpu.memory_space<semaphore_mem>>)
    %dma_wait3A_50 = arith.constant 128 : i32
    %dma_wait3A_51 = tpu.memref_slice %arg7[%dma_wait3A_50] : memref<3328xi32, #tpu.memory_space<vmem>> -> memref<64xi32, #tpu.memory_space<vmem>>
    %dma_wait3A_52 = arith.constant 0 : i32
    %dma_wait3A_53 = arith.constant 0 : i32
    %dma_wait3A_54 = tpu.memref_slice %arg2[%dma_wait3A_52, %dma_wait3A_53] : memref<10000x128xf32, #tpu.memory_space<hbm>> -> memref<10000x128xf32, #tpu.memory_space<hbm>>
    tpu.wait_indirect_dma semaphore(%arg18 : memref<!tpu.dma_semaphore, #tpu.memory_space<semaphore_mem>>) src(%dma_wait3A_54 : memref<10000x128xf32, #tpu.memory_space<hbm>>) dst(%arg13 : memref<64x128xf32, #tpu.memory_space<vmem>>)
    %dma_start3A_55 = arith.constant 128 : i32
    %dma_start3A_56 = tpu.memref_slice %arg9[%dma_start3A_55] : memref<3328xi32, #tpu.memory_space<vmem>> -> memref<64xi32, #tpu.memory_space<vmem>>
    %dma_start3A_57 = arith.constant 0 : i32
    %dma_start3A_58 = arith.constant 0 : i32
    %dma_start3A_59 = tpu.memref_slice %arg15[%dma_start3A_57, %dma_start3A_58] : memref<10000x128xf32, #tpu.memory_space<vmem_shared>> -> memref<10000x128xf32, #tpu.memory_space<vmem_shared>>
    tpu.enqueue_indirect_dma source(%arg13 : memref<64x128xf32, #tpu.memory_space<vmem>>) target(%dma_start3A_59 : memref<10000x128xf32, #tpu.memory_space<vmem_shared>>) offsets(%dma_start3A_56 : memref<64xi32, #tpu.memory_space<vmem>>) semaphore(%arg22 : memref<!tpu.dma_semaphore, #tpu.memory_space<semaphore_mem>>) {add = true}
    %dma_wait3A_60 = arith.constant 0 : i32
    %dma_wait3A_61 = tpu.memref_slice %arg9[%dma_wait3A_60] : memref<3328xi32, #tpu.memory_space<vmem>> -> memref<64xi32, #tpu.memory_space<vmem>>
    %dma_wait3A_62 = arith.constant 0 : i32
    %dma_wait3A_63 = arith.constant 0 : i32
    %dma_wait3A_64 = tpu.memref_slice %arg15[%dma_wait3A_62, %dma_wait3A_63] : memref<10000x128xf32, #tpu.memory_space<vmem_shared>> -> memref<10000x128xf32, #tpu.memory_space<vmem_shared>>
    tpu.wait_indirect_dma semaphore(%arg20 : memref<!tpu.dma_semaphore, #tpu.memory_space<semaphore_mem>>) src(%arg11 : memref<64x128xf32, #tpu.memory_space<vmem>>) dst(%dma_wait3A_64 : memref<10000x128xf32, #tpu.memory_space<vmem_shared>>)
    %dma_start3A_65 = arith.constant 256 : i32
    %dma_start3A_66 = tpu.memref_slice %arg7[%dma_start3A_65] : memref<3328xi32, #tpu.memory_space<vmem>> -> memref<64xi32, #tpu.memory_space<vmem>>
    %dma_start3A_67 = arith.constant 0 : i32
    %dma_start3A_68 = arith.constant 0 : i32
    %dma_start3A_69 = tpu.memref_slice %arg2[%dma_start3A_67, %dma_start3A_68] : memref<10000x128xf32, #tpu.memory_space<hbm>> -> memref<10000x128xf32, #tpu.memory_space<hbm>>
    tpu.enqueue_indirect_dma source(%dma_start3A_69 : memref<10000x128xf32, #tpu.memory_space<hbm>>) target(%arg11 : memref<64x128xf32, #tpu.memory_space<vmem>>) offsets(%dma_start3A_66 : memref<64xi32, #tpu.memory_space<vmem>>) semaphore(%arg16 : memref<!tpu.dma_semaphore, #tpu.memory_space<semaphore_mem>>)
    %dma_wait3A_70 = arith.constant 192 : i32
    %dma_wait3A_71 = tpu.memref_slice %arg7[%dma_wait3A_70] : memref<3328xi32, #tpu.memory_space<vmem>> -> memref<64xi32, #tpu.memory_space<vmem>>
    %dma_wait3A_72 = arith.constant 0 : i32
    %dma_wait3A_73 = arith.constant 0 : i32
    %dma_wait3A_74 = tpu.memref_slice %arg2[%dma_wait3A_72, %dma_wait3A_73] : memref<10000x128xf32, #tpu.memory_space<hbm>> -> memref<10000x128xf32, #tpu.memory_space<hbm>>
    tpu.wait_indirect_dma semaphore(%arg19 : memref<!tpu.dma_semaphore, #tpu.memory_space<semaphore_mem>>) src(%dma_wait3A_74 : memref<10000x128xf32, #tpu.memory_space<hbm>>) dst(%arg14 : memref<64x128xf32, #tpu.memory_space<vmem>>)
    %dma_start3A_75 = arith.constant 192 : i32
    %dma_start3A_76 = tpu.memref_slice %arg9[%dma_start3A_75] : memref<3328xi32, #tpu.memory_space<vmem>> -> memref<64xi32, #tpu.memory_space<vmem>>
    %dma_start3A_77 = arith.constant 0 : i32
    %dma_start3A_78 = arith.constant 0 : i32
    %dma_start3A_79 = tpu.memref_slice %arg15[%dma_start3A_77, %dma_start3A_78] : memref<10000x128xf32, #tpu.memory_space<vmem_shared>> -> memref<10000x128xf32, #tpu.memory_space<vmem_shared>>
    tpu.enqueue_indirect_dma source(%arg14 : memref<64x128xf32, #tpu.memory_space<vmem>>) target(%dma_start3A_79 : memref<10000x128xf32, #tpu.memory_space<vmem_shared>>) offsets(%dma_start3A_76 : memref<64xi32, #tpu.memory_space<vmem>>) semaphore(%arg23 : memref<!tpu.dma_semaphore, #tpu.memory_space<semaphore_mem>>) {add = true}
    %dma_wait3A_80 = arith.constant 64 : i32
    %dma_wait3A_81 = tpu.memref_slice %arg9[%dma_wait3A_80] : memref<3328xi32, #tpu.memory_space<vmem>> -> memref<64xi32, #tpu.memory_space<vmem>>
    %dma_wait3A_82 = arith.constant 0 : i32
    %dma_wait3A_83 = arith.constant 0 : i32
    %dma_wait3A_84 = tpu.memref_slice %arg15[%dma_wait3A_82, %dma_wait3A_83] : memref<10000x128xf32, #tpu.memory_space<vmem_shared>> -> memref<10000x128xf32, #tpu.memory_space<vmem_shared>>
    tpu.wait_indirect_dma semaphore(%arg21 : memref<!tpu.dma_semaphore, #tpu.memory_space<semaphore_mem>>) src(%arg12 : memref<64x128xf32, #tpu.memory_space<vmem>>) dst(%dma_wait3A_84 : memref<10000x128xf32, #tpu.memory_space<vmem_shared>>)
    %dma_start3A_85 = arith.constant 320 : i32
    %dma_start3A_86 = tpu.memref_slice %arg7[%dma_start3A_85] : memref<3328xi32, #tpu.memory_space<vmem>> -> memref<64xi32, #tpu.memory_space<vmem>>
    %dma_start3A_87 = arith.constant 0 : i32
    %dma_start3A_88 = arith.constant 0 : i32
    %dma_start3A_89 = tpu.memref_slice %arg2[%dma_start3A_87, %dma_start3A_88] : memref<10000x128xf32, #tpu.memory_space<hbm>> -> memref<10000x128xf32, #tpu.memory_space<hbm>>
    tpu.enqueue_indirect_dma source(%dma_start3A_89 : memref<10000x128xf32, #tpu.memory_space<hbm>>) target(%arg12 : memref<64x128xf32, #tpu.memory_space<vmem>>) offsets(%dma_start3A_86 : memref<64xi32, #tpu.memory_space<vmem>>) semaphore(%arg17 : memref<!tpu.dma_semaphore, #tpu.memory_space<semaphore_mem>>)
    %add3A_90 = arith.constant 3328 : i32
    %add3A_91 = arith.addi %mul3A_11, %add3A_90 : i32
    %dma_start3A_92 = tpu.memref_slice %arg3[%add3A_91] : memref<320000xi32, #tpu.memory_space<hbm>> -> memref<3328xi32, #tpu.memory_space<hbm>>
    %dma_start3A_93 = tpu.memref_slice %arg3[%add3A_91] : memref<320000xi32, #tpu.memory_space<hbm>> -> memref<3328xi32, #tpu.memory_space<hbm>>
    tpu.enqueue_dma source(%dma_start3A_93 : memref<3328xi32, #tpu.memory_space<hbm>>) target(%arg8 : memref<3328xi32, #tpu.memory_space<vmem>>) target_semaphore(%arg24 : memref<!tpu.dma_semaphore, #tpu.memory_space<semaphore_mem>>)
    %dma_start3A_94 = tpu.memref_slice %arg4[%add3A_91] : memref<320000xi32, #tpu.memory_space<hbm>> -> memref<3328xi32, #tpu.memory_space<hbm>>
    %dma_start3A_95 = tpu.memref_slice %arg4[%add3A_91] : memref<320000xi32, #tpu.memory_space<hbm>> -> memref<3328xi32, #tpu.memory_space<hbm>>
    tpu.enqueue_dma source(%dma_start3A_95 : memref<3328xi32, #tpu.memory_space<hbm>>) target(%arg10 : memref<3328xi32, #tpu.memory_space<vmem>>) target_semaphore(%arg24 : memref<!tpu.dma_semaphore, #tpu.memory_space<semaphore_mem>>)
    %scan3A = arith.constant 0 : i32
    %scan3A_96 = arith.constant 1 : i32
    %scan3A_97 = arith.constant 11 : i32
    %scan3A_98 = arith.addi %scan3A_96, %scan3A_97 : i32
    %scan3A_99 = arith.constant 1 : i32
    scf.for %scan3A_561 = %scan3A_96 to %scan3A_98 step %scan3A_99  : i32 {
      %mul3A_562 = arith.constant 4 : i32
      %mul3A_563 = arith.muli %mul3A_562, %scan3A_561 : i32
      %add3A_564 = arith.constant 0 : i32
      %add3A_565 = arith.addi %mul3A_563, %add3A_564 : i32
      %mul3A_566 = arith.constant 64 : i32
      %mul3A_567 = arith.muli %add3A_565, %mul3A_566 : i32
      %dma_wait3A_568 = tpu.memref_slice %arg7[%mul3A_567] : memref<3328xi32, #tpu.memory_space<vmem>> -> memref<64xi32, #tpu.memory_space<vmem>>
      %dma_wait3A_569 = arith.constant 0 : i32
      %dma_wait3A_570 = arith.constant 0 : i32
      %dma_wait3A_571 = tpu.memref_slice %arg2[%dma_wait3A_569, %dma_wait3A_570] : memref<10000x128xf32, #tpu.memory_space<hbm>> -> memref<10000x128xf32, #tpu.memory_space<hbm>>
      tpu.wait_indirect_dma semaphore(%arg16 : memref<!tpu.dma_semaphore, #tpu.memory_space<semaphore_mem>>) src(%dma_wait3A_571 : memref<10000x128xf32, #tpu.memory_space<hbm>>) dst(%arg11 : memref<64x128xf32, #tpu.memory_space<vmem>>)
      %mul3A_572 = arith.constant 64 : i32
      %mul3A_573 = arith.muli %add3A_565, %mul3A_572 : i32
      %dma_start3A_574 = tpu.memref_slice %arg9[%mul3A_573] : memref<3328xi32, #tpu.memory_space<vmem>> -> memref<64xi32, #tpu.memory_space<vmem>>
      %dma_start3A_575 = arith.constant 0 : i32
      %dma_start3A_576 = arith.constant 0 : i32
      %dma_start3A_577 = tpu.memref_slice %arg15[%dma_start3A_575, %dma_start3A_576] : memref<10000x128xf32, #tpu.memory_space<vmem_shared>> -> memref<10000x128xf32, #tpu.memory_space<vmem_shared>>
      tpu.enqueue_indirect_dma source(%arg11 : memref<64x128xf32, #tpu.memory_space<vmem>>) target(%dma_start3A_577 : memref<10000x128xf32, #tpu.memory_space<vmem_shared>>) offsets(%dma_start3A_574 : memref<64xi32, #tpu.memory_space<vmem>>) semaphore(%arg20 : memref<!tpu.dma_semaphore, #tpu.memory_space<semaphore_mem>>) {add = true}
      %sub3A = arith.constant 2 : i32
      %sub3A_578 = arith.subi %add3A_565, %sub3A : i32
      %mul3A_579 = arith.constant 64 : i32
      %mul3A_580 = arith.muli %sub3A_578, %mul3A_579 : i32
      %dma_wait3A_581 = tpu.memref_slice %arg9[%mul3A_580] : memref<3328xi32, #tpu.memory_space<vmem>> -> memref<64xi32, #tpu.memory_space<vmem>>
      %dma_wait3A_582 = arith.constant 0 : i32
      %dma_wait3A_583 = arith.constant 0 : i32
      %dma_wait3A_584 = tpu.memref_slice %arg15[%dma_wait3A_582, %dma_wait3A_583] : memref<10000x128xf32, #tpu.memory_space<vmem_shared>> -> memref<10000x128xf32, #tpu.memory_space<vmem_shared>>
      tpu.wait_indirect_dma semaphore(%arg22 : memref<!tpu.dma_semaphore, #tpu.memory_space<semaphore_mem>>) src(%arg13 : memref<64x128xf32, #tpu.memory_space<vmem>>) dst(%dma_wait3A_584 : memref<10000x128xf32, #tpu.memory_space<vmem_shared>>)
      %add3A_585 = arith.constant 2 : i32
      %add3A_586 = arith.addi %add3A_565, %add3A_585 : i32
      %mul3A_587 = arith.constant 64 : i32
      %mul3A_588 = arith.muli %add3A_586, %mul3A_587 : i32
      %dma_start3A_589 = tpu.memref_slice %arg7[%mul3A_588] : memref<3328xi32, #tpu.memory_space<vmem>> -> memref<64xi32, #tpu.memory_space<vmem>>
      %dma_start3A_590 = arith.constant 0 : i32
      %dma_start3A_591 = arith.constant 0 : i32
      %dma_start3A_592 = tpu.memref_slice %arg2[%dma_start3A_590, %dma_start3A_591] : memref<10000x128xf32, #tpu.memory_space<hbm>> -> memref<10000x128xf32, #tpu.memory_space<hbm>>
      tpu.enqueue_indirect_dma source(%dma_start3A_592 : memref<10000x128xf32, #tpu.memory_space<hbm>>) target(%arg13 : memref<64x128xf32, #tpu.memory_space<vmem>>) offsets(%dma_start3A_589 : memref<64xi32, #tpu.memory_space<vmem>>) semaphore(%arg18 : memref<!tpu.dma_semaphore, #tpu.memory_space<semaphore_mem>>)
      %mul3A_593 = arith.constant 4 : i32
      %mul3A_594 = arith.muli %mul3A_593, %scan3A_561 : i32
      %add3A_595 = arith.constant 1 : i32
      %add3A_596 = arith.addi %mul3A_594, %add3A_595 : i32
      %mul3A_597 = arith.constant 64 : i32
      %mul3A_598 = arith.muli %add3A_596, %mul3A_597 : i32
      %dma_wait3A_599 = tpu.memref_slice %arg7[%mul3A_598] : memref<3328xi32, #tpu.memory_space<vmem>> -> memref<64xi32, #tpu.memory_space<vmem>>
      %dma_wait3A_600 = arith.constant 0 : i32
      %dma_wait3A_601 = arith.constant 0 : i32
      %dma_wait3A_602 = tpu.memref_slice %arg2[%dma_wait3A_600, %dma_wait3A_601] : memref<10000x128xf32, #tpu.memory_space<hbm>> -> memref<10000x128xf32, #tpu.memory_space<hbm>>
      tpu.wait_indirect_dma semaphore(%arg17 : memref<!tpu.dma_semaphore, #tpu.memory_space<semaphore_mem>>) src(%dma_wait3A_602 : memref<10000x128xf32, #tpu.memory_space<hbm>>) dst(%arg12 : memref<64x128xf32, #tpu.memory_space<vmem>>)
      %mul3A_603 = arith.constant 64 : i32
      %mul3A_604 = arith.muli %add3A_596, %mul3A_603 : i32
      %dma_start3A_605 = tpu.memref_slice %arg9[%mul3A_604] : memref<3328xi32, #tpu.memory_space<vmem>> -> memref<64xi32, #tpu.memory_space<vmem>>
      %dma_start3A_606 = arith.constant 0 : i32
      %dma_start3A_607 = arith.constant 0 : i32
      %dma_start3A_608 = tpu.memref_slice %arg15[%dma_start3A_606, %dma_start3A_607] : memref<10000x128xf32, #tpu.memory_space<vmem_shared>> -> memref<10000x128xf32, #tpu.memory_space<vmem_shared>>
      tpu.enqueue_indirect_dma source(%arg12 : memref<64x128xf32, #tpu.memory_space<vmem>>) target(%dma_start3A_608 : memref<10000x128xf32, #tpu.memory_space<vmem_shared>>) offsets(%dma_start3A_605 : memref<64xi32, #tpu.memory_space<vmem>>) semaphore(%arg21 : memref<!tpu.dma_semaphore, #tpu.memory_space<semaphore_mem>>) {add = true}
      %sub3A_609 = arith.constant 2 : i32
      %sub3A_610 = arith.subi %add3A_596, %sub3A_609 : i32
      %mul3A_611 = arith.constant 64 : i32
      %mul3A_612 = arith.muli %sub3A_610, %mul3A_611 : i32
      %dma_wait3A_613 = tpu.memref_slice %arg9[%mul3A_612] : memref<3328xi32, #tpu.memory_space<vmem>> -> memref<64xi32, #tpu.memory_space<vmem>>
      %dma_wait3A_614 = arith.constant 0 : i32
      %dma_wait3A_615 = arith.constant 0 : i32
      %dma_wait3A_616 = tpu.memref_slice %arg15[%dma_wait3A_614, %dma_wait3A_615] : memref<10000x128xf32, #tpu.memory_space<vmem_shared>> -> memref<10000x128xf32, #tpu.memory_space<vmem_shared>>
      tpu.wait_indirect_dma semaphore(%arg23 : memref<!tpu.dma_semaphore, #tpu.memory_space<semaphore_mem>>) src(%arg14 : memref<64x128xf32, #tpu.memory_space<vmem>>) dst(%dma_wait3A_616 : memref<10000x128xf32, #tpu.memory_space<vmem_shared>>)
      %add3A_617 = arith.constant 2 : i32
      %add3A_618 = arith.addi %add3A_596, %add3A_617 : i32
      %mul3A_619 = arith.constant 64 : i32
      %mul3A_620 = arith.muli %add3A_618, %mul3A_619 : i32
      %dma_start3A_621 = tpu.memref_slice %arg7[%mul3A_620] : memref<3328xi32, #tpu.memory_space<vmem>> -> memref<64xi32, #tpu.memory_space<vmem>>
      %dma_start3A_622 = arith.constant 0 : i32
      %dma_start3A_623 = arith.constant 0 : i32
      %dma_start3A_624 = tpu.memref_slice %arg2[%dma_start3A_622, %dma_start3A_623] : memref<10000x128xf32, #tpu.memory_space<hbm>> -> memref<10000x128xf32, #tpu.memory_space<hbm>>
      tpu.enqueue_indirect_dma source(%dma_start3A_624 : memref<10000x128xf32, #tpu.memory_space<hbm>>) target(%arg14 : memref<64x128xf32, #tpu.memory_space<vmem>>) offsets(%dma_start3A_621 : memref<64xi32, #tpu.memory_space<vmem>>) semaphore(%arg19 : memref<!tpu.dma_semaphore, #tpu.memory_space<semaphore_mem>>)
      %mul3A_625 = arith.constant 4 : i32
      %mul3A_626 = arith.muli %mul3A_625, %scan3A_561 : i32
      %add3A_627 = arith.constant 2 : i32
      %add3A_628 = arith.addi %mul3A_626, %add3A_627 : i32
      %mul3A_629 = arith.constant 64 : i32
      %mul3A_630 = arith.muli %add3A_628, %mul3A_629 : i32
      %dma_wait3A_631 = tpu.memref_slice %arg7[%mul3A_630] : memref<3328xi32, #tpu.memory_space<vmem>> -> memref<64xi32, #tpu.memory_space<vmem>>
      %dma_wait3A_632 = arith.constant 0 : i32
      %dma_wait3A_633 = arith.constant 0 : i32
      %dma_wait3A_634 = tpu.memref_slice %arg2[%dma_wait3A_632, %dma_wait3A_633] : memref<10000x128xf32, #tpu.memory_space<hbm>> -> memref<10000x128xf32, #tpu.memory_space<hbm>>
      tpu.wait_indirect_dma semaphore(%arg18 : memref<!tpu.dma_semaphore, #tpu.memory_space<semaphore_mem>>) src(%dma_wait3A_634 : memref<10000x128xf32, #tpu.memory_space<hbm>>) dst(%arg13 : memref<64x128xf32, #tpu.memory_space<vmem>>)
      %mul3A_635 = arith.constant 64 : i32
      %mul3A_636 = arith.muli %add3A_628, %mul3A_635 : i32
      %dma_start3A_637 = tpu.memref_slice %arg9[%mul3A_636] : memref<3328xi32, #tpu.memory_space<vmem>> -> memref<64xi32, #tpu.memory_space<vmem>>
      %dma_start3A_638 = arith.constant 0 : i32
      %dma_start3A_639 = arith.constant 0 : i32
      %dma_start3A_640 = tpu.memref_slice %arg15[%dma_start3A_638, %dma_start3A_639] : memref<10000x128xf32, #tpu.memory_space<vmem_shared>> -> memref<10000x128xf32, #tpu.memory_space<vmem_shared>>
      tpu.enqueue_indirect_dma source(%arg13 : memref<64x128xf32, #tpu.memory_space<vmem>>) target(%dma_start3A_640 : memref<10000x128xf32, #tpu.memory_space<vmem_shared>>) offsets(%dma_start3A_637 : memref<64xi32, #tpu.memory_space<vmem>>) semaphore(%arg22 : memref<!tpu.dma_semaphore, #tpu.memory_space<semaphore_mem>>) {add = true}
      %sub3A_641 = arith.constant 2 : i32
      %sub3A_642 = arith.subi %add3A_628, %sub3A_641 : i32
      %mul3A_643 = arith.constant 64 : i32
      %mul3A_644 = arith.muli %sub3A_642, %mul3A_643 : i32
      %dma_wait3A_645 = tpu.memref_slice %arg9[%mul3A_644] : memref<3328xi32, #tpu.memory_space<vmem>> -> memref<64xi32, #tpu.memory_space<vmem>>
      %dma_wait3A_646 = arith.constant 0 : i32
      %dma_wait3A_647 = arith.constant 0 : i32
      %dma_wait3A_648 = tpu.memref_slice %arg15[%dma_wait3A_646, %dma_wait3A_647] : memref<10000x128xf32, #tpu.memory_space<vmem_shared>> -> memref<10000x128xf32, #tpu.memory_space<vmem_shared>>
      tpu.wait_indirect_dma semaphore(%arg20 : memref<!tpu.dma_semaphore, #tpu.memory_space<semaphore_mem>>) src(%arg11 : memref<64x128xf32, #tpu.memory_space<vmem>>) dst(%dma_wait3A_648 : memref<10000x128xf32, #tpu.memory_space<vmem_shared>>)
      %add3A_649 = arith.constant 2 : i32
      %add3A_650 = arith.addi %add3A_628, %add3A_649 : i32
      %mul3A_651 = arith.constant 64 : i32
      %mul3A_652 = arith.muli %add3A_650, %mul3A_651 : i32
      %dma_start3A_653 = tpu.memref_slice %arg7[%mul3A_652] : memref<3328xi32, #tpu.memory_space<vmem>> -> memref<64xi32, #tpu.memory_space<vmem>>
      %dma_start3A_654 = arith.constant 0 : i32
      %dma_start3A_655 = arith.constant 0 : i32
      %dma_start3A_656 = tpu.memref_slice %arg2[%dma_start3A_654, %dma_start3A_655] : memref<10000x128xf32, #tpu.memory_space<hbm>> -> memref<10000x128xf32, #tpu.memory_space<hbm>>
      tpu.enqueue_indirect_dma source(%dma_start3A_656 : memref<10000x128xf32, #tpu.memory_space<hbm>>) target(%arg11 : memref<64x128xf32, #tpu.memory_space<vmem>>) offsets(%dma_start3A_653 : memref<64xi32, #tpu.memory_space<vmem>>) semaphore(%arg16 : memref<!tpu.dma_semaphore, #tpu.memory_space<semaphore_mem>>)
      %mul3A_657 = arith.constant 4 : i32
      %mul3A_658 = arith.muli %mul3A_657, %scan3A_561 : i32
      %add3A_659 = arith.constant 3 : i32
      %add3A_660 = arith.addi %mul3A_658, %add3A_659 : i32
      %mul3A_661 = arith.constant 64 : i32
      %mul3A_662 = arith.muli %add3A_660, %mul3A_661 : i32
      %dma_wait3A_663 = tpu.memref_slice %arg7[%mul3A_662] : memref<3328xi32, #tpu.memory_space<vmem>> -> memref<64xi32, #tpu.memory_space<vmem>>
      %dma_wait3A_664 = arith.constant 0 : i32
      %dma_wait3A_665 = arith.constant 0 : i32
      %dma_wait3A_666 = tpu.memref_slice %arg2[%dma_wait3A_664, %dma_wait3A_665] : memref<10000x128xf32, #tpu.memory_space<hbm>> -> memref<10000x128xf32, #tpu.memory_space<hbm>>
      tpu.wait_indirect_dma semaphore(%arg19 : memref<!tpu.dma_semaphore, #tpu.memory_space<semaphore_mem>>) src(%dma_wait3A_666 : memref<10000x128xf32, #tpu.memory_space<hbm>>) dst(%arg14 : memref<64x128xf32, #tpu.memory_space<vmem>>)
      %mul3A_667 = arith.constant 64 : i32
      %mul3A_668 = arith.muli %add3A_660, %mul3A_667 : i32
      %dma_start3A_669 = tpu.memref_slice %arg9[%mul3A_668] : memref<3328xi32, #tpu.memory_space<vmem>> -> memref<64xi32, #tpu.memory_space<vmem>>
      %dma_start3A_670 = arith.constant 0 : i32
      %dma_start3A_671 = arith.constant 0 : i32
      %dma_start3A_672 = tpu.memref_slice %arg15[%dma_start3A_670, %dma_start3A_671] : memref<10000x128xf32, #tpu.memory_space<vmem_shared>> -> memref<10000x128xf32, #tpu.memory_space<vmem_shared>>
      tpu.enqueue_indirect_dma source(%arg14 : memref<64x128xf32, #tpu.memory_space<vmem>>) target(%dma_start3A_672 : memref<10000x128xf32, #tpu.memory_space<vmem_shared>>) offsets(%dma_start3A_669 : memref<64xi32, #tpu.memory_space<vmem>>) semaphore(%arg23 : memref<!tpu.dma_semaphore, #tpu.memory_space<semaphore_mem>>) {add = true}
      %sub3A_673 = arith.constant 2 : i32
      %sub3A_674 = arith.subi %add3A_660, %sub3A_673 : i32
      %mul3A_675 = arith.constant 64 : i32
      %mul3A_676 = arith.muli %sub3A_674, %mul3A_675 : i32
      %dma_wait3A_677 = tpu.memref_slice %arg9[%mul3A_676] : memref<3328xi32, #tpu.memory_space<vmem>> -> memref<64xi32, #tpu.memory_space<vmem>>
      %dma_wait3A_678 = arith.constant 0 : i32
      %dma_wait3A_679 = arith.constant 0 : i32
      %dma_wait3A_680 = tpu.memref_slice %arg15[%dma_wait3A_678, %dma_wait3A_679] : memref<10000x128xf32, #tpu.memory_space<vmem_shared>> -> memref<10000x128xf32, #tpu.memory_space<vmem_shared>>
      tpu.wait_indirect_dma semaphore(%arg21 : memref<!tpu.dma_semaphore, #tpu.memory_space<semaphore_mem>>) src(%arg12 : memref<64x128xf32, #tpu.memory_space<vmem>>) dst(%dma_wait3A_680 : memref<10000x128xf32, #tpu.memory_space<vmem_shared>>)
      %add3A_681 = arith.constant 2 : i32
      %add3A_682 = arith.addi %add3A_660, %add3A_681 : i32
      %mul3A_683 = arith.constant 64 : i32
      %mul3A_684 = arith.muli %add3A_682, %mul3A_683 : i32
      %dma_start3A_685 = tpu.memref_slice %arg7[%mul3A_684] : memref<3328xi32, #tpu.memory_space<vmem>> -> memref<64xi32, #tpu.memory_space<vmem>>
      %dma_start3A_686 = arith.constant 0 : i32
      %dma_start3A_687 = arith.constant 0 : i32
      %dma_start3A_688 = tpu.memref_slice %arg2[%dma_start3A_686, %dma_start3A_687] : memref<10000x128xf32, #tpu.memory_space<hbm>> -> memref<10000x128xf32, #tpu.memory_space<hbm>>
      tpu.enqueue_indirect_dma source(%dma_start3A_688 : memref<10000x128xf32, #tpu.memory_space<hbm>>) target(%arg12 : memref<64x128xf32, #tpu.memory_space<vmem>>) offsets(%dma_start3A_685 : memref<64xi32, #tpu.memory_space<vmem>>) semaphore(%arg17 : memref<!tpu.dma_semaphore, #tpu.memory_space<semaphore_mem>>)
    }
    %scan3A_100 = arith.constant 11 : i32
    %dma_wait3A_101 = arith.constant 3072 : i32
    %dma_wait3A_102 = tpu.memref_slice %arg7[%dma_wait3A_101] : memref<3328xi32, #tpu.memory_space<vmem>> -> memref<64xi32, #tpu.memory_space<vmem>>
    %dma_wait3A_103 = arith.constant 0 : i32
    %dma_wait3A_104 = arith.constant 0 : i32
    %dma_wait3A_105 = tpu.memref_slice %arg2[%dma_wait3A_103, %dma_wait3A_104] : memref<10000x128xf32, #tpu.memory_space<hbm>> -> memref<10000x128xf32, #tpu.memory_space<hbm>>
    tpu.wait_indirect_dma semaphore(%arg16 : memref<!tpu.dma_semaphore, #tpu.memory_space<semaphore_mem>>) src(%dma_wait3A_105 : memref<10000x128xf32, #tpu.memory_space<hbm>>) dst(%arg11 : memref<64x128xf32, #tpu.memory_space<vmem>>)
    %dma_start3A_106 = arith.constant 3072 : i32
    %dma_start3A_107 = tpu.memref_slice %arg9[%dma_start3A_106] : memref<3328xi32, #tpu.memory_space<vmem>> -> memref<64xi32, #tpu.memory_space<vmem>>
    %dma_start3A_108 = arith.constant 0 : i32
    %dma_start3A_109 = arith.constant 0 : i32
    %dma_start3A_110 = tpu.memref_slice %arg15[%dma_start3A_108, %dma_start3A_109] : memref<10000x128xf32, #tpu.memory_space<vmem_shared>> -> memref<10000x128xf32, #tpu.memory_space<vmem_shared>>
    tpu.enqueue_indirect_dma source(%arg11 : memref<64x128xf32, #tpu.memory_space<vmem>>) target(%dma_start3A_110 : memref<10000x128xf32, #tpu.memory_space<vmem_shared>>) offsets(%dma_start3A_107 : memref<64xi32, #tpu.memory_space<vmem>>) semaphore(%arg20 : memref<!tpu.dma_semaphore, #tpu.memory_space<semaphore_mem>>) {add = true}
    %dma_wait3A_111 = arith.constant 2944 : i32
    %dma_wait3A_112 = tpu.memref_slice %arg9[%dma_wait3A_111] : memref<3328xi32, #tpu.memory_space<vmem>> -> memref<64xi32, #tpu.memory_space<vmem>>
    %dma_wait3A_113 = arith.constant 0 : i32
    %dma_wait3A_114 = arith.constant 0 : i32
    %dma_wait3A_115 = tpu.memref_slice %arg15[%dma_wait3A_113, %dma_wait3A_114] : memref<10000x128xf32, #tpu.memory_space<vmem_shared>> -> memref<10000x128xf32, #tpu.memory_space<vmem_shared>>
    tpu.wait_indirect_dma semaphore(%arg22 : memref<!tpu.dma_semaphore, #tpu.memory_space<semaphore_mem>>) src(%arg13 : memref<64x128xf32, #tpu.memory_space<vmem>>) dst(%dma_wait3A_115 : memref<10000x128xf32, #tpu.memory_space<vmem_shared>>)
    %dma_start3A_116 = arith.constant 3200 : i32
    %dma_start3A_117 = tpu.memref_slice %arg7[%dma_start3A_116] : memref<3328xi32, #tpu.memory_space<vmem>> -> memref<64xi32, #tpu.memory_space<vmem>>
    %dma_start3A_118 = arith.constant 0 : i32
    %dma_start3A_119 = arith.constant 0 : i32
    %dma_start3A_120 = tpu.memref_slice %arg2[%dma_start3A_118, %dma_start3A_119] : memref<10000x128xf32, #tpu.memory_space<hbm>> -> memref<10000x128xf32, #tpu.memory_space<hbm>>
    tpu.enqueue_indirect_dma source(%dma_start3A_120 : memref<10000x128xf32, #tpu.memory_space<hbm>>) target(%arg13 : memref<64x128xf32, #tpu.memory_space<vmem>>) offsets(%dma_start3A_117 : memref<64xi32, #tpu.memory_space<vmem>>) semaphore(%arg18 : memref<!tpu.dma_semaphore, #tpu.memory_space<semaphore_mem>>)
    %dma_wait3A_121 = arith.constant 3136 : i32
    %dma_wait3A_122 = tpu.memref_slice %arg7[%dma_wait3A_121] : memref<3328xi32, #tpu.memory_space<vmem>> -> memref<64xi32, #tpu.memory_space<vmem>>
    %dma_wait3A_123 = arith.constant 0 : i32
    %dma_wait3A_124 = arith.constant 0 : i32
    %dma_wait3A_125 = tpu.memref_slice %arg2[%dma_wait3A_123, %dma_wait3A_124] : memref<10000x128xf32, #tpu.memory_space<hbm>> -> memref<10000x128xf32, #tpu.memory_space<hbm>>
    tpu.wait_indirect_dma semaphore(%arg17 : memref<!tpu.dma_semaphore, #tpu.memory_space<semaphore_mem>>) src(%dma_wait3A_125 : memref<10000x128xf32, #tpu.memory_space<hbm>>) dst(%arg12 : memref<64x128xf32, #tpu.memory_space<vmem>>)
    %dma_start3A_126 = arith.constant 3136 : i32
    %dma_start3A_127 = tpu.memref_slice %arg9[%dma_start3A_126] : memref<3328xi32, #tpu.memory_space<vmem>> -> memref<64xi32, #tpu.memory_space<vmem>>
    %dma_start3A_128 = arith.constant 0 : i32
    %dma_start3A_129 = arith.constant 0 : i32
    %dma_start3A_130 = tpu.memref_slice %arg15[%dma_start3A_128, %dma_start3A_129] : memref<10000x128xf32, #tpu.memory_space<vmem_shared>> -> memref<10000x128xf32, #tpu.memory_space<vmem_shared>>
    tpu.enqueue_indirect_dma source(%arg12 : memref<64x128xf32, #tpu.memory_space<vmem>>) target(%dma_start3A_130 : memref<10000x128xf32, #tpu.memory_space<vmem_shared>>) offsets(%dma_start3A_127 : memref<64xi32, #tpu.memory_space<vmem>>) semaphore(%arg21 : memref<!tpu.dma_semaphore, #tpu.memory_space<semaphore_mem>>) {add = true}
    %dma_wait3A_131 = arith.constant 3008 : i32
    %dma_wait3A_132 = tpu.memref_slice %arg9[%dma_wait3A_131] : memref<3328xi32, #tpu.memory_space<vmem>> -> memref<64xi32, #tpu.memory_space<vmem>>
    %dma_wait3A_133 = arith.constant 0 : i32
    %dma_wait3A_134 = arith.constant 0 : i32
    %dma_wait3A_135 = tpu.memref_slice %arg15[%dma_wait3A_133, %dma_wait3A_134] : memref<10000x128xf32, #tpu.memory_space<vmem_shared>> -> memref<10000x128xf32, #tpu.memory_space<vmem_shared>>
    tpu.wait_indirect_dma semaphore(%arg23 : memref<!tpu.dma_semaphore, #tpu.memory_space<semaphore_mem>>) src(%arg14 : memref<64x128xf32, #tpu.memory_space<vmem>>) dst(%dma_wait3A_135 : memref<10000x128xf32, #tpu.memory_space<vmem_shared>>)
    %dma_start3A_136 = arith.constant 3264 : i32
    %dma_start3A_137 = tpu.memref_slice %arg7[%dma_start3A_136] : memref<3328xi32, #tpu.memory_space<vmem>> -> memref<64xi32, #tpu.memory_space<vmem>>
    %dma_start3A_138 = arith.constant 0 : i32
    %dma_start3A_139 = arith.constant 0 : i32
    %dma_start3A_140 = tpu.memref_slice %arg2[%dma_start3A_138, %dma_start3A_139] : memref<10000x128xf32, #tpu.memory_space<hbm>> -> memref<10000x128xf32, #tpu.memory_space<hbm>>
    tpu.enqueue_indirect_dma source(%dma_start3A_140 : memref<10000x128xf32, #tpu.memory_space<hbm>>) target(%arg14 : memref<64x128xf32, #tpu.memory_space<vmem>>) offsets(%dma_start3A_137 : memref<64xi32, #tpu.memory_space<vmem>>) semaphore(%arg19 : memref<!tpu.dma_semaphore, #tpu.memory_space<semaphore_mem>>)
    %dma_wait3A_141 = arith.constant 3200 : i32
    %dma_wait3A_142 = tpu.memref_slice %arg7[%dma_wait3A_141] : memref<3328xi32, #tpu.memory_space<vmem>> -> memref<64xi32, #tpu.memory_space<vmem>>
    %dma_wait3A_143 = arith.constant 0 : i32
    %dma_wait3A_144 = arith.constant 0 : i32
    %dma_wait3A_145 = tpu.memref_slice %arg2[%dma_wait3A_143, %dma_wait3A_144] : memref<10000x128xf32, #tpu.memory_space<hbm>> -> memref<10000x128xf32, #tpu.memory_space<hbm>>
    tpu.wait_indirect_dma semaphore(%arg18 : memref<!tpu.dma_semaphore, #tpu.memory_space<semaphore_mem>>) src(%dma_wait3A_145 : memref<10000x128xf32, #tpu.memory_space<hbm>>) dst(%arg13 : memref<64x128xf32, #tpu.memory_space<vmem>>)
    %dma_start3A_146 = arith.constant 3200 : i32
    %dma_start3A_147 = tpu.memref_slice %arg9[%dma_start3A_146] : memref<3328xi32, #tpu.memory_space<vmem>> -> memref<64xi32, #tpu.memory_space<vmem>>
    %dma_start3A_148 = arith.constant 0 : i32
    %dma_start3A_149 = arith.constant 0 : i32
    %dma_start3A_150 = tpu.memref_slice %arg15[%dma_start3A_148, %dma_start3A_149] : memref<10000x128xf32, #tpu.memory_space<vmem_shared>> -> memref<10000x128xf32, #tpu.memory_space<vmem_shared>>
    tpu.enqueue_indirect_dma source(%arg13 : memref<64x128xf32, #tpu.memory_space<vmem>>) target(%dma_start3A_150 : memref<10000x128xf32, #tpu.memory_space<vmem_shared>>) offsets(%dma_start3A_147 : memref<64xi32, #tpu.memory_space<vmem>>) semaphore(%arg22 : memref<!tpu.dma_semaphore, #tpu.memory_space<semaphore_mem>>) {add = true}
    %dma_wait3A_151 = arith.constant 3072 : i32
    %dma_wait3A_152 = tpu.memref_slice %arg9[%dma_wait3A_151] : memref<3328xi32, #tpu.memory_space<vmem>> -> memref<64xi32, #tpu.memory_space<vmem>>
    %dma_wait3A_153 = arith.constant 0 : i32
    %dma_wait3A_154 = arith.constant 0 : i32
    %dma_wait3A_155 = tpu.memref_slice %arg15[%dma_wait3A_153, %dma_wait3A_154] : memref<10000x128xf32, #tpu.memory_space<vmem_shared>> -> memref<10000x128xf32, #tpu.memory_space<vmem_shared>>
    tpu.wait_indirect_dma semaphore(%arg20 : memref<!tpu.dma_semaphore, #tpu.memory_space<semaphore_mem>>) src(%arg11 : memref<64x128xf32, #tpu.memory_space<vmem>>) dst(%dma_wait3A_155 : memref<10000x128xf32, #tpu.memory_space<vmem_shared>>)
    %dma_wait3A_156 = arith.constant 0 : i32
    %dma_wait3A_157 = tpu.memref_slice %arg3[%dma_wait3A_156] : memref<320000xi32, #tpu.memory_space<hbm>> -> memref<3328xi32, #tpu.memory_space<hbm>>
    %dma_wait3A_158 = arith.constant 0 : i32
    %dma_wait3A_159 = tpu.memref_slice %arg3[%dma_wait3A_158] : memref<320000xi32, #tpu.memory_space<hbm>> -> memref<3328xi32, #tpu.memory_space<hbm>>
    tpu.wait_dma2 semaphore(%arg24 : memref<!tpu.dma_semaphore, #tpu.memory_space<semaphore_mem>>) src(%dma_wait3A_159 : memref<3328xi32, #tpu.memory_space<hbm>>) dst(%arg8 : memref<3328xi32, #tpu.memory_space<vmem>>)
    %dma_wait3A_160 = arith.constant 0 : i32
    %dma_wait3A_161 = tpu.memref_slice %arg4[%dma_wait3A_160] : memref<320000xi32, #tpu.memory_space<hbm>> -> memref<3328xi32, #tpu.memory_space<hbm>>
    %dma_wait3A_162 = arith.constant 0 : i32
    %dma_wait3A_163 = tpu.memref_slice %arg4[%dma_wait3A_162] : memref<320000xi32, #tpu.memory_space<hbm>> -> memref<3328xi32, #tpu.memory_space<hbm>>
    tpu.wait_dma2 semaphore(%arg24 : memref<!tpu.dma_semaphore, #tpu.memory_space<semaphore_mem>>) src(%dma_wait3A_163 : memref<3328xi32, #tpu.memory_space<hbm>>) dst(%arg10 : memref<3328xi32, #tpu.memory_space<vmem>>)
    %dma_start3A_164 = arith.constant 0 : i32
    %dma_start3A_165 = tpu.memref_slice %arg8[%dma_start3A_164] : memref<3328xi32, #tpu.memory_space<vmem>> -> memref<64xi32, #tpu.memory_space<vmem>>
    %dma_start3A_166 = arith.constant 0 : i32
    %dma_start3A_167 = arith.constant 0 : i32
    %dma_start3A_168 = tpu.memref_slice %arg2[%dma_start3A_166, %dma_start3A_167] : memref<10000x128xf32, #tpu.memory_space<hbm>> -> memref<10000x128xf32, #tpu.memory_space<hbm>>
    tpu.enqueue_indirect_dma source(%dma_start3A_168 : memref<10000x128xf32, #tpu.memory_space<hbm>>) target(%arg11 : memref<64x128xf32, #tpu.memory_space<vmem>>) offsets(%dma_start3A_165 : memref<64xi32, #tpu.memory_space<vmem>>) semaphore(%arg16 : memref<!tpu.dma_semaphore, #tpu.memory_space<semaphore_mem>>)
    %dma_wait3A_169 = arith.constant 3264 : i32
    %dma_wait3A_170 = tpu.memref_slice %arg7[%dma_wait3A_169] : memref<3328xi32, #tpu.memory_space<vmem>> -> memref<64xi32, #tpu.memory_space<vmem>>
    %dma_wait3A_171 = arith.constant 0 : i32
    %dma_wait3A_172 = arith.constant 0 : i32
    %dma_wait3A_173 = tpu.memref_slice %arg2[%dma_wait3A_171, %dma_wait3A_172] : memref<10000x128xf32, #tpu.memory_space<hbm>> -> memref<10000x128xf32, #tpu.memory_space<hbm>>
    tpu.wait_indirect_dma semaphore(%arg19 : memref<!tpu.dma_semaphore, #tpu.memory_space<semaphore_mem>>) src(%dma_wait3A_173 : memref<10000x128xf32, #tpu.memory_space<hbm>>) dst(%arg14 : memref<64x128xf32, #tpu.memory_space<vmem>>)
    %dma_start3A_174 = arith.constant 3264 : i32
    %dma_start3A_175 = tpu.memref_slice %arg9[%dma_start3A_174] : memref<3328xi32, #tpu.memory_space<vmem>> -> memref<64xi32, #tpu.memory_space<vmem>>
    %dma_start3A_176 = arith.constant 0 : i32
    %dma_start3A_177 = arith.constant 0 : i32
    %dma_start3A_178 = tpu.memref_slice %arg15[%dma_start3A_176, %dma_start3A_177] : memref<10000x128xf32, #tpu.memory_space<vmem_shared>> -> memref<10000x128xf32, #tpu.memory_space<vmem_shared>>
    tpu.enqueue_indirect_dma source(%arg14 : memref<64x128xf32, #tpu.memory_space<vmem>>) target(%dma_start3A_178 : memref<10000x128xf32, #tpu.memory_space<vmem_shared>>) offsets(%dma_start3A_175 : memref<64xi32, #tpu.memory_space<vmem>>) semaphore(%arg23 : memref<!tpu.dma_semaphore, #tpu.memory_space<semaphore_mem>>) {add = true}
    %dma_wait3A_179 = arith.constant 3136 : i32
    %dma_wait3A_180 = tpu.memref_slice %arg9[%dma_wait3A_179] : memref<3328xi32, #tpu.memory_space<vmem>> -> memref<64xi32, #tpu.memory_space<vmem>>
    %dma_wait3A_181 = arith.constant 0 : i32
    %dma_wait3A_182 = arith.constant 0 : i32
    %dma_wait3A_183 = tpu.memref_slice %arg15[%dma_wait3A_181, %dma_wait3A_182] : memref<10000x128xf32, #tpu.memory_space<vmem_shared>> -> memref<10000x128xf32, #tpu.memory_space<vmem_shared>>
    tpu.wait_indirect_dma semaphore(%arg21 : memref<!tpu.dma_semaphore, #tpu.memory_space<semaphore_mem>>) src(%arg12 : memref<64x128xf32, #tpu.memory_space<vmem>>) dst(%dma_wait3A_183 : memref<10000x128xf32, #tpu.memory_space<vmem_shared>>)
    %dma_start3A_184 = arith.constant 64 : i32
    %dma_start3A_185 = tpu.memref_slice %arg8[%dma_start3A_184] : memref<3328xi32, #tpu.memory_space<vmem>> -> memref<64xi32, #tpu.memory_space<vmem>>
    %dma_start3A_186 = arith.constant 0 : i32
    %dma_start3A_187 = arith.constant 0 : i32
    %dma_start3A_188 = tpu.memref_slice %arg2[%dma_start3A_186, %dma_start3A_187] : memref<10000x128xf32, #tpu.memory_space<hbm>> -> memref<10000x128xf32, #tpu.memory_space<hbm>>
    tpu.enqueue_indirect_dma source(%dma_start3A_188 : memref<10000x128xf32, #tpu.memory_space<hbm>>) target(%arg12 : memref<64x128xf32, #tpu.memory_space<vmem>>) offsets(%dma_start3A_185 : memref<64xi32, #tpu.memory_space<vmem>>) semaphore(%arg17 : memref<!tpu.dma_semaphore, #tpu.memory_space<semaphore_mem>>)
    %dma_wait3A_189 = arith.constant 0 : i32
    %dma_wait3A_190 = tpu.memref_slice %arg8[%dma_wait3A_189] : memref<3328xi32, #tpu.memory_space<vmem>> -> memref<64xi32, #tpu.memory_space<vmem>>
    %dma_wait3A_191 = arith.constant 0 : i32
    %dma_wait3A_192 = arith.constant 0 : i32
    %dma_wait3A_193 = tpu.memref_slice %arg2[%dma_wait3A_191, %dma_wait3A_192] : memref<10000x128xf32, #tpu.memory_space<hbm>> -> memref<10000x128xf32, #tpu.memory_space<hbm>>
    tpu.wait_indirect_dma semaphore(%arg16 : memref<!tpu.dma_semaphore, #tpu.memory_space<semaphore_mem>>) src(%dma_wait3A_193 : memref<10000x128xf32, #tpu.memory_space<hbm>>) dst(%arg11 : memref<64x128xf32, #tpu.memory_space<vmem>>)
    %dma_start3A_194 = arith.constant 0 : i32
    %dma_start3A_195 = tpu.memref_slice %arg10[%dma_start3A_194] : memref<3328xi32, #tpu.memory_space<vmem>> -> memref<64xi32, #tpu.memory_space<vmem>>
    %dma_start3A_196 = arith.constant 0 : i32
    %dma_start3A_197 = arith.constant 0 : i32
    %dma_start3A_198 = tpu.memref_slice %arg15[%dma_start3A_196, %dma_start3A_197] : memref<10000x128xf32, #tpu.memory_space<vmem_shared>> -> memref<10000x128xf32, #tpu.memory_space<vmem_shared>>
    tpu.enqueue_indirect_dma source(%arg11 : memref<64x128xf32, #tpu.memory_space<vmem>>) target(%dma_start3A_198 : memref<10000x128xf32, #tpu.memory_space<vmem_shared>>) offsets(%dma_start3A_195 : memref<64xi32, #tpu.memory_space<vmem>>) semaphore(%arg20 : memref<!tpu.dma_semaphore, #tpu.memory_space<semaphore_mem>>) {add = true}
    %dma_wait3A_199 = arith.constant 3200 : i32
    %dma_wait3A_200 = tpu.memref_slice %arg9[%dma_wait3A_199] : memref<3328xi32, #tpu.memory_space<vmem>> -> memref<64xi32, #tpu.memory_space<vmem>>
    %dma_wait3A_201 = arith.constant 0 : i32
    %dma_wait3A_202 = arith.constant 0 : i32
    %dma_wait3A_203 = tpu.memref_slice %arg15[%dma_wait3A_201, %dma_wait3A_202] : memref<10000x128xf32, #tpu.memory_space<vmem_shared>> -> memref<10000x128xf32, #tpu.memory_space<vmem_shared>>
    tpu.wait_indirect_dma semaphore(%arg22 : memref<!tpu.dma_semaphore, #tpu.memory_space<semaphore_mem>>) src(%arg13 : memref<64x128xf32, #tpu.memory_space<vmem>>) dst(%dma_wait3A_203 : memref<10000x128xf32, #tpu.memory_space<vmem_shared>>)
    %dma_start3A_204 = arith.constant 128 : i32
    %dma_start3A_205 = tpu.memref_slice %arg8[%dma_start3A_204] : memref<3328xi32, #tpu.memory_space<vmem>> -> memref<64xi32, #tpu.memory_space<vmem>>
    %dma_start3A_206 = arith.constant 0 : i32
    %dma_start3A_207 = arith.constant 0 : i32
    %dma_start3A_208 = tpu.memref_slice %arg2[%dma_start3A_206, %dma_start3A_207] : memref<10000x128xf32, #tpu.memory_space<hbm>> -> memref<10000x128xf32, #tpu.memory_space<hbm>>
    tpu.enqueue_indirect_dma source(%dma_start3A_208 : memref<10000x128xf32, #tpu.memory_space<hbm>>) target(%arg13 : memref<64x128xf32, #tpu.memory_space<vmem>>) offsets(%dma_start3A_205 : memref<64xi32, #tpu.memory_space<vmem>>) semaphore(%arg18 : memref<!tpu.dma_semaphore, #tpu.memory_space<semaphore_mem>>)
    %dma_wait3A_209 = arith.constant 64 : i32
    %dma_wait3A_210 = tpu.memref_slice %arg8[%dma_wait3A_209] : memref<3328xi32, #tpu.memory_space<vmem>> -> memref<64xi32, #tpu.memory_space<vmem>>
    %dma_wait3A_211 = arith.constant 0 : i32
    %dma_wait3A_212 = arith.constant 0 : i32
    %dma_wait3A_213 = tpu.memref_slice %arg2[%dma_wait3A_211, %dma_wait3A_212] : memref<10000x128xf32, #tpu.memory_space<hbm>> -> memref<10000x128xf32, #tpu.memory_space<hbm>>
    tpu.wait_indirect_dma semaphore(%arg17 : memref<!tpu.dma_semaphore, #tpu.memory_space<semaphore_mem>>) src(%dma_wait3A_213 : memref<10000x128xf32, #tpu.memory_space<hbm>>) dst(%arg12 : memref<64x128xf32, #tpu.memory_space<vmem>>)
    %dma_start3A_214 = arith.constant 64 : i32
    %dma_start3A_215 = tpu.memref_slice %arg10[%dma_start3A_214] : memref<3328xi32, #tpu.memory_space<vmem>> -> memref<64xi32, #tpu.memory_space<vmem>>
    %dma_start3A_216 = arith.constant 0 : i32
    %dma_start3A_217 = arith.constant 0 : i32
    %dma_start3A_218 = tpu.memref_slice %arg15[%dma_start3A_216, %dma_start3A_217] : memref<10000x128xf32, #tpu.memory_space<vmem_shared>> -> memref<10000x128xf32, #tpu.memory_space<vmem_shared>>
    tpu.enqueue_indirect_dma source(%arg12 : memref<64x128xf32, #tpu.memory_space<vmem>>) target(%dma_start3A_218 : memref<10000x128xf32, #tpu.memory_space<vmem_shared>>) offsets(%dma_start3A_215 : memref<64xi32, #tpu.memory_space<vmem>>) semaphore(%arg21 : memref<!tpu.dma_semaphore, #tpu.memory_space<semaphore_mem>>) {add = true}
    %dma_wait3A_219 = arith.constant 3264 : i32
    %dma_wait3A_220 = tpu.memref_slice %arg9[%dma_wait3A_219] : memref<3328xi32, #tpu.memory_space<vmem>> -> memref<64xi32, #tpu.memory_space<vmem>>
    %dma_wait3A_221 = arith.constant 0 : i32
    %dma_wait3A_222 = arith.constant 0 : i32
    %dma_wait3A_223 = tpu.memref_slice %arg15[%dma_wait3A_221, %dma_wait3A_222] : memref<10000x128xf32, #tpu.memory_space<vmem_shared>> -> memref<10000x128xf32, #tpu.memory_space<vmem_shared>>
    tpu.wait_indirect_dma semaphore(%arg23 : memref<!tpu.dma_semaphore, #tpu.memory_space<semaphore_mem>>) src(%arg14 : memref<64x128xf32, #tpu.memory_space<vmem>>) dst(%dma_wait3A_223 : memref<10000x128xf32, #tpu.memory_space<vmem_shared>>)
    %dma_start3A_224 = arith.constant 192 : i32
    %dma_start3A_225 = tpu.memref_slice %arg8[%dma_start3A_224] : memref<3328xi32, #tpu.memory_space<vmem>> -> memref<64xi32, #tpu.memory_space<vmem>>
    %dma_start3A_226 = arith.constant 0 : i32
    %dma_start3A_227 = arith.constant 0 : i32
    %dma_start3A_228 = tpu.memref_slice %arg2[%dma_start3A_226, %dma_start3A_227] : memref<10000x128xf32, #tpu.memory_space<hbm>> -> memref<10000x128xf32, #tpu.memory_space<hbm>>
    tpu.enqueue_indirect_dma source(%dma_start3A_228 : memref<10000x128xf32, #tpu.memory_space<hbm>>) target(%arg14 : memref<64x128xf32, #tpu.memory_space<vmem>>) offsets(%dma_start3A_225 : memref<64xi32, #tpu.memory_space<vmem>>) semaphore(%arg19 : memref<!tpu.dma_semaphore, #tpu.memory_space<semaphore_mem>>)
    %dma_wait3A_229 = arith.constant 128 : i32
    %dma_wait3A_230 = tpu.memref_slice %arg8[%dma_wait3A_229] : memref<3328xi32, #tpu.memory_space<vmem>> -> memref<64xi32, #tpu.memory_space<vmem>>
    %dma_wait3A_231 = arith.constant 0 : i32
    %dma_wait3A_232 = arith.constant 0 : i32
    %dma_wait3A_233 = tpu.memref_slice %arg2[%dma_wait3A_231, %dma_wait3A_232] : memref<10000x128xf32, #tpu.memory_space<hbm>> -> memref<10000x128xf32, #tpu.memory_space<hbm>>
    tpu.wait_indirect_dma semaphore(%arg18 : memref<!tpu.dma_semaphore, #tpu.memory_space<semaphore_mem>>) src(%dma_wait3A_233 : memref<10000x128xf32, #tpu.memory_space<hbm>>) dst(%arg13 : memref<64x128xf32, #tpu.memory_space<vmem>>)
    %dma_start3A_234 = arith.constant 128 : i32
    %dma_start3A_235 = tpu.memref_slice %arg10[%dma_start3A_234] : memref<3328xi32, #tpu.memory_space<vmem>> -> memref<64xi32, #tpu.memory_space<vmem>>
    %dma_start3A_236 = arith.constant 0 : i32
    %dma_start3A_237 = arith.constant 0 : i32
    %dma_start3A_238 = tpu.memref_slice %arg15[%dma_start3A_236, %dma_start3A_237] : memref<10000x128xf32, #tpu.memory_space<vmem_shared>> -> memref<10000x128xf32, #tpu.memory_space<vmem_shared>>
    tpu.enqueue_indirect_dma source(%arg13 : memref<64x128xf32, #tpu.memory_space<vmem>>) target(%dma_start3A_238 : memref<10000x128xf32, #tpu.memory_space<vmem_shared>>) offsets(%dma_start3A_235 : memref<64xi32, #tpu.memory_space<vmem>>) semaphore(%arg22 : memref<!tpu.dma_semaphore, #tpu.memory_space<semaphore_mem>>) {add = true}
    %dma_wait3A_239 = arith.constant 0 : i32
    %dma_wait3A_240 = tpu.memref_slice %arg10[%dma_wait3A_239] : memref<3328xi32, #tpu.memory_space<vmem>> -> memref<64xi32, #tpu.memory_space<vmem>>
    %dma_wait3A_241 = arith.constant 0 : i32
    %dma_wait3A_242 = arith.constant 0 : i32
    %dma_wait3A_243 = tpu.memref_slice %arg15[%dma_wait3A_241, %dma_wait3A_242] : memref<10000x128xf32, #tpu.memory_space<vmem_shared>> -> memref<10000x128xf32, #tpu.memory_space<vmem_shared>>
    tpu.wait_indirect_dma semaphore(%arg20 : memref<!tpu.dma_semaphore, #tpu.memory_space<semaphore_mem>>) src(%arg11 : memref<64x128xf32, #tpu.memory_space<vmem>>) dst(%dma_wait3A_243 : memref<10000x128xf32, #tpu.memory_space<vmem_shared>>)
    %dma_start3A_244 = arith.constant 256 : i32
    %dma_start3A_245 = tpu.memref_slice %arg8[%dma_start3A_244] : memref<3328xi32, #tpu.memory_space<vmem>> -> memref<64xi32, #tpu.memory_space<vmem>>
    %dma_start3A_246 = arith.constant 0 : i32
    %dma_start3A_247 = arith.constant 0 : i32
    %dma_start3A_248 = tpu.memref_slice %arg2[%dma_start3A_246, %dma_start3A_247] : memref<10000x128xf32, #tpu.memory_space<hbm>> -> memref<10000x128xf32, #tpu.memory_space<hbm>>
    tpu.enqueue_indirect_dma source(%dma_start3A_248 : memref<10000x128xf32, #tpu.memory_space<hbm>>) target(%arg11 : memref<64x128xf32, #tpu.memory_space<vmem>>) offsets(%dma_start3A_245 : memref<64xi32, #tpu.memory_space<vmem>>) semaphore(%arg16 : memref<!tpu.dma_semaphore, #tpu.memory_space<semaphore_mem>>)
    %dma_wait3A_249 = arith.constant 192 : i32
    %dma_wait3A_250 = tpu.memref_slice %arg8[%dma_wait3A_249] : memref<3328xi32, #tpu.memory_space<vmem>> -> memref<64xi32, #tpu.memory_space<vmem>>
    %dma_wait3A_251 = arith.constant 0 : i32
    %dma_wait3A_252 = arith.constant 0 : i32
    %dma_wait3A_253 = tpu.memref_slice %arg2[%dma_wait3A_251, %dma_wait3A_252] : memref<10000x128xf32, #tpu.memory_space<hbm>> -> memref<10000x128xf32, #tpu.memory_space<hbm>>
    tpu.wait_indirect_dma semaphore(%arg19 : memref<!tpu.dma_semaphore, #tpu.memory_space<semaphore_mem>>) src(%dma_wait3A_253 : memref<10000x128xf32, #tpu.memory_space<hbm>>) dst(%arg14 : memref<64x128xf32, #tpu.memory_space<vmem>>)
    %dma_start3A_254 = arith.constant 192 : i32
    %dma_start3A_255 = tpu.memref_slice %arg10[%dma_start3A_254] : memref<3328xi32, #tpu.memory_space<vmem>> -> memref<64xi32, #tpu.memory_space<vmem>>
    %dma_start3A_256 = arith.constant 0 : i32
    %dma_start3A_257 = arith.constant 0 : i32
    %dma_start3A_258 = tpu.memref_slice %arg15[%dma_start3A_256, %dma_start3A_257] : memref<10000x128xf32, #tpu.memory_space<vmem_shared>> -> memref<10000x128xf32, #tpu.memory_space<vmem_shared>>
    tpu.enqueue_indirect_dma source(%arg14 : memref<64x128xf32, #tpu.memory_space<vmem>>) target(%dma_start3A_258 : memref<10000x128xf32, #tpu.memory_space<vmem_shared>>) offsets(%dma_start3A_255 : memref<64xi32, #tpu.memory_space<vmem>>) semaphore(%arg23 : memref<!tpu.dma_semaphore, #tpu.memory_space<semaphore_mem>>) {add = true}
    %dma_wait3A_259 = arith.constant 64 : i32
    %dma_wait3A_260 = tpu.memref_slice %arg10[%dma_wait3A_259] : memref<3328xi32, #tpu.memory_space<vmem>> -> memref<64xi32, #tpu.memory_space<vmem>>
    %dma_wait3A_261 = arith.constant 0 : i32
    %dma_wait3A_262 = arith.constant 0 : i32
    %dma_wait3A_263 = tpu.memref_slice %arg15[%dma_wait3A_261, %dma_wait3A_262] : memref<10000x128xf32, #tpu.memory_space<vmem_shared>> -> memref<10000x128xf32, #tpu.memory_space<vmem_shared>>
    tpu.wait_indirect_dma semaphore(%arg21 : memref<!tpu.dma_semaphore, #tpu.memory_space<semaphore_mem>>) src(%arg12 : memref<64x128xf32, #tpu.memory_space<vmem>>) dst(%dma_wait3A_263 : memref<10000x128xf32, #tpu.memory_space<vmem_shared>>)
    %dma_start3A_264 = arith.constant 320 : i32
    %dma_start3A_265 = tpu.memref_slice %arg8[%dma_start3A_264] : memref<3328xi32, #tpu.memory_space<vmem>> -> memref<64xi32, #tpu.memory_space<vmem>>
    %dma_start3A_266 = arith.constant 0 : i32
    %dma_start3A_267 = arith.constant 0 : i32
    %dma_start3A_268 = tpu.memref_slice %arg2[%dma_start3A_266, %dma_start3A_267] : memref<10000x128xf32, #tpu.memory_space<hbm>> -> memref<10000x128xf32, #tpu.memory_space<hbm>>
    tpu.enqueue_indirect_dma source(%dma_start3A_268 : memref<10000x128xf32, #tpu.memory_space<hbm>>) target(%arg12 : memref<64x128xf32, #tpu.memory_space<vmem>>) offsets(%dma_start3A_265 : memref<64xi32, #tpu.memory_space<vmem>>) semaphore(%arg17 : memref<!tpu.dma_semaphore, #tpu.memory_space<semaphore_mem>>)
    %add3A_269 = arith.constant 6656 : i32
    %add3A_270 = arith.addi %mul3A_11, %add3A_269 : i32
    %dma_start3A_271 = tpu.memref_slice %arg3[%add3A_270] : memref<320000xi32, #tpu.memory_space<hbm>> -> memref<3328xi32, #tpu.memory_space<hbm>>
    %dma_start3A_272 = tpu.memref_slice %arg3[%add3A_270] : memref<320000xi32, #tpu.memory_space<hbm>> -> memref<3328xi32, #tpu.memory_space<hbm>>
    tpu.enqueue_dma source(%dma_start3A_272 : memref<3328xi32, #tpu.memory_space<hbm>>) target(%arg7 : memref<3328xi32, #tpu.memory_space<vmem>>) target_semaphore(%arg24 : memref<!tpu.dma_semaphore, #tpu.memory_space<semaphore_mem>>)
    %dma_start3A_273 = tpu.memref_slice %arg4[%add3A_270] : memref<320000xi32, #tpu.memory_space<hbm>> -> memref<3328xi32, #tpu.memory_space<hbm>>
    %dma_start3A_274 = tpu.memref_slice %arg4[%add3A_270] : memref<320000xi32, #tpu.memory_space<hbm>> -> memref<3328xi32, #tpu.memory_space<hbm>>
    tpu.enqueue_dma source(%dma_start3A_274 : memref<3328xi32, #tpu.memory_space<hbm>>) target(%arg9 : memref<3328xi32, #tpu.memory_space<vmem>>) target_semaphore(%arg24 : memref<!tpu.dma_semaphore, #tpu.memory_space<semaphore_mem>>)
    %scan3A_275 = arith.constant 0 : i32
    %scan3A_276 = arith.constant 1 : i32
    %scan3A_277 = arith.constant 11 : i32
    %scan3A_278 = arith.addi %scan3A_276, %scan3A_277 : i32
    %scan3A_279 = arith.constant 1 : i32
    scf.for %scan3A_561 = %scan3A_276 to %scan3A_278 step %scan3A_279  : i32 {
      %mul3A_562 = arith.constant 4 : i32
      %mul3A_563 = arith.muli %mul3A_562, %scan3A_561 : i32
      %add3A_564 = arith.constant 0 : i32
      %add3A_565 = arith.addi %mul3A_563, %add3A_564 : i32
      %mul3A_566 = arith.constant 64 : i32
      %mul3A_567 = arith.muli %add3A_565, %mul3A_566 : i32
      %dma_wait3A_568 = tpu.memref_slice %arg8[%mul3A_567] : memref<3328xi32, #tpu.memory_space<vmem>> -> memref<64xi32, #tpu.memory_space<vmem>>
      %dma_wait3A_569 = arith.constant 0 : i32
      %dma_wait3A_570 = arith.constant 0 : i32
      %dma_wait3A_571 = tpu.memref_slice %arg2[%dma_wait3A_569, %dma_wait3A_570] : memref<10000x128xf32, #tpu.memory_space<hbm>> -> memref<10000x128xf32, #tpu.memory_space<hbm>>
      tpu.wait_indirect_dma semaphore(%arg16 : memref<!tpu.dma_semaphore, #tpu.memory_space<semaphore_mem>>) src(%dma_wait3A_571 : memref<10000x128xf32, #tpu.memory_space<hbm>>) dst(%arg11 : memref<64x128xf32, #tpu.memory_space<vmem>>)
      %mul3A_572 = arith.constant 64 : i32
      %mul3A_573 = arith.muli %add3A_565, %mul3A_572 : i32
      %dma_start3A_574 = tpu.memref_slice %arg10[%mul3A_573] : memref<3328xi32, #tpu.memory_space<vmem>> -> memref<64xi32, #tpu.memory_space<vmem>>
      %dma_start3A_575 = arith.constant 0 : i32
      %dma_start3A_576 = arith.constant 0 : i32
      %dma_start3A_577 = tpu.memref_slice %arg15[%dma_start3A_575, %dma_start3A_576] : memref<10000x128xf32, #tpu.memory_space<vmem_shared>> -> memref<10000x128xf32, #tpu.memory_space<vmem_shared>>
      tpu.enqueue_indirect_dma source(%arg11 : memref<64x128xf32, #tpu.memory_space<vmem>>) target(%dma_start3A_577 : memref<10000x128xf32, #tpu.memory_space<vmem_shared>>) offsets(%dma_start3A_574 : memref<64xi32, #tpu.memory_space<vmem>>) semaphore(%arg20 : memref<!tpu.dma_semaphore, #tpu.memory_space<semaphore_mem>>) {add = true}
      %sub3A = arith.constant 2 : i32
      %sub3A_578 = arith.subi %add3A_565, %sub3A : i32
      %mul3A_579 = arith.constant 64 : i32
      %mul3A_580 = arith.muli %sub3A_578, %mul3A_579 : i32
      %dma_wait3A_581 = tpu.memref_slice %arg10[%mul3A_580] : memref<3328xi32, #tpu.memory_space<vmem>> -> memref<64xi32, #tpu.memory_space<vmem>>
      %dma_wait3A_582 = arith.constant 0 : i32
      %dma_wait3A_583 = arith.constant 0 : i32
      %dma_wait3A_584 = tpu.memref_slice %arg15[%dma_wait3A_582, %dma_wait3A_583] : memref<10000x128xf32, #tpu.memory_space<vmem_shared>> -> memref<10000x128xf32, #tpu.memory_space<vmem_shared>>
      tpu.wait_indirect_dma semaphore(%arg22 : memref<!tpu.dma_semaphore, #tpu.memory_space<semaphore_mem>>) src(%arg13 : memref<64x128xf32, #tpu.memory_space<vmem>>) dst(%dma_wait3A_584 : memref<10000x128xf32, #tpu.memory_space<vmem_shared>>)
      %add3A_585 = arith.constant 2 : i32
      %add3A_586 = arith.addi %add3A_565, %add3A_585 : i32
      %mul3A_587 = arith.constant 64 : i32
      %mul3A_588 = arith.muli %add3A_586, %mul3A_587 : i32
      %dma_start3A_589 = tpu.memref_slice %arg8[%mul3A_588] : memref<3328xi32, #tpu.memory_space<vmem>> -> memref<64xi32, #tpu.memory_space<vmem>>
      %dma_start3A_590 = arith.constant 0 : i32
      %dma_start3A_591 = arith.constant 0 : i32
      %dma_start3A_592 = tpu.memref_slice %arg2[%dma_start3A_590, %dma_start3A_591] : memref<10000x128xf32, #tpu.memory_space<hbm>> -> memref<10000x128xf32, #tpu.memory_space<hbm>>
      tpu.enqueue_indirect_dma source(%dma_start3A_592 : memref<10000x128xf32, #tpu.memory_space<hbm>>) target(%arg13 : memref<64x128xf32, #tpu.memory_space<vmem>>) offsets(%dma_start3A_589 : memref<64xi32, #tpu.memory_space<vmem>>) semaphore(%arg18 : memref<!tpu.dma_semaphore, #tpu.memory_space<semaphore_mem>>)
      %mul3A_593 = arith.constant 4 : i32
      %mul3A_594 = arith.muli %mul3A_593, %scan3A_561 : i32
      %add3A_595 = arith.constant 1 : i32
      %add3A_596 = arith.addi %mul3A_594, %add3A_595 : i32
      %mul3A_597 = arith.constant 64 : i32
      %mul3A_598 = arith.muli %add3A_596, %mul3A_597 : i32
      %dma_wait3A_599 = tpu.memref_slice %arg8[%mul3A_598] : memref<3328xi32, #tpu.memory_space<vmem>> -> memref<64xi32, #tpu.memory_space<vmem>>
      %dma_wait3A_600 = arith.constant 0 : i32
      %dma_wait3A_601 = arith.constant 0 : i32
      %dma_wait3A_602 = tpu.memref_slice %arg2[%dma_wait3A_600, %dma_wait3A_601] : memref<10000x128xf32, #tpu.memory_space<hbm>> -> memref<10000x128xf32, #tpu.memory_space<hbm>>
      tpu.wait_indirect_dma semaphore(%arg17 : memref<!tpu.dma_semaphore, #tpu.memory_space<semaphore_mem>>) src(%dma_wait3A_602 : memref<10000x128xf32, #tpu.memory_space<hbm>>) dst(%arg12 : memref<64x128xf32, #tpu.memory_space<vmem>>)
      %mul3A_603 = arith.constant 64 : i32
      %mul3A_604 = arith.muli %add3A_596, %mul3A_603 : i32
      %dma_start3A_605 = tpu.memref_slice %arg10[%mul3A_604] : memref<3328xi32, #tpu.memory_space<vmem>> -> memref<64xi32, #tpu.memory_space<vmem>>
      %dma_start3A_606 = arith.constant 0 : i32
      %dma_start3A_607 = arith.constant 0 : i32
      %dma_start3A_608 = tpu.memref_slice %arg15[%dma_start3A_606, %dma_start3A_607] : memref<10000x128xf32, #tpu.memory_space<vmem_shared>> -> memref<10000x128xf32, #tpu.memory_space<vmem_shared>>
      tpu.enqueue_indirect_dma source(%arg12 : memref<64x128xf32, #tpu.memory_space<vmem>>) target(%dma_start3A_608 : memref<10000x128xf32, #tpu.memory_space<vmem_shared>>) offsets(%dma_start3A_605 : memref<64xi32, #tpu.memory_space<vmem>>) semaphore(%arg21 : memref<!tpu.dma_semaphore, #tpu.memory_space<semaphore_mem>>) {add = true}
      %sub3A_609 = arith.constant 2 : i32
      %sub3A_610 = arith.subi %add3A_596, %sub3A_609 : i32
      %mul3A_611 = arith.constant 64 : i32
      %mul3A_612 = arith.muli %sub3A_610, %mul3A_611 : i32
      %dma_wait3A_613 = tpu.memref_slice %arg10[%mul3A_612] : memref<3328xi32, #tpu.memory_space<vmem>> -> memref<64xi32, #tpu.memory_space<vmem>>
      %dma_wait3A_614 = arith.constant 0 : i32
      %dma_wait3A_615 = arith.constant 0 : i32
      %dma_wait3A_616 = tpu.memref_slice %arg15[%dma_wait3A_614, %dma_wait3A_615] : memref<10000x128xf32, #tpu.memory_space<vmem_shared>> -> memref<10000x128xf32, #tpu.memory_space<vmem_shared>>
      tpu.wait_indirect_dma semaphore(%arg23 : memref<!tpu.dma_semaphore, #tpu.memory_space<semaphore_mem>>) src(%arg14 : memref<64x128xf32, #tpu.memory_space<vmem>>) dst(%dma_wait3A_616 : memref<10000x128xf32, #tpu.memory_space<vmem_shared>>)
      %add3A_617 = arith.constant 2 : i32
      %add3A_618 = arith.addi %add3A_596, %add3A_617 : i32
      %mul3A_619 = arith.constant 64 : i32
      %mul3A_620 = arith.muli %add3A_618, %mul3A_619 : i32
      %dma_start3A_621 = tpu.memref_slice %arg8[%mul3A_620] : memref<3328xi32, #tpu.memory_space<vmem>> -> memref<64xi32, #tpu.memory_space<vmem>>
      %dma_start3A_622 = arith.constant 0 : i32
      %dma_start3A_623 = arith.constant 0 : i32
      %dma_start3A_624 = tpu.memref_slice %arg2[%dma_start3A_622, %dma_start3A_623] : memref<10000x128xf32, #tpu.memory_space<hbm>> -> memref<10000x128xf32, #tpu.memory_space<hbm>>
      tpu.enqueue_indirect_dma source(%dma_start3A_624 : memref<10000x128xf32, #tpu.memory_space<hbm>>) target(%arg14 : memref<64x128xf32, #tpu.memory_space<vmem>>) offsets(%dma_start3A_621 : memref<64xi32, #tpu.memory_space<vmem>>) semaphore(%arg19 : memref<!tpu.dma_semaphore, #tpu.memory_space<semaphore_mem>>)
      %mul3A_625 = arith.constant 4 : i32
      %mul3A_626 = arith.muli %mul3A_625, %scan3A_561 : i32
      %add3A_627 = arith.constant 2 : i32
      %add3A_628 = arith.addi %mul3A_626, %add3A_627 : i32
      %mul3A_629 = arith.constant 64 : i32
      %mul3A_630 = arith.muli %add3A_628, %mul3A_629 : i32
      %dma_wait3A_631 = tpu.memref_slice %arg8[%mul3A_630] : memref<3328xi32, #tpu.memory_space<vmem>> -> memref<64xi32, #tpu.memory_space<vmem>>
      %dma_wait3A_632 = arith.constant 0 : i32
      %dma_wait3A_633 = arith.constant 0 : i32
      %dma_wait3A_634 = tpu.memref_slice %arg2[%dma_wait3A_632, %dma_wait3A_633] : memref<10000x128xf32, #tpu.memory_space<hbm>> -> memref<10000x128xf32, #tpu.memory_space<hbm>>
      tpu.wait_indirect_dma semaphore(%arg18 : memref<!tpu.dma_semaphore, #tpu.memory_space<semaphore_mem>>) src(%dma_wait3A_634 : memref<10000x128xf32, #tpu.memory_space<hbm>>) dst(%arg13 : memref<64x128xf32, #tpu.memory_space<vmem>>)
      %mul3A_635 = arith.constant 64 : i32
      %mul3A_636 = arith.muli %add3A_628, %mul3A_635 : i32
      %dma_start3A_637 = tpu.memref_slice %arg10[%mul3A_636] : memref<3328xi32, #tpu.memory_space<vmem>> -> memref<64xi32, #tpu.memory_space<vmem>>
      %dma_start3A_638 = arith.constant 0 : i32
      %dma_start3A_639 = arith.constant 0 : i32
      %dma_start3A_640 = tpu.memref_slice %arg15[%dma_start3A_638, %dma_start3A_639] : memref<10000x128xf32, #tpu.memory_space<vmem_shared>> -> memref<10000x128xf32, #tpu.memory_space<vmem_shared>>
      tpu.enqueue_indirect_dma source(%arg13 : memref<64x128xf32, #tpu.memory_space<vmem>>) target(%dma_start3A_640 : memref<10000x128xf32, #tpu.memory_space<vmem_shared>>) offsets(%dma_start3A_637 : memref<64xi32, #tpu.memory_space<vmem>>) semaphore(%arg22 : memref<!tpu.dma_semaphore, #tpu.memory_space<semaphore_mem>>) {add = true}
      %sub3A_641 = arith.constant 2 : i32
      %sub3A_642 = arith.subi %add3A_628, %sub3A_641 : i32
      %mul3A_643 = arith.constant 64 : i32
      %mul3A_644 = arith.muli %sub3A_642, %mul3A_643 : i32
      %dma_wait3A_645 = tpu.memref_slice %arg10[%mul3A_644] : memref<3328xi32, #tpu.memory_space<vmem>> -> memref<64xi32, #tpu.memory_space<vmem>>
      %dma_wait3A_646 = arith.constant 0 : i32
      %dma_wait3A_647 = arith.constant 0 : i32
      %dma_wait3A_648 = tpu.memref_slice %arg15[%dma_wait3A_646, %dma_wait3A_647] : memref<10000x128xf32, #tpu.memory_space<vmem_shared>> -> memref<10000x128xf32, #tpu.memory_space<vmem_shared>>
      tpu.wait_indirect_dma semaphore(%arg20 : memref<!tpu.dma_semaphore, #tpu.memory_space<semaphore_mem>>) src(%arg11 : memref<64x128xf32, #tpu.memory_space<vmem>>) dst(%dma_wait3A_648 : memref<10000x128xf32, #tpu.memory_space<vmem_shared>>)
      %add3A_649 = arith.constant 2 : i32
      %add3A_650 = arith.addi %add3A_628, %add3A_649 : i32
      %mul3A_651 = arith.constant 64 : i32
      %mul3A_652 = arith.muli %add3A_650, %mul3A_651 : i32
      %dma_start3A_653 = tpu.memref_slice %arg8[%mul3A_652] : memref<3328xi32, #tpu.memory_space<vmem>> -> memref<64xi32, #tpu.memory_space<vmem>>
      %dma_start3A_654 = arith.constant 0 : i32
      %dma_start3A_655 = arith.constant 0 : i32
      %dma_start3A_656 = tpu.memref_slice %arg2[%dma_start3A_654, %dma_start3A_655] : memref<10000x128xf32, #tpu.memory_space<hbm>> -> memref<10000x128xf32, #tpu.memory_space<hbm>>
      tpu.enqueue_indirect_dma source(%dma_start3A_656 : memref<10000x128xf32, #tpu.memory_space<hbm>>) target(%arg11 : memref<64x128xf32, #tpu.memory_space<vmem>>) offsets(%dma_start3A_653 : memref<64xi32, #tpu.memory_space<vmem>>) semaphore(%arg16 : memref<!tpu.dma_semaphore, #tpu.memory_space<semaphore_mem>>)
      %mul3A_657 = arith.constant 4 : i32
      %mul3A_658 = arith.muli %mul3A_657, %scan3A_561 : i32
      %add3A_659 = arith.constant 3 : i32
      %add3A_660 = arith.addi %mul3A_658, %add3A_659 : i32
      %mul3A_661 = arith.constant 64 : i32
      %mul3A_662 = arith.muli %add3A_660, %mul3A_661 : i32
      %dma_wait3A_663 = tpu.memref_slice %arg8[%mul3A_662] : memref<3328xi32, #tpu.memory_space<vmem>> -> memref<64xi32, #tpu.memory_space<vmem>>
      %dma_wait3A_664 = arith.constant 0 : i32
      %dma_wait3A_665 = arith.constant 0 : i32
      %dma_wait3A_666 = tpu.memref_slice %arg2[%dma_wait3A_664, %dma_wait3A_665] : memref<10000x128xf32, #tpu.memory_space<hbm>> -> memref<10000x128xf32, #tpu.memory_space<hbm>>
      tpu.wait_indirect_dma semaphore(%arg19 : memref<!tpu.dma_semaphore, #tpu.memory_space<semaphore_mem>>) src(%dma_wait3A_666 : memref<10000x128xf32, #tpu.memory_space<hbm>>) dst(%arg14 : memref<64x128xf32, #tpu.memory_space<vmem>>)
      %mul3A_667 = arith.constant 64 : i32
      %mul3A_668 = arith.muli %add3A_660, %mul3A_667 : i32
      %dma_start3A_669 = tpu.memref_slice %arg10[%mul3A_668] : memref<3328xi32, #tpu.memory_space<vmem>> -> memref<64xi32, #tpu.memory_space<vmem>>
      %dma_start3A_670 = arith.constant 0 : i32
      %dma_start3A_671 = arith.constant 0 : i32
      %dma_start3A_672 = tpu.memref_slice %arg15[%dma_start3A_670, %dma_start3A_671] : memref<10000x128xf32, #tpu.memory_space<vmem_shared>> -> memref<10000x128xf32, #tpu.memory_space<vmem_shared>>
      tpu.enqueue_indirect_dma source(%arg14 : memref<64x128xf32, #tpu.memory_space<vmem>>) target(%dma_start3A_672 : memref<10000x128xf32, #tpu.memory_space<vmem_shared>>) offsets(%dma_start3A_669 : memref<64xi32, #tpu.memory_space<vmem>>) semaphore(%arg23 : memref<!tpu.dma_semaphore, #tpu.memory_space<semaphore_mem>>) {add = true}
      %sub3A_673 = arith.constant 2 : i32
      %sub3A_674 = arith.subi %add3A_660, %sub3A_673 : i32
      %mul3A_675 = arith.constant 64 : i32
      %mul3A_676 = arith.muli %sub3A_674, %mul3A_675 : i32
      %dma_wait3A_677 = tpu.memref_slice %arg10[%mul3A_676] : memref<3328xi32, #tpu.memory_space<vmem>> -> memref<64xi32, #tpu.memory_space<vmem>>
      %dma_wait3A_678 = arith.constant 0 : i32
      %dma_wait3A_679 = arith.constant 0 : i32
      %dma_wait3A_680 = tpu.memref_slice %arg15[%dma_wait3A_678, %dma_wait3A_679] : memref<10000x128xf32, #tpu.memory_space<vmem_shared>> -> memref<10000x128xf32, #tpu.memory_space<vmem_shared>>
      tpu.wait_indirect_dma semaphore(%arg21 : memref<!tpu.dma_semaphore, #tpu.memory_space<semaphore_mem>>) src(%arg12 : memref<64x128xf32, #tpu.memory_space<vmem>>) dst(%dma_wait3A_680 : memref<10000x128xf32, #tpu.memory_space<vmem_shared>>)
      %add3A_681 = arith.constant 2 : i32
      %add3A_682 = arith.addi %add3A_660, %add3A_681 : i32
      %mul3A_683 = arith.constant 64 : i32
      %mul3A_684 = arith.muli %add3A_682, %mul3A_683 : i32
      %dma_start3A_685 = tpu.memref_slice %arg8[%mul3A_684] : memref<3328xi32, #tpu.memory_space<vmem>> -> memref<64xi32, #tpu.memory_space<vmem>>
      %dma_start3A_686 = arith.constant 0 : i32
      %dma_start3A_687 = arith.constant 0 : i32
      %dma_start3A_688 = tpu.memref_slice %arg2[%dma_start3A_686, %dma_start3A_687] : memref<10000x128xf32, #tpu.memory_space<hbm>> -> memref<10000x128xf32, #tpu.memory_space<hbm>>
      tpu.enqueue_indirect_dma source(%dma_start3A_688 : memref<10000x128xf32, #tpu.memory_space<hbm>>) target(%arg12 : memref<64x128xf32, #tpu.memory_space<vmem>>) offsets(%dma_start3A_685 : memref<64xi32, #tpu.memory_space<vmem>>) semaphore(%arg17 : memref<!tpu.dma_semaphore, #tpu.memory_space<semaphore_mem>>)
    }
    %scan3A_280 = arith.constant 11 : i32
    %dma_wait3A_281 = arith.constant 3072 : i32
    %dma_wait3A_282 = tpu.memref_slice %arg8[%dma_wait3A_281] : memref<3328xi32, #tpu.memory_space<vmem>> -> memref<64xi32, #tpu.memory_space<vmem>>
    %dma_wait3A_283 = arith.constant 0 : i32
    %dma_wait3A_284 = arith.constant 0 : i32
    %dma_wait3A_285 = tpu.memref_slice %arg2[%dma_wait3A_283, %dma_wait3A_284] : memref<10000x128xf32, #tpu.memory_space<hbm>> -> memref<10000x128xf32, #tpu.memory_space<hbm>>
    tpu.wait_indirect_dma semaphore(%arg16 : memref<!tpu.dma_semaphore, #tpu.memory_space<semaphore_mem>>) src(%dma_wait3A_285 : memref<10000x128xf32, #tpu.memory_space<hbm>>) dst(%arg11 : memref<64x128xf32, #tpu.memory_space<vmem>>)
    %dma_start3A_286 = arith.constant 3072 : i32
    %dma_start3A_287 = tpu.memref_slice %arg10[%dma_start3A_286] : memref<3328xi32, #tpu.memory_space<vmem>> -> memref<64xi32, #tpu.memory_space<vmem>>
    %dma_start3A_288 = arith.constant 0 : i32
    %dma_start3A_289 = arith.constant 0 : i32
    %dma_start3A_290 = tpu.memref_slice %arg15[%dma_start3A_288, %dma_start3A_289] : memref<10000x128xf32, #tpu.memory_space<vmem_shared>> -> memref<10000x128xf32, #tpu.memory_space<vmem_shared>>
    tpu.enqueue_indirect_dma source(%arg11 : memref<64x128xf32, #tpu.memory_space<vmem>>) target(%dma_start3A_290 : memref<10000x128xf32, #tpu.memory_space<vmem_shared>>) offsets(%dma_start3A_287 : memref<64xi32, #tpu.memory_space<vmem>>) semaphore(%arg20 : memref<!tpu.dma_semaphore, #tpu.memory_space<semaphore_mem>>) {add = true}
    %dma_wait3A_291 = arith.constant 2944 : i32
    %dma_wait3A_292 = tpu.memref_slice %arg10[%dma_wait3A_291] : memref<3328xi32, #tpu.memory_space<vmem>> -> memref<64xi32, #tpu.memory_space<vmem>>
    %dma_wait3A_293 = arith.constant 0 : i32
    %dma_wait3A_294 = arith.constant 0 : i32
    %dma_wait3A_295 = tpu.memref_slice %arg15[%dma_wait3A_293, %dma_wait3A_294] : memref<10000x128xf32, #tpu.memory_space<vmem_shared>> -> memref<10000x128xf32, #tpu.memory_space<vmem_shared>>
    tpu.wait_indirect_dma semaphore(%arg22 : memref<!tpu.dma_semaphore, #tpu.memory_space<semaphore_mem>>) src(%arg13 : memref<64x128xf32, #tpu.memory_space<vmem>>) dst(%dma_wait3A_295 : memref<10000x128xf32, #tpu.memory_space<vmem_shared>>)
    %dma_start3A_296 = arith.constant 3200 : i32
    %dma_start3A_297 = tpu.memref_slice %arg8[%dma_start3A_296] : memref<3328xi32, #tpu.memory_space<vmem>> -> memref<64xi32, #tpu.memory_space<vmem>>
    %dma_start3A_298 = arith.constant 0 : i32
    %dma_start3A_299 = arith.constant 0 : i32
    %dma_start3A_300 = tpu.memref_slice %arg2[%dma_start3A_298, %dma_start3A_299] : memref<10000x128xf32, #tpu.memory_space<hbm>> -> memref<10000x128xf32, #tpu.memory_space<hbm>>
    tpu.enqueue_indirect_dma source(%dma_start3A_300 : memref<10000x128xf32, #tpu.memory_space<hbm>>) target(%arg13 : memref<64x128xf32, #tpu.memory_space<vmem>>) offsets(%dma_start3A_297 : memref<64xi32, #tpu.memory_space<vmem>>) semaphore(%arg18 : memref<!tpu.dma_semaphore, #tpu.memory_space<semaphore_mem>>)
    %dma_wait3A_301 = arith.constant 3136 : i32
    %dma_wait3A_302 = tpu.memref_slice %arg8[%dma_wait3A_301] : memref<3328xi32, #tpu.memory_space<vmem>> -> memref<64xi32, #tpu.memory_space<vmem>>
    %dma_wait3A_303 = arith.constant 0 : i32
    %dma_wait3A_304 = arith.constant 0 : i32
    %dma_wait3A_305 = tpu.memref_slice %arg2[%dma_wait3A_303, %dma_wait3A_304] : memref<10000x128xf32, #tpu.memory_space<hbm>> -> memref<10000x128xf32, #tpu.memory_space<hbm>>
    tpu.wait_indirect_dma semaphore(%arg17 : memref<!tpu.dma_semaphore, #tpu.memory_space<semaphore_mem>>) src(%dma_wait3A_305 : memref<10000x128xf32, #tpu.memory_space<hbm>>) dst(%arg12 : memref<64x128xf32, #tpu.memory_space<vmem>>)
    %dma_start3A_306 = arith.constant 3136 : i32
    %dma_start3A_307 = tpu.memref_slice %arg10[%dma_start3A_306] : memref<3328xi32, #tpu.memory_space<vmem>> -> memref<64xi32, #tpu.memory_space<vmem>>
    %dma_start3A_308 = arith.constant 0 : i32
    %dma_start3A_309 = arith.constant 0 : i32
    %dma_start3A_310 = tpu.memref_slice %arg15[%dma_start3A_308, %dma_start3A_309] : memref<10000x128xf32, #tpu.memory_space<vmem_shared>> -> memref<10000x128xf32, #tpu.memory_space<vmem_shared>>
    tpu.enqueue_indirect_dma source(%arg12 : memref<64x128xf32, #tpu.memory_space<vmem>>) target(%dma_start3A_310 : memref<10000x128xf32, #tpu.memory_space<vmem_shared>>) offsets(%dma_start3A_307 : memref<64xi32, #tpu.memory_space<vmem>>) semaphore(%arg21 : memref<!tpu.dma_semaphore, #tpu.memory_space<semaphore_mem>>) {add = true}
    %dma_wait3A_311 = arith.constant 3008 : i32
    %dma_wait3A_312 = tpu.memref_slice %arg10[%dma_wait3A_311] : memref<3328xi32, #tpu.memory_space<vmem>> -> memref<64xi32, #tpu.memory_space<vmem>>
    %dma_wait3A_313 = arith.constant 0 : i32
    %dma_wait3A_314 = arith.constant 0 : i32
    %dma_wait3A_315 = tpu.memref_slice %arg15[%dma_wait3A_313, %dma_wait3A_314] : memref<10000x128xf32, #tpu.memory_space<vmem_shared>> -> memref<10000x128xf32, #tpu.memory_space<vmem_shared>>
    tpu.wait_indirect_dma semaphore(%arg23 : memref<!tpu.dma_semaphore, #tpu.memory_space<semaphore_mem>>) src(%arg14 : memref<64x128xf32, #tpu.memory_space<vmem>>) dst(%dma_wait3A_315 : memref<10000x128xf32, #tpu.memory_space<vmem_shared>>)
    %dma_start3A_316 = arith.constant 3264 : i32
    %dma_start3A_317 = tpu.memref_slice %arg8[%dma_start3A_316] : memref<3328xi32, #tpu.memory_space<vmem>> -> memref<64xi32, #tpu.memory_space<vmem>>
    %dma_start3A_318 = arith.constant 0 : i32
    %dma_start3A_319 = arith.constant 0 : i32
    %dma_start3A_320 = tpu.memref_slice %arg2[%dma_start3A_318, %dma_start3A_319] : memref<10000x128xf32, #tpu.memory_space<hbm>> -> memref<10000x128xf32, #tpu.memory_space<hbm>>
    tpu.enqueue_indirect_dma source(%dma_start3A_320 : memref<10000x128xf32, #tpu.memory_space<hbm>>) target(%arg14 : memref<64x128xf32, #tpu.memory_space<vmem>>) offsets(%dma_start3A_317 : memref<64xi32, #tpu.memory_space<vmem>>) semaphore(%arg19 : memref<!tpu.dma_semaphore, #tpu.memory_space<semaphore_mem>>)
    %dma_wait3A_321 = arith.constant 3200 : i32
    %dma_wait3A_322 = tpu.memref_slice %arg8[%dma_wait3A_321] : memref<3328xi32, #tpu.memory_space<vmem>> -> memref<64xi32, #tpu.memory_space<vmem>>
    %dma_wait3A_323 = arith.constant 0 : i32
    %dma_wait3A_324 = arith.constant 0 : i32
    %dma_wait3A_325 = tpu.memref_slice %arg2[%dma_wait3A_323, %dma_wait3A_324] : memref<10000x128xf32, #tpu.memory_space<hbm>> -> memref<10000x128xf32, #tpu.memory_space<hbm>>
    tpu.wait_indirect_dma semaphore(%arg18 : memref<!tpu.dma_semaphore, #tpu.memory_space<semaphore_mem>>) src(%dma_wait3A_325 : memref<10000x128xf32, #tpu.memory_space<hbm>>) dst(%arg13 : memref<64x128xf32, #tpu.memory_space<vmem>>)
    %dma_start3A_326 = arith.constant 3200 : i32
    %dma_start3A_327 = tpu.memref_slice %arg10[%dma_start3A_326] : memref<3328xi32, #tpu.memory_space<vmem>> -> memref<64xi32, #tpu.memory_space<vmem>>
    %dma_start3A_328 = arith.constant 0 : i32
    %dma_start3A_329 = arith.constant 0 : i32
    %dma_start3A_330 = tpu.memref_slice %arg15[%dma_start3A_328, %dma_start3A_329] : memref<10000x128xf32, #tpu.memory_space<vmem_shared>> -> memref<10000x128xf32, #tpu.memory_space<vmem_shared>>
    tpu.enqueue_indirect_dma source(%arg13 : memref<64x128xf32, #tpu.memory_space<vmem>>) target(%dma_start3A_330 : memref<10000x128xf32, #tpu.memory_space<vmem_shared>>) offsets(%dma_start3A_327 : memref<64xi32, #tpu.memory_space<vmem>>) semaphore(%arg22 : memref<!tpu.dma_semaphore, #tpu.memory_space<semaphore_mem>>) {add = true}
    %dma_wait3A_331 = arith.constant 3072 : i32
    %dma_wait3A_332 = tpu.memref_slice %arg10[%dma_wait3A_331] : memref<3328xi32, #tpu.memory_space<vmem>> -> memref<64xi32, #tpu.memory_space<vmem>>
    %dma_wait3A_333 = arith.constant 0 : i32
    %dma_wait3A_334 = arith.constant 0 : i32
    %dma_wait3A_335 = tpu.memref_slice %arg15[%dma_wait3A_333, %dma_wait3A_334] : memref<10000x128xf32, #tpu.memory_space<vmem_shared>> -> memref<10000x128xf32, #tpu.memory_space<vmem_shared>>
    tpu.wait_indirect_dma semaphore(%arg20 : memref<!tpu.dma_semaphore, #tpu.memory_space<semaphore_mem>>) src(%arg11 : memref<64x128xf32, #tpu.memory_space<vmem>>) dst(%dma_wait3A_335 : memref<10000x128xf32, #tpu.memory_space<vmem_shared>>)
    %dma_wait3A_336 = arith.constant 0 : i32
    %dma_wait3A_337 = tpu.memref_slice %arg3[%dma_wait3A_336] : memref<320000xi32, #tpu.memory_space<hbm>> -> memref<3328xi32, #tpu.memory_space<hbm>>
    %dma_wait3A_338 = arith.constant 0 : i32
    %dma_wait3A_339 = tpu.memref_slice %arg3[%dma_wait3A_338] : memref<320000xi32, #tpu.memory_space<hbm>> -> memref<3328xi32, #tpu.memory_space<hbm>>
    tpu.wait_dma2 semaphore(%arg24 : memref<!tpu.dma_semaphore, #tpu.memory_space<semaphore_mem>>) src(%dma_wait3A_339 : memref<3328xi32, #tpu.memory_space<hbm>>) dst(%arg7 : memref<3328xi32, #tpu.memory_space<vmem>>)
    %dma_wait3A_340 = arith.constant 0 : i32
    %dma_wait3A_341 = tpu.memref_slice %arg4[%dma_wait3A_340] : memref<320000xi32, #tpu.memory_space<hbm>> -> memref<3328xi32, #tpu.memory_space<hbm>>
    %dma_wait3A_342 = arith.constant 0 : i32
    %dma_wait3A_343 = tpu.memref_slice %arg4[%dma_wait3A_342] : memref<320000xi32, #tpu.memory_space<hbm>> -> memref<3328xi32, #tpu.memory_space<hbm>>
    tpu.wait_dma2 semaphore(%arg24 : memref<!tpu.dma_semaphore, #tpu.memory_space<semaphore_mem>>) src(%dma_wait3A_343 : memref<3328xi32, #tpu.memory_space<hbm>>) dst(%arg9 : memref<3328xi32, #tpu.memory_space<vmem>>)
    %dma_start3A_344 = arith.constant 0 : i32
    %dma_start3A_345 = tpu.memref_slice %arg7[%dma_start3A_344] : memref<3328xi32, #tpu.memory_space<vmem>> -> memref<64xi32, #tpu.memory_space<vmem>>
    %dma_start3A_346 = arith.constant 0 : i32
    %dma_start3A_347 = arith.constant 0 : i32
    %dma_start3A_348 = tpu.memref_slice %arg2[%dma_start3A_346, %dma_start3A_347] : memref<10000x128xf32, #tpu.memory_space<hbm>> -> memref<10000x128xf32, #tpu.memory_space<hbm>>
    tpu.enqueue_indirect_dma source(%dma_start3A_348 : memref<10000x128xf32, #tpu.memory_space<hbm>>) target(%arg11 : memref<64x128xf32, #tpu.memory_space<vmem>>) offsets(%dma_start3A_345 : memref<64xi32, #tpu.memory_space<vmem>>) semaphore(%arg16 : memref<!tpu.dma_semaphore, #tpu.memory_space<semaphore_mem>>)
    %dma_wait3A_349 = arith.constant 3264 : i32
    %dma_wait3A_350 = tpu.memref_slice %arg8[%dma_wait3A_349] : memref<3328xi32, #tpu.memory_space<vmem>> -> memref<64xi32, #tpu.memory_space<vmem>>
    %dma_wait3A_351 = arith.constant 0 : i32
    %dma_wait3A_352 = arith.constant 0 : i32
    %dma_wait3A_353 = tpu.memref_slice %arg2[%dma_wait3A_351, %dma_wait3A_352] : memref<10000x128xf32, #tpu.memory_space<hbm>> -> memref<10000x128xf32, #tpu.memory_space<hbm>>
    tpu.wait_indirect_dma semaphore(%arg19 : memref<!tpu.dma_semaphore, #tpu.memory_space<semaphore_mem>>) src(%dma_wait3A_353 : memref<10000x128xf32, #tpu.memory_space<hbm>>) dst(%arg14 : memref<64x128xf32, #tpu.memory_space<vmem>>)
    %dma_start3A_354 = arith.constant 3264 : i32
    %dma_start3A_355 = tpu.memref_slice %arg10[%dma_start3A_354] : memref<3328xi32, #tpu.memory_space<vmem>> -> memref<64xi32, #tpu.memory_space<vmem>>
    %dma_start3A_356 = arith.constant 0 : i32
    %dma_start3A_357 = arith.constant 0 : i32
    %dma_start3A_358 = tpu.memref_slice %arg15[%dma_start3A_356, %dma_start3A_357] : memref<10000x128xf32, #tpu.memory_space<vmem_shared>> -> memref<10000x128xf32, #tpu.memory_space<vmem_shared>>
    tpu.enqueue_indirect_dma source(%arg14 : memref<64x128xf32, #tpu.memory_space<vmem>>) target(%dma_start3A_358 : memref<10000x128xf32, #tpu.memory_space<vmem_shared>>) offsets(%dma_start3A_355 : memref<64xi32, #tpu.memory_space<vmem>>) semaphore(%arg23 : memref<!tpu.dma_semaphore, #tpu.memory_space<semaphore_mem>>) {add = true}
    %dma_wait3A_359 = arith.constant 3136 : i32
    %dma_wait3A_360 = tpu.memref_slice %arg10[%dma_wait3A_359] : memref<3328xi32, #tpu.memory_space<vmem>> -> memref<64xi32, #tpu.memory_space<vmem>>
    %dma_wait3A_361 = arith.constant 0 : i32
    %dma_wait3A_362 = arith.constant 0 : i32
    %dma_wait3A_363 = tpu.memref_slice %arg15[%dma_wait3A_361, %dma_wait3A_362] : memref<10000x128xf32, #tpu.memory_space<vmem_shared>> -> memref<10000x128xf32, #tpu.memory_space<vmem_shared>>
    tpu.wait_indirect_dma semaphore(%arg21 : memref<!tpu.dma_semaphore, #tpu.memory_space<semaphore_mem>>) src(%arg12 : memref<64x128xf32, #tpu.memory_space<vmem>>) dst(%dma_wait3A_363 : memref<10000x128xf32, #tpu.memory_space<vmem_shared>>)
    %dma_start3A_364 = arith.constant 64 : i32
    %dma_start3A_365 = tpu.memref_slice %arg7[%dma_start3A_364] : memref<3328xi32, #tpu.memory_space<vmem>> -> memref<64xi32, #tpu.memory_space<vmem>>
    %dma_start3A_366 = arith.constant 0 : i32
    %dma_start3A_367 = arith.constant 0 : i32
    %dma_start3A_368 = tpu.memref_slice %arg2[%dma_start3A_366, %dma_start3A_367] : memref<10000x128xf32, #tpu.memory_space<hbm>> -> memref<10000x128xf32, #tpu.memory_space<hbm>>
    tpu.enqueue_indirect_dma source(%dma_start3A_368 : memref<10000x128xf32, #tpu.memory_space<hbm>>) target(%arg12 : memref<64x128xf32, #tpu.memory_space<vmem>>) offsets(%dma_start3A_365 : memref<64xi32, #tpu.memory_space<vmem>>) semaphore(%arg17 : memref<!tpu.dma_semaphore, #tpu.memory_space<semaphore_mem>>)
    %dma_wait3A_369 = arith.constant 0 : i32
    %dma_wait3A_370 = tpu.memref_slice %arg7[%dma_wait3A_369] : memref<3328xi32, #tpu.memory_space<vmem>> -> memref<64xi32, #tpu.memory_space<vmem>>
    %dma_wait3A_371 = arith.constant 0 : i32
    %dma_wait3A_372 = arith.constant 0 : i32
    %dma_wait3A_373 = tpu.memref_slice %arg2[%dma_wait3A_371, %dma_wait3A_372] : memref<10000x128xf32, #tpu.memory_space<hbm>> -> memref<10000x128xf32, #tpu.memory_space<hbm>>
    tpu.wait_indirect_dma semaphore(%arg16 : memref<!tpu.dma_semaphore, #tpu.memory_space<semaphore_mem>>) src(%dma_wait3A_373 : memref<10000x128xf32, #tpu.memory_space<hbm>>) dst(%arg11 : memref<64x128xf32, #tpu.memory_space<vmem>>)
    %dma_start3A_374 = arith.constant 0 : i32
    %dma_start3A_375 = tpu.memref_slice %arg9[%dma_start3A_374] : memref<3328xi32, #tpu.memory_space<vmem>> -> memref<64xi32, #tpu.memory_space<vmem>>
    %dma_start3A_376 = arith.constant 0 : i32
    %dma_start3A_377 = arith.constant 0 : i32
    %dma_start3A_378 = tpu.memref_slice %arg15[%dma_start3A_376, %dma_start3A_377] : memref<10000x128xf32, #tpu.memory_space<vmem_shared>> -> memref<10000x128xf32, #tpu.memory_space<vmem_shared>>
    tpu.enqueue_indirect_dma source(%arg11 : memref<64x128xf32, #tpu.memory_space<vmem>>) target(%dma_start3A_378 : memref<10000x128xf32, #tpu.memory_space<vmem_shared>>) offsets(%dma_start3A_375 : memref<64xi32, #tpu.memory_space<vmem>>) semaphore(%arg20 : memref<!tpu.dma_semaphore, #tpu.memory_space<semaphore_mem>>) {add = true}
    %dma_wait3A_379 = arith.constant 3200 : i32
    %dma_wait3A_380 = tpu.memref_slice %arg10[%dma_wait3A_379] : memref<3328xi32, #tpu.memory_space<vmem>> -> memref<64xi32, #tpu.memory_space<vmem>>
    %dma_wait3A_381 = arith.constant 0 : i32
    %dma_wait3A_382 = arith.constant 0 : i32
    %dma_wait3A_383 = tpu.memref_slice %arg15[%dma_wait3A_381, %dma_wait3A_382] : memref<10000x128xf32, #tpu.memory_space<vmem_shared>> -> memref<10000x128xf32, #tpu.memory_space<vmem_shared>>
    tpu.wait_indirect_dma semaphore(%arg22 : memref<!tpu.dma_semaphore, #tpu.memory_space<semaphore_mem>>) src(%arg13 : memref<64x128xf32, #tpu.memory_space<vmem>>) dst(%dma_wait3A_383 : memref<10000x128xf32, #tpu.memory_space<vmem_shared>>)
    %dma_start3A_384 = arith.constant 128 : i32
    %dma_start3A_385 = tpu.memref_slice %arg7[%dma_start3A_384] : memref<3328xi32, #tpu.memory_space<vmem>> -> memref<64xi32, #tpu.memory_space<vmem>>
    %dma_start3A_386 = arith.constant 0 : i32
    %dma_start3A_387 = arith.constant 0 : i32
    %dma_start3A_388 = tpu.memref_slice %arg2[%dma_start3A_386, %dma_start3A_387] : memref<10000x128xf32, #tpu.memory_space<hbm>> -> memref<10000x128xf32, #tpu.memory_space<hbm>>
    tpu.enqueue_indirect_dma source(%dma_start3A_388 : memref<10000x128xf32, #tpu.memory_space<hbm>>) target(%arg13 : memref<64x128xf32, #tpu.memory_space<vmem>>) offsets(%dma_start3A_385 : memref<64xi32, #tpu.memory_space<vmem>>) semaphore(%arg18 : memref<!tpu.dma_semaphore, #tpu.memory_space<semaphore_mem>>)
    %dma_wait3A_389 = arith.constant 64 : i32
    %dma_wait3A_390 = tpu.memref_slice %arg7[%dma_wait3A_389] : memref<3328xi32, #tpu.memory_space<vmem>> -> memref<64xi32, #tpu.memory_space<vmem>>
    %dma_wait3A_391 = arith.constant 0 : i32
    %dma_wait3A_392 = arith.constant 0 : i32
    %dma_wait3A_393 = tpu.memref_slice %arg2[%dma_wait3A_391, %dma_wait3A_392] : memref<10000x128xf32, #tpu.memory_space<hbm>> -> memref<10000x128xf32, #tpu.memory_space<hbm>>
    tpu.wait_indirect_dma semaphore(%arg17 : memref<!tpu.dma_semaphore, #tpu.memory_space<semaphore_mem>>) src(%dma_wait3A_393 : memref<10000x128xf32, #tpu.memory_space<hbm>>) dst(%arg12 : memref<64x128xf32, #tpu.memory_space<vmem>>)
    %dma_start3A_394 = arith.constant 64 : i32
    %dma_start3A_395 = tpu.memref_slice %arg9[%dma_start3A_394] : memref<3328xi32, #tpu.memory_space<vmem>> -> memref<64xi32, #tpu.memory_space<vmem>>
    %dma_start3A_396 = arith.constant 0 : i32
    %dma_start3A_397 = arith.constant 0 : i32
    %dma_start3A_398 = tpu.memref_slice %arg15[%dma_start3A_396, %dma_start3A_397] : memref<10000x128xf32, #tpu.memory_space<vmem_shared>> -> memref<10000x128xf32, #tpu.memory_space<vmem_shared>>
    tpu.enqueue_indirect_dma source(%arg12 : memref<64x128xf32, #tpu.memory_space<vmem>>) target(%dma_start3A_398 : memref<10000x128xf32, #tpu.memory_space<vmem_shared>>) offsets(%dma_start3A_395 : memref<64xi32, #tpu.memory_space<vmem>>) semaphore(%arg21 : memref<!tpu.dma_semaphore, #tpu.memory_space<semaphore_mem>>) {add = true}
    %dma_wait3A_399 = arith.constant 3264 : i32
    %dma_wait3A_400 = tpu.memref_slice %arg10[%dma_wait3A_399] : memref<3328xi32, #tpu.memory_space<vmem>> -> memref<64xi32, #tpu.memory_space<vmem>>
    %dma_wait3A_401 = arith.constant 0 : i32
    %dma_wait3A_402 = arith.constant 0 : i32
    %dma_wait3A_403 = tpu.memref_slice %arg15[%dma_wait3A_401, %dma_wait3A_402] : memref<10000x128xf32, #tpu.memory_space<vmem_shared>> -> memref<10000x128xf32, #tpu.memory_space<vmem_shared>>
    tpu.wait_indirect_dma semaphore(%arg23 : memref<!tpu.dma_semaphore, #tpu.memory_space<semaphore_mem>>) src(%arg14 : memref<64x128xf32, #tpu.memory_space<vmem>>) dst(%dma_wait3A_403 : memref<10000x128xf32, #tpu.memory_space<vmem_shared>>)
    %dma_start3A_404 = arith.constant 192 : i32
    %dma_start3A_405 = tpu.memref_slice %arg7[%dma_start3A_404] : memref<3328xi32, #tpu.memory_space<vmem>> -> memref<64xi32, #tpu.memory_space<vmem>>
    %dma_start3A_406 = arith.constant 0 : i32
    %dma_start3A_407 = arith.constant 0 : i32
    %dma_start3A_408 = tpu.memref_slice %arg2[%dma_start3A_406, %dma_start3A_407] : memref<10000x128xf32, #tpu.memory_space<hbm>> -> memref<10000x128xf32, #tpu.memory_space<hbm>>
    tpu.enqueue_indirect_dma source(%dma_start3A_408 : memref<10000x128xf32, #tpu.memory_space<hbm>>) target(%arg14 : memref<64x128xf32, #tpu.memory_space<vmem>>) offsets(%dma_start3A_405 : memref<64xi32, #tpu.memory_space<vmem>>) semaphore(%arg19 : memref<!tpu.dma_semaphore, #tpu.memory_space<semaphore_mem>>)
    %dma_wait3A_409 = arith.constant 128 : i32
    %dma_wait3A_410 = tpu.memref_slice %arg7[%dma_wait3A_409] : memref<3328xi32, #tpu.memory_space<vmem>> -> memref<64xi32, #tpu.memory_space<vmem>>
    %dma_wait3A_411 = arith.constant 0 : i32
    %dma_wait3A_412 = arith.constant 0 : i32
    %dma_wait3A_413 = tpu.memref_slice %arg2[%dma_wait3A_411, %dma_wait3A_412] : memref<10000x128xf32, #tpu.memory_space<hbm>> -> memref<10000x128xf32, #tpu.memory_space<hbm>>
    tpu.wait_indirect_dma semaphore(%arg18 : memref<!tpu.dma_semaphore, #tpu.memory_space<semaphore_mem>>) src(%dma_wait3A_413 : memref<10000x128xf32, #tpu.memory_space<hbm>>) dst(%arg13 : memref<64x128xf32, #tpu.memory_space<vmem>>)
    %dma_start3A_414 = arith.constant 128 : i32
    %dma_start3A_415 = tpu.memref_slice %arg9[%dma_start3A_414] : memref<3328xi32, #tpu.memory_space<vmem>> -> memref<64xi32, #tpu.memory_space<vmem>>
    %dma_start3A_416 = arith.constant 0 : i32
    %dma_start3A_417 = arith.constant 0 : i32
    %dma_start3A_418 = tpu.memref_slice %arg15[%dma_start3A_416, %dma_start3A_417] : memref<10000x128xf32, #tpu.memory_space<vmem_shared>> -> memref<10000x128xf32, #tpu.memory_space<vmem_shared>>
    tpu.enqueue_indirect_dma source(%arg13 : memref<64x128xf32, #tpu.memory_space<vmem>>) target(%dma_start3A_418 : memref<10000x128xf32, #tpu.memory_space<vmem_shared>>) offsets(%dma_start3A_415 : memref<64xi32, #tpu.memory_space<vmem>>) semaphore(%arg22 : memref<!tpu.dma_semaphore, #tpu.memory_space<semaphore_mem>>) {add = true}
    %dma_wait3A_419 = arith.constant 0 : i32
    %dma_wait3A_420 = tpu.memref_slice %arg9[%dma_wait3A_419] : memref<3328xi32, #tpu.memory_space<vmem>> -> memref<64xi32, #tpu.memory_space<vmem>>
    %dma_wait3A_421 = arith.constant 0 : i32
    %dma_wait3A_422 = arith.constant 0 : i32
    %dma_wait3A_423 = tpu.memref_slice %arg15[%dma_wait3A_421, %dma_wait3A_422] : memref<10000x128xf32, #tpu.memory_space<vmem_shared>> -> memref<10000x128xf32, #tpu.memory_space<vmem_shared>>
    tpu.wait_indirect_dma semaphore(%arg20 : memref<!tpu.dma_semaphore, #tpu.memory_space<semaphore_mem>>) src(%arg11 : memref<64x128xf32, #tpu.memory_space<vmem>>) dst(%dma_wait3A_423 : memref<10000x128xf32, #tpu.memory_space<vmem_shared>>)
    %dma_start3A_424 = arith.constant 256 : i32
    %dma_start3A_425 = tpu.memref_slice %arg7[%dma_start3A_424] : memref<3328xi32, #tpu.memory_space<vmem>> -> memref<64xi32, #tpu.memory_space<vmem>>
    %dma_start3A_426 = arith.constant 0 : i32
    %dma_start3A_427 = arith.constant 0 : i32
    %dma_start3A_428 = tpu.memref_slice %arg2[%dma_start3A_426, %dma_start3A_427] : memref<10000x128xf32, #tpu.memory_space<hbm>> -> memref<10000x128xf32, #tpu.memory_space<hbm>>
    tpu.enqueue_indirect_dma source(%dma_start3A_428 : memref<10000x128xf32, #tpu.memory_space<hbm>>) target(%arg11 : memref<64x128xf32, #tpu.memory_space<vmem>>) offsets(%dma_start3A_425 : memref<64xi32, #tpu.memory_space<vmem>>) semaphore(%arg16 : memref<!tpu.dma_semaphore, #tpu.memory_space<semaphore_mem>>)
    %dma_wait3A_429 = arith.constant 192 : i32
    %dma_wait3A_430 = tpu.memref_slice %arg7[%dma_wait3A_429] : memref<3328xi32, #tpu.memory_space<vmem>> -> memref<64xi32, #tpu.memory_space<vmem>>
    %dma_wait3A_431 = arith.constant 0 : i32
    %dma_wait3A_432 = arith.constant 0 : i32
    %dma_wait3A_433 = tpu.memref_slice %arg2[%dma_wait3A_431, %dma_wait3A_432] : memref<10000x128xf32, #tpu.memory_space<hbm>> -> memref<10000x128xf32, #tpu.memory_space<hbm>>
    tpu.wait_indirect_dma semaphore(%arg19 : memref<!tpu.dma_semaphore, #tpu.memory_space<semaphore_mem>>) src(%dma_wait3A_433 : memref<10000x128xf32, #tpu.memory_space<hbm>>) dst(%arg14 : memref<64x128xf32, #tpu.memory_space<vmem>>)
    %dma_start3A_434 = arith.constant 192 : i32
    %dma_start3A_435 = tpu.memref_slice %arg9[%dma_start3A_434] : memref<3328xi32, #tpu.memory_space<vmem>> -> memref<64xi32, #tpu.memory_space<vmem>>
    %dma_start3A_436 = arith.constant 0 : i32
    %dma_start3A_437 = arith.constant 0 : i32
    %dma_start3A_438 = tpu.memref_slice %arg15[%dma_start3A_436, %dma_start3A_437] : memref<10000x128xf32, #tpu.memory_space<vmem_shared>> -> memref<10000x128xf32, #tpu.memory_space<vmem_shared>>
    tpu.enqueue_indirect_dma source(%arg14 : memref<64x128xf32, #tpu.memory_space<vmem>>) target(%dma_start3A_438 : memref<10000x128xf32, #tpu.memory_space<vmem_shared>>) offsets(%dma_start3A_435 : memref<64xi32, #tpu.memory_space<vmem>>) semaphore(%arg23 : memref<!tpu.dma_semaphore, #tpu.memory_space<semaphore_mem>>) {add = true}
    %dma_wait3A_439 = arith.constant 64 : i32
    %dma_wait3A_440 = tpu.memref_slice %arg9[%dma_wait3A_439] : memref<3328xi32, #tpu.memory_space<vmem>> -> memref<64xi32, #tpu.memory_space<vmem>>
    %dma_wait3A_441 = arith.constant 0 : i32
    %dma_wait3A_442 = arith.constant 0 : i32
    %dma_wait3A_443 = tpu.memref_slice %arg15[%dma_wait3A_441, %dma_wait3A_442] : memref<10000x128xf32, #tpu.memory_space<vmem_shared>> -> memref<10000x128xf32, #tpu.memory_space<vmem_shared>>
    tpu.wait_indirect_dma semaphore(%arg21 : memref<!tpu.dma_semaphore, #tpu.memory_space<semaphore_mem>>) src(%arg12 : memref<64x128xf32, #tpu.memory_space<vmem>>) dst(%dma_wait3A_443 : memref<10000x128xf32, #tpu.memory_space<vmem_shared>>)
    %dma_start3A_444 = arith.constant 320 : i32
    %dma_start3A_445 = tpu.memref_slice %arg7[%dma_start3A_444] : memref<3328xi32, #tpu.memory_space<vmem>> -> memref<64xi32, #tpu.memory_space<vmem>>
    %dma_start3A_446 = arith.constant 0 : i32
    %dma_start3A_447 = arith.constant 0 : i32
    %dma_start3A_448 = tpu.memref_slice %arg2[%dma_start3A_446, %dma_start3A_447] : memref<10000x128xf32, #tpu.memory_space<hbm>> -> memref<10000x128xf32, #tpu.memory_space<hbm>>
    tpu.enqueue_indirect_dma source(%dma_start3A_448 : memref<10000x128xf32, #tpu.memory_space<hbm>>) target(%arg12 : memref<64x128xf32, #tpu.memory_space<vmem>>) offsets(%dma_start3A_445 : memref<64xi32, #tpu.memory_space<vmem>>) semaphore(%arg17 : memref<!tpu.dma_semaphore, #tpu.memory_space<semaphore_mem>>)
    %scan3A_449 = arith.constant 0 : i32
    %scan3A_450 = arith.constant 1 : i32
    %scan3A_451 = arith.constant 11 : i32
    %scan3A_452 = arith.addi %scan3A_450, %scan3A_451 : i32
    %scan3A_453 = arith.constant 1 : i32
    scf.for %scan3A_561 = %scan3A_450 to %scan3A_452 step %scan3A_453  : i32 {
      %mul3A_562 = arith.constant 4 : i32
      %mul3A_563 = arith.muli %mul3A_562, %scan3A_561 : i32
      %add3A_564 = arith.constant 0 : i32
      %add3A_565 = arith.addi %mul3A_563, %add3A_564 : i32
      %mul3A_566 = arith.constant 64 : i32
      %mul3A_567 = arith.muli %add3A_565, %mul3A_566 : i32
      %dma_wait3A_568 = tpu.memref_slice %arg7[%mul3A_567] : memref<3328xi32, #tpu.memory_space<vmem>> -> memref<64xi32, #tpu.memory_space<vmem>>
      %dma_wait3A_569 = arith.constant 0 : i32
      %dma_wait3A_570 = arith.constant 0 : i32
      %dma_wait3A_571 = tpu.memref_slice %arg2[%dma_wait3A_569, %dma_wait3A_570] : memref<10000x128xf32, #tpu.memory_space<hbm>> -> memref<10000x128xf32, #tpu.memory_space<hbm>>
      tpu.wait_indirect_dma semaphore(%arg16 : memref<!tpu.dma_semaphore, #tpu.memory_space<semaphore_mem>>) src(%dma_wait3A_571 : memref<10000x128xf32, #tpu.memory_space<hbm>>) dst(%arg11 : memref<64x128xf32, #tpu.memory_space<vmem>>)
      %mul3A_572 = arith.constant 64 : i32
      %mul3A_573 = arith.muli %add3A_565, %mul3A_572 : i32
      %dma_start3A_574 = tpu.memref_slice %arg9[%mul3A_573] : memref<3328xi32, #tpu.memory_space<vmem>> -> memref<64xi32, #tpu.memory_space<vmem>>
      %dma_start3A_575 = arith.constant 0 : i32
      %dma_start3A_576 = arith.constant 0 : i32
      %dma_start3A_577 = tpu.memref_slice %arg15[%dma_start3A_575, %dma_start3A_576] : memref<10000x128xf32, #tpu.memory_space<vmem_shared>> -> memref<10000x128xf32, #tpu.memory_space<vmem_shared>>
      tpu.enqueue_indirect_dma source(%arg11 : memref<64x128xf32, #tpu.memory_space<vmem>>) target(%dma_start3A_577 : memref<10000x128xf32, #tpu.memory_space<vmem_shared>>) offsets(%dma_start3A_574 : memref<64xi32, #tpu.memory_space<vmem>>) semaphore(%arg20 : memref<!tpu.dma_semaphore, #tpu.memory_space<semaphore_mem>>) {add = true}
      %sub3A = arith.constant 2 : i32
      %sub3A_578 = arith.subi %add3A_565, %sub3A : i32
      %mul3A_579 = arith.constant 64 : i32
      %mul3A_580 = arith.muli %sub3A_578, %mul3A_579 : i32
      %dma_wait3A_581 = tpu.memref_slice %arg9[%mul3A_580] : memref<3328xi32, #tpu.memory_space<vmem>> -> memref<64xi32, #tpu.memory_space<vmem>>
      %dma_wait3A_582 = arith.constant 0 : i32
      %dma_wait3A_583 = arith.constant 0 : i32
      %dma_wait3A_584 = tpu.memref_slice %arg15[%dma_wait3A_582, %dma_wait3A_583] : memref<10000x128xf32, #tpu.memory_space<vmem_shared>> -> memref<10000x128xf32, #tpu.memory_space<vmem_shared>>
      tpu.wait_indirect_dma semaphore(%arg22 : memref<!tpu.dma_semaphore, #tpu.memory_space<semaphore_mem>>) src(%arg13 : memref<64x128xf32, #tpu.memory_space<vmem>>) dst(%dma_wait3A_584 : memref<10000x128xf32, #tpu.memory_space<vmem_shared>>)
      %add3A_585 = arith.constant 2 : i32
      %add3A_586 = arith.addi %add3A_565, %add3A_585 : i32
      %mul3A_587 = arith.constant 64 : i32
      %mul3A_588 = arith.muli %add3A_586, %mul3A_587 : i32
      %dma_start3A_589 = tpu.memref_slice %arg7[%mul3A_588] : memref<3328xi32, #tpu.memory_space<vmem>> -> memref<64xi32, #tpu.memory_space<vmem>>
      %dma_start3A_590 = arith.constant 0 : i32
      %dma_start3A_591 = arith.constant 0 : i32
      %dma_start3A_592 = tpu.memref_slice %arg2[%dma_start3A_590, %dma_start3A_591] : memref<10000x128xf32, #tpu.memory_space<hbm>> -> memref<10000x128xf32, #tpu.memory_space<hbm>>
      tpu.enqueue_indirect_dma source(%dma_start3A_592 : memref<10000x128xf32, #tpu.memory_space<hbm>>) target(%arg13 : memref<64x128xf32, #tpu.memory_space<vmem>>) offsets(%dma_start3A_589 : memref<64xi32, #tpu.memory_space<vmem>>) semaphore(%arg18 : memref<!tpu.dma_semaphore, #tpu.memory_space<semaphore_mem>>)
      %mul3A_593 = arith.constant 4 : i32
      %mul3A_594 = arith.muli %mul3A_593, %scan3A_561 : i32
      %add3A_595 = arith.constant 1 : i32
      %add3A_596 = arith.addi %mul3A_594, %add3A_595 : i32
      %mul3A_597 = arith.constant 64 : i32
      %mul3A_598 = arith.muli %add3A_596, %mul3A_597 : i32
      %dma_wait3A_599 = tpu.memref_slice %arg7[%mul3A_598] : memref<3328xi32, #tpu.memory_space<vmem>> -> memref<64xi32, #tpu.memory_space<vmem>>
      %dma_wait3A_600 = arith.constant 0 : i32
      %dma_wait3A_601 = arith.constant 0 : i32
      %dma_wait3A_602 = tpu.memref_slice %arg2[%dma_wait3A_600, %dma_wait3A_601] : memref<10000x128xf32, #tpu.memory_space<hbm>> -> memref<10000x128xf32, #tpu.memory_space<hbm>>
      tpu.wait_indirect_dma semaphore(%arg17 : memref<!tpu.dma_semaphore, #tpu.memory_space<semaphore_mem>>) src(%dma_wait3A_602 : memref<10000x128xf32, #tpu.memory_space<hbm>>) dst(%arg12 : memref<64x128xf32, #tpu.memory_space<vmem>>)
      %mul3A_603 = arith.constant 64 : i32
      %mul3A_604 = arith.muli %add3A_596, %mul3A_603 : i32
      %dma_start3A_605 = tpu.memref_slice %arg9[%mul3A_604] : memref<3328xi32, #tpu.memory_space<vmem>> -> memref<64xi32, #tpu.memory_space<vmem>>
      %dma_start3A_606 = arith.constant 0 : i32
      %dma_start3A_607 = arith.constant 0 : i32
      %dma_start3A_608 = tpu.memref_slice %arg15[%dma_start3A_606, %dma_start3A_607] : memref<10000x128xf32, #tpu.memory_space<vmem_shared>> -> memref<10000x128xf32, #tpu.memory_space<vmem_shared>>
      tpu.enqueue_indirect_dma source(%arg12 : memref<64x128xf32, #tpu.memory_space<vmem>>) target(%dma_start3A_608 : memref<10000x128xf32, #tpu.memory_space<vmem_shared>>) offsets(%dma_start3A_605 : memref<64xi32, #tpu.memory_space<vmem>>) semaphore(%arg21 : memref<!tpu.dma_semaphore, #tpu.memory_space<semaphore_mem>>) {add = true}
      %sub3A_609 = arith.constant 2 : i32
      %sub3A_610 = arith.subi %add3A_596, %sub3A_609 : i32
      %mul3A_611 = arith.constant 64 : i32
      %mul3A_612 = arith.muli %sub3A_610, %mul3A_611 : i32
      %dma_wait3A_613 = tpu.memref_slice %arg9[%mul3A_612] : memref<3328xi32, #tpu.memory_space<vmem>> -> memref<64xi32, #tpu.memory_space<vmem>>
      %dma_wait3A_614 = arith.constant 0 : i32
      %dma_wait3A_615 = arith.constant 0 : i32
      %dma_wait3A_616 = tpu.memref_slice %arg15[%dma_wait3A_614, %dma_wait3A_615] : memref<10000x128xf32, #tpu.memory_space<vmem_shared>> -> memref<10000x128xf32, #tpu.memory_space<vmem_shared>>
      tpu.wait_indirect_dma semaphore(%arg23 : memref<!tpu.dma_semaphore, #tpu.memory_space<semaphore_mem>>) src(%arg14 : memref<64x128xf32, #tpu.memory_space<vmem>>) dst(%dma_wait3A_616 : memref<10000x128xf32, #tpu.memory_space<vmem_shared>>)
      %add3A_617 = arith.constant 2 : i32
      %add3A_618 = arith.addi %add3A_596, %add3A_617 : i32
      %mul3A_619 = arith.constant 64 : i32
      %mul3A_620 = arith.muli %add3A_618, %mul3A_619 : i32
      %dma_start3A_621 = tpu.memref_slice %arg7[%mul3A_620] : memref<3328xi32, #tpu.memory_space<vmem>> -> memref<64xi32, #tpu.memory_space<vmem>>
      %dma_start3A_622 = arith.constant 0 : i32
      %dma_start3A_623 = arith.constant 0 : i32
      %dma_start3A_624 = tpu.memref_slice %arg2[%dma_start3A_622, %dma_start3A_623] : memref<10000x128xf32, #tpu.memory_space<hbm>> -> memref<10000x128xf32, #tpu.memory_space<hbm>>
      tpu.enqueue_indirect_dma source(%dma_start3A_624 : memref<10000x128xf32, #tpu.memory_space<hbm>>) target(%arg14 : memref<64x128xf32, #tpu.memory_space<vmem>>) offsets(%dma_start3A_621 : memref<64xi32, #tpu.memory_space<vmem>>) semaphore(%arg19 : memref<!tpu.dma_semaphore, #tpu.memory_space<semaphore_mem>>)
      %mul3A_625 = arith.constant 4 : i32
      %mul3A_626 = arith.muli %mul3A_625, %scan3A_561 : i32
      %add3A_627 = arith.constant 2 : i32
      %add3A_628 = arith.addi %mul3A_626, %add3A_627 : i32
      %mul3A_629 = arith.constant 64 : i32
      %mul3A_630 = arith.muli %add3A_628, %mul3A_629 : i32
      %dma_wait3A_631 = tpu.memref_slice %arg7[%mul3A_630] : memref<3328xi32, #tpu.memory_space<vmem>> -> memref<64xi32, #tpu.memory_space<vmem>>
      %dma_wait3A_632 = arith.constant 0 : i32
      %dma_wait3A_633 = arith.constant 0 : i32
      %dma_wait3A_634 = tpu.memref_slice %arg2[%dma_wait3A_632, %dma_wait3A_633] : memref<10000x128xf32, #tpu.memory_space<hbm>> -> memref<10000x128xf32, #tpu.memory_space<hbm>>
      tpu.wait_indirect_dma semaphore(%arg18 : memref<!tpu.dma_semaphore, #tpu.memory_space<semaphore_mem>>) src(%dma_wait3A_634 : memref<10000x128xf32, #tpu.memory_space<hbm>>) dst(%arg13 : memref<64x128xf32, #tpu.memory_space<vmem>>)
      %mul3A_635 = arith.constant 64 : i32
      %mul3A_636 = arith.muli %add3A_628, %mul3A_635 : i32
      %dma_start3A_637 = tpu.memref_slice %arg9[%mul3A_636] : memref<3328xi32, #tpu.memory_space<vmem>> -> memref<64xi32, #tpu.memory_space<vmem>>
      %dma_start3A_638 = arith.constant 0 : i32
      %dma_start3A_639 = arith.constant 0 : i32
      %dma_start3A_640 = tpu.memref_slice %arg15[%dma_start3A_638, %dma_start3A_639] : memref<10000x128xf32, #tpu.memory_space<vmem_shared>> -> memref<10000x128xf32, #tpu.memory_space<vmem_shared>>
      tpu.enqueue_indirect_dma source(%arg13 : memref<64x128xf32, #tpu.memory_space<vmem>>) target(%dma_start3A_640 : memref<10000x128xf32, #tpu.memory_space<vmem_shared>>) offsets(%dma_start3A_637 : memref<64xi32, #tpu.memory_space<vmem>>) semaphore(%arg22 : memref<!tpu.dma_semaphore, #tpu.memory_space<semaphore_mem>>) {add = true}
      %sub3A_641 = arith.constant 2 : i32
      %sub3A_642 = arith.subi %add3A_628, %sub3A_641 : i32
      %mul3A_643 = arith.constant 64 : i32
      %mul3A_644 = arith.muli %sub3A_642, %mul3A_643 : i32
      %dma_wait3A_645 = tpu.memref_slice %arg9[%mul3A_644] : memref<3328xi32, #tpu.memory_space<vmem>> -> memref<64xi32, #tpu.memory_space<vmem>>
      %dma_wait3A_646 = arith.constant 0 : i32
      %dma_wait3A_647 = arith.constant 0 : i32
      %dma_wait3A_648 = tpu.memref_slice %arg15[%dma_wait3A_646, %dma_wait3A_647] : memref<10000x128xf32, #tpu.memory_space<vmem_shared>> -> memref<10000x128xf32, #tpu.memory_space<vmem_shared>>
      tpu.wait_indirect_dma semaphore(%arg20 : memref<!tpu.dma_semaphore, #tpu.memory_space<semaphore_mem>>) src(%arg11 : memref<64x128xf32, #tpu.memory_space<vmem>>) dst(%dma_wait3A_648 : memref<10000x128xf32, #tpu.memory_space<vmem_shared>>)
      %add3A_649 = arith.constant 2 : i32
      %add3A_650 = arith.addi %add3A_628, %add3A_649 : i32
      %mul3A_651 = arith.constant 64 : i32
      %mul3A_652 = arith.muli %add3A_650, %mul3A_651 : i32
      %dma_start3A_653 = tpu.memref_slice %arg7[%mul3A_652] : memref<3328xi32, #tpu.memory_space<vmem>> -> memref<64xi32, #tpu.memory_space<vmem>>
      %dma_start3A_654 = arith.constant 0 : i32
      %dma_start3A_655 = arith.constant 0 : i32
      %dma_start3A_656 = tpu.memref_slice %arg2[%dma_start3A_654, %dma_start3A_655] : memref<10000x128xf32, #tpu.memory_space<hbm>> -> memref<10000x128xf32, #tpu.memory_space<hbm>>
      tpu.enqueue_indirect_dma source(%dma_start3A_656 : memref<10000x128xf32, #tpu.memory_space<hbm>>) target(%arg11 : memref<64x128xf32, #tpu.memory_space<vmem>>) offsets(%dma_start3A_653 : memref<64xi32, #tpu.memory_space<vmem>>) semaphore(%arg16 : memref<!tpu.dma_semaphore, #tpu.memory_space<semaphore_mem>>)
      %mul3A_657 = arith.constant 4 : i32
      %mul3A_658 = arith.muli %mul3A_657, %scan3A_561 : i32
      %add3A_659 = arith.constant 3 : i32
      %add3A_660 = arith.addi %mul3A_658, %add3A_659 : i32
      %mul3A_661 = arith.constant 64 : i32
      %mul3A_662 = arith.muli %add3A_660, %mul3A_661 : i32
      %dma_wait3A_663 = tpu.memref_slice %arg7[%mul3A_662] : memref<3328xi32, #tpu.memory_space<vmem>> -> memref<64xi32, #tpu.memory_space<vmem>>
      %dma_wait3A_664 = arith.constant 0 : i32
      %dma_wait3A_665 = arith.constant 0 : i32
      %dma_wait3A_666 = tpu.memref_slice %arg2[%dma_wait3A_664, %dma_wait3A_665] : memref<10000x128xf32, #tpu.memory_space<hbm>> -> memref<10000x128xf32, #tpu.memory_space<hbm>>
      tpu.wait_indirect_dma semaphore(%arg19 : memref<!tpu.dma_semaphore, #tpu.memory_space<semaphore_mem>>) src(%dma_wait3A_666 : memref<10000x128xf32, #tpu.memory_space<hbm>>) dst(%arg14 : memref<64x128xf32, #tpu.memory_space<vmem>>)
      %mul3A_667 = arith.constant 64 : i32
      %mul3A_668 = arith.muli %add3A_660, %mul3A_667 : i32
      %dma_start3A_669 = tpu.memref_slice %arg9[%mul3A_668] : memref<3328xi32, #tpu.memory_space<vmem>> -> memref<64xi32, #tpu.memory_space<vmem>>
      %dma_start3A_670 = arith.constant 0 : i32
      %dma_start3A_671 = arith.constant 0 : i32
      %dma_start3A_672 = tpu.memref_slice %arg15[%dma_start3A_670, %dma_start3A_671] : memref<10000x128xf32, #tpu.memory_space<vmem_shared>> -> memref<10000x128xf32, #tpu.memory_space<vmem_shared>>
      tpu.enqueue_indirect_dma source(%arg14 : memref<64x128xf32, #tpu.memory_space<vmem>>) target(%dma_start3A_672 : memref<10000x128xf32, #tpu.memory_space<vmem_shared>>) offsets(%dma_start3A_669 : memref<64xi32, #tpu.memory_space<vmem>>) semaphore(%arg23 : memref<!tpu.dma_semaphore, #tpu.memory_space<semaphore_mem>>) {add = true}
      %sub3A_673 = arith.constant 2 : i32
      %sub3A_674 = arith.subi %add3A_660, %sub3A_673 : i32
      %mul3A_675 = arith.constant 64 : i32
      %mul3A_676 = arith.muli %sub3A_674, %mul3A_675 : i32
      %dma_wait3A_677 = tpu.memref_slice %arg9[%mul3A_676] : memref<3328xi32, #tpu.memory_space<vmem>> -> memref<64xi32, #tpu.memory_space<vmem>>
      %dma_wait3A_678 = arith.constant 0 : i32
      %dma_wait3A_679 = arith.constant 0 : i32
      %dma_wait3A_680 = tpu.memref_slice %arg15[%dma_wait3A_678, %dma_wait3A_679] : memref<10000x128xf32, #tpu.memory_space<vmem_shared>> -> memref<10000x128xf32, #tpu.memory_space<vmem_shared>>
      tpu.wait_indirect_dma semaphore(%arg21 : memref<!tpu.dma_semaphore, #tpu.memory_space<semaphore_mem>>) src(%arg12 : memref<64x128xf32, #tpu.memory_space<vmem>>) dst(%dma_wait3A_680 : memref<10000x128xf32, #tpu.memory_space<vmem_shared>>)
      %add3A_681 = arith.constant 2 : i32
      %add3A_682 = arith.addi %add3A_660, %add3A_681 : i32
      %mul3A_683 = arith.constant 64 : i32
      %mul3A_684 = arith.muli %add3A_682, %mul3A_683 : i32
      %dma_start3A_685 = tpu.memref_slice %arg7[%mul3A_684] : memref<3328xi32, #tpu.memory_space<vmem>> -> memref<64xi32, #tpu.memory_space<vmem>>
      %dma_start3A_686 = arith.constant 0 : i32
      %dma_start3A_687 = arith.constant 0 : i32
      %dma_start3A_688 = tpu.memref_slice %arg2[%dma_start3A_686, %dma_start3A_687] : memref<10000x128xf32, #tpu.memory_space<hbm>> -> memref<10000x128xf32, #tpu.memory_space<hbm>>
      tpu.enqueue_indirect_dma source(%dma_start3A_688 : memref<10000x128xf32, #tpu.memory_space<hbm>>) target(%arg12 : memref<64x128xf32, #tpu.memory_space<vmem>>) offsets(%dma_start3A_685 : memref<64xi32, #tpu.memory_space<vmem>>) semaphore(%arg17 : memref<!tpu.dma_semaphore, #tpu.memory_space<semaphore_mem>>)
    }
    %scan3A_454 = arith.constant 11 : i32
    %dma_wait3A_455 = arith.constant 3072 : i32
    %dma_wait3A_456 = tpu.memref_slice %arg7[%dma_wait3A_455] : memref<3328xi32, #tpu.memory_space<vmem>> -> memref<64xi32, #tpu.memory_space<vmem>>
    %dma_wait3A_457 = arith.constant 0 : i32
    %dma_wait3A_458 = arith.constant 0 : i32
    %dma_wait3A_459 = tpu.memref_slice %arg2[%dma_wait3A_457, %dma_wait3A_458] : memref<10000x128xf32, #tpu.memory_space<hbm>> -> memref<10000x128xf32, #tpu.memory_space<hbm>>
    tpu.wait_indirect_dma semaphore(%arg16 : memref<!tpu.dma_semaphore, #tpu.memory_space<semaphore_mem>>) src(%dma_wait3A_459 : memref<10000x128xf32, #tpu.memory_space<hbm>>) dst(%arg11 : memref<64x128xf32, #tpu.memory_space<vmem>>)
    %dma_start3A_460 = arith.constant 3072 : i32
    %dma_start3A_461 = tpu.memref_slice %arg9[%dma_start3A_460] : memref<3328xi32, #tpu.memory_space<vmem>> -> memref<64xi32, #tpu.memory_space<vmem>>
    %dma_start3A_462 = arith.constant 0 : i32
    %dma_start3A_463 = arith.constant 0 : i32
    %dma_start3A_464 = tpu.memref_slice %arg15[%dma_start3A_462, %dma_start3A_463] : memref<10000x128xf32, #tpu.memory_space<vmem_shared>> -> memref<10000x128xf32, #tpu.memory_space<vmem_shared>>
    tpu.enqueue_indirect_dma source(%arg11 : memref<64x128xf32, #tpu.memory_space<vmem>>) target(%dma_start3A_464 : memref<10000x128xf32, #tpu.memory_space<vmem_shared>>) offsets(%dma_start3A_461 : memref<64xi32, #tpu.memory_space<vmem>>) semaphore(%arg20 : memref<!tpu.dma_semaphore, #tpu.memory_space<semaphore_mem>>) {add = true}
    %dma_wait3A_465 = arith.constant 2944 : i32
    %dma_wait3A_466 = tpu.memref_slice %arg9[%dma_wait3A_465] : memref<3328xi32, #tpu.memory_space<vmem>> -> memref<64xi32, #tpu.memory_space<vmem>>
    %dma_wait3A_467 = arith.constant 0 : i32
    %dma_wait3A_468 = arith.constant 0 : i32
    %dma_wait3A_469 = tpu.memref_slice %arg15[%dma_wait3A_467, %dma_wait3A_468] : memref<10000x128xf32, #tpu.memory_space<vmem_shared>> -> memref<10000x128xf32, #tpu.memory_space<vmem_shared>>
    tpu.wait_indirect_dma semaphore(%arg22 : memref<!tpu.dma_semaphore, #tpu.memory_space<semaphore_mem>>) src(%arg13 : memref<64x128xf32, #tpu.memory_space<vmem>>) dst(%dma_wait3A_469 : memref<10000x128xf32, #tpu.memory_space<vmem_shared>>)
    %dma_start3A_470 = arith.constant 3200 : i32
    %dma_start3A_471 = tpu.memref_slice %arg7[%dma_start3A_470] : memref<3328xi32, #tpu.memory_space<vmem>> -> memref<64xi32, #tpu.memory_space<vmem>>
    %dma_start3A_472 = arith.constant 0 : i32
    %dma_start3A_473 = arith.constant 0 : i32
    %dma_start3A_474 = tpu.memref_slice %arg2[%dma_start3A_472, %dma_start3A_473] : memref<10000x128xf32, #tpu.memory_space<hbm>> -> memref<10000x128xf32, #tpu.memory_space<hbm>>
    tpu.enqueue_indirect_dma source(%dma_start3A_474 : memref<10000x128xf32, #tpu.memory_space<hbm>>) target(%arg13 : memref<64x128xf32, #tpu.memory_space<vmem>>) offsets(%dma_start3A_471 : memref<64xi32, #tpu.memory_space<vmem>>) semaphore(%arg18 : memref<!tpu.dma_semaphore, #tpu.memory_space<semaphore_mem>>)
    %dma_wait3A_475 = arith.constant 3136 : i32
    %dma_wait3A_476 = tpu.memref_slice %arg7[%dma_wait3A_475] : memref<3328xi32, #tpu.memory_space<vmem>> -> memref<64xi32, #tpu.memory_space<vmem>>
    %dma_wait3A_477 = arith.constant 0 : i32
    %dma_wait3A_478 = arith.constant 0 : i32
    %dma_wait3A_479 = tpu.memref_slice %arg2[%dma_wait3A_477, %dma_wait3A_478] : memref<10000x128xf32, #tpu.memory_space<hbm>> -> memref<10000x128xf32, #tpu.memory_space<hbm>>
    tpu.wait_indirect_dma semaphore(%arg17 : memref<!tpu.dma_semaphore, #tpu.memory_space<semaphore_mem>>) src(%dma_wait3A_479 : memref<10000x128xf32, #tpu.memory_space<hbm>>) dst(%arg12 : memref<64x128xf32, #tpu.memory_space<vmem>>)
    %dma_start3A_480 = arith.constant 3136 : i32
    %dma_start3A_481 = tpu.memref_slice %arg9[%dma_start3A_480] : memref<3328xi32, #tpu.memory_space<vmem>> -> memref<64xi32, #tpu.memory_space<vmem>>
    %dma_start3A_482 = arith.constant 0 : i32
    %dma_start3A_483 = arith.constant 0 : i32
    %dma_start3A_484 = tpu.memref_slice %arg15[%dma_start3A_482, %dma_start3A_483] : memref<10000x128xf32, #tpu.memory_space<vmem_shared>> -> memref<10000x128xf32, #tpu.memory_space<vmem_shared>>
    tpu.enqueue_indirect_dma source(%arg12 : memref<64x128xf32, #tpu.memory_space<vmem>>) target(%dma_start3A_484 : memref<10000x128xf32, #tpu.memory_space<vmem_shared>>) offsets(%dma_start3A_481 : memref<64xi32, #tpu.memory_space<vmem>>) semaphore(%arg21 : memref<!tpu.dma_semaphore, #tpu.memory_space<semaphore_mem>>) {add = true}
    %dma_wait3A_485 = arith.constant 3008 : i32
    %dma_wait3A_486 = tpu.memref_slice %arg9[%dma_wait3A_485] : memref<3328xi32, #tpu.memory_space<vmem>> -> memref<64xi32, #tpu.memory_space<vmem>>
    %dma_wait3A_487 = arith.constant 0 : i32
    %dma_wait3A_488 = arith.constant 0 : i32
    %dma_wait3A_489 = tpu.memref_slice %arg15[%dma_wait3A_487, %dma_wait3A_488] : memref<10000x128xf32, #tpu.memory_space<vmem_shared>> -> memref<10000x128xf32, #tpu.memory_space<vmem_shared>>
    tpu.wait_indirect_dma semaphore(%arg23 : memref<!tpu.dma_semaphore, #tpu.memory_space<semaphore_mem>>) src(%arg14 : memref<64x128xf32, #tpu.memory_space<vmem>>) dst(%dma_wait3A_489 : memref<10000x128xf32, #tpu.memory_space<vmem_shared>>)
    %dma_start3A_490 = arith.constant 3264 : i32
    %dma_start3A_491 = tpu.memref_slice %arg7[%dma_start3A_490] : memref<3328xi32, #tpu.memory_space<vmem>> -> memref<64xi32, #tpu.memory_space<vmem>>
    %dma_start3A_492 = arith.constant 0 : i32
    %dma_start3A_493 = arith.constant 0 : i32
    %dma_start3A_494 = tpu.memref_slice %arg2[%dma_start3A_492, %dma_start3A_493] : memref<10000x128xf32, #tpu.memory_space<hbm>> -> memref<10000x128xf32, #tpu.memory_space<hbm>>
    tpu.enqueue_indirect_dma source(%dma_start3A_494 : memref<10000x128xf32, #tpu.memory_space<hbm>>) target(%arg14 : memref<64x128xf32, #tpu.memory_space<vmem>>) offsets(%dma_start3A_491 : memref<64xi32, #tpu.memory_space<vmem>>) semaphore(%arg19 : memref<!tpu.dma_semaphore, #tpu.memory_space<semaphore_mem>>)
    %dma_wait3A_495 = arith.constant 3200 : i32
    %dma_wait3A_496 = tpu.memref_slice %arg7[%dma_wait3A_495] : memref<3328xi32, #tpu.memory_space<vmem>> -> memref<64xi32, #tpu.memory_space<vmem>>
    %dma_wait3A_497 = arith.constant 0 : i32
    %dma_wait3A_498 = arith.constant 0 : i32
    %dma_wait3A_499 = tpu.memref_slice %arg2[%dma_wait3A_497, %dma_wait3A_498] : memref<10000x128xf32, #tpu.memory_space<hbm>> -> memref<10000x128xf32, #tpu.memory_space<hbm>>
    tpu.wait_indirect_dma semaphore(%arg18 : memref<!tpu.dma_semaphore, #tpu.memory_space<semaphore_mem>>) src(%dma_wait3A_499 : memref<10000x128xf32, #tpu.memory_space<hbm>>) dst(%arg13 : memref<64x128xf32, #tpu.memory_space<vmem>>)
    %dma_start3A_500 = arith.constant 3200 : i32
    %dma_start3A_501 = tpu.memref_slice %arg9[%dma_start3A_500] : memref<3328xi32, #tpu.memory_space<vmem>> -> memref<64xi32, #tpu.memory_space<vmem>>
    %dma_start3A_502 = arith.constant 0 : i32
    %dma_start3A_503 = arith.constant 0 : i32
    %dma_start3A_504 = tpu.memref_slice %arg15[%dma_start3A_502, %dma_start3A_503] : memref<10000x128xf32, #tpu.memory_space<vmem_shared>> -> memref<10000x128xf32, #tpu.memory_space<vmem_shared>>
    tpu.enqueue_indirect_dma source(%arg13 : memref<64x128xf32, #tpu.memory_space<vmem>>) target(%dma_start3A_504 : memref<10000x128xf32, #tpu.memory_space<vmem_shared>>) offsets(%dma_start3A_501 : memref<64xi32, #tpu.memory_space<vmem>>) semaphore(%arg22 : memref<!tpu.dma_semaphore, #tpu.memory_space<semaphore_mem>>) {add = true}
    %dma_wait3A_505 = arith.constant 3072 : i32
    %dma_wait3A_506 = tpu.memref_slice %arg9[%dma_wait3A_505] : memref<3328xi32, #tpu.memory_space<vmem>> -> memref<64xi32, #tpu.memory_space<vmem>>
    %dma_wait3A_507 = arith.constant 0 : i32
    %dma_wait3A_508 = arith.constant 0 : i32
    %dma_wait3A_509 = tpu.memref_slice %arg15[%dma_wait3A_507, %dma_wait3A_508] : memref<10000x128xf32, #tpu.memory_space<vmem_shared>> -> memref<10000x128xf32, #tpu.memory_space<vmem_shared>>
    tpu.wait_indirect_dma semaphore(%arg20 : memref<!tpu.dma_semaphore, #tpu.memory_space<semaphore_mem>>) src(%arg11 : memref<64x128xf32, #tpu.memory_space<vmem>>) dst(%dma_wait3A_509 : memref<10000x128xf32, #tpu.memory_space<vmem_shared>>)
    %dma_wait3A_510 = arith.constant 3264 : i32
    %dma_wait3A_511 = tpu.memref_slice %arg7[%dma_wait3A_510] : memref<3328xi32, #tpu.memory_space<vmem>> -> memref<64xi32, #tpu.memory_space<vmem>>
    %dma_wait3A_512 = arith.constant 0 : i32
    %dma_wait3A_513 = arith.constant 0 : i32
    %dma_wait3A_514 = tpu.memref_slice %arg2[%dma_wait3A_512, %dma_wait3A_513] : memref<10000x128xf32, #tpu.memory_space<hbm>> -> memref<10000x128xf32, #tpu.memory_space<hbm>>
    tpu.wait_indirect_dma semaphore(%arg19 : memref<!tpu.dma_semaphore, #tpu.memory_space<semaphore_mem>>) src(%dma_wait3A_514 : memref<10000x128xf32, #tpu.memory_space<hbm>>) dst(%arg14 : memref<64x128xf32, #tpu.memory_space<vmem>>)
    %dma_start3A_515 = arith.constant 3264 : i32
    %dma_start3A_516 = tpu.memref_slice %arg9[%dma_start3A_515] : memref<3328xi32, #tpu.memory_space<vmem>> -> memref<64xi32, #tpu.memory_space<vmem>>
    %dma_start3A_517 = arith.constant 0 : i32
    %dma_start3A_518 = arith.constant 0 : i32
    %dma_start3A_519 = tpu.memref_slice %arg15[%dma_start3A_517, %dma_start3A_518] : memref<10000x128xf32, #tpu.memory_space<vmem_shared>> -> memref<10000x128xf32, #tpu.memory_space<vmem_shared>>
    tpu.enqueue_indirect_dma source(%arg14 : memref<64x128xf32, #tpu.memory_space<vmem>>) target(%dma_start3A_519 : memref<10000x128xf32, #tpu.memory_space<vmem_shared>>) offsets(%dma_start3A_516 : memref<64xi32, #tpu.memory_space<vmem>>) semaphore(%arg23 : memref<!tpu.dma_semaphore, #tpu.memory_space<semaphore_mem>>) {add = true}
    %dma_wait3A_520 = arith.constant 3136 : i32
    %dma_wait3A_521 = tpu.memref_slice %arg9[%dma_wait3A_520] : memref<3328xi32, #tpu.memory_space<vmem>> -> memref<64xi32, #tpu.memory_space<vmem>>
    %dma_wait3A_522 = arith.constant 0 : i32
    %dma_wait3A_523 = arith.constant 0 : i32
    %dma_wait3A_524 = tpu.memref_slice %arg15[%dma_wait3A_522, %dma_wait3A_523] : memref<10000x128xf32, #tpu.memory_space<vmem_shared>> -> memref<10000x128xf32, #tpu.memory_space<vmem_shared>>
    tpu.wait_indirect_dma semaphore(%arg21 : memref<!tpu.dma_semaphore, #tpu.memory_space<semaphore_mem>>) src(%arg12 : memref<64x128xf32, #tpu.memory_space<vmem>>) dst(%dma_wait3A_524 : memref<10000x128xf32, #tpu.memory_space<vmem_shared>>)
    %dma_wait3A_525 = arith.constant 3200 : i32
    %dma_wait3A_526 = tpu.memref_slice %arg9[%dma_wait3A_525] : memref<3328xi32, #tpu.memory_space<vmem>> -> memref<64xi32, #tpu.memory_space<vmem>>
    %dma_wait3A_527 = arith.constant 0 : i32
    %dma_wait3A_528 = arith.constant 0 : i32
    %dma_wait3A_529 = tpu.memref_slice %arg15[%dma_wait3A_527, %dma_wait3A_528] : memref<10000x128xf32, #tpu.memory_space<vmem_shared>> -> memref<10000x128xf32, #tpu.memory_space<vmem_shared>>
    tpu.wait_indirect_dma semaphore(%arg22 : memref<!tpu.dma_semaphore, #tpu.memory_space<semaphore_mem>>) src(%arg13 : memref<64x128xf32, #tpu.memory_space<vmem>>) dst(%dma_wait3A_529 : memref<10000x128xf32, #tpu.memory_space<vmem_shared>>)
    %dma_wait3A_530 = arith.constant 3264 : i32
    %dma_wait3A_531 = tpu.memref_slice %arg9[%dma_wait3A_530] : memref<3328xi32, #tpu.memory_space<vmem>> -> memref<64xi32, #tpu.memory_space<vmem>>
    %dma_wait3A_532 = arith.constant 0 : i32
    %dma_wait3A_533 = arith.constant 0 : i32
    %dma_wait3A_534 = tpu.memref_slice %arg15[%dma_wait3A_532, %dma_wait3A_533] : memref<10000x128xf32, #tpu.memory_space<vmem_shared>> -> memref<10000x128xf32, #tpu.memory_space<vmem_shared>>
    tpu.wait_indirect_dma semaphore(%arg23 : memref<!tpu.dma_semaphore, #tpu.memory_space<semaphore_mem>>) src(%arg14 : memref<64x128xf32, #tpu.memory_space<vmem>>) dst(%dma_wait3A_534 : memref<10000x128xf32, #tpu.memory_space<vmem_shared>>)
    %add3A_535 = arith.constant 9984 : i32
    %add3A_536 = arith.addi %mul3A_11, %add3A_535 : i32
    "tpu.region"() ({
      %run_scoped3A = tpu.sem_alloc : memref<!tpu.dma_semaphore, #tpu.memory_space<semaphore_mem>>
      %dma_start3A_561 = arith.constant 0 : i32
      %dma_start3A_562 = tpu.memref_slice %arg7[%dma_start3A_561] : memref<3328xi32, #tpu.memory_space<vmem>> -> memref<16xi32, #tpu.memory_space<vmem>>
      %dma_start3A_563 = tpu.memref_slice %arg3[%add3A_536] : memref<320000xi32, #tpu.memory_space<hbm>> -> memref<16xi32, #tpu.memory_space<hbm>>
      %dma_start3A_564 = arith.constant 0 : i32
      %dma_start3A_565 = tpu.memref_slice %arg7[%dma_start3A_564] : memref<3328xi32, #tpu.memory_space<vmem>> -> memref<16xi32, #tpu.memory_space<vmem>>
      %dma_start3A_566 = tpu.memref_slice %arg3[%add3A_536] : memref<320000xi32, #tpu.memory_space<hbm>> -> memref<16xi32, #tpu.memory_space<hbm>>
      tpu.enqueue_dma source(%dma_start3A_566 : memref<16xi32, #tpu.memory_space<hbm>>) target(%dma_start3A_565 : memref<16xi32, #tpu.memory_space<vmem>>) target_semaphore(%run_scoped3A : memref<!tpu.dma_semaphore, #tpu.memory_space<semaphore_mem>>)
      %dma_wait3A_567 = arith.constant 0 : i32
      %dma_wait3A_568 = tpu.memref_slice %arg7[%dma_wait3A_567] : memref<3328xi32, #tpu.memory_space<vmem>> -> memref<16xi32, #tpu.memory_space<vmem>>
      %dma_wait3A_569 = tpu.memref_slice %arg3[%add3A_536] : memref<320000xi32, #tpu.memory_space<hbm>> -> memref<16xi32, #tpu.memory_space<hbm>>
      %dma_wait3A_570 = arith.constant 0 : i32
      %dma_wait3A_571 = tpu.memref_slice %arg7[%dma_wait3A_570] : memref<3328xi32, #tpu.memory_space<vmem>> -> memref<16xi32, #tpu.memory_space<vmem>>
      %dma_wait3A_572 = tpu.memref_slice %arg3[%add3A_536] : memref<320000xi32, #tpu.memory_space<hbm>> -> memref<16xi32, #tpu.memory_space<hbm>>
      tpu.wait_dma2 semaphore(%run_scoped3A : memref<!tpu.dma_semaphore, #tpu.memory_space<semaphore_mem>>) src(%dma_wait3A_572 : memref<16xi32, #tpu.memory_space<hbm>>) dst(%dma_wait3A_571 : memref<16xi32, #tpu.memory_space<vmem>>)
      tpu.yield
    }) : () -> ()
    %add3A_537 = arith.constant 9984 : i32
    %add3A_538 = arith.addi %mul3A_11, %add3A_537 : i32
    "tpu.region"() ({
      %run_scoped3A = tpu.sem_alloc : memref<!tpu.dma_semaphore, #tpu.memory_space<semaphore_mem>>
      %dma_start3A_561 = arith.constant 0 : i32
      %dma_start3A_562 = tpu.memref_slice %arg9[%dma_start3A_561] : memref<3328xi32, #tpu.memory_space<vmem>> -> memref<16xi32, #tpu.memory_space<vmem>>
      %dma_start3A_563 = tpu.memref_slice %arg4[%add3A_538] : memref<320000xi32, #tpu.memory_space<hbm>> -> memref<16xi32, #tpu.memory_space<hbm>>
      %dma_start3A_564 = arith.constant 0 : i32
      %dma_start3A_565 = tpu.memref_slice %arg9[%dma_start3A_564] : memref<3328xi32, #tpu.memory_space<vmem>> -> memref<16xi32, #tpu.memory_space<vmem>>
      %dma_start3A_566 = tpu.memref_slice %arg4[%add3A_538] : memref<320000xi32, #tpu.memory_space<hbm>> -> memref<16xi32, #tpu.memory_space<hbm>>
      tpu.enqueue_dma source(%dma_start3A_566 : memref<16xi32, #tpu.memory_space<hbm>>) target(%dma_start3A_565 : memref<16xi32, #tpu.memory_space<vmem>>) target_semaphore(%run_scoped3A : memref<!tpu.dma_semaphore, #tpu.memory_space<semaphore_mem>>)
      %dma_wait3A_567 = arith.constant 0 : i32
      %dma_wait3A_568 = tpu.memref_slice %arg9[%dma_wait3A_567] : memref<3328xi32, #tpu.memory_space<vmem>> -> memref<16xi32, #tpu.memory_space<vmem>>
      %dma_wait3A_569 = tpu.memref_slice %arg4[%add3A_538] : memref<320000xi32, #tpu.memory_space<hbm>> -> memref<16xi32, #tpu.memory_space<hbm>>
      %dma_wait3A_570 = arith.constant 0 : i32
      %dma_wait3A_571 = tpu.memref_slice %arg9[%dma_wait3A_570] : memref<3328xi32, #tpu.memory_space<vmem>> -> memref<16xi32, #tpu.memory_space<vmem>>
      %dma_wait3A_572 = tpu.memref_slice %arg4[%add3A_538] : memref<320000xi32, #tpu.memory_space<hbm>> -> memref<16xi32, #tpu.memory_space<hbm>>
      tpu.wait_dma2 semaphore(%run_scoped3A : memref<!tpu.dma_semaphore, #tpu.memory_space<semaphore_mem>>) src(%dma_wait3A_572 : memref<16xi32, #tpu.memory_space<hbm>>) dst(%dma_wait3A_571 : memref<16xi32, #tpu.memory_space<vmem>>)
      tpu.yield
    }) : () -> ()
    %dma_start3A_539 = arith.constant 0 : i32
    %dma_start3A_540 = arith.constant 0 : i32
    %dma_start3A_541 = tpu.memref_slice %arg11[%dma_start3A_539, %dma_start3A_540] : memref<64x128xf32, #tpu.memory_space<vmem>> -> memref<16x128xf32, #tpu.memory_space<vmem>>
    %dma_start3A_542 = arith.constant 0 : i32
    %dma_start3A_543 = tpu.memref_slice %arg7[%dma_start3A_542] : memref<3328xi32, #tpu.memory_space<vmem>> -> memref<16xi32, #tpu.memory_space<vmem>>
    %dma_start3A_544 = arith.constant 0 : i32
    %dma_start3A_545 = arith.constant 0 : i32
    %dma_start3A_546 = tpu.memref_slice %arg2[%dma_start3A_544, %dma_start3A_545] : memref<10000x128xf32, #tpu.memory_space<hbm>> -> memref<10000x128xf32, #tpu.memory_space<hbm>>
    tpu.enqueue_indirect_dma source(%dma_start3A_546 : memref<10000x128xf32, #tpu.memory_space<hbm>>) target(%dma_start3A_541 : memref<16x128xf32, #tpu.memory_space<vmem>>) offsets(%dma_start3A_543 : memref<16xi32, #tpu.memory_space<vmem>>) semaphore(%arg16 : memref<!tpu.dma_semaphore, #tpu.memory_space<semaphore_mem>>)
    %dma_wait3A_547 = arith.constant 0 : i32
    %dma_wait3A_548 = arith.constant 0 : i32
    %dma_wait3A_549 = tpu.memref_slice %arg11[%dma_wait3A_547, %dma_wait3A_548] : memref<64x128xf32, #tpu.memory_space<vmem>> -> memref<16x128xf32, #tpu.memory_space<vmem>>
    %dma_wait3A_550 = arith.constant 0 : i32
    %dma_wait3A_551 = tpu.memref_slice %arg7[%dma_wait3A_550] : memref<3328xi32, #tpu.memory_space<vmem>> -> memref<16xi32, #tpu.memory_space<vmem>>
    %dma_wait3A_552 = arith.constant 0 : i32
    %dma_wait3A_553 = arith.constant 0 : i32
    %dma_wait3A_554 = tpu.memref_slice %arg2[%dma_wait3A_552, %dma_wait3A_553] : memref<10000x128xf32, #tpu.memory_space<hbm>> -> memref<10000x128xf32, #tpu.memory_space<hbm>>
    tpu.wait_indirect_dma semaphore(%arg16 : memref<!tpu.dma_semaphore, #tpu.memory_space<semaphore_mem>>) src(%dma_wait3A_554 : memref<10000x128xf32, #tpu.memory_space<hbm>>) dst(%dma_wait3A_549 : memref<16x128xf32, #tpu.memory_space<vmem>>)
    "tpu.region"() ({
      %run_scoped3A = tpu.sem_alloc : memref<!tpu.dma_semaphore, #tpu.memory_space<semaphore_mem>>
      %dma_start3A_561 = arith.constant 0 : i32
      %dma_start3A_562 = arith.constant 0 : i32
      %dma_start3A_563 = tpu.memref_slice %arg11[%dma_start3A_561, %dma_start3A_562] : memref<64x128xf32, #tpu.memory_space<vmem>> -> memref<16x128xf32, #tpu.memory_space<vmem>>
      %dma_start3A_564 = arith.constant 0 : i32
      %dma_start3A_565 = tpu.memref_slice %arg9[%dma_start3A_564] : memref<3328xi32, #tpu.memory_space<vmem>> -> memref<16xi32, #tpu.memory_space<vmem>>
      %dma_start3A_566 = arith.constant 0 : i32
      %dma_start3A_567 = arith.constant 0 : i32
      %dma_start3A_568 = tpu.memref_slice %arg15[%dma_start3A_566, %dma_start3A_567] : memref<10000x128xf32, #tpu.memory_space<vmem_shared>> -> memref<10000x128xf32, #tpu.memory_space<vmem_shared>>
      tpu.enqueue_indirect_dma source(%dma_start3A_563 : memref<16x128xf32, #tpu.memory_space<vmem>>) target(%dma_start3A_568 : memref<10000x128xf32, #tpu.memory_space<vmem_shared>>) offsets(%dma_start3A_565 : memref<16xi32, #tpu.memory_space<vmem>>) semaphore(%run_scoped3A : memref<!tpu.dma_semaphore, #tpu.memory_space<semaphore_mem>>) {add = true}
      %dma_wait3A_569 = arith.constant 0 : i32
      %dma_wait3A_570 = arith.constant 0 : i32
      %dma_wait3A_571 = tpu.memref_slice %arg11[%dma_wait3A_569, %dma_wait3A_570] : memref<64x128xf32, #tpu.memory_space<vmem>> -> memref<16x128xf32, #tpu.memory_space<vmem>>
      %dma_wait3A_572 = arith.constant 0 : i32
      %dma_wait3A_573 = tpu.memref_slice %arg9[%dma_wait3A_572] : memref<3328xi32, #tpu.memory_space<vmem>> -> memref<16xi32, #tpu.memory_space<vmem>>
      %dma_wait3A_574 = arith.constant 0 : i32
      %dma_wait3A_575 = arith.constant 0 : i32
      %dma_wait3A_576 = tpu.memref_slice %arg15[%dma_wait3A_574, %dma_wait3A_575] : memref<10000x128xf32, #tpu.memory_space<vmem_shared>> -> memref<10000x128xf32, #tpu.memory_space<vmem_shared>>
      tpu.wait_indirect_dma semaphore(%run_scoped3A : memref<!tpu.dma_semaphore, #tpu.memory_space<semaphore_mem>>) src(%dma_wait3A_571 : memref<16x128xf32, #tpu.memory_space<vmem>>) dst(%dma_wait3A_576 : memref<10000x128xf32, #tpu.memory_space<vmem_shared>>)
      tpu.yield
    }) : () -> ()
    %barrier3A_555 = arith.constant 0 : index
    tpu.barrier barrier_id(%barrier3A_555)
    "tpu.region"() ({
      %run_scoped3A = tpu.sem_alloc : memref<!tpu.dma_semaphore, #tpu.memory_space<semaphore_mem>>
      %dma_start3A_561 = arith.constant 0 : i32
      %dma_start3A_562 = arith.constant 0 : i32
      %dma_start3A_563 = tpu.memref_slice %arg6[%arg0, %dma_start3A_561, %dma_start3A_562] : memref<2x10000x128xf32, #tpu.memory_space<hbm>> -> memref<1x10000x128xf32, #tpu.memory_space<hbm>>
      %dma_start3A_564 = tpu.memref_squeeze %dma_start3A_563 : memref<1x10000x128xf32, #tpu.memory_space<hbm>> -> memref<10000x128xf32, #tpu.memory_space<hbm>>
      %dma_start3A_565 = arith.constant 0 : i32
      %dma_start3A_566 = tpu.memref_slice %dma_start3A_564[%mul3A_0, %dma_start3A_565] : memref<10000x128xf32, #tpu.memory_space<hbm>> -> memref<624x128xf32, #tpu.memory_space<hbm>>
      %dma_start3A_567 = arith.constant 0 : i32
      %dma_start3A_568 = tpu.memref_slice %arg15[%mul3A_0, %dma_start3A_567] : memref<10000x128xf32, #tpu.memory_space<vmem_shared>> -> memref<624x128xf32, #tpu.memory_space<vmem_shared>>
      tpu.enqueue_dma source(%dma_start3A_568 : memref<624x128xf32, #tpu.memory_space<vmem_shared>>) target(%dma_start3A_566 : memref<624x128xf32, #tpu.memory_space<hbm>>) target_semaphore(%run_scoped3A : memref<!tpu.dma_semaphore, #tpu.memory_space<semaphore_mem>>)
      %dma_wait3A_569 = arith.constant 0 : i32
      %dma_wait3A_570 = arith.constant 0 : i32
      %dma_wait3A_571 = tpu.memref_slice %arg6[%arg0, %dma_wait3A_569, %dma_wait3A_570] : memref<2x10000x128xf32, #tpu.memory_space<hbm>> -> memref<1x10000x128xf32, #tpu.memory_space<hbm>>
      %dma_wait3A_572 = tpu.memref_squeeze %dma_wait3A_571 : memref<1x10000x128xf32, #tpu.memory_space<hbm>> -> memref<10000x128xf32, #tpu.memory_space<hbm>>
      %dma_wait3A_573 = arith.constant 0 : i32
      %dma_wait3A_574 = tpu.memref_slice %dma_wait3A_572[%mul3A_0, %dma_wait3A_573] : memref<10000x128xf32, #tpu.memory_space<hbm>> -> memref<624x128xf32, #tpu.memory_space<hbm>>
      %dma_wait3A_575 = arith.constant 0 : i32
      %dma_wait3A_576 = tpu.memref_slice %arg15[%mul3A_0, %dma_wait3A_575] : memref<10000x128xf32, #tpu.memory_space<vmem_shared>> -> memref<624x128xf32, #tpu.memory_space<vmem_shared>>
      tpu.wait_dma2 semaphore(%run_scoped3A : memref<!tpu.dma_semaphore, #tpu.memory_space<semaphore_mem>>) src(%dma_wait3A_576 : memref<624x128xf32, #tpu.memory_space<vmem_shared>>) dst(%dma_wait3A_574 : memref<624x128xf32, #tpu.memory_space<hbm>>)
      tpu.yield
    }) : () -> ()
    %eq3A_556 = arith.constant 15 : i32
    %eq3A_557 = arith.cmpi eq, %arg1, %eq3A_556 : i32
    %convert_element_type3A_558 = arith.extui %eq3A_557 : i1 to i32
    %cond3A_559 = arith.constant 0 : i32
    %cond3A_560 = arith.cmpi ne, %convert_element_type3A_558, %cond3A_559 : i32
    scf.if %cond3A_560 {
      "tpu.region"() ({
        %run_scoped3A = tpu.sem_alloc : memref<!tpu.dma_semaphore, #tpu.memory_space<semaphore_mem>>
        %dma_start3A_561 = arith.constant 0 : i32
        %dma_start3A_562 = arith.constant 0 : i32
        %dma_start3A_563 = tpu.memref_slice %arg6[%arg0, %dma_start3A_561, %dma_start3A_562] : memref<2x10000x128xf32, #tpu.memory_space<hbm>> -> memref<1x10000x128xf32, #tpu.memory_space<hbm>>
        %dma_start3A_564 = tpu.memref_squeeze %dma_start3A_563 : memref<1x10000x128xf32, #tpu.memory_space<hbm>> -> memref<10000x128xf32, #tpu.memory_space<hbm>>
        %dma_start3A_565 = arith.constant 9984 : i32
        %dma_start3A_566 = arith.constant 0 : i32
        %dma_start3A_567 = tpu.memref_slice %dma_start3A_564[%dma_start3A_565, %dma_start3A_566] : memref<10000x128xf32, #tpu.memory_space<hbm>> -> memref<16x128xf32, #tpu.memory_space<hbm>>
        %dma_start3A_568 = arith.constant 9984 : i32
        %dma_start3A_569 = arith.constant 0 : i32
        %dma_start3A_570 = tpu.memref_slice %arg15[%dma_start3A_568, %dma_start3A_569] : memref<10000x128xf32, #tpu.memory_space<vmem_shared>> -> memref<16x128xf32, #tpu.memory_space<vmem_shared>>
        tpu.enqueue_dma source(%dma_start3A_570 : memref<16x128xf32, #tpu.memory_space<vmem_shared>>) target(%dma_start3A_567 : memref<16x128xf32, #tpu.memory_space<hbm>>) target_semaphore(%run_scoped3A : memref<!tpu.dma_semaphore, #tpu.memory_space<semaphore_mem>>)
        %dma_wait3A_571 = arith.constant 0 : i32
        %dma_wait3A_572 = arith.constant 0 : i32
        %dma_wait3A_573 = tpu.memref_slice %arg6[%arg0, %dma_wait3A_571, %dma_wait3A_572] : memref<2x10000x128xf32, #tpu.memory_space<hbm>> -> memref<1x10000x128xf32, #tpu.memory_space<hbm>>
        %dma_wait3A_574 = tpu.memref_squeeze %dma_wait3A_573 : memref<1x10000x128xf32, #tpu.memory_space<hbm>> -> memref<10000x128xf32, #tpu.memory_space<hbm>>
        %dma_wait3A_575 = arith.constant 9984 : i32
        %dma_wait3A_576 = arith.constant 0 : i32
        %dma_wait3A_577 = tpu.memref_slice %dma_wait3A_574[%dma_wait3A_575, %dma_wait3A_576] : memref<10000x128xf32, #tpu.memory_space<hbm>> -> memref<16x128xf32, #tpu.memory_space<hbm>>
        %dma_wait3A_578 = arith.constant 9984 : i32
        %dma_wait3A_579 = arith.constant 0 : i32
        %dma_wait3A_580 = tpu.memref_slice %arg15[%dma_wait3A_578, %dma_wait3A_579] : memref<10000x128xf32, #tpu.memory_space<vmem_shared>> -> memref<16x128xf32, #tpu.memory_space<vmem_shared>>
        tpu.wait_dma2 semaphore(%run_scoped3A : memref<!tpu.dma_semaphore, #tpu.memory_space<semaphore_mem>>) src(%dma_wait3A_580 : memref<16x128xf32, #tpu.memory_space<vmem_shared>>) dst(%dma_wait3A_577 : memref<16x128xf32, #tpu.memory_space<hbm>>)
        tpu.yield
      }) : () -> ()
    } else {
    }
    return
  }
}

#map = affine_map<(d0, d1) -> (0)>
module attributes {stable_mosaic.version = 14 : i64} {
  func.func @_sc_deg(%arg0: i32, %arg1: i32, %arg2: memref<320000xi32, #tpu.memory_space<hbm>>, %arg3: memref<10000xf32, #tpu.memory_space<hbm>>, %arg4: memref<320000xf32, #tpu.memory_space<hbm>>, %arg5: memref<10000xi32, #tpu.memory_space<vmem>>, %arg6: memref<10000xf32, #tpu.memory_space<vmem>>) attributes {dimension_semantics = [#tpu.dimension_semantics<core_parallel>, #tpu.dimension_semantics<subcore_parallel>], iteration_bounds = array<i64: 2, 16>, scalar_prefetch = 0 : i64, scratch_operands = 2 : i64, tpu.core_type = #tpu.core_type<sc_vector_subcore>, window_params = [{transform_indices = #map}, {transform_indices = #map}, {transform_indices = #map}]} {
    %mul3A = arith.constant 16 : i32
    %mul3A_0 = arith.muli %arg0, %mul3A : i32
    %add3A = arith.addi %mul3A_0, %arg1 : i32
    %mul3A_1 = arith.constant 10000 : i32
    %mul3A_2 = arith.muli %add3A, %mul3A_1 : i32
    "tpu.region"() ({
      %run_scoped3A = tpu.sem_alloc : memref<!tpu.dma_semaphore, #tpu.memory_space<semaphore_mem>>
      %dma_start3A = tpu.memref_slice %arg2[%mul3A_2] : memref<320000xi32, #tpu.memory_space<hbm>> -> memref<10000xi32, #tpu.memory_space<hbm>>
      %dma_start3A_50 = tpu.memref_slice %arg2[%mul3A_2] : memref<320000xi32, #tpu.memory_space<hbm>> -> memref<10000xi32, #tpu.memory_space<hbm>>
      tpu.enqueue_dma source(%dma_start3A_50 : memref<10000xi32, #tpu.memory_space<hbm>>) target(%arg5 : memref<10000xi32, #tpu.memory_space<vmem>>) target_semaphore(%run_scoped3A : memref<!tpu.dma_semaphore, #tpu.memory_space<semaphore_mem>>)
      %dma_wait3A = tpu.memref_slice %arg2[%mul3A_2] : memref<320000xi32, #tpu.memory_space<hbm>> -> memref<10000xi32, #tpu.memory_space<hbm>>
      %dma_wait3A_51 = tpu.memref_slice %arg2[%mul3A_2] : memref<320000xi32, #tpu.memory_space<hbm>> -> memref<10000xi32, #tpu.memory_space<hbm>>
      tpu.wait_dma2 semaphore(%run_scoped3A : memref<!tpu.dma_semaphore, #tpu.memory_space<semaphore_mem>>) src(%dma_wait3A_51 : memref<10000xi32, #tpu.memory_space<hbm>>) dst(%arg5 : memref<10000xi32, #tpu.memory_space<vmem>>)
      tpu.yield
    }) : () -> ()
    "tpu.region"() ({
      %run_scoped3A = tpu.sem_alloc : memref<!tpu.dma_semaphore, #tpu.memory_space<semaphore_mem>>
      tpu.enqueue_dma source(%arg3 : memref<10000xf32, #tpu.memory_space<hbm>>) target(%arg6 : memref<10000xf32, #tpu.memory_space<vmem>>) target_semaphore(%run_scoped3A : memref<!tpu.dma_semaphore, #tpu.memory_space<semaphore_mem>>)
      tpu.wait_dma2 semaphore(%run_scoped3A : memref<!tpu.dma_semaphore, #tpu.memory_space<semaphore_mem>>) src(%arg3 : memref<10000xf32, #tpu.memory_space<hbm>>) dst(%arg6 : memref<10000xf32, #tpu.memory_space<vmem>>)
      tpu.yield
    }) : () -> ()
    %broadcast_in_dim3A = arith.constant 1.000000e+00 : f32
    %broadcast_in_dim3A_3 = vector.broadcast %broadcast_in_dim3A : f32 to vector<16xf32>
    %scan3A = arith.constant 0 : i32
    %scan3A_4 = arith.constant 0 : i32
    %scan3A_5 = arith.constant 156 : i32
    %scan3A_6 = arith.addi %scan3A_4, %scan3A_5 : i32
    %scan3A_7 = arith.constant 1 : i32
    scf.for %scan3A_50 = %scan3A_4 to %scan3A_6 step %scan3A_7  : i32 {
      %mul3A_51 = arith.constant 4 : i32
      %mul3A_52 = arith.muli %scan3A_50, %mul3A_51 : i32
      %add3A_53 = arith.constant 0 : i32
      %add3A_54 = arith.addi %mul3A_52, %add3A_53 : i32
      %mul3A_55 = arith.constant 16 : i32
      %mul3A_56 = arith.muli %add3A_54, %mul3A_55 : i32
      %get3A_57 = arith.index_cast %mul3A_56 : i32 to index
      %get3A_58 = tpu.vector_load %arg5[%get3A_57] {strides = array<i32>} : memref<10000xi32, #tpu.memory_space<vmem>>, vector<16xi32>,
      tpu.vector_store_idx %arg6[%get3A_58], %broadcast_in_dim3A_3 {add = true} : memref<10000xf32, #tpu.memory_space<vmem>>[vector<16xi32>], vector<16xf32>,
      %mul3A_59 = arith.constant 4 : i32
      %mul3A_60 = arith.muli %scan3A_50, %mul3A_59 : i32
      %add3A_61 = arith.constant 1 : i32
      %add3A_62 = arith.addi %mul3A_60, %add3A_61 : i32
      %mul3A_63 = arith.constant 16 : i32
      %mul3A_64 = arith.muli %add3A_62, %mul3A_63 : i32
      %get3A_65 = arith.index_cast %mul3A_64 : i32 to index
      %get3A_66 = tpu.vector_load %arg5[%get3A_65] {strides = array<i32>} : memref<10000xi32, #tpu.memory_space<vmem>>, vector<16xi32>,
      tpu.vector_store_idx %arg6[%get3A_66], %broadcast_in_dim3A_3 {add = true} : memref<10000xf32, #tpu.memory_space<vmem>>[vector<16xi32>], vector<16xf32>,
      %mul3A_67 = arith.constant 4 : i32
      %mul3A_68 = arith.muli %scan3A_50, %mul3A_67 : i32
      %add3A_69 = arith.constant 2 : i32
      %add3A_70 = arith.addi %mul3A_68, %add3A_69 : i32
      %mul3A_71 = arith.constant 16 : i32
      %mul3A_72 = arith.muli %add3A_70, %mul3A_71 : i32
      %get3A_73 = arith.index_cast %mul3A_72 : i32 to index
      %get3A_74 = tpu.vector_load %arg5[%get3A_73] {strides = array<i32>} : memref<10000xi32, #tpu.memory_space<vmem>>, vector<16xi32>,
      tpu.vector_store_idx %arg6[%get3A_74], %broadcast_in_dim3A_3 {add = true} : memref<10000xf32, #tpu.memory_space<vmem>>[vector<16xi32>], vector<16xf32>,
      %mul3A_75 = arith.constant 4 : i32
      %mul3A_76 = arith.muli %scan3A_50, %mul3A_75 : i32
      %add3A_77 = arith.constant 3 : i32
      %add3A_78 = arith.addi %mul3A_76, %add3A_77 : i32
      %mul3A_79 = arith.constant 16 : i32
      %mul3A_80 = arith.muli %add3A_78, %mul3A_79 : i32
      %get3A_81 = arith.index_cast %mul3A_80 : i32 to index
      %get3A_82 = tpu.vector_load %arg5[%get3A_81] {strides = array<i32>} : memref<10000xi32, #tpu.memory_space<vmem>>, vector<16xi32>,
      tpu.vector_store_idx %arg6[%get3A_82], %broadcast_in_dim3A_3 {add = true} : memref<10000xf32, #tpu.memory_space<vmem>>[vector<16xi32>], vector<16xf32>,
    }
    %scan3A_8 = arith.constant 156 : i32
    %get3A = arith.constant 9984 : index
    %get3A_9 = tpu.vector_load %arg5[%get3A] {strides = array<i32>} : memref<10000xi32, #tpu.memory_space<vmem>>, vector<16xi32>,
    tpu.vector_store_idx %arg6[%get3A_9], %broadcast_in_dim3A_3 {add = true} : memref<10000xf32, #tpu.memory_space<vmem>>[vector<16xi32>], vector<16xf32>,
    %mul3A_10 = arith.constant 1000 : i32
    %mul3A_11 = arith.muli %add3A, %mul3A_10 : i32
    %add3A_12 = arith.constant 0 : i32
    %add3A_13 = arith.addi %add3A_12, %mul3A_11 : i32
    "tpu.region"() ({
      %run_scoped3A = tpu.sem_alloc : memref<!tpu.dma_semaphore, #tpu.memory_space<semaphore_mem>>
      %dma_start3A = arith.constant 0 : i32
      %dma_start3A_50 = tpu.memref_slice %arg6[%dma_start3A] : memref<10000xf32, #tpu.memory_space<vmem>> -> memref<1000xf32, #tpu.memory_space<vmem>>
      %dma_start3A_51 = tpu.memref_slice %arg4[%add3A_13] : memref<320000xf32, #tpu.memory_space<hbm>> -> memref<1000xf32, #tpu.memory_space<hbm>>
      %dma_start3A_52 = tpu.memref_slice %arg4[%add3A_13] : memref<320000xf32, #tpu.memory_space<hbm>> -> memref<1000xf32, #tpu.memory_space<hbm>>
      %dma_start3A_53 = arith.constant 0 : i32
      %dma_start3A_54 = tpu.memref_slice %arg6[%dma_start3A_53] : memref<10000xf32, #tpu.memory_space<vmem>> -> memref<1000xf32, #tpu.memory_space<vmem>>
      tpu.enqueue_dma source(%dma_start3A_54 : memref<1000xf32, #tpu.memory_space<vmem>>) target(%dma_start3A_52 : memref<1000xf32, #tpu.memory_space<hbm>>) target_semaphore(%run_scoped3A : memref<!tpu.dma_semaphore, #tpu.memory_space<semaphore_mem>>)
      %dma_wait3A = arith.constant 0 : i32
      %dma_wait3A_55 = tpu.memref_slice %arg6[%dma_wait3A] : memref<10000xf32, #tpu.memory_space<vmem>> -> memref<1000xf32, #tpu.memory_space<vmem>>
      %dma_wait3A_56 = tpu.memref_slice %arg4[%add3A_13] : memref<320000xf32, #tpu.memory_space<hbm>> -> memref<1000xf32, #tpu.memory_space<hbm>>
      %dma_wait3A_57 = tpu.memref_slice %arg4[%add3A_13] : memref<320000xf32, #tpu.memory_space<hbm>> -> memref<1000xf32, #tpu.memory_space<hbm>>
      %dma_wait3A_58 = arith.constant 0 : i32
      %dma_wait3A_59 = tpu.memref_slice %arg6[%dma_wait3A_58] : memref<10000xf32, #tpu.memory_space<vmem>> -> memref<1000xf32, #tpu.memory_space<vmem>>
      tpu.wait_dma2 semaphore(%run_scoped3A : memref<!tpu.dma_semaphore, #tpu.memory_space<semaphore_mem>>) src(%dma_wait3A_59 : memref<1000xf32, #tpu.memory_space<vmem>>) dst(%dma_wait3A_57 : memref<1000xf32, #tpu.memory_space<hbm>>)
      tpu.yield
    }) : () -> ()
    %mul3A_14 = arith.constant 1000 : i32
    %mul3A_15 = arith.muli %add3A, %mul3A_14 : i32
    %add3A_16 = arith.constant 32000 : i32
    %add3A_17 = arith.addi %add3A_16, %mul3A_15 : i32
    "tpu.region"() ({
      %run_scoped3A = tpu.sem_alloc : memref<!tpu.dma_semaphore, #tpu.memory_space<semaphore_mem>>
      %dma_start3A = arith.constant 1000 : i32
      %dma_start3A_50 = tpu.memref_slice %arg6[%dma_start3A] : memref<10000xf32, #tpu.memory_space<vmem>> -> memref<1000xf32, #tpu.memory_space<vmem>>
      %dma_start3A_51 = tpu.memref_slice %arg4[%add3A_17] : memref<320000xf32, #tpu.memory_space<hbm>> -> memref<1000xf32, #tpu.memory_space<hbm>>
      %dma_start3A_52 = tpu.memref_slice %arg4[%add3A_17] : memref<320000xf32, #tpu.memory_space<hbm>> -> memref<1000xf32, #tpu.memory_space<hbm>>
      %dma_start3A_53 = arith.constant 1000 : i32
      %dma_start3A_54 = tpu.memref_slice %arg6[%dma_start3A_53] : memref<10000xf32, #tpu.memory_space<vmem>> -> memref<1000xf32, #tpu.memory_space<vmem>>
      tpu.enqueue_dma source(%dma_start3A_54 : memref<1000xf32, #tpu.memory_space<vmem>>) target(%dma_start3A_52 : memref<1000xf32, #tpu.memory_space<hbm>>) target_semaphore(%run_scoped3A : memref<!tpu.dma_semaphore, #tpu.memory_space<semaphore_mem>>)
      %dma_wait3A = arith.constant 1000 : i32
      %dma_wait3A_55 = tpu.memref_slice %arg6[%dma_wait3A] : memref<10000xf32, #tpu.memory_space<vmem>> -> memref<1000xf32, #tpu.memory_space<vmem>>
      %dma_wait3A_56 = tpu.memref_slice %arg4[%add3A_17] : memref<320000xf32, #tpu.memory_space<hbm>> -> memref<1000xf32, #tpu.memory_space<hbm>>
      %dma_wait3A_57 = tpu.memref_slice %arg4[%add3A_17] : memref<320000xf32, #tpu.memory_space<hbm>> -> memref<1000xf32, #tpu.memory_space<hbm>>
      %dma_wait3A_58 = arith.constant 1000 : i32
      %dma_wait3A_59 = tpu.memref_slice %arg6[%dma_wait3A_58] : memref<10000xf32, #tpu.memory_space<vmem>> -> memref<1000xf32, #tpu.memory_space<vmem>>
      tpu.wait_dma2 semaphore(%run_scoped3A : memref<!tpu.dma_semaphore, #tpu.memory_space<semaphore_mem>>) src(%dma_wait3A_59 : memref<1000xf32, #tpu.memory_space<vmem>>) dst(%dma_wait3A_57 : memref<1000xf32, #tpu.memory_space<hbm>>)
      tpu.yield
    }) : () -> ()
    %mul3A_18 = arith.constant 1000 : i32
    %mul3A_19 = arith.muli %add3A, %mul3A_18 : i32
    %add3A_20 = arith.constant 64000 : i32
    %add3A_21 = arith.addi %add3A_20, %mul3A_19 : i32
    "tpu.region"() ({
      %run_scoped3A = tpu.sem_alloc : memref<!tpu.dma_semaphore, #tpu.memory_space<semaphore_mem>>
      %dma_start3A = arith.constant 2000 : i32
      %dma_start3A_50 = tpu.memref_slice %arg6[%dma_start3A] : memref<10000xf32, #tpu.memory_space<vmem>> -> memref<1000xf32, #tpu.memory_space<vmem>>
      %dma_start3A_51 = tpu.memref_slice %arg4[%add3A_21] : memref<320000xf32, #tpu.memory_space<hbm>> -> memref<1000xf32, #tpu.memory_space<hbm>>
      %dma_start3A_52 = tpu.memref_slice %arg4[%add3A_21] : memref<320000xf32, #tpu.memory_space<hbm>> -> memref<1000xf32, #tpu.memory_space<hbm>>
      %dma_start3A_53 = arith.constant 2000 : i32
      %dma_start3A_54 = tpu.memref_slice %arg6[%dma_start3A_53] : memref<10000xf32, #tpu.memory_space<vmem>> -> memref<1000xf32, #tpu.memory_space<vmem>>
      tpu.enqueue_dma source(%dma_start3A_54 : memref<1000xf32, #tpu.memory_space<vmem>>) target(%dma_start3A_52 : memref<1000xf32, #tpu.memory_space<hbm>>) target_semaphore(%run_scoped3A : memref<!tpu.dma_semaphore, #tpu.memory_space<semaphore_mem>>)
      %dma_wait3A = arith.constant 2000 : i32
      %dma_wait3A_55 = tpu.memref_slice %arg6[%dma_wait3A] : memref<10000xf32, #tpu.memory_space<vmem>> -> memref<1000xf32, #tpu.memory_space<vmem>>
      %dma_wait3A_56 = tpu.memref_slice %arg4[%add3A_21] : memref<320000xf32, #tpu.memory_space<hbm>> -> memref<1000xf32, #tpu.memory_space<hbm>>
      %dma_wait3A_57 = tpu.memref_slice %arg4[%add3A_21] : memref<320000xf32, #tpu.memory_space<hbm>> -> memref<1000xf32, #tpu.memory_space<hbm>>
      %dma_wait3A_58 = arith.constant 2000 : i32
      %dma_wait3A_59 = tpu.memref_slice %arg6[%dma_wait3A_58] : memref<10000xf32, #tpu.memory_space<vmem>> -> memref<1000xf32, #tpu.memory_space<vmem>>
      tpu.wait_dma2 semaphore(%run_scoped3A : memref<!tpu.dma_semaphore, #tpu.memory_space<semaphore_mem>>) src(%dma_wait3A_59 : memref<1000xf32, #tpu.memory_space<vmem>>) dst(%dma_wait3A_57 : memref<1000xf32, #tpu.memory_space<hbm>>)
      tpu.yield
    }) : () -> ()
    %mul3A_22 = arith.constant 1000 : i32
    %mul3A_23 = arith.muli %add3A, %mul3A_22 : i32
    %add3A_24 = arith.constant 96000 : i32
    %add3A_25 = arith.addi %add3A_24, %mul3A_23 : i32
    "tpu.region"() ({
      %run_scoped3A = tpu.sem_alloc : memref<!tpu.dma_semaphore, #tpu.memory_space<semaphore_mem>>
      %dma_start3A = arith.constant 3000 : i32
      %dma_start3A_50 = tpu.memref_slice %arg6[%dma_start3A] : memref<10000xf32, #tpu.memory_space<vmem>> -> memref<1000xf32, #tpu.memory_space<vmem>>
      %dma_start3A_51 = tpu.memref_slice %arg4[%add3A_25] : memref<320000xf32, #tpu.memory_space<hbm>> -> memref<1000xf32, #tpu.memory_space<hbm>>
      %dma_start3A_52 = tpu.memref_slice %arg4[%add3A_25] : memref<320000xf32, #tpu.memory_space<hbm>> -> memref<1000xf32, #tpu.memory_space<hbm>>
      %dma_start3A_53 = arith.constant 3000 : i32
      %dma_start3A_54 = tpu.memref_slice %arg6[%dma_start3A_53] : memref<10000xf32, #tpu.memory_space<vmem>> -> memref<1000xf32, #tpu.memory_space<vmem>>
      tpu.enqueue_dma source(%dma_start3A_54 : memref<1000xf32, #tpu.memory_space<vmem>>) target(%dma_start3A_52 : memref<1000xf32, #tpu.memory_space<hbm>>) target_semaphore(%run_scoped3A : memref<!tpu.dma_semaphore, #tpu.memory_space<semaphore_mem>>)
      %dma_wait3A = arith.constant 3000 : i32
      %dma_wait3A_55 = tpu.memref_slice %arg6[%dma_wait3A] : memref<10000xf32, #tpu.memory_space<vmem>> -> memref<1000xf32, #tpu.memory_space<vmem>>
      %dma_wait3A_56 = tpu.memref_slice %arg4[%add3A_25] : memref<320000xf32, #tpu.memory_space<hbm>> -> memref<1000xf32, #tpu.memory_space<hbm>>
      %dma_wait3A_57 = tpu.memref_slice %arg4[%add3A_25] : memref<320000xf32, #tpu.memory_space<hbm>> -> memref<1000xf32, #tpu.memory_space<hbm>>
      %dma_wait3A_58 = arith.constant 3000 : i32
      %dma_wait3A_59 = tpu.memref_slice %arg6[%dma_wait3A_58] : memref<10000xf32, #tpu.memory_space<vmem>> -> memref<1000xf32, #tpu.memory_space<vmem>>
      tpu.wait_dma2 semaphore(%run_scoped3A : memref<!tpu.dma_semaphore, #tpu.memory_space<semaphore_mem>>) src(%dma_wait3A_59 : memref<1000xf32, #tpu.memory_space<vmem>>) dst(%dma_wait3A_57 : memref<1000xf32, #tpu.memory_space<hbm>>)
      tpu.yield
    }) : () -> ()
    %mul3A_26 = arith.constant 1000 : i32
    %mul3A_27 = arith.muli %add3A, %mul3A_26 : i32
    %add3A_28 = arith.constant 128000 : i32
    %add3A_29 = arith.addi %add3A_28, %mul3A_27 : i32
    "tpu.region"() ({
      %run_scoped3A = tpu.sem_alloc : memref<!tpu.dma_semaphore, #tpu.memory_space<semaphore_mem>>
      %dma_start3A = arith.constant 4000 : i32
      %dma_start3A_50 = tpu.memref_slice %arg6[%dma_start3A] : memref<10000xf32, #tpu.memory_space<vmem>> -> memref<1000xf32, #tpu.memory_space<vmem>>
      %dma_start3A_51 = tpu.memref_slice %arg4[%add3A_29] : memref<320000xf32, #tpu.memory_space<hbm>> -> memref<1000xf32, #tpu.memory_space<hbm>>
      %dma_start3A_52 = tpu.memref_slice %arg4[%add3A_29] : memref<320000xf32, #tpu.memory_space<hbm>> -> memref<1000xf32, #tpu.memory_space<hbm>>
      %dma_start3A_53 = arith.constant 4000 : i32
      %dma_start3A_54 = tpu.memref_slice %arg6[%dma_start3A_53] : memref<10000xf32, #tpu.memory_space<vmem>> -> memref<1000xf32, #tpu.memory_space<vmem>>
      tpu.enqueue_dma source(%dma_start3A_54 : memref<1000xf32, #tpu.memory_space<vmem>>) target(%dma_start3A_52 : memref<1000xf32, #tpu.memory_space<hbm>>) target_semaphore(%run_scoped3A : memref<!tpu.dma_semaphore, #tpu.memory_space<semaphore_mem>>)
      %dma_wait3A = arith.constant 4000 : i32
      %dma_wait3A_55 = tpu.memref_slice %arg6[%dma_wait3A] : memref<10000xf32, #tpu.memory_space<vmem>> -> memref<1000xf32, #tpu.memory_space<vmem>>
      %dma_wait3A_56 = tpu.memref_slice %arg4[%add3A_29] : memref<320000xf32, #tpu.memory_space<hbm>> -> memref<1000xf32, #tpu.memory_space<hbm>>
      %dma_wait3A_57 = tpu.memref_slice %arg4[%add3A_29] : memref<320000xf32, #tpu.memory_space<hbm>> -> memref<1000xf32, #tpu.memory_space<hbm>>
      %dma_wait3A_58 = arith.constant 4000 : i32
      %dma_wait3A_59 = tpu.memref_slice %arg6[%dma_wait3A_58] : memref<10000xf32, #tpu.memory_space<vmem>> -> memref<1000xf32, #tpu.memory_space<vmem>>
      tpu.wait_dma2 semaphore(%run_scoped3A : memref<!tpu.dma_semaphore, #tpu.memory_space<semaphore_mem>>) src(%dma_wait3A_59 : memref<1000xf32, #tpu.memory_space<vmem>>) dst(%dma_wait3A_57 : memref<1000xf32, #tpu.memory_space<hbm>>)
      tpu.yield
    }) : () -> ()
    %mul3A_30 = arith.constant 1000 : i32
    %mul3A_31 = arith.muli %add3A, %mul3A_30 : i32
    %add3A_32 = arith.constant 160000 : i32
    %add3A_33 = arith.addi %add3A_32, %mul3A_31 : i32
    "tpu.region"() ({
      %run_scoped3A = tpu.sem_alloc : memref<!tpu.dma_semaphore, #tpu.memory_space<semaphore_mem>>
      %dma_start3A = arith.constant 5000 : i32
      %dma_start3A_50 = tpu.memref_slice %arg6[%dma_start3A] : memref<10000xf32, #tpu.memory_space<vmem>> -> memref<1000xf32, #tpu.memory_space<vmem>>
      %dma_start3A_51 = tpu.memref_slice %arg4[%add3A_33] : memref<320000xf32, #tpu.memory_space<hbm>> -> memref<1000xf32, #tpu.memory_space<hbm>>
      %dma_start3A_52 = tpu.memref_slice %arg4[%add3A_33] : memref<320000xf32, #tpu.memory_space<hbm>> -> memref<1000xf32, #tpu.memory_space<hbm>>
      %dma_start3A_53 = arith.constant 5000 : i32
      %dma_start3A_54 = tpu.memref_slice %arg6[%dma_start3A_53] : memref<10000xf32, #tpu.memory_space<vmem>> -> memref<1000xf32, #tpu.memory_space<vmem>>
      tpu.enqueue_dma source(%dma_start3A_54 : memref<1000xf32, #tpu.memory_space<vmem>>) target(%dma_start3A_52 : memref<1000xf32, #tpu.memory_space<hbm>>) target_semaphore(%run_scoped3A : memref<!tpu.dma_semaphore, #tpu.memory_space<semaphore_mem>>)
      %dma_wait3A = arith.constant 5000 : i32
      %dma_wait3A_55 = tpu.memref_slice %arg6[%dma_wait3A] : memref<10000xf32, #tpu.memory_space<vmem>> -> memref<1000xf32, #tpu.memory_space<vmem>>
      %dma_wait3A_56 = tpu.memref_slice %arg4[%add3A_33] : memref<320000xf32, #tpu.memory_space<hbm>> -> memref<1000xf32, #tpu.memory_space<hbm>>
      %dma_wait3A_57 = tpu.memref_slice %arg4[%add3A_33] : memref<320000xf32, #tpu.memory_space<hbm>> -> memref<1000xf32, #tpu.memory_space<hbm>>
      %dma_wait3A_58 = arith.constant 5000 : i32
      %dma_wait3A_59 = tpu.memref_slice %arg6[%dma_wait3A_58] : memref<10000xf32, #tpu.memory_space<vmem>> -> memref<1000xf32, #tpu.memory_space<vmem>>
      tpu.wait_dma2 semaphore(%run_scoped3A : memref<!tpu.dma_semaphore, #tpu.memory_space<semaphore_mem>>) src(%dma_wait3A_59 : memref<1000xf32, #tpu.memory_space<vmem>>) dst(%dma_wait3A_57 : memref<1000xf32, #tpu.memory_space<hbm>>)
      tpu.yield
    }) : () -> ()
    %mul3A_34 = arith.constant 1000 : i32
    %mul3A_35 = arith.muli %add3A, %mul3A_34 : i32
    %add3A_36 = arith.constant 192000 : i32
    %add3A_37 = arith.addi %add3A_36, %mul3A_35 : i32
    "tpu.region"() ({
      %run_scoped3A = tpu.sem_alloc : memref<!tpu.dma_semaphore, #tpu.memory_space<semaphore_mem>>
      %dma_start3A = arith.constant 6000 : i32
      %dma_start3A_50 = tpu.memref_slice %arg6[%dma_start3A] : memref<10000xf32, #tpu.memory_space<vmem>> -> memref<1000xf32, #tpu.memory_space<vmem>>
      %dma_start3A_51 = tpu.memref_slice %arg4[%add3A_37] : memref<320000xf32, #tpu.memory_space<hbm>> -> memref<1000xf32, #tpu.memory_space<hbm>>
      %dma_start3A_52 = tpu.memref_slice %arg4[%add3A_37] : memref<320000xf32, #tpu.memory_space<hbm>> -> memref<1000xf32, #tpu.memory_space<hbm>>
      %dma_start3A_53 = arith.constant 6000 : i32
      %dma_start3A_54 = tpu.memref_slice %arg6[%dma_start3A_53] : memref<10000xf32, #tpu.memory_space<vmem>> -> memref<1000xf32, #tpu.memory_space<vmem>>
      tpu.enqueue_dma source(%dma_start3A_54 : memref<1000xf32, #tpu.memory_space<vmem>>) target(%dma_start3A_52 : memref<1000xf32, #tpu.memory_space<hbm>>) target_semaphore(%run_scoped3A : memref<!tpu.dma_semaphore, #tpu.memory_space<semaphore_mem>>)
      %dma_wait3A = arith.constant 6000 : i32
      %dma_wait3A_55 = tpu.memref_slice %arg6[%dma_wait3A] : memref<10000xf32, #tpu.memory_space<vmem>> -> memref<1000xf32, #tpu.memory_space<vmem>>
      %dma_wait3A_56 = tpu.memref_slice %arg4[%add3A_37] : memref<320000xf32, #tpu.memory_space<hbm>> -> memref<1000xf32, #tpu.memory_space<hbm>>
      %dma_wait3A_57 = tpu.memref_slice %arg4[%add3A_37] : memref<320000xf32, #tpu.memory_space<hbm>> -> memref<1000xf32, #tpu.memory_space<hbm>>
      %dma_wait3A_58 = arith.constant 6000 : i32
      %dma_wait3A_59 = tpu.memref_slice %arg6[%dma_wait3A_58] : memref<10000xf32, #tpu.memory_space<vmem>> -> memref<1000xf32, #tpu.memory_space<vmem>>
      tpu.wait_dma2 semaphore(%run_scoped3A : memref<!tpu.dma_semaphore, #tpu.memory_space<semaphore_mem>>) src(%dma_wait3A_59 : memref<1000xf32, #tpu.memory_space<vmem>>) dst(%dma_wait3A_57 : memref<1000xf32, #tpu.memory_space<hbm>>)
      tpu.yield
    }) : () -> ()
    %mul3A_38 = arith.constant 1000 : i32
    %mul3A_39 = arith.muli %add3A, %mul3A_38 : i32
    %add3A_40 = arith.constant 224000 : i32
    %add3A_41 = arith.addi %add3A_40, %mul3A_39 : i32
    "tpu.region"() ({
      %run_scoped3A = tpu.sem_alloc : memref<!tpu.dma_semaphore, #tpu.memory_space<semaphore_mem>>
      %dma_start3A = arith.constant 7000 : i32
      %dma_start3A_50 = tpu.memref_slice %arg6[%dma_start3A] : memref<10000xf32, #tpu.memory_space<vmem>> -> memref<1000xf32, #tpu.memory_space<vmem>>
      %dma_start3A_51 = tpu.memref_slice %arg4[%add3A_41] : memref<320000xf32, #tpu.memory_space<hbm>> -> memref<1000xf32, #tpu.memory_space<hbm>>
      %dma_start3A_52 = tpu.memref_slice %arg4[%add3A_41] : memref<320000xf32, #tpu.memory_space<hbm>> -> memref<1000xf32, #tpu.memory_space<hbm>>
      %dma_start3A_53 = arith.constant 7000 : i32
      %dma_start3A_54 = tpu.memref_slice %arg6[%dma_start3A_53] : memref<10000xf32, #tpu.memory_space<vmem>> -> memref<1000xf32, #tpu.memory_space<vmem>>
      tpu.enqueue_dma source(%dma_start3A_54 : memref<1000xf32, #tpu.memory_space<vmem>>) target(%dma_start3A_52 : memref<1000xf32, #tpu.memory_space<hbm>>) target_semaphore(%run_scoped3A : memref<!tpu.dma_semaphore, #tpu.memory_space<semaphore_mem>>)
      %dma_wait3A = arith.constant 7000 : i32
      %dma_wait3A_55 = tpu.memref_slice %arg6[%dma_wait3A] : memref<10000xf32, #tpu.memory_space<vmem>> -> memref<1000xf32, #tpu.memory_space<vmem>>
      %dma_wait3A_56 = tpu.memref_slice %arg4[%add3A_41] : memref<320000xf32, #tpu.memory_space<hbm>> -> memref<1000xf32, #tpu.memory_space<hbm>>
      %dma_wait3A_57 = tpu.memref_slice %arg4[%add3A_41] : memref<320000xf32, #tpu.memory_space<hbm>> -> memref<1000xf32, #tpu.memory_space<hbm>>
      %dma_wait3A_58 = arith.constant 7000 : i32
      %dma_wait3A_59 = tpu.memref_slice %arg6[%dma_wait3A_58] : memref<10000xf32, #tpu.memory_space<vmem>> -> memref<1000xf32, #tpu.memory_space<vmem>>
      tpu.wait_dma2 semaphore(%run_scoped3A : memref<!tpu.dma_semaphore, #tpu.memory_space<semaphore_mem>>) src(%dma_wait3A_59 : memref<1000xf32, #tpu.memory_space<vmem>>) dst(%dma_wait3A_57 : memref<1000xf32, #tpu.memory_space<hbm>>)
      tpu.yield
    }) : () -> ()
    %mul3A_42 = arith.constant 1000 : i32
    %mul3A_43 = arith.muli %add3A, %mul3A_42 : i32
    %add3A_44 = arith.constant 256000 : i32
    %add3A_45 = arith.addi %add3A_44, %mul3A_43 : i32
    "tpu.region"() ({
      %run_scoped3A = tpu.sem_alloc : memref<!tpu.dma_semaphore, #tpu.memory_space<semaphore_mem>>
      %dma_start3A = arith.constant 8000 : i32
      %dma_start3A_50 = tpu.memref_slice %arg6[%dma_start3A] : memref<10000xf32, #tpu.memory_space<vmem>> -> memref<1000xf32, #tpu.memory_space<vmem>>
      %dma_start3A_51 = tpu.memref_slice %arg4[%add3A_45] : memref<320000xf32, #tpu.memory_space<hbm>> -> memref<1000xf32, #tpu.memory_space<hbm>>
      %dma_start3A_52 = tpu.memref_slice %arg4[%add3A_45] : memref<320000xf32, #tpu.memory_space<hbm>> -> memref<1000xf32, #tpu.memory_space<hbm>>
      %dma_start3A_53 = arith.constant 8000 : i32
      %dma_start3A_54 = tpu.memref_slice %arg6[%dma_start3A_53] : memref<10000xf32, #tpu.memory_space<vmem>> -> memref<1000xf32, #tpu.memory_space<vmem>>
      tpu.enqueue_dma source(%dma_start3A_54 : memref<1000xf32, #tpu.memory_space<vmem>>) target(%dma_start3A_52 : memref<1000xf32, #tpu.memory_space<hbm>>) target_semaphore(%run_scoped3A : memref<!tpu.dma_semaphore, #tpu.memory_space<semaphore_mem>>)
      %dma_wait3A = arith.constant 8000 : i32
      %dma_wait3A_55 = tpu.memref_slice %arg6[%dma_wait3A] : memref<10000xf32, #tpu.memory_space<vmem>> -> memref<1000xf32, #tpu.memory_space<vmem>>
      %dma_wait3A_56 = tpu.memref_slice %arg4[%add3A_45] : memref<320000xf32, #tpu.memory_space<hbm>> -> memref<1000xf32, #tpu.memory_space<hbm>>
      %dma_wait3A_57 = tpu.memref_slice %arg4[%add3A_45] : memref<320000xf32, #tpu.memory_space<hbm>> -> memref<1000xf32, #tpu.memory_space<hbm>>
      %dma_wait3A_58 = arith.constant 8000 : i32
      %dma_wait3A_59 = tpu.memref_slice %arg6[%dma_wait3A_58] : memref<10000xf32, #tpu.memory_space<vmem>> -> memref<1000xf32, #tpu.memory_space<vmem>>
      tpu.wait_dma2 semaphore(%run_scoped3A : memref<!tpu.dma_semaphore, #tpu.memory_space<semaphore_mem>>) src(%dma_wait3A_59 : memref<1000xf32, #tpu.memory_space<vmem>>) dst(%dma_wait3A_57 : memref<1000xf32, #tpu.memory_space<hbm>>)
      tpu.yield
    }) : () -> ()
    %mul3A_46 = arith.constant 1000 : i32
    %mul3A_47 = arith.muli %add3A, %mul3A_46 : i32
    %add3A_48 = arith.constant 288000 : i32
    %add3A_49 = arith.addi %add3A_48, %mul3A_47 : i32
    "tpu.region"() ({
      %run_scoped3A = tpu.sem_alloc : memref<!tpu.dma_semaphore, #tpu.memory_space<semaphore_mem>>
      %dma_start3A = arith.constant 9000 : i32
      %dma_start3A_50 = tpu.memref_slice %arg6[%dma_start3A] : memref<10000xf32, #tpu.memory_space<vmem>> -> memref<1000xf32, #tpu.memory_space<vmem>>
      %dma_start3A_51 = tpu.memref_slice %arg4[%add3A_49] : memref<320000xf32, #tpu.memory_space<hbm>> -> memref<1000xf32, #tpu.memory_space<hbm>>
      %dma_start3A_52 = tpu.memref_slice %arg4[%add3A_49] : memref<320000xf32, #tpu.memory_space<hbm>> -> memref<1000xf32, #tpu.memory_space<hbm>>
      %dma_start3A_53 = arith.constant 9000 : i32
      %dma_start3A_54 = tpu.memref_slice %arg6[%dma_start3A_53] : memref<10000xf32, #tpu.memory_space<vmem>> -> memref<1000xf32, #tpu.memory_space<vmem>>
      tpu.enqueue_dma source(%dma_start3A_54 : memref<1000xf32, #tpu.memory_space<vmem>>) target(%dma_start3A_52 : memref<1000xf32, #tpu.memory_space<hbm>>) target_semaphore(%run_scoped3A : memref<!tpu.dma_semaphore, #tpu.memory_space<semaphore_mem>>)
      %dma_wait3A = arith.constant 9000 : i32
      %dma_wait3A_55 = tpu.memref_slice %arg6[%dma_wait3A] : memref<10000xf32, #tpu.memory_space<vmem>> -> memref<1000xf32, #tpu.memory_space<vmem>>
      %dma_wait3A_56 = tpu.memref_slice %arg4[%add3A_49] : memref<320000xf32, #tpu.memory_space<hbm>> -> memref<1000xf32, #tpu.memory_space<hbm>>
      %dma_wait3A_57 = tpu.memref_slice %arg4[%add3A_49] : memref<320000xf32, #tpu.memory_space<hbm>> -> memref<1000xf32, #tpu.memory_space<hbm>>
      %dma_wait3A_58 = arith.constant 9000 : i32
      %dma_wait3A_59 = tpu.memref_slice %arg6[%dma_wait3A_58] : memref<10000xf32, #tpu.memory_space<vmem>> -> memref<1000xf32, #tpu.memory_space<vmem>>
      tpu.wait_dma2 semaphore(%run_scoped3A : memref<!tpu.dma_semaphore, #tpu.memory_space<semaphore_mem>>) src(%dma_wait3A_59 : memref<1000xf32, #tpu.memory_space<vmem>>) dst(%dma_wait3A_57 : memref<1000xf32, #tpu.memory_space<hbm>>)
      tpu.yield
    }) : () -> ()
    return
  }
}

#map = affine_map<(d0, d1) -> (0, 0)>
#map1 = affine_map<(d0, d1) -> (0)>
#map2 = affine_map<(d0, d1) -> (0, 0, 0)>
module attributes {stable_mosaic.version = 14 : i64} {
  func.func @_sc_spmm(%arg0: i32, %arg1: i32, %arg2: memref<10000x128xf32, #tpu.memory_space<hbm>>, %arg3: memref<320000xi32, #tpu.memory_space<hbm>>, %arg4: memref<320000xi32, #tpu.memory_space<hbm>>, %arg5: memref<10000x128xf32, #tpu.memory_space<hbm>>, %arg6: memref<2x10000x128xf32, #tpu.memory_space<hbm>>, %arg7: memref<3328xi32, #tpu.memory_space<vmem>>, %arg8: memref<3328xi32, #tpu.memory_space<vmem>>, %arg9: memref<3328xi32, #tpu.memory_space<vmem>>, %arg10: memref<3328xi32, #tpu.memory_space<vmem>>, %arg11: memref<64x128xf32, #tpu.memory_space<vmem>>, %arg12: memref<64x128xf32, #tpu.memory_space<vmem>>, %arg13: memref<64x128xf32, #tpu.memory_space<vmem>>, %arg14: memref<64x128xf32, #tpu.memory_space<vmem>>, %arg15: memref<10000x128xf32, #tpu.memory_space<vmem_shared>>, %arg16: memref<!tpu.dma_semaphore, #tpu.memory_space<semaphore_mem>>, %arg17: memref<!tpu.dma_semaphore, #tpu.memory_space<semaphore_mem>>, %arg18: memref<!tpu.dma_semaphore, #tpu.memory_space<semaphore_mem>>, %arg19: memref<!tpu.dma_semaphore, #tpu.memory_space<semaphore_mem>>, %arg20: memref<!tpu.dma_semaphore, #tpu.memory_space<semaphore_mem>>, %arg21: memref<!tpu.dma_semaphore, #tpu.memory_space<semaphore_mem>>, %arg22: memref<!tpu.dma_semaphore, #tpu.memory_space<semaphore_mem>>, %arg23: memref<!tpu.dma_semaphore, #tpu.memory_space<semaphore_mem>>, %arg24: memref<!tpu.dma_semaphore, #tpu.memory_space<semaphore_mem>>) attributes {dimension_semantics = [#tpu.dimension_semantics<core_parallel>, #tpu.dimension_semantics<subcore_parallel>], iteration_bounds = array<i64: 2, 16>, scalar_prefetch = 0 : i64, scratch_operands = 18 : i64, tpu.core_type = #tpu.core_type<sc_vector_subcore>, window_params = [{transform_indices = #map}, {transform_indices = #map1}, {transform_indices = #map1}, {transform_indices = #map}, {transform_indices = #map2}]} {
    %mul3A = arith.constant 624 : i32
    %mul3A_0 = arith.muli %arg1, %mul3A : i32
    %eq3A = arith.constant 0 : i32
    %eq3A_1 = arith.cmpi eq, %arg0, %eq3A : i32
    %convert_element_type3A = arith.extui %eq3A_1 : i1 to i32
    %cond3A = arith.constant 0 : i32
    %cond3A_2 = arith.cmpi ne, %convert_element_type3A, %cond3A : i32
    scf.if %cond3A_2 {
      "tpu.region"() ({
        %run_scoped3A = tpu.sem_alloc : memref<!tpu.dma_semaphore, #tpu.memory_space<semaphore_mem>>
        %dma_start3A_566 = arith.constant 0 : i32
        %dma_start3A_567 = tpu.memref_slice %arg15[%mul3A_0, %dma_start3A_566] : memref<10000x128xf32, #tpu.memory_space<vmem_shared>> -> memref<624x128xf32, #tpu.memory_space<vmem_shared>>
        %dma_start3A_568 = arith.constant 0 : i32
        %dma_start3A_569 = tpu.memref_slice %arg2[%mul3A_0, %dma_start3A_568] : memref<10000x128xf32, #tpu.memory_space<hbm>> -> memref<624x128xf32, #tpu.memory_space<hbm>>
        tpu.enqueue_dma source(%dma_start3A_569 : memref<624x128xf32, #tpu.memory_space<hbm>>) target(%dma_start3A_567 : memref<624x128xf32, #tpu.memory_space<vmem_shared>>) target_semaphore(%run_scoped3A : memref<!tpu.dma_semaphore, #tpu.memory_space<semaphore_mem>>)
        %dma_wait3A_570 = arith.constant 0 : i32
        %dma_wait3A_571 = tpu.memref_slice %arg15[%mul3A_0, %dma_wait3A_570] : memref<10000x128xf32, #tpu.memory_space<vmem_shared>> -> memref<624x128xf32, #tpu.memory_space<vmem_shared>>
        %dma_wait3A_572 = arith.constant 0 : i32
        %dma_wait3A_573 = tpu.memref_slice %arg2[%mul3A_0, %dma_wait3A_572] : memref<10000x128xf32, #tpu.memory_space<hbm>> -> memref<624x128xf32, #tpu.memory_space<hbm>>
        tpu.wait_dma2 semaphore(%run_scoped3A : memref<!tpu.dma_semaphore, #tpu.memory_space<semaphore_mem>>) src(%dma_wait3A_573 : memref<624x128xf32, #tpu.memory_space<hbm>>) dst(%dma_wait3A_571 : memref<624x128xf32, #tpu.memory_space<vmem_shared>>)
        tpu.yield
      }) : () -> ()
      %eq3A_561 = arith.constant 15 : i32
      %eq3A_562 = arith.cmpi eq, %arg1, %eq3A_561 : i32
      %convert_element_type3A_563 = arith.extui %eq3A_562 : i1 to i32
      %cond3A_564 = arith.constant 0 : i32
      %cond3A_565 = arith.cmpi ne, %convert_element_type3A_563, %cond3A_564 : i32
      scf.if %cond3A_565 {
        "tpu.region"() ({
          %run_scoped3A = tpu.sem_alloc : memref<!tpu.dma_semaphore, #tpu.memory_space<semaphore_mem>>
          %dma_start3A_566 = arith.constant 9984 : i32
          %dma_start3A_567 = arith.constant 0 : i32
          %dma_start3A_568 = tpu.memref_slice %arg15[%dma_start3A_566, %dma_start3A_567] : memref<10000x128xf32, #tpu.memory_space<vmem_shared>> -> memref<16x128xf32, #tpu.memory_space<vmem_shared>>
          %dma_start3A_569 = arith.constant 9984 : i32
          %dma_start3A_570 = arith.constant 0 : i32
          %dma_start3A_571 = tpu.memref_slice %arg2[%dma_start3A_569, %dma_start3A_570] : memref<10000x128xf32, #tpu.memory_space<hbm>> -> memref<16x128xf32, #tpu.memory_space<hbm>>
          tpu.enqueue_dma source(%dma_start3A_571 : memref<16x128xf32, #tpu.memory_space<hbm>>) target(%dma_start3A_568 : memref<16x128xf32, #tpu.memory_space<vmem_shared>>) target_semaphore(%run_scoped3A : memref<!tpu.dma_semaphore, #tpu.memory_space<semaphore_mem>>)
          %dma_wait3A_572 = arith.constant 9984 : i32
          %dma_wait3A_573 = arith.constant 0 : i32
          %dma_wait3A_574 = tpu.memref_slice %arg15[%dma_wait3A_572, %dma_wait3A_573] : memref<10000x128xf32, #tpu.memory_space<vmem_shared>> -> memref<16x128xf32, #tpu.memory_space<vmem_shared>>
          %dma_wait3A_575 = arith.constant 9984 : i32
          %dma_wait3A_576 = arith.constant 0 : i32
          %dma_wait3A_577 = tpu.memref_slice %arg2[%dma_wait3A_575, %dma_wait3A_576] : memref<10000x128xf32, #tpu.memory_space<hbm>> -> memref<16x128xf32, #tpu.memory_space<hbm>>
          tpu.wait_dma2 semaphore(%run_scoped3A : memref<!tpu.dma_semaphore, #tpu.memory_space<semaphore_mem>>) src(%dma_wait3A_577 : memref<16x128xf32, #tpu.memory_space<hbm>>) dst(%dma_wait3A_574 : memref<16x128xf32, #tpu.memory_space<vmem_shared>>)
          tpu.yield
        }) : () -> ()
      } else {
      }
    } else {
    }
    %eq3A_3 = arith.constant 1 : i32
    %eq3A_4 = arith.cmpi eq, %arg0, %eq3A_3 : i32
    %convert_element_type3A_5 = arith.extui %eq3A_4 : i1 to i32
    %cond3A_6 = arith.constant 0 : i32
    %cond3A_7 = arith.cmpi ne, %convert_element_type3A_5, %cond3A_6 : i32
    scf.if %cond3A_7 {
      "tpu.region"() ({
        %run_scoped3A = tpu.sem_alloc : memref<!tpu.dma_semaphore, #tpu.memory_space<semaphore_mem>>
        %dma_start3A_566 = arith.constant 0 : i32
        %dma_start3A_567 = tpu.memref_slice %arg15[%mul3A_0, %dma_start3A_566] : memref<10000x128xf32, #tpu.memory_space<vmem_shared>> -> memref<624x128xf32, #tpu.memory_space<vmem_shared>>
        %dma_start3A_568 = arith.constant 0 : i32
        %dma_start3A_569 = tpu.memref_slice %arg5[%mul3A_0, %dma_start3A_568] : memref<10000x128xf32, #tpu.memory_space<hbm>> -> memref<624x128xf32, #tpu.memory_space<hbm>>
        tpu.enqueue_dma source(%dma_start3A_569 : memref<624x128xf32, #tpu.memory_space<hbm>>) target(%dma_start3A_567 : memref<624x128xf32, #tpu.memory_space<vmem_shared>>) target_semaphore(%run_scoped3A : memref<!tpu.dma_semaphore, #tpu.memory_space<semaphore_mem>>)
        %dma_wait3A_570 = arith.constant 0 : i32
        %dma_wait3A_571 = tpu.memref_slice %arg15[%mul3A_0, %dma_wait3A_570] : memref<10000x128xf32, #tpu.memory_space<vmem_shared>> -> memref<624x128xf32, #tpu.memory_space<vmem_shared>>
        %dma_wait3A_572 = arith.constant 0 : i32
        %dma_wait3A_573 = tpu.memref_slice %arg5[%mul3A_0, %dma_wait3A_572] : memref<10000x128xf32, #tpu.memory_space<hbm>> -> memref<624x128xf32, #tpu.memory_space<hbm>>
        tpu.wait_dma2 semaphore(%run_scoped3A : memref<!tpu.dma_semaphore, #tpu.memory_space<semaphore_mem>>) src(%dma_wait3A_573 : memref<624x128xf32, #tpu.memory_space<hbm>>) dst(%dma_wait3A_571 : memref<624x128xf32, #tpu.memory_space<vmem_shared>>)
        tpu.yield
      }) : () -> ()
      %eq3A_561 = arith.constant 15 : i32
      %eq3A_562 = arith.cmpi eq, %arg1, %eq3A_561 : i32
      %convert_element_type3A_563 = arith.extui %eq3A_562 : i1 to i32
      %cond3A_564 = arith.constant 0 : i32
      %cond3A_565 = arith.cmpi ne, %convert_element_type3A_563, %cond3A_564 : i32
      scf.if %cond3A_565 {
        "tpu.region"() ({
          %run_scoped3A = tpu.sem_alloc : memref<!tpu.dma_semaphore, #tpu.memory_space<semaphore_mem>>
          %dma_start3A_566 = arith.constant 9984 : i32
          %dma_start3A_567 = arith.constant 0 : i32
          %dma_start3A_568 = tpu.memref_slice %arg15[%dma_start3A_566, %dma_start3A_567] : memref<10000x128xf32, #tpu.memory_space<vmem_shared>> -> memref<16x128xf32, #tpu.memory_space<vmem_shared>>
          %dma_start3A_569 = arith.constant 9984 : i32
          %dma_start3A_570 = arith.constant 0 : i32
          %dma_start3A_571 = tpu.memref_slice %arg5[%dma_start3A_569, %dma_start3A_570] : memref<10000x128xf32, #tpu.memory_space<hbm>> -> memref<16x128xf32, #tpu.memory_space<hbm>>
          tpu.enqueue_dma source(%dma_start3A_571 : memref<16x128xf32, #tpu.memory_space<hbm>>) target(%dma_start3A_568 : memref<16x128xf32, #tpu.memory_space<vmem_shared>>) target_semaphore(%run_scoped3A : memref<!tpu.dma_semaphore, #tpu.memory_space<semaphore_mem>>)
          %dma_wait3A_572 = arith.constant 9984 : i32
          %dma_wait3A_573 = arith.constant 0 : i32
          %dma_wait3A_574 = tpu.memref_slice %arg15[%dma_wait3A_572, %dma_wait3A_573] : memref<10000x128xf32, #tpu.memory_space<vmem_shared>> -> memref<16x128xf32, #tpu.memory_space<vmem_shared>>
          %dma_wait3A_575 = arith.constant 9984 : i32
          %dma_wait3A_576 = arith.constant 0 : i32
          %dma_wait3A_577 = tpu.memref_slice %arg5[%dma_wait3A_575, %dma_wait3A_576] : memref<10000x128xf32, #tpu.memory_space<hbm>> -> memref<16x128xf32, #tpu.memory_space<hbm>>
          tpu.wait_dma2 semaphore(%run_scoped3A : memref<!tpu.dma_semaphore, #tpu.memory_space<semaphore_mem>>) src(%dma_wait3A_577 : memref<16x128xf32, #tpu.memory_space<hbm>>) dst(%dma_wait3A_574 : memref<16x128xf32, #tpu.memory_space<vmem_shared>>)
          tpu.yield
        }) : () -> ()
      } else {
      }
    } else {
    }
    %mul3A_8 = arith.constant 16 : i32
    %mul3A_9 = arith.muli %arg0, %mul3A_8 : i32
    %add3A = arith.addi %mul3A_9, %arg1 : i32
    %mul3A_10 = arith.constant 10000 : i32
    %mul3A_11 = arith.muli %add3A, %mul3A_10 : i32
    %barrier3A = arith.constant 0 : index
    tpu.barrier barrier_id(%barrier3A)
    "tpu.region"() ({
      %run_scoped3A = tpu.sem_alloc : memref<!tpu.dma_semaphore, #tpu.memory_space<semaphore_mem>>
      %dma_start3A_561 = tpu.memref_slice %arg3[%mul3A_11] : memref<320000xi32, #tpu.memory_space<hbm>> -> memref<3328xi32, #tpu.memory_space<hbm>>
      %dma_start3A_562 = tpu.memref_slice %arg3[%mul3A_11] : memref<320000xi32, #tpu.memory_space<hbm>> -> memref<3328xi32, #tpu.memory_space<hbm>>
      tpu.enqueue_dma source(%dma_start3A_562 : memref<3328xi32, #tpu.memory_space<hbm>>) target(%arg7 : memref<3328xi32, #tpu.memory_space<vmem>>) target_semaphore(%run_scoped3A : memref<!tpu.dma_semaphore, #tpu.memory_space<semaphore_mem>>)
      %dma_wait3A_563 = tpu.memref_slice %arg3[%mul3A_11] : memref<320000xi32, #tpu.memory_space<hbm>> -> memref<3328xi32, #tpu.memory_space<hbm>>
      %dma_wait3A_564 = tpu.memref_slice %arg3[%mul3A_11] : memref<320000xi32, #tpu.memory_space<hbm>> -> memref<3328xi32, #tpu.memory_space<hbm>>
      tpu.wait_dma2 semaphore(%run_scoped3A : memref<!tpu.dma_semaphore, #tpu.memory_space<semaphore_mem>>) src(%dma_wait3A_564 : memref<3328xi32, #tpu.memory_space<hbm>>) dst(%arg7 : memref<3328xi32, #tpu.memory_space<vmem>>)
      tpu.yield
    }) : () -> ()
    "tpu.region"() ({
      %run_scoped3A = tpu.sem_alloc : memref<!tpu.dma_semaphore, #tpu.memory_space<semaphore_mem>>
      %dma_start3A_561 = tpu.memref_slice %arg4[%mul3A_11] : memref<320000xi32, #tpu.memory_space<hbm>> -> memref<3328xi32, #tpu.memory_space<hbm>>
      %dma_start3A_562 = tpu.memref_slice %arg4[%mul3A_11] : memref<320000xi32, #tpu.memory_space<hbm>> -> memref<3328xi32, #tpu.memory_space<hbm>>
      tpu.enqueue_dma source(%dma_start3A_562 : memref<3328xi32, #tpu.memory_space<hbm>>) target(%arg9 : memref<3328xi32, #tpu.memory_space<vmem>>) target_semaphore(%run_scoped3A : memref<!tpu.dma_semaphore, #tpu.memory_space<semaphore_mem>>)
      %dma_wait3A_563 = tpu.memref_slice %arg4[%mul3A_11] : memref<320000xi32, #tpu.memory_space<hbm>> -> memref<3328xi32, #tpu.memory_space<hbm>>
      %dma_wait3A_564 = tpu.memref_slice %arg4[%mul3A_11] : memref<320000xi32, #tpu.memory_space<hbm>> -> memref<3328xi32, #tpu.memory_space<hbm>>
      tpu.wait_dma2 semaphore(%run_scoped3A : memref<!tpu.dma_semaphore, #tpu.memory_space<semaphore_mem>>) src(%dma_wait3A_564 : memref<3328xi32, #tpu.memory_space<hbm>>) dst(%arg9 : memref<3328xi32, #tpu.memory_space<vmem>>)
      tpu.yield
    }) : () -> ()
    %dma_start3A = arith.constant 0 : i32
    %dma_start3A_12 = tpu.memref_slice %arg7[%dma_start3A] : memref<3328xi32, #tpu.memory_space<vmem>> -> memref<64xi32, #tpu.memory_space<vmem>>
    %dma_start3A_13 = arith.constant 0 : i32
    %dma_start3A_14 = arith.constant 0 : i32
    %dma_start3A_15 = tpu.memref_slice %arg2[%dma_start3A_13, %dma_start3A_14] : memref<10000x128xf32, #tpu.memory_space<hbm>> -> memref<10000x128xf32, #tpu.memory_space<hbm>>
    tpu.enqueue_indirect_dma source(%dma_start3A_15 : memref<10000x128xf32, #tpu.memory_space<hbm>>) target(%arg11 : memref<64x128xf32, #tpu.memory_space<vmem>>) offsets(%dma_start3A_12 : memref<64xi32, #tpu.memory_space<vmem>>) semaphore(%arg16 : memref<!tpu.dma_semaphore, #tpu.memory_space<semaphore_mem>>)
    %dma_start3A_16 = arith.constant 64 : i32
    %dma_start3A_17 = tpu.memref_slice %arg7[%dma_start3A_16] : memref<3328xi32, #tpu.memory_space<vmem>> -> memref<64xi32, #tpu.memory_space<vmem>>
    %dma_start3A_18 = arith.constant 0 : i32
    %dma_start3A_19 = arith.constant 0 : i32
    %dma_start3A_20 = tpu.memref_slice %arg2[%dma_start3A_18, %dma_start3A_19] : memref<10000x128xf32, #tpu.memory_space<hbm>> -> memref<10000x128xf32, #tpu.memory_space<hbm>>
    tpu.enqueue_indirect_dma source(%dma_start3A_20 : memref<10000x128xf32, #tpu.memory_space<hbm>>) target(%arg12 : memref<64x128xf32, #tpu.memory_space<vmem>>) offsets(%dma_start3A_17 : memref<64xi32, #tpu.memory_space<vmem>>) semaphore(%arg17 : memref<!tpu.dma_semaphore, #tpu.memory_space<semaphore_mem>>)
    %dma_wait3A = arith.constant 0 : i32
    %dma_wait3A_21 = tpu.memref_slice %arg7[%dma_wait3A] : memref<3328xi32, #tpu.memory_space<vmem>> -> memref<64xi32, #tpu.memory_space<vmem>>
    %dma_wait3A_22 = arith.constant 0 : i32
    %dma_wait3A_23 = arith.constant 0 : i32
    %dma_wait3A_24 = tpu.memref_slice %arg2[%dma_wait3A_22, %dma_wait3A_23] : memref<10000x128xf32, #tpu.memory_space<hbm>> -> memref<10000x128xf32, #tpu.memory_space<hbm>>
    tpu.wait_indirect_dma semaphore(%arg16 : memref<!tpu.dma_semaphore, #tpu.memory_space<semaphore_mem>>) src(%dma_wait3A_24 : memref<10000x128xf32, #tpu.memory_space<hbm>>) dst(%arg11 : memref<64x128xf32, #tpu.memory_space<vmem>>)
    %dma_start3A_25 = arith.constant 0 : i32
    %dma_start3A_26 = tpu.memref_slice %arg9[%dma_start3A_25] : memref<3328xi32, #tpu.memory_space<vmem>> -> memref<64xi32, #tpu.memory_space<vmem>>
    %dma_start3A_27 = arith.constant 0 : i32
    %dma_start3A_28 = arith.constant 0 : i32
    %dma_start3A_29 = tpu.memref_slice %arg15[%dma_start3A_27, %dma_start3A_28] : memref<10000x128xf32, #tpu.memory_space<vmem_shared>> -> memref<10000x128xf32, #tpu.memory_space<vmem_shared>>
    tpu.enqueue_indirect_dma source(%arg11 : memref<64x128xf32, #tpu.memory_space<vmem>>) target(%dma_start3A_29 : memref<10000x128xf32, #tpu.memory_space<vmem_shared>>) offsets(%dma_start3A_26 : memref<64xi32, #tpu.memory_space<vmem>>) semaphore(%arg20 : memref<!tpu.dma_semaphore, #tpu.memory_space<semaphore_mem>>) {add = true}
    %dma_start3A_30 = arith.constant 128 : i32
    %dma_start3A_31 = tpu.memref_slice %arg7[%dma_start3A_30] : memref<3328xi32, #tpu.memory_space<vmem>> -> memref<64xi32, #tpu.memory_space<vmem>>
    %dma_start3A_32 = arith.constant 0 : i32
    %dma_start3A_33 = arith.constant 0 : i32
    %dma_start3A_34 = tpu.memref_slice %arg2[%dma_start3A_32, %dma_start3A_33] : memref<10000x128xf32, #tpu.memory_space<hbm>> -> memref<10000x128xf32, #tpu.memory_space<hbm>>
    tpu.enqueue_indirect_dma source(%dma_start3A_34 : memref<10000x128xf32, #tpu.memory_space<hbm>>) target(%arg13 : memref<64x128xf32, #tpu.memory_space<vmem>>) offsets(%dma_start3A_31 : memref<64xi32, #tpu.memory_space<vmem>>) semaphore(%arg18 : memref<!tpu.dma_semaphore, #tpu.memory_space<semaphore_mem>>)
    %dma_wait3A_35 = arith.constant 64 : i32
    %dma_wait3A_36 = tpu.memref_slice %arg7[%dma_wait3A_35] : memref<3328xi32, #tpu.memory_space<vmem>> -> memref<64xi32, #tpu.memory_space<vmem>>
    %dma_wait3A_37 = arith.constant 0 : i32
    %dma_wait3A_38 = arith.constant 0 : i32
    %dma_wait3A_39 = tpu.memref_slice %arg2[%dma_wait3A_37, %dma_wait3A_38] : memref<10000x128xf32, #tpu.memory_space<hbm>> -> memref<10000x128xf32, #tpu.memory_space<hbm>>
    tpu.wait_indirect_dma semaphore(%arg17 : memref<!tpu.dma_semaphore, #tpu.memory_space<semaphore_mem>>) src(%dma_wait3A_39 : memref<10000x128xf32, #tpu.memory_space<hbm>>) dst(%arg12 : memref<64x128xf32, #tpu.memory_space<vmem>>)
    %dma_start3A_40 = arith.constant 64 : i32
    %dma_start3A_41 = tpu.memref_slice %arg9[%dma_start3A_40] : memref<3328xi32, #tpu.memory_space<vmem>> -> memref<64xi32, #tpu.memory_space<vmem>>
    %dma_start3A_42 = arith.constant 0 : i32
    %dma_start3A_43 = arith.constant 0 : i32
    %dma_start3A_44 = tpu.memref_slice %arg15[%dma_start3A_42, %dma_start3A_43] : memref<10000x128xf32, #tpu.memory_space<vmem_shared>> -> memref<10000x128xf32, #tpu.memory_space<vmem_shared>>
    tpu.enqueue_indirect_dma source(%arg12 : memref<64x128xf32, #tpu.memory_space<vmem>>) target(%dma_start3A_44 : memref<10000x128xf32, #tpu.memory_space<vmem_shared>>) offsets(%dma_start3A_41 : memref<64xi32, #tpu.memory_space<vmem>>) semaphore(%arg21 : memref<!tpu.dma_semaphore, #tpu.memory_space<semaphore_mem>>) {add = true}
    %dma_start3A_45 = arith.constant 192 : i32
    %dma_start3A_46 = tpu.memref_slice %arg7[%dma_start3A_45] : memref<3328xi32, #tpu.memory_space<vmem>> -> memref<64xi32, #tpu.memory_space<vmem>>
    %dma_start3A_47 = arith.constant 0 : i32
    %dma_start3A_48 = arith.constant 0 : i32
    %dma_start3A_49 = tpu.memref_slice %arg2[%dma_start3A_47, %dma_start3A_48] : memref<10000x128xf32, #tpu.memory_space<hbm>> -> memref<10000x128xf32, #tpu.memory_space<hbm>>
    tpu.enqueue_indirect_dma source(%dma_start3A_49 : memref<10000x128xf32, #tpu.memory_space<hbm>>) target(%arg14 : memref<64x128xf32, #tpu.memory_space<vmem>>) offsets(%dma_start3A_46 : memref<64xi32, #tpu.memory_space<vmem>>) semaphore(%arg19 : memref<!tpu.dma_semaphore, #tpu.memory_space<semaphore_mem>>)
    %dma_wait3A_50 = arith.constant 128 : i32
    %dma_wait3A_51 = tpu.memref_slice %arg7[%dma_wait3A_50] : memref<3328xi32, #tpu.memory_space<vmem>> -> memref<64xi32, #tpu.memory_space<vmem>>
    %dma_wait3A_52 = arith.constant 0 : i32
    %dma_wait3A_53 = arith.constant 0 : i32
    %dma_wait3A_54 = tpu.memref_slice %arg2[%dma_wait3A_52, %dma_wait3A_53] : memref<10000x128xf32, #tpu.memory_space<hbm>> -> memref<10000x128xf32, #tpu.memory_space<hbm>>
    tpu.wait_indirect_dma semaphore(%arg18 : memref<!tpu.dma_semaphore, #tpu.memory_space<semaphore_mem>>) src(%dma_wait3A_54 : memref<10000x128xf32, #tpu.memory_space<hbm>>) dst(%arg13 : memref<64x128xf32, #tpu.memory_space<vmem>>)
    %dma_start3A_55 = arith.constant 128 : i32
    %dma_start3A_56 = tpu.memref_slice %arg9[%dma_start3A_55] : memref<3328xi32, #tpu.memory_space<vmem>> -> memref<64xi32, #tpu.memory_space<vmem>>
    %dma_start3A_57 = arith.constant 0 : i32
    %dma_start3A_58 = arith.constant 0 : i32
    %dma_start3A_59 = tpu.memref_slice %arg15[%dma_start3A_57, %dma_start3A_58] : memref<10000x128xf32, #tpu.memory_space<vmem_shared>> -> memref<10000x128xf32, #tpu.memory_space<vmem_shared>>
    tpu.enqueue_indirect_dma source(%arg13 : memref<64x128xf32, #tpu.memory_space<vmem>>) target(%dma_start3A_59 : memref<10000x128xf32, #tpu.memory_space<vmem_shared>>) offsets(%dma_start3A_56 : memref<64xi32, #tpu.memory_space<vmem>>) semaphore(%arg22 : memref<!tpu.dma_semaphore, #tpu.memory_space<semaphore_mem>>) {add = true}
    %dma_wait3A_60 = arith.constant 0 : i32
    %dma_wait3A_61 = tpu.memref_slice %arg9[%dma_wait3A_60] : memref<3328xi32, #tpu.memory_space<vmem>> -> memref<64xi32, #tpu.memory_space<vmem>>
    %dma_wait3A_62 = arith.constant 0 : i32
    %dma_wait3A_63 = arith.constant 0 : i32
    %dma_wait3A_64 = tpu.memref_slice %arg15[%dma_wait3A_62, %dma_wait3A_63] : memref<10000x128xf32, #tpu.memory_space<vmem_shared>> -> memref<10000x128xf32, #tpu.memory_space<vmem_shared>>
    tpu.wait_indirect_dma semaphore(%arg20 : memref<!tpu.dma_semaphore, #tpu.memory_space<semaphore_mem>>) src(%arg11 : memref<64x128xf32, #tpu.memory_space<vmem>>) dst(%dma_wait3A_64 : memref<10000x128xf32, #tpu.memory_space<vmem_shared>>)
    %dma_start3A_65 = arith.constant 256 : i32
    %dma_start3A_66 = tpu.memref_slice %arg7[%dma_start3A_65] : memref<3328xi32, #tpu.memory_space<vmem>> -> memref<64xi32, #tpu.memory_space<vmem>>
    %dma_start3A_67 = arith.constant 0 : i32
    %dma_start3A_68 = arith.constant 0 : i32
    %dma_start3A_69 = tpu.memref_slice %arg2[%dma_start3A_67, %dma_start3A_68] : memref<10000x128xf32, #tpu.memory_space<hbm>> -> memref<10000x128xf32, #tpu.memory_space<hbm>>
    tpu.enqueue_indirect_dma source(%dma_start3A_69 : memref<10000x128xf32, #tpu.memory_space<hbm>>) target(%arg11 : memref<64x128xf32, #tpu.memory_space<vmem>>) offsets(%dma_start3A_66 : memref<64xi32, #tpu.memory_space<vmem>>) semaphore(%arg16 : memref<!tpu.dma_semaphore, #tpu.memory_space<semaphore_mem>>)
    %dma_wait3A_70 = arith.constant 192 : i32
    %dma_wait3A_71 = tpu.memref_slice %arg7[%dma_wait3A_70] : memref<3328xi32, #tpu.memory_space<vmem>> -> memref<64xi32, #tpu.memory_space<vmem>>
    %dma_wait3A_72 = arith.constant 0 : i32
    %dma_wait3A_73 = arith.constant 0 : i32
    %dma_wait3A_74 = tpu.memref_slice %arg2[%dma_wait3A_72, %dma_wait3A_73] : memref<10000x128xf32, #tpu.memory_space<hbm>> -> memref<10000x128xf32, #tpu.memory_space<hbm>>
    tpu.wait_indirect_dma semaphore(%arg19 : memref<!tpu.dma_semaphore, #tpu.memory_space<semaphore_mem>>) src(%dma_wait3A_74 : memref<10000x128xf32, #tpu.memory_space<hbm>>) dst(%arg14 : memref<64x128xf32, #tpu.memory_space<vmem>>)
    %dma_start3A_75 = arith.constant 192 : i32
    %dma_start3A_76 = tpu.memref_slice %arg9[%dma_start3A_75] : memref<3328xi32, #tpu.memory_space<vmem>> -> memref<64xi32, #tpu.memory_space<vmem>>
    %dma_start3A_77 = arith.constant 0 : i32
    %dma_start3A_78 = arith.constant 0 : i32
    %dma_start3A_79 = tpu.memref_slice %arg15[%dma_start3A_77, %dma_start3A_78] : memref<10000x128xf32, #tpu.memory_space<vmem_shared>> -> memref<10000x128xf32, #tpu.memory_space<vmem_shared>>
    tpu.enqueue_indirect_dma source(%arg14 : memref<64x128xf32, #tpu.memory_space<vmem>>) target(%dma_start3A_79 : memref<10000x128xf32, #tpu.memory_space<vmem_shared>>) offsets(%dma_start3A_76 : memref<64xi32, #tpu.memory_space<vmem>>) semaphore(%arg23 : memref<!tpu.dma_semaphore, #tpu.memory_space<semaphore_mem>>) {add = true}
    %dma_wait3A_80 = arith.constant 64 : i32
    %dma_wait3A_81 = tpu.memref_slice %arg9[%dma_wait3A_80] : memref<3328xi32, #tpu.memory_space<vmem>> -> memref<64xi32, #tpu.memory_space<vmem>>
    %dma_wait3A_82 = arith.constant 0 : i32
    %dma_wait3A_83 = arith.constant 0 : i32
    %dma_wait3A_84 = tpu.memref_slice %arg15[%dma_wait3A_82, %dma_wait3A_83] : memref<10000x128xf32, #tpu.memory_space<vmem_shared>> -> memref<10000x128xf32, #tpu.memory_space<vmem_shared>>
    tpu.wait_indirect_dma semaphore(%arg21 : memref<!tpu.dma_semaphore, #tpu.memory_space<semaphore_mem>>) src(%arg12 : memref<64x128xf32, #tpu.memory_space<vmem>>) dst(%dma_wait3A_84 : memref<10000x128xf32, #tpu.memory_space<vmem_shared>>)
    %dma_start3A_85 = arith.constant 320 : i32
    %dma_start3A_86 = tpu.memref_slice %arg7[%dma_start3A_85] : memref<3328xi32, #tpu.memory_space<vmem>> -> memref<64xi32, #tpu.memory_space<vmem>>
    %dma_start3A_87 = arith.constant 0 : i32
    %dma_start3A_88 = arith.constant 0 : i32
    %dma_start3A_89 = tpu.memref_slice %arg2[%dma_start3A_87, %dma_start3A_88] : memref<10000x128xf32, #tpu.memory_space<hbm>> -> memref<10000x128xf32, #tpu.memory_space<hbm>>
    tpu.enqueue_indirect_dma source(%dma_start3A_89 : memref<10000x128xf32, #tpu.memory_space<hbm>>) target(%arg12 : memref<64x128xf32, #tpu.memory_space<vmem>>) offsets(%dma_start3A_86 : memref<64xi32, #tpu.memory_space<vmem>>) semaphore(%arg17 : memref<!tpu.dma_semaphore, #tpu.memory_space<semaphore_mem>>)
    %add3A_90 = arith.constant 3328 : i32
    %add3A_91 = arith.addi %mul3A_11, %add3A_90 : i32
    %dma_start3A_92 = tpu.memref_slice %arg3[%add3A_91] : memref<320000xi32, #tpu.memory_space<hbm>> -> memref<3328xi32, #tpu.memory_space<hbm>>
    %dma_start3A_93 = tpu.memref_slice %arg3[%add3A_91] : memref<320000xi32, #tpu.memory_space<hbm>> -> memref<3328xi32, #tpu.memory_space<hbm>>
    tpu.enqueue_dma source(%dma_start3A_93 : memref<3328xi32, #tpu.memory_space<hbm>>) target(%arg8 : memref<3328xi32, #tpu.memory_space<vmem>>) target_semaphore(%arg24 : memref<!tpu.dma_semaphore, #tpu.memory_space<semaphore_mem>>)
    %dma_start3A_94 = tpu.memref_slice %arg4[%add3A_91] : memref<320000xi32, #tpu.memory_space<hbm>> -> memref<3328xi32, #tpu.memory_space<hbm>>
    %dma_start3A_95 = tpu.memref_slice %arg4[%add3A_91] : memref<320000xi32, #tpu.memory_space<hbm>> -> memref<3328xi32, #tpu.memory_space<hbm>>
    tpu.enqueue_dma source(%dma_start3A_95 : memref<3328xi32, #tpu.memory_space<hbm>>) target(%arg10 : memref<3328xi32, #tpu.memory_space<vmem>>) target_semaphore(%arg24 : memref<!tpu.dma_semaphore, #tpu.memory_space<semaphore_mem>>)
    %scan3A = arith.constant 0 : i32
    %scan3A_96 = arith.constant 1 : i32
    %scan3A_97 = arith.constant 11 : i32
    %scan3A_98 = arith.addi %scan3A_96, %scan3A_97 : i32
    %scan3A_99 = arith.constant 1 : i32
    scf.for %scan3A_561 = %scan3A_96 to %scan3A_98 step %scan3A_99  : i32 {
      %mul3A_562 = arith.constant 4 : i32
      %mul3A_563 = arith.muli %mul3A_562, %scan3A_561 : i32
      %add3A_564 = arith.constant 0 : i32
      %add3A_565 = arith.addi %mul3A_563, %add3A_564 : i32
      %mul3A_566 = arith.constant 64 : i32
      %mul3A_567 = arith.muli %add3A_565, %mul3A_566 : i32
      %dma_wait3A_568 = tpu.memref_slice %arg7[%mul3A_567] : memref<3328xi32, #tpu.memory_space<vmem>> -> memref<64xi32, #tpu.memory_space<vmem>>
      %dma_wait3A_569 = arith.constant 0 : i32
      %dma_wait3A_570 = arith.constant 0 : i32
      %dma_wait3A_571 = tpu.memref_slice %arg2[%dma_wait3A_569, %dma_wait3A_570] : memref<10000x128xf32, #tpu.memory_space<hbm>> -> memref<10000x128xf32, #tpu.memory_space<hbm>>
      tpu.wait_indirect_dma semaphore(%arg16 : memref<!tpu.dma_semaphore, #tpu.memory_space<semaphore_mem>>) src(%dma_wait3A_571 : memref<10000x128xf32, #tpu.memory_space<hbm>>) dst(%arg11 : memref<64x128xf32, #tpu.memory_space<vmem>>)
      %mul3A_572 = arith.constant 64 : i32
      %mul3A_573 = arith.muli %add3A_565, %mul3A_572 : i32
      %dma_start3A_574 = tpu.memref_slice %arg9[%mul3A_573] : memref<3328xi32, #tpu.memory_space<vmem>> -> memref<64xi32, #tpu.memory_space<vmem>>
      %dma_start3A_575 = arith.constant 0 : i32
      %dma_start3A_576 = arith.constant 0 : i32
      %dma_start3A_577 = tpu.memref_slice %arg15[%dma_start3A_575, %dma_start3A_576] : memref<10000x128xf32, #tpu.memory_space<vmem_shared>> -> memref<10000x128xf32, #tpu.memory_space<vmem_shared>>
      tpu.enqueue_indirect_dma source(%arg11 : memref<64x128xf32, #tpu.memory_space<vmem>>) target(%dma_start3A_577 : memref<10000x128xf32, #tpu.memory_space<vmem_shared>>) offsets(%dma_start3A_574 : memref<64xi32, #tpu.memory_space<vmem>>) semaphore(%arg20 : memref<!tpu.dma_semaphore, #tpu.memory_space<semaphore_mem>>) {add = true}
      %sub3A = arith.constant 2 : i32
      %sub3A_578 = arith.subi %add3A_565, %sub3A : i32
      %mul3A_579 = arith.constant 64 : i32
      %mul3A_580 = arith.muli %sub3A_578, %mul3A_579 : i32
      %dma_wait3A_581 = tpu.memref_slice %arg9[%mul3A_580] : memref<3328xi32, #tpu.memory_space<vmem>> -> memref<64xi32, #tpu.memory_space<vmem>>
      %dma_wait3A_582 = arith.constant 0 : i32
      %dma_wait3A_583 = arith.constant 0 : i32
      %dma_wait3A_584 = tpu.memref_slice %arg15[%dma_wait3A_582, %dma_wait3A_583] : memref<10000x128xf32, #tpu.memory_space<vmem_shared>> -> memref<10000x128xf32, #tpu.memory_space<vmem_shared>>
      tpu.wait_indirect_dma semaphore(%arg22 : memref<!tpu.dma_semaphore, #tpu.memory_space<semaphore_mem>>) src(%arg13 : memref<64x128xf32, #tpu.memory_space<vmem>>) dst(%dma_wait3A_584 : memref<10000x128xf32, #tpu.memory_space<vmem_shared>>)
      %add3A_585 = arith.constant 2 : i32
      %add3A_586 = arith.addi %add3A_565, %add3A_585 : i32
      %mul3A_587 = arith.constant 64 : i32
      %mul3A_588 = arith.muli %add3A_586, %mul3A_587 : i32
      %dma_start3A_589 = tpu.memref_slice %arg7[%mul3A_588] : memref<3328xi32, #tpu.memory_space<vmem>> -> memref<64xi32, #tpu.memory_space<vmem>>
      %dma_start3A_590 = arith.constant 0 : i32
      %dma_start3A_591 = arith.constant 0 : i32
      %dma_start3A_592 = tpu.memref_slice %arg2[%dma_start3A_590, %dma_start3A_591] : memref<10000x128xf32, #tpu.memory_space<hbm>> -> memref<10000x128xf32, #tpu.memory_space<hbm>>
      tpu.enqueue_indirect_dma source(%dma_start3A_592 : memref<10000x128xf32, #tpu.memory_space<hbm>>) target(%arg13 : memref<64x128xf32, #tpu.memory_space<vmem>>) offsets(%dma_start3A_589 : memref<64xi32, #tpu.memory_space<vmem>>) semaphore(%arg18 : memref<!tpu.dma_semaphore, #tpu.memory_space<semaphore_mem>>)
      %mul3A_593 = arith.constant 4 : i32
      %mul3A_594 = arith.muli %mul3A_593, %scan3A_561 : i32
      %add3A_595 = arith.constant 1 : i32
      %add3A_596 = arith.addi %mul3A_594, %add3A_595 : i32
      %mul3A_597 = arith.constant 64 : i32
      %mul3A_598 = arith.muli %add3A_596, %mul3A_597 : i32
      %dma_wait3A_599 = tpu.memref_slice %arg7[%mul3A_598] : memref<3328xi32, #tpu.memory_space<vmem>> -> memref<64xi32, #tpu.memory_space<vmem>>
      %dma_wait3A_600 = arith.constant 0 : i32
      %dma_wait3A_601 = arith.constant 0 : i32
      %dma_wait3A_602 = tpu.memref_slice %arg2[%dma_wait3A_600, %dma_wait3A_601] : memref<10000x128xf32, #tpu.memory_space<hbm>> -> memref<10000x128xf32, #tpu.memory_space<hbm>>
      tpu.wait_indirect_dma semaphore(%arg17 : memref<!tpu.dma_semaphore, #tpu.memory_space<semaphore_mem>>) src(%dma_wait3A_602 : memref<10000x128xf32, #tpu.memory_space<hbm>>) dst(%arg12 : memref<64x128xf32, #tpu.memory_space<vmem>>)
      %mul3A_603 = arith.constant 64 : i32
      %mul3A_604 = arith.muli %add3A_596, %mul3A_603 : i32
      %dma_start3A_605 = tpu.memref_slice %arg9[%mul3A_604] : memref<3328xi32, #tpu.memory_space<vmem>> -> memref<64xi32, #tpu.memory_space<vmem>>
      %dma_start3A_606 = arith.constant 0 : i32
      %dma_start3A_607 = arith.constant 0 : i32
      %dma_start3A_608 = tpu.memref_slice %arg15[%dma_start3A_606, %dma_start3A_607] : memref<10000x128xf32, #tpu.memory_space<vmem_shared>> -> memref<10000x128xf32, #tpu.memory_space<vmem_shared>>
      tpu.enqueue_indirect_dma source(%arg12 : memref<64x128xf32, #tpu.memory_space<vmem>>) target(%dma_start3A_608 : memref<10000x128xf32, #tpu.memory_space<vmem_shared>>) offsets(%dma_start3A_605 : memref<64xi32, #tpu.memory_space<vmem>>) semaphore(%arg21 : memref<!tpu.dma_semaphore, #tpu.memory_space<semaphore_mem>>) {add = true}
      %sub3A_609 = arith.constant 2 : i32
      %sub3A_610 = arith.subi %add3A_596, %sub3A_609 : i32
      %mul3A_611 = arith.constant 64 : i32
      %mul3A_612 = arith.muli %sub3A_610, %mul3A_611 : i32
      %dma_wait3A_613 = tpu.memref_slice %arg9[%mul3A_612] : memref<3328xi32, #tpu.memory_space<vmem>> -> memref<64xi32, #tpu.memory_space<vmem>>
      %dma_wait3A_614 = arith.constant 0 : i32
      %dma_wait3A_615 = arith.constant 0 : i32
      %dma_wait3A_616 = tpu.memref_slice %arg15[%dma_wait3A_614, %dma_wait3A_615] : memref<10000x128xf32, #tpu.memory_space<vmem_shared>> -> memref<10000x128xf32, #tpu.memory_space<vmem_shared>>
      tpu.wait_indirect_dma semaphore(%arg23 : memref<!tpu.dma_semaphore, #tpu.memory_space<semaphore_mem>>) src(%arg14 : memref<64x128xf32, #tpu.memory_space<vmem>>) dst(%dma_wait3A_616 : memref<10000x128xf32, #tpu.memory_space<vmem_shared>>)
      %add3A_617 = arith.constant 2 : i32
      %add3A_618 = arith.addi %add3A_596, %add3A_617 : i32
      %mul3A_619 = arith.constant 64 : i32
      %mul3A_620 = arith.muli %add3A_618, %mul3A_619 : i32
      %dma_start3A_621 = tpu.memref_slice %arg7[%mul3A_620] : memref<3328xi32, #tpu.memory_space<vmem>> -> memref<64xi32, #tpu.memory_space<vmem>>
      %dma_start3A_622 = arith.constant 0 : i32
      %dma_start3A_623 = arith.constant 0 : i32
      %dma_start3A_624 = tpu.memref_slice %arg2[%dma_start3A_622, %dma_start3A_623] : memref<10000x128xf32, #tpu.memory_space<hbm>> -> memref<10000x128xf32, #tpu.memory_space<hbm>>
      tpu.enqueue_indirect_dma source(%dma_start3A_624 : memref<10000x128xf32, #tpu.memory_space<hbm>>) target(%arg14 : memref<64x128xf32, #tpu.memory_space<vmem>>) offsets(%dma_start3A_621 : memref<64xi32, #tpu.memory_space<vmem>>) semaphore(%arg19 : memref<!tpu.dma_semaphore, #tpu.memory_space<semaphore_mem>>)
      %mul3A_625 = arith.constant 4 : i32
      %mul3A_626 = arith.muli %mul3A_625, %scan3A_561 : i32
      %add3A_627 = arith.constant 2 : i32
      %add3A_628 = arith.addi %mul3A_626, %add3A_627 : i32
      %mul3A_629 = arith.constant 64 : i32
      %mul3A_630 = arith.muli %add3A_628, %mul3A_629 : i32
      %dma_wait3A_631 = tpu.memref_slice %arg7[%mul3A_630] : memref<3328xi32, #tpu.memory_space<vmem>> -> memref<64xi32, #tpu.memory_space<vmem>>
      %dma_wait3A_632 = arith.constant 0 : i32
      %dma_wait3A_633 = arith.constant 0 : i32
      %dma_wait3A_634 = tpu.memref_slice %arg2[%dma_wait3A_632, %dma_wait3A_633] : memref<10000x128xf32, #tpu.memory_space<hbm>> -> memref<10000x128xf32, #tpu.memory_space<hbm>>
      tpu.wait_indirect_dma semaphore(%arg18 : memref<!tpu.dma_semaphore, #tpu.memory_space<semaphore_mem>>) src(%dma_wait3A_634 : memref<10000x128xf32, #tpu.memory_space<hbm>>) dst(%arg13 : memref<64x128xf32, #tpu.memory_space<vmem>>)
      %mul3A_635 = arith.constant 64 : i32
      %mul3A_636 = arith.muli %add3A_628, %mul3A_635 : i32
      %dma_start3A_637 = tpu.memref_slice %arg9[%mul3A_636] : memref<3328xi32, #tpu.memory_space<vmem>> -> memref<64xi32, #tpu.memory_space<vmem>>
      %dma_start3A_638 = arith.constant 0 : i32
      %dma_start3A_639 = arith.constant 0 : i32
      %dma_start3A_640 = tpu.memref_slice %arg15[%dma_start3A_638, %dma_start3A_639] : memref<10000x128xf32, #tpu.memory_space<vmem_shared>> -> memref<10000x128xf32, #tpu.memory_space<vmem_shared>>
      tpu.enqueue_indirect_dma source(%arg13 : memref<64x128xf32, #tpu.memory_space<vmem>>) target(%dma_start3A_640 : memref<10000x128xf32, #tpu.memory_space<vmem_shared>>) offsets(%dma_start3A_637 : memref<64xi32, #tpu.memory_space<vmem>>) semaphore(%arg22 : memref<!tpu.dma_semaphore, #tpu.memory_space<semaphore_mem>>) {add = true}
      %sub3A_641 = arith.constant 2 : i32
      %sub3A_642 = arith.subi %add3A_628, %sub3A_641 : i32
      %mul3A_643 = arith.constant 64 : i32
      %mul3A_644 = arith.muli %sub3A_642, %mul3A_643 : i32
      %dma_wait3A_645 = tpu.memref_slice %arg9[%mul3A_644] : memref<3328xi32, #tpu.memory_space<vmem>> -> memref<64xi32, #tpu.memory_space<vmem>>
      %dma_wait3A_646 = arith.constant 0 : i32
      %dma_wait3A_647 = arith.constant 0 : i32
      %dma_wait3A_648 = tpu.memref_slice %arg15[%dma_wait3A_646, %dma_wait3A_647] : memref<10000x128xf32, #tpu.memory_space<vmem_shared>> -> memref<10000x128xf32, #tpu.memory_space<vmem_shared>>
      tpu.wait_indirect_dma semaphore(%arg20 : memref<!tpu.dma_semaphore, #tpu.memory_space<semaphore_mem>>) src(%arg11 : memref<64x128xf32, #tpu.memory_space<vmem>>) dst(%dma_wait3A_648 : memref<10000x128xf32, #tpu.memory_space<vmem_shared>>)
      %add3A_649 = arith.constant 2 : i32
      %add3A_650 = arith.addi %add3A_628, %add3A_649 : i32
      %mul3A_651 = arith.constant 64 : i32
      %mul3A_652 = arith.muli %add3A_650, %mul3A_651 : i32
      %dma_start3A_653 = tpu.memref_slice %arg7[%mul3A_652] : memref<3328xi32, #tpu.memory_space<vmem>> -> memref<64xi32, #tpu.memory_space<vmem>>
      %dma_start3A_654 = arith.constant 0 : i32
      %dma_start3A_655 = arith.constant 0 : i32
      %dma_start3A_656 = tpu.memref_slice %arg2[%dma_start3A_654, %dma_start3A_655] : memref<10000x128xf32, #tpu.memory_space<hbm>> -> memref<10000x128xf32, #tpu.memory_space<hbm>>
      tpu.enqueue_indirect_dma source(%dma_start3A_656 : memref<10000x128xf32, #tpu.memory_space<hbm>>) target(%arg11 : memref<64x128xf32, #tpu.memory_space<vmem>>) offsets(%dma_start3A_653 : memref<64xi32, #tpu.memory_space<vmem>>) semaphore(%arg16 : memref<!tpu.dma_semaphore, #tpu.memory_space<semaphore_mem>>)
      %mul3A_657 = arith.constant 4 : i32
      %mul3A_658 = arith.muli %mul3A_657, %scan3A_561 : i32
      %add3A_659 = arith.constant 3 : i32
      %add3A_660 = arith.addi %mul3A_658, %add3A_659 : i32
      %mul3A_661 = arith.constant 64 : i32
      %mul3A_662 = arith.muli %add3A_660, %mul3A_661 : i32
      %dma_wait3A_663 = tpu.memref_slice %arg7[%mul3A_662] : memref<3328xi32, #tpu.memory_space<vmem>> -> memref<64xi32, #tpu.memory_space<vmem>>
      %dma_wait3A_664 = arith.constant 0 : i32
      %dma_wait3A_665 = arith.constant 0 : i32
      %dma_wait3A_666 = tpu.memref_slice %arg2[%dma_wait3A_664, %dma_wait3A_665] : memref<10000x128xf32, #tpu.memory_space<hbm>> -> memref<10000x128xf32, #tpu.memory_space<hbm>>
      tpu.wait_indirect_dma semaphore(%arg19 : memref<!tpu.dma_semaphore, #tpu.memory_space<semaphore_mem>>) src(%dma_wait3A_666 : memref<10000x128xf32, #tpu.memory_space<hbm>>) dst(%arg14 : memref<64x128xf32, #tpu.memory_space<vmem>>)
      %mul3A_667 = arith.constant 64 : i32
      %mul3A_668 = arith.muli %add3A_660, %mul3A_667 : i32
      %dma_start3A_669 = tpu.memref_slice %arg9[%mul3A_668] : memref<3328xi32, #tpu.memory_space<vmem>> -> memref<64xi32, #tpu.memory_space<vmem>>
      %dma_start3A_670 = arith.constant 0 : i32
      %dma_start3A_671 = arith.constant 0 : i32
      %dma_start3A_672 = tpu.memref_slice %arg15[%dma_start3A_670, %dma_start3A_671] : memref<10000x128xf32, #tpu.memory_space<vmem_shared>> -> memref<10000x128xf32, #tpu.memory_space<vmem_shared>>
      tpu.enqueue_indirect_dma source(%arg14 : memref<64x128xf32, #tpu.memory_space<vmem>>) target(%dma_start3A_672 : memref<10000x128xf32, #tpu.memory_space<vmem_shared>>) offsets(%dma_start3A_669 : memref<64xi32, #tpu.memory_space<vmem>>) semaphore(%arg23 : memref<!tpu.dma_semaphore, #tpu.memory_space<semaphore_mem>>) {add = true}
      %sub3A_673 = arith.constant 2 : i32
      %sub3A_674 = arith.subi %add3A_660, %sub3A_673 : i32
      %mul3A_675 = arith.constant 64 : i32
      %mul3A_676 = arith.muli %sub3A_674, %mul3A_675 : i32
      %dma_wait3A_677 = tpu.memref_slice %arg9[%mul3A_676] : memref<3328xi32, #tpu.memory_space<vmem>> -> memref<64xi32, #tpu.memory_space<vmem>>
      %dma_wait3A_678 = arith.constant 0 : i32
      %dma_wait3A_679 = arith.constant 0 : i32
      %dma_wait3A_680 = tpu.memref_slice %arg15[%dma_wait3A_678, %dma_wait3A_679] : memref<10000x128xf32, #tpu.memory_space<vmem_shared>> -> memref<10000x128xf32, #tpu.memory_space<vmem_shared>>
      tpu.wait_indirect_dma semaphore(%arg21 : memref<!tpu.dma_semaphore, #tpu.memory_space<semaphore_mem>>) src(%arg12 : memref<64x128xf32, #tpu.memory_space<vmem>>) dst(%dma_wait3A_680 : memref<10000x128xf32, #tpu.memory_space<vmem_shared>>)
      %add3A_681 = arith.constant 2 : i32
      %add3A_682 = arith.addi %add3A_660, %add3A_681 : i32
      %mul3A_683 = arith.constant 64 : i32
      %mul3A_684 = arith.muli %add3A_682, %mul3A_683 : i32
      %dma_start3A_685 = tpu.memref_slice %arg7[%mul3A_684] : memref<3328xi32, #tpu.memory_space<vmem>> -> memref<64xi32, #tpu.memory_space<vmem>>
      %dma_start3A_686 = arith.constant 0 : i32
      %dma_start3A_687 = arith.constant 0 : i32
      %dma_start3A_688 = tpu.memref_slice %arg2[%dma_start3A_686, %dma_start3A_687] : memref<10000x128xf32, #tpu.memory_space<hbm>> -> memref<10000x128xf32, #tpu.memory_space<hbm>>
      tpu.enqueue_indirect_dma source(%dma_start3A_688 : memref<10000x128xf32, #tpu.memory_space<hbm>>) target(%arg12 : memref<64x128xf32, #tpu.memory_space<vmem>>) offsets(%dma_start3A_685 : memref<64xi32, #tpu.memory_space<vmem>>) semaphore(%arg17 : memref<!tpu.dma_semaphore, #tpu.memory_space<semaphore_mem>>)
    }
    %scan3A_100 = arith.constant 11 : i32
    %dma_wait3A_101 = arith.constant 3072 : i32
    %dma_wait3A_102 = tpu.memref_slice %arg7[%dma_wait3A_101] : memref<3328xi32, #tpu.memory_space<vmem>> -> memref<64xi32, #tpu.memory_space<vmem>>
    %dma_wait3A_103 = arith.constant 0 : i32
    %dma_wait3A_104 = arith.constant 0 : i32
    %dma_wait3A_105 = tpu.memref_slice %arg2[%dma_wait3A_103, %dma_wait3A_104] : memref<10000x128xf32, #tpu.memory_space<hbm>> -> memref<10000x128xf32, #tpu.memory_space<hbm>>
    tpu.wait_indirect_dma semaphore(%arg16 : memref<!tpu.dma_semaphore, #tpu.memory_space<semaphore_mem>>) src(%dma_wait3A_105 : memref<10000x128xf32, #tpu.memory_space<hbm>>) dst(%arg11 : memref<64x128xf32, #tpu.memory_space<vmem>>)
    %dma_start3A_106 = arith.constant 3072 : i32
    %dma_start3A_107 = tpu.memref_slice %arg9[%dma_start3A_106] : memref<3328xi32, #tpu.memory_space<vmem>> -> memref<64xi32, #tpu.memory_space<vmem>>
    %dma_start3A_108 = arith.constant 0 : i32
    %dma_start3A_109 = arith.constant 0 : i32
    %dma_start3A_110 = tpu.memref_slice %arg15[%dma_start3A_108, %dma_start3A_109] : memref<10000x128xf32, #tpu.memory_space<vmem_shared>> -> memref<10000x128xf32, #tpu.memory_space<vmem_shared>>
    tpu.enqueue_indirect_dma source(%arg11 : memref<64x128xf32, #tpu.memory_space<vmem>>) target(%dma_start3A_110 : memref<10000x128xf32, #tpu.memory_space<vmem_shared>>) offsets(%dma_start3A_107 : memref<64xi32, #tpu.memory_space<vmem>>) semaphore(%arg20 : memref<!tpu.dma_semaphore, #tpu.memory_space<semaphore_mem>>) {add = true}
    %dma_wait3A_111 = arith.constant 2944 : i32
    %dma_wait3A_112 = tpu.memref_slice %arg9[%dma_wait3A_111] : memref<3328xi32, #tpu.memory_space<vmem>> -> memref<64xi32, #tpu.memory_space<vmem>>
    %dma_wait3A_113 = arith.constant 0 : i32
    %dma_wait3A_114 = arith.constant 0 : i32
    %dma_wait3A_115 = tpu.memref_slice %arg15[%dma_wait3A_113, %dma_wait3A_114] : memref<10000x128xf32, #tpu.memory_space<vmem_shared>> -> memref<10000x128xf32, #tpu.memory_space<vmem_shared>>
    tpu.wait_indirect_dma semaphore(%arg22 : memref<!tpu.dma_semaphore, #tpu.memory_space<semaphore_mem>>) src(%arg13 : memref<64x128xf32, #tpu.memory_space<vmem>>) dst(%dma_wait3A_115 : memref<10000x128xf32, #tpu.memory_space<vmem_shared>>)
    %dma_start3A_116 = arith.constant 3200 : i32
    %dma_start3A_117 = tpu.memref_slice %arg7[%dma_start3A_116] : memref<3328xi32, #tpu.memory_space<vmem>> -> memref<64xi32, #tpu.memory_space<vmem>>
    %dma_start3A_118 = arith.constant 0 : i32
    %dma_start3A_119 = arith.constant 0 : i32
    %dma_start3A_120 = tpu.memref_slice %arg2[%dma_start3A_118, %dma_start3A_119] : memref<10000x128xf32, #tpu.memory_space<hbm>> -> memref<10000x128xf32, #tpu.memory_space<hbm>>
    tpu.enqueue_indirect_dma source(%dma_start3A_120 : memref<10000x128xf32, #tpu.memory_space<hbm>>) target(%arg13 : memref<64x128xf32, #tpu.memory_space<vmem>>) offsets(%dma_start3A_117 : memref<64xi32, #tpu.memory_space<vmem>>) semaphore(%arg18 : memref<!tpu.dma_semaphore, #tpu.memory_space<semaphore_mem>>)
    %dma_wait3A_121 = arith.constant 3136 : i32
    %dma_wait3A_122 = tpu.memref_slice %arg7[%dma_wait3A_121] : memref<3328xi32, #tpu.memory_space<vmem>> -> memref<64xi32, #tpu.memory_space<vmem>>
    %dma_wait3A_123 = arith.constant 0 : i32
    %dma_wait3A_124 = arith.constant 0 : i32
    %dma_wait3A_125 = tpu.memref_slice %arg2[%dma_wait3A_123, %dma_wait3A_124] : memref<10000x128xf32, #tpu.memory_space<hbm>> -> memref<10000x128xf32, #tpu.memory_space<hbm>>
    tpu.wait_indirect_dma semaphore(%arg17 : memref<!tpu.dma_semaphore, #tpu.memory_space<semaphore_mem>>) src(%dma_wait3A_125 : memref<10000x128xf32, #tpu.memory_space<hbm>>) dst(%arg12 : memref<64x128xf32, #tpu.memory_space<vmem>>)
    %dma_start3A_126 = arith.constant 3136 : i32
    %dma_start3A_127 = tpu.memref_slice %arg9[%dma_start3A_126] : memref<3328xi32, #tpu.memory_space<vmem>> -> memref<64xi32, #tpu.memory_space<vmem>>
    %dma_start3A_128 = arith.constant 0 : i32
    %dma_start3A_129 = arith.constant 0 : i32
    %dma_start3A_130 = tpu.memref_slice %arg15[%dma_start3A_128, %dma_start3A_129] : memref<10000x128xf32, #tpu.memory_space<vmem_shared>> -> memref<10000x128xf32, #tpu.memory_space<vmem_shared>>
    tpu.enqueue_indirect_dma source(%arg12 : memref<64x128xf32, #tpu.memory_space<vmem>>) target(%dma_start3A_130 : memref<10000x128xf32, #tpu.memory_space<vmem_shared>>) offsets(%dma_start3A_127 : memref<64xi32, #tpu.memory_space<vmem>>) semaphore(%arg21 : memref<!tpu.dma_semaphore, #tpu.memory_space<semaphore_mem>>) {add = true}
    %dma_wait3A_131 = arith.constant 3008 : i32
    %dma_wait3A_132 = tpu.memref_slice %arg9[%dma_wait3A_131] : memref<3328xi32, #tpu.memory_space<vmem>> -> memref<64xi32, #tpu.memory_space<vmem>>
    %dma_wait3A_133 = arith.constant 0 : i32
    %dma_wait3A_134 = arith.constant 0 : i32
    %dma_wait3A_135 = tpu.memref_slice %arg15[%dma_wait3A_133, %dma_wait3A_134] : memref<10000x128xf32, #tpu.memory_space<vmem_shared>> -> memref<10000x128xf32, #tpu.memory_space<vmem_shared>>
    tpu.wait_indirect_dma semaphore(%arg23 : memref<!tpu.dma_semaphore, #tpu.memory_space<semaphore_mem>>) src(%arg14 : memref<64x128xf32, #tpu.memory_space<vmem>>) dst(%dma_wait3A_135 : memref<10000x128xf32, #tpu.memory_space<vmem_shared>>)
    %dma_start3A_136 = arith.constant 3264 : i32
    %dma_start3A_137 = tpu.memref_slice %arg7[%dma_start3A_136] : memref<3328xi32, #tpu.memory_space<vmem>> -> memref<64xi32, #tpu.memory_space<vmem>>
    %dma_start3A_138 = arith.constant 0 : i32
    %dma_start3A_139 = arith.constant 0 : i32
    %dma_start3A_140 = tpu.memref_slice %arg2[%dma_start3A_138, %dma_start3A_139] : memref<10000x128xf32, #tpu.memory_space<hbm>> -> memref<10000x128xf32, #tpu.memory_space<hbm>>
    tpu.enqueue_indirect_dma source(%dma_start3A_140 : memref<10000x128xf32, #tpu.memory_space<hbm>>) target(%arg14 : memref<64x128xf32, #tpu.memory_space<vmem>>) offsets(%dma_start3A_137 : memref<64xi32, #tpu.memory_space<vmem>>) semaphore(%arg19 : memref<!tpu.dma_semaphore, #tpu.memory_space<semaphore_mem>>)
    %dma_wait3A_141 = arith.constant 3200 : i32
    %dma_wait3A_142 = tpu.memref_slice %arg7[%dma_wait3A_141] : memref<3328xi32, #tpu.memory_space<vmem>> -> memref<64xi32, #tpu.memory_space<vmem>>
    %dma_wait3A_143 = arith.constant 0 : i32
    %dma_wait3A_144 = arith.constant 0 : i32
    %dma_wait3A_145 = tpu.memref_slice %arg2[%dma_wait3A_143, %dma_wait3A_144] : memref<10000x128xf32, #tpu.memory_space<hbm>> -> memref<10000x128xf32, #tpu.memory_space<hbm>>
    tpu.wait_indirect_dma semaphore(%arg18 : memref<!tpu.dma_semaphore, #tpu.memory_space<semaphore_mem>>) src(%dma_wait3A_145 : memref<10000x128xf32, #tpu.memory_space<hbm>>) dst(%arg13 : memref<64x128xf32, #tpu.memory_space<vmem>>)
    %dma_start3A_146 = arith.constant 3200 : i32
    %dma_start3A_147 = tpu.memref_slice %arg9[%dma_start3A_146] : memref<3328xi32, #tpu.memory_space<vmem>> -> memref<64xi32, #tpu.memory_space<vmem>>
    %dma_start3A_148 = arith.constant 0 : i32
    %dma_start3A_149 = arith.constant 0 : i32
    %dma_start3A_150 = tpu.memref_slice %arg15[%dma_start3A_148, %dma_start3A_149] : memref<10000x128xf32, #tpu.memory_space<vmem_shared>> -> memref<10000x128xf32, #tpu.memory_space<vmem_shared>>
    tpu.enqueue_indirect_dma source(%arg13 : memref<64x128xf32, #tpu.memory_space<vmem>>) target(%dma_start3A_150 : memref<10000x128xf32, #tpu.memory_space<vmem_shared>>) offsets(%dma_start3A_147 : memref<64xi32, #tpu.memory_space<vmem>>) semaphore(%arg22 : memref<!tpu.dma_semaphore, #tpu.memory_space<semaphore_mem>>) {add = true}
    %dma_wait3A_151 = arith.constant 3072 : i32
    %dma_wait3A_152 = tpu.memref_slice %arg9[%dma_wait3A_151] : memref<3328xi32, #tpu.memory_space<vmem>> -> memref<64xi32, #tpu.memory_space<vmem>>
    %dma_wait3A_153 = arith.constant 0 : i32
    %dma_wait3A_154 = arith.constant 0 : i32
    %dma_wait3A_155 = tpu.memref_slice %arg15[%dma_wait3A_153, %dma_wait3A_154] : memref<10000x128xf32, #tpu.memory_space<vmem_shared>> -> memref<10000x128xf32, #tpu.memory_space<vmem_shared>>
    tpu.wait_indirect_dma semaphore(%arg20 : memref<!tpu.dma_semaphore, #tpu.memory_space<semaphore_mem>>) src(%arg11 : memref<64x128xf32, #tpu.memory_space<vmem>>) dst(%dma_wait3A_155 : memref<10000x128xf32, #tpu.memory_space<vmem_shared>>)
    %dma_wait3A_156 = arith.constant 0 : i32
    %dma_wait3A_157 = tpu.memref_slice %arg3[%dma_wait3A_156] : memref<320000xi32, #tpu.memory_space<hbm>> -> memref<3328xi32, #tpu.memory_space<hbm>>
    %dma_wait3A_158 = arith.constant 0 : i32
    %dma_wait3A_159 = tpu.memref_slice %arg3[%dma_wait3A_158] : memref<320000xi32, #tpu.memory_space<hbm>> -> memref<3328xi32, #tpu.memory_space<hbm>>
    tpu.wait_dma2 semaphore(%arg24 : memref<!tpu.dma_semaphore, #tpu.memory_space<semaphore_mem>>) src(%dma_wait3A_159 : memref<3328xi32, #tpu.memory_space<hbm>>) dst(%arg8 : memref<3328xi32, #tpu.memory_space<vmem>>)
    %dma_wait3A_160 = arith.constant 0 : i32
    %dma_wait3A_161 = tpu.memref_slice %arg4[%dma_wait3A_160] : memref<320000xi32, #tpu.memory_space<hbm>> -> memref<3328xi32, #tpu.memory_space<hbm>>
    %dma_wait3A_162 = arith.constant 0 : i32
    %dma_wait3A_163 = tpu.memref_slice %arg4[%dma_wait3A_162] : memref<320000xi32, #tpu.memory_space<hbm>> -> memref<3328xi32, #tpu.memory_space<hbm>>
    tpu.wait_dma2 semaphore(%arg24 : memref<!tpu.dma_semaphore, #tpu.memory_space<semaphore_mem>>) src(%dma_wait3A_163 : memref<3328xi32, #tpu.memory_space<hbm>>) dst(%arg10 : memref<3328xi32, #tpu.memory_space<vmem>>)
    %dma_start3A_164 = arith.constant 0 : i32
    %dma_start3A_165 = tpu.memref_slice %arg8[%dma_start3A_164] : memref<3328xi32, #tpu.memory_space<vmem>> -> memref<64xi32, #tpu.memory_space<vmem>>
    %dma_start3A_166 = arith.constant 0 : i32
    %dma_start3A_167 = arith.constant 0 : i32
    %dma_start3A_168 = tpu.memref_slice %arg2[%dma_start3A_166, %dma_start3A_167] : memref<10000x128xf32, #tpu.memory_space<hbm>> -> memref<10000x128xf32, #tpu.memory_space<hbm>>
    tpu.enqueue_indirect_dma source(%dma_start3A_168 : memref<10000x128xf32, #tpu.memory_space<hbm>>) target(%arg11 : memref<64x128xf32, #tpu.memory_space<vmem>>) offsets(%dma_start3A_165 : memref<64xi32, #tpu.memory_space<vmem>>) semaphore(%arg16 : memref<!tpu.dma_semaphore, #tpu.memory_space<semaphore_mem>>)
    %dma_wait3A_169 = arith.constant 3264 : i32
    %dma_wait3A_170 = tpu.memref_slice %arg7[%dma_wait3A_169] : memref<3328xi32, #tpu.memory_space<vmem>> -> memref<64xi32, #tpu.memory_space<vmem>>
    %dma_wait3A_171 = arith.constant 0 : i32
    %dma_wait3A_172 = arith.constant 0 : i32
    %dma_wait3A_173 = tpu.memref_slice %arg2[%dma_wait3A_171, %dma_wait3A_172] : memref<10000x128xf32, #tpu.memory_space<hbm>> -> memref<10000x128xf32, #tpu.memory_space<hbm>>
    tpu.wait_indirect_dma semaphore(%arg19 : memref<!tpu.dma_semaphore, #tpu.memory_space<semaphore_mem>>) src(%dma_wait3A_173 : memref<10000x128xf32, #tpu.memory_space<hbm>>) dst(%arg14 : memref<64x128xf32, #tpu.memory_space<vmem>>)
    %dma_start3A_174 = arith.constant 3264 : i32
    %dma_start3A_175 = tpu.memref_slice %arg9[%dma_start3A_174] : memref<3328xi32, #tpu.memory_space<vmem>> -> memref<64xi32, #tpu.memory_space<vmem>>
    %dma_start3A_176 = arith.constant 0 : i32
    %dma_start3A_177 = arith.constant 0 : i32
    %dma_start3A_178 = tpu.memref_slice %arg15[%dma_start3A_176, %dma_start3A_177] : memref<10000x128xf32, #tpu.memory_space<vmem_shared>> -> memref<10000x128xf32, #tpu.memory_space<vmem_shared>>
    tpu.enqueue_indirect_dma source(%arg14 : memref<64x128xf32, #tpu.memory_space<vmem>>) target(%dma_start3A_178 : memref<10000x128xf32, #tpu.memory_space<vmem_shared>>) offsets(%dma_start3A_175 : memref<64xi32, #tpu.memory_space<vmem>>) semaphore(%arg23 : memref<!tpu.dma_semaphore, #tpu.memory_space<semaphore_mem>>) {add = true}
    %dma_wait3A_179 = arith.constant 3136 : i32
    %dma_wait3A_180 = tpu.memref_slice %arg9[%dma_wait3A_179] : memref<3328xi32, #tpu.memory_space<vmem>> -> memref<64xi32, #tpu.memory_space<vmem>>
    %dma_wait3A_181 = arith.constant 0 : i32
    %dma_wait3A_182 = arith.constant 0 : i32
    %dma_wait3A_183 = tpu.memref_slice %arg15[%dma_wait3A_181, %dma_wait3A_182] : memref<10000x128xf32, #tpu.memory_space<vmem_shared>> -> memref<10000x128xf32, #tpu.memory_space<vmem_shared>>
    tpu.wait_indirect_dma semaphore(%arg21 : memref<!tpu.dma_semaphore, #tpu.memory_space<semaphore_mem>>) src(%arg12 : memref<64x128xf32, #tpu.memory_space<vmem>>) dst(%dma_wait3A_183 : memref<10000x128xf32, #tpu.memory_space<vmem_shared>>)
    %dma_start3A_184 = arith.constant 64 : i32
    %dma_start3A_185 = tpu.memref_slice %arg8[%dma_start3A_184] : memref<3328xi32, #tpu.memory_space<vmem>> -> memref<64xi32, #tpu.memory_space<vmem>>
    %dma_start3A_186 = arith.constant 0 : i32
    %dma_start3A_187 = arith.constant 0 : i32
    %dma_start3A_188 = tpu.memref_slice %arg2[%dma_start3A_186, %dma_start3A_187] : memref<10000x128xf32, #tpu.memory_space<hbm>> -> memref<10000x128xf32, #tpu.memory_space<hbm>>
    tpu.enqueue_indirect_dma source(%dma_start3A_188 : memref<10000x128xf32, #tpu.memory_space<hbm>>) target(%arg12 : memref<64x128xf32, #tpu.memory_space<vmem>>) offsets(%dma_start3A_185 : memref<64xi32, #tpu.memory_space<vmem>>) semaphore(%arg17 : memref<!tpu.dma_semaphore, #tpu.memory_space<semaphore_mem>>)
    %dma_wait3A_189 = arith.constant 0 : i32
    %dma_wait3A_190 = tpu.memref_slice %arg8[%dma_wait3A_189] : memref<3328xi32, #tpu.memory_space<vmem>> -> memref<64xi32, #tpu.memory_space<vmem>>
    %dma_wait3A_191 = arith.constant 0 : i32
    %dma_wait3A_192 = arith.constant 0 : i32
    %dma_wait3A_193 = tpu.memref_slice %arg2[%dma_wait3A_191, %dma_wait3A_192] : memref<10000x128xf32, #tpu.memory_space<hbm>> -> memref<10000x128xf32, #tpu.memory_space<hbm>>
    tpu.wait_indirect_dma semaphore(%arg16 : memref<!tpu.dma_semaphore, #tpu.memory_space<semaphore_mem>>) src(%dma_wait3A_193 : memref<10000x128xf32, #tpu.memory_space<hbm>>) dst(%arg11 : memref<64x128xf32, #tpu.memory_space<vmem>>)
    %dma_start3A_194 = arith.constant 0 : i32
    %dma_start3A_195 = tpu.memref_slice %arg10[%dma_start3A_194] : memref<3328xi32, #tpu.memory_space<vmem>> -> memref<64xi32, #tpu.memory_space<vmem>>
    %dma_start3A_196 = arith.constant 0 : i32
    %dma_start3A_197 = arith.constant 0 : i32
    %dma_start3A_198 = tpu.memref_slice %arg15[%dma_start3A_196, %dma_start3A_197] : memref<10000x128xf32, #tpu.memory_space<vmem_shared>> -> memref<10000x128xf32, #tpu.memory_space<vmem_shared>>
    tpu.enqueue_indirect_dma source(%arg11 : memref<64x128xf32, #tpu.memory_space<vmem>>) target(%dma_start3A_198 : memref<10000x128xf32, #tpu.memory_space<vmem_shared>>) offsets(%dma_start3A_195 : memref<64xi32, #tpu.memory_space<vmem>>) semaphore(%arg20 : memref<!tpu.dma_semaphore, #tpu.memory_space<semaphore_mem>>) {add = true}
    %dma_wait3A_199 = arith.constant 3200 : i32
    %dma_wait3A_200 = tpu.memref_slice %arg9[%dma_wait3A_199] : memref<3328xi32, #tpu.memory_space<vmem>> -> memref<64xi32, #tpu.memory_space<vmem>>
    %dma_wait3A_201 = arith.constant 0 : i32
    %dma_wait3A_202 = arith.constant 0 : i32
    %dma_wait3A_203 = tpu.memref_slice %arg15[%dma_wait3A_201, %dma_wait3A_202] : memref<10000x128xf32, #tpu.memory_space<vmem_shared>> -> memref<10000x128xf32, #tpu.memory_space<vmem_shared>>
    tpu.wait_indirect_dma semaphore(%arg22 : memref<!tpu.dma_semaphore, #tpu.memory_space<semaphore_mem>>) src(%arg13 : memref<64x128xf32, #tpu.memory_space<vmem>>) dst(%dma_wait3A_203 : memref<10000x128xf32, #tpu.memory_space<vmem_shared>>)
    %dma_start3A_204 = arith.constant 128 : i32
    %dma_start3A_205 = tpu.memref_slice %arg8[%dma_start3A_204] : memref<3328xi32, #tpu.memory_space<vmem>> -> memref<64xi32, #tpu.memory_space<vmem>>
    %dma_start3A_206 = arith.constant 0 : i32
    %dma_start3A_207 = arith.constant 0 : i32
    %dma_start3A_208 = tpu.memref_slice %arg2[%dma_start3A_206, %dma_start3A_207] : memref<10000x128xf32, #tpu.memory_space<hbm>> -> memref<10000x128xf32, #tpu.memory_space<hbm>>
    tpu.enqueue_indirect_dma source(%dma_start3A_208 : memref<10000x128xf32, #tpu.memory_space<hbm>>) target(%arg13 : memref<64x128xf32, #tpu.memory_space<vmem>>) offsets(%dma_start3A_205 : memref<64xi32, #tpu.memory_space<vmem>>) semaphore(%arg18 : memref<!tpu.dma_semaphore, #tpu.memory_space<semaphore_mem>>)
    %dma_wait3A_209 = arith.constant 64 : i32
    %dma_wait3A_210 = tpu.memref_slice %arg8[%dma_wait3A_209] : memref<3328xi32, #tpu.memory_space<vmem>> -> memref<64xi32, #tpu.memory_space<vmem>>
    %dma_wait3A_211 = arith.constant 0 : i32
    %dma_wait3A_212 = arith.constant 0 : i32
    %dma_wait3A_213 = tpu.memref_slice %arg2[%dma_wait3A_211, %dma_wait3A_212] : memref<10000x128xf32, #tpu.memory_space<hbm>> -> memref<10000x128xf32, #tpu.memory_space<hbm>>
    tpu.wait_indirect_dma semaphore(%arg17 : memref<!tpu.dma_semaphore, #tpu.memory_space<semaphore_mem>>) src(%dma_wait3A_213 : memref<10000x128xf32, #tpu.memory_space<hbm>>) dst(%arg12 : memref<64x128xf32, #tpu.memory_space<vmem>>)
    %dma_start3A_214 = arith.constant 64 : i32
    %dma_start3A_215 = tpu.memref_slice %arg10[%dma_start3A_214] : memref<3328xi32, #tpu.memory_space<vmem>> -> memref<64xi32, #tpu.memory_space<vmem>>
    %dma_start3A_216 = arith.constant 0 : i32
    %dma_start3A_217 = arith.constant 0 : i32
    %dma_start3A_218 = tpu.memref_slice %arg15[%dma_start3A_216, %dma_start3A_217] : memref<10000x128xf32, #tpu.memory_space<vmem_shared>> -> memref<10000x128xf32, #tpu.memory_space<vmem_shared>>
    tpu.enqueue_indirect_dma source(%arg12 : memref<64x128xf32, #tpu.memory_space<vmem>>) target(%dma_start3A_218 : memref<10000x128xf32, #tpu.memory_space<vmem_shared>>) offsets(%dma_start3A_215 : memref<64xi32, #tpu.memory_space<vmem>>) semaphore(%arg21 : memref<!tpu.dma_semaphore, #tpu.memory_space<semaphore_mem>>) {add = true}
    %dma_wait3A_219 = arith.constant 3264 : i32
    %dma_wait3A_220 = tpu.memref_slice %arg9[%dma_wait3A_219] : memref<3328xi32, #tpu.memory_space<vmem>> -> memref<64xi32, #tpu.memory_space<vmem>>
    %dma_wait3A_221 = arith.constant 0 : i32
    %dma_wait3A_222 = arith.constant 0 : i32
    %dma_wait3A_223 = tpu.memref_slice %arg15[%dma_wait3A_221, %dma_wait3A_222] : memref<10000x128xf32, #tpu.memory_space<vmem_shared>> -> memref<10000x128xf32, #tpu.memory_space<vmem_shared>>
    tpu.wait_indirect_dma semaphore(%arg23 : memref<!tpu.dma_semaphore, #tpu.memory_space<semaphore_mem>>) src(%arg14 : memref<64x128xf32, #tpu.memory_space<vmem>>) dst(%dma_wait3A_223 : memref<10000x128xf32, #tpu.memory_space<vmem_shared>>)
    %dma_start3A_224 = arith.constant 192 : i32
    %dma_start3A_225 = tpu.memref_slice %arg8[%dma_start3A_224] : memref<3328xi32, #tpu.memory_space<vmem>> -> memref<64xi32, #tpu.memory_space<vmem>>
    %dma_start3A_226 = arith.constant 0 : i32
    %dma_start3A_227 = arith.constant 0 : i32
    %dma_start3A_228 = tpu.memref_slice %arg2[%dma_start3A_226, %dma_start3A_227] : memref<10000x128xf32, #tpu.memory_space<hbm>> -> memref<10000x128xf32, #tpu.memory_space<hbm>>
    tpu.enqueue_indirect_dma source(%dma_start3A_228 : memref<10000x128xf32, #tpu.memory_space<hbm>>) target(%arg14 : memref<64x128xf32, #tpu.memory_space<vmem>>) offsets(%dma_start3A_225 : memref<64xi32, #tpu.memory_space<vmem>>) semaphore(%arg19 : memref<!tpu.dma_semaphore, #tpu.memory_space<semaphore_mem>>)
    %dma_wait3A_229 = arith.constant 128 : i32
    %dma_wait3A_230 = tpu.memref_slice %arg8[%dma_wait3A_229] : memref<3328xi32, #tpu.memory_space<vmem>> -> memref<64xi32, #tpu.memory_space<vmem>>
    %dma_wait3A_231 = arith.constant 0 : i32
    %dma_wait3A_232 = arith.constant 0 : i32
    %dma_wait3A_233 = tpu.memref_slice %arg2[%dma_wait3A_231, %dma_wait3A_232] : memref<10000x128xf32, #tpu.memory_space<hbm>> -> memref<10000x128xf32, #tpu.memory_space<hbm>>
    tpu.wait_indirect_dma semaphore(%arg18 : memref<!tpu.dma_semaphore, #tpu.memory_space<semaphore_mem>>) src(%dma_wait3A_233 : memref<10000x128xf32, #tpu.memory_space<hbm>>) dst(%arg13 : memref<64x128xf32, #tpu.memory_space<vmem>>)
    %dma_start3A_234 = arith.constant 128 : i32
    %dma_start3A_235 = tpu.memref_slice %arg10[%dma_start3A_234] : memref<3328xi32, #tpu.memory_space<vmem>> -> memref<64xi32, #tpu.memory_space<vmem>>
    %dma_start3A_236 = arith.constant 0 : i32
    %dma_start3A_237 = arith.constant 0 : i32
    %dma_start3A_238 = tpu.memref_slice %arg15[%dma_start3A_236, %dma_start3A_237] : memref<10000x128xf32, #tpu.memory_space<vmem_shared>> -> memref<10000x128xf32, #tpu.memory_space<vmem_shared>>
    tpu.enqueue_indirect_dma source(%arg13 : memref<64x128xf32, #tpu.memory_space<vmem>>) target(%dma_start3A_238 : memref<10000x128xf32, #tpu.memory_space<vmem_shared>>) offsets(%dma_start3A_235 : memref<64xi32, #tpu.memory_space<vmem>>) semaphore(%arg22 : memref<!tpu.dma_semaphore, #tpu.memory_space<semaphore_mem>>) {add = true}
    %dma_wait3A_239 = arith.constant 0 : i32
    %dma_wait3A_240 = tpu.memref_slice %arg10[%dma_wait3A_239] : memref<3328xi32, #tpu.memory_space<vmem>> -> memref<64xi32, #tpu.memory_space<vmem>>
    %dma_wait3A_241 = arith.constant 0 : i32
    %dma_wait3A_242 = arith.constant 0 : i32
    %dma_wait3A_243 = tpu.memref_slice %arg15[%dma_wait3A_241, %dma_wait3A_242] : memref<10000x128xf32, #tpu.memory_space<vmem_shared>> -> memref<10000x128xf32, #tpu.memory_space<vmem_shared>>
    tpu.wait_indirect_dma semaphore(%arg20 : memref<!tpu.dma_semaphore, #tpu.memory_space<semaphore_mem>>) src(%arg11 : memref<64x128xf32, #tpu.memory_space<vmem>>) dst(%dma_wait3A_243 : memref<10000x128xf32, #tpu.memory_space<vmem_shared>>)
    %dma_start3A_244 = arith.constant 256 : i32
    %dma_start3A_245 = tpu.memref_slice %arg8[%dma_start3A_244] : memref<3328xi32, #tpu.memory_space<vmem>> -> memref<64xi32, #tpu.memory_space<vmem>>
    %dma_start3A_246 = arith.constant 0 : i32
    %dma_start3A_247 = arith.constant 0 : i32
    %dma_start3A_248 = tpu.memref_slice %arg2[%dma_start3A_246, %dma_start3A_247] : memref<10000x128xf32, #tpu.memory_space<hbm>> -> memref<10000x128xf32, #tpu.memory_space<hbm>>
    tpu.enqueue_indirect_dma source(%dma_start3A_248 : memref<10000x128xf32, #tpu.memory_space<hbm>>) target(%arg11 : memref<64x128xf32, #tpu.memory_space<vmem>>) offsets(%dma_start3A_245 : memref<64xi32, #tpu.memory_space<vmem>>) semaphore(%arg16 : memref<!tpu.dma_semaphore, #tpu.memory_space<semaphore_mem>>)
    %dma_wait3A_249 = arith.constant 192 : i32
    %dma_wait3A_250 = tpu.memref_slice %arg8[%dma_wait3A_249] : memref<3328xi32, #tpu.memory_space<vmem>> -> memref<64xi32, #tpu.memory_space<vmem>>
    %dma_wait3A_251 = arith.constant 0 : i32
    %dma_wait3A_252 = arith.constant 0 : i32
    %dma_wait3A_253 = tpu.memref_slice %arg2[%dma_wait3A_251, %dma_wait3A_252] : memref<10000x128xf32, #tpu.memory_space<hbm>> -> memref<10000x128xf32, #tpu.memory_space<hbm>>
    tpu.wait_indirect_dma semaphore(%arg19 : memref<!tpu.dma_semaphore, #tpu.memory_space<semaphore_mem>>) src(%dma_wait3A_253 : memref<10000x128xf32, #tpu.memory_space<hbm>>) dst(%arg14 : memref<64x128xf32, #tpu.memory_space<vmem>>)
    %dma_start3A_254 = arith.constant 192 : i32
    %dma_start3A_255 = tpu.memref_slice %arg10[%dma_start3A_254] : memref<3328xi32, #tpu.memory_space<vmem>> -> memref<64xi32, #tpu.memory_space<vmem>>
    %dma_start3A_256 = arith.constant 0 : i32
    %dma_start3A_257 = arith.constant 0 : i32
    %dma_start3A_258 = tpu.memref_slice %arg15[%dma_start3A_256, %dma_start3A_257] : memref<10000x128xf32, #tpu.memory_space<vmem_shared>> -> memref<10000x128xf32, #tpu.memory_space<vmem_shared>>
    tpu.enqueue_indirect_dma source(%arg14 : memref<64x128xf32, #tpu.memory_space<vmem>>) target(%dma_start3A_258 : memref<10000x128xf32, #tpu.memory_space<vmem_shared>>) offsets(%dma_start3A_255 : memref<64xi32, #tpu.memory_space<vmem>>) semaphore(%arg23 : memref<!tpu.dma_semaphore, #tpu.memory_space<semaphore_mem>>) {add = true}
    %dma_wait3A_259 = arith.constant 64 : i32
    %dma_wait3A_260 = tpu.memref_slice %arg10[%dma_wait3A_259] : memref<3328xi32, #tpu.memory_space<vmem>> -> memref<64xi32, #tpu.memory_space<vmem>>
    %dma_wait3A_261 = arith.constant 0 : i32
    %dma_wait3A_262 = arith.constant 0 : i32
    %dma_wait3A_263 = tpu.memref_slice %arg15[%dma_wait3A_261, %dma_wait3A_262] : memref<10000x128xf32, #tpu.memory_space<vmem_shared>> -> memref<10000x128xf32, #tpu.memory_space<vmem_shared>>
    tpu.wait_indirect_dma semaphore(%arg21 : memref<!tpu.dma_semaphore, #tpu.memory_space<semaphore_mem>>) src(%arg12 : memref<64x128xf32, #tpu.memory_space<vmem>>) dst(%dma_wait3A_263 : memref<10000x128xf32, #tpu.memory_space<vmem_shared>>)
    %dma_start3A_264 = arith.constant 320 : i32
    %dma_start3A_265 = tpu.memref_slice %arg8[%dma_start3A_264] : memref<3328xi32, #tpu.memory_space<vmem>> -> memref<64xi32, #tpu.memory_space<vmem>>
    %dma_start3A_266 = arith.constant 0 : i32
    %dma_start3A_267 = arith.constant 0 : i32
    %dma_start3A_268 = tpu.memref_slice %arg2[%dma_start3A_266, %dma_start3A_267] : memref<10000x128xf32, #tpu.memory_space<hbm>> -> memref<10000x128xf32, #tpu.memory_space<hbm>>
    tpu.enqueue_indirect_dma source(%dma_start3A_268 : memref<10000x128xf32, #tpu.memory_space<hbm>>) target(%arg12 : memref<64x128xf32, #tpu.memory_space<vmem>>) offsets(%dma_start3A_265 : memref<64xi32, #tpu.memory_space<vmem>>) semaphore(%arg17 : memref<!tpu.dma_semaphore, #tpu.memory_space<semaphore_mem>>)
    %add3A_269 = arith.constant 6656 : i32
    %add3A_270 = arith.addi %mul3A_11, %add3A_269 : i32
    %dma_start3A_271 = tpu.memref_slice %arg3[%add3A_270] : memref<320000xi32, #tpu.memory_space<hbm>> -> memref<3328xi32, #tpu.memory_space<hbm>>
    %dma_start3A_272 = tpu.memref_slice %arg3[%add3A_270] : memref<320000xi32, #tpu.memory_space<hbm>> -> memref<3328xi32, #tpu.memory_space<hbm>>
    tpu.enqueue_dma source(%dma_start3A_272 : memref<3328xi32, #tpu.memory_space<hbm>>) target(%arg7 : memref<3328xi32, #tpu.memory_space<vmem>>) target_semaphore(%arg24 : memref<!tpu.dma_semaphore, #tpu.memory_space<semaphore_mem>>)
    %dma_start3A_273 = tpu.memref_slice %arg4[%add3A_270] : memref<320000xi32, #tpu.memory_space<hbm>> -> memref<3328xi32, #tpu.memory_space<hbm>>
    %dma_start3A_274 = tpu.memref_slice %arg4[%add3A_270] : memref<320000xi32, #tpu.memory_space<hbm>> -> memref<3328xi32, #tpu.memory_space<hbm>>
    tpu.enqueue_dma source(%dma_start3A_274 : memref<3328xi32, #tpu.memory_space<hbm>>) target(%arg9 : memref<3328xi32, #tpu.memory_space<vmem>>) target_semaphore(%arg24 : memref<!tpu.dma_semaphore, #tpu.memory_space<semaphore_mem>>)
    %scan3A_275 = arith.constant 0 : i32
    %scan3A_276 = arith.constant 1 : i32
    %scan3A_277 = arith.constant 11 : i32
    %scan3A_278 = arith.addi %scan3A_276, %scan3A_277 : i32
    %scan3A_279 = arith.constant 1 : i32
    scf.for %scan3A_561 = %scan3A_276 to %scan3A_278 step %scan3A_279  : i32 {
      %mul3A_562 = arith.constant 4 : i32
      %mul3A_563 = arith.muli %mul3A_562, %scan3A_561 : i32
      %add3A_564 = arith.constant 0 : i32
      %add3A_565 = arith.addi %mul3A_563, %add3A_564 : i32
      %mul3A_566 = arith.constant 64 : i32
      %mul3A_567 = arith.muli %add3A_565, %mul3A_566 : i32
      %dma_wait3A_568 = tpu.memref_slice %arg8[%mul3A_567] : memref<3328xi32, #tpu.memory_space<vmem>> -> memref<64xi32, #tpu.memory_space<vmem>>
      %dma_wait3A_569 = arith.constant 0 : i32
      %dma_wait3A_570 = arith.constant 0 : i32
      %dma_wait3A_571 = tpu.memref_slice %arg2[%dma_wait3A_569, %dma_wait3A_570] : memref<10000x128xf32, #tpu.memory_space<hbm>> -> memref<10000x128xf32, #tpu.memory_space<hbm>>
      tpu.wait_indirect_dma semaphore(%arg16 : memref<!tpu.dma_semaphore, #tpu.memory_space<semaphore_mem>>) src(%dma_wait3A_571 : memref<10000x128xf32, #tpu.memory_space<hbm>>) dst(%arg11 : memref<64x128xf32, #tpu.memory_space<vmem>>)
      %mul3A_572 = arith.constant 64 : i32
      %mul3A_573 = arith.muli %add3A_565, %mul3A_572 : i32
      %dma_start3A_574 = tpu.memref_slice %arg10[%mul3A_573] : memref<3328xi32, #tpu.memory_space<vmem>> -> memref<64xi32, #tpu.memory_space<vmem>>
      %dma_start3A_575 = arith.constant 0 : i32
      %dma_start3A_576 = arith.constant 0 : i32
      %dma_start3A_577 = tpu.memref_slice %arg15[%dma_start3A_575, %dma_start3A_576] : memref<10000x128xf32, #tpu.memory_space<vmem_shared>> -> memref<10000x128xf32, #tpu.memory_space<vmem_shared>>
      tpu.enqueue_indirect_dma source(%arg11 : memref<64x128xf32, #tpu.memory_space<vmem>>) target(%dma_start3A_577 : memref<10000x128xf32, #tpu.memory_space<vmem_shared>>) offsets(%dma_start3A_574 : memref<64xi32, #tpu.memory_space<vmem>>) semaphore(%arg20 : memref<!tpu.dma_semaphore, #tpu.memory_space<semaphore_mem>>) {add = true}
      %sub3A = arith.constant 2 : i32
      %sub3A_578 = arith.subi %add3A_565, %sub3A : i32
      %mul3A_579 = arith.constant 64 : i32
      %mul3A_580 = arith.muli %sub3A_578, %mul3A_579 : i32
      %dma_wait3A_581 = tpu.memref_slice %arg10[%mul3A_580] : memref<3328xi32, #tpu.memory_space<vmem>> -> memref<64xi32, #tpu.memory_space<vmem>>
      %dma_wait3A_582 = arith.constant 0 : i32
      %dma_wait3A_583 = arith.constant 0 : i32
      %dma_wait3A_584 = tpu.memref_slice %arg15[%dma_wait3A_582, %dma_wait3A_583] : memref<10000x128xf32, #tpu.memory_space<vmem_shared>> -> memref<10000x128xf32, #tpu.memory_space<vmem_shared>>
      tpu.wait_indirect_dma semaphore(%arg22 : memref<!tpu.dma_semaphore, #tpu.memory_space<semaphore_mem>>) src(%arg13 : memref<64x128xf32, #tpu.memory_space<vmem>>) dst(%dma_wait3A_584 : memref<10000x128xf32, #tpu.memory_space<vmem_shared>>)
      %add3A_585 = arith.constant 2 : i32
      %add3A_586 = arith.addi %add3A_565, %add3A_585 : i32
      %mul3A_587 = arith.constant 64 : i32
      %mul3A_588 = arith.muli %add3A_586, %mul3A_587 : i32
      %dma_start3A_589 = tpu.memref_slice %arg8[%mul3A_588] : memref<3328xi32, #tpu.memory_space<vmem>> -> memref<64xi32, #tpu.memory_space<vmem>>
      %dma_start3A_590 = arith.constant 0 : i32
      %dma_start3A_591 = arith.constant 0 : i32
      %dma_start3A_592 = tpu.memref_slice %arg2[%dma_start3A_590, %dma_start3A_591] : memref<10000x128xf32, #tpu.memory_space<hbm>> -> memref<10000x128xf32, #tpu.memory_space<hbm>>
      tpu.enqueue_indirect_dma source(%dma_start3A_592 : memref<10000x128xf32, #tpu.memory_space<hbm>>) target(%arg13 : memref<64x128xf32, #tpu.memory_space<vmem>>) offsets(%dma_start3A_589 : memref<64xi32, #tpu.memory_space<vmem>>) semaphore(%arg18 : memref<!tpu.dma_semaphore, #tpu.memory_space<semaphore_mem>>)
      %mul3A_593 = arith.constant 4 : i32
      %mul3A_594 = arith.muli %mul3A_593, %scan3A_561 : i32
      %add3A_595 = arith.constant 1 : i32
      %add3A_596 = arith.addi %mul3A_594, %add3A_595 : i32
      %mul3A_597 = arith.constant 64 : i32
      %mul3A_598 = arith.muli %add3A_596, %mul3A_597 : i32
      %dma_wait3A_599 = tpu.memref_slice %arg8[%mul3A_598] : memref<3328xi32, #tpu.memory_space<vmem>> -> memref<64xi32, #tpu.memory_space<vmem>>
      %dma_wait3A_600 = arith.constant 0 : i32
      %dma_wait3A_601 = arith.constant 0 : i32
      %dma_wait3A_602 = tpu.memref_slice %arg2[%dma_wait3A_600, %dma_wait3A_601] : memref<10000x128xf32, #tpu.memory_space<hbm>> -> memref<10000x128xf32, #tpu.memory_space<hbm>>
      tpu.wait_indirect_dma semaphore(%arg17 : memref<!tpu.dma_semaphore, #tpu.memory_space<semaphore_mem>>) src(%dma_wait3A_602 : memref<10000x128xf32, #tpu.memory_space<hbm>>) dst(%arg12 : memref<64x128xf32, #tpu.memory_space<vmem>>)
      %mul3A_603 = arith.constant 64 : i32
      %mul3A_604 = arith.muli %add3A_596, %mul3A_603 : i32
      %dma_start3A_605 = tpu.memref_slice %arg10[%mul3A_604] : memref<3328xi32, #tpu.memory_space<vmem>> -> memref<64xi32, #tpu.memory_space<vmem>>
      %dma_start3A_606 = arith.constant 0 : i32
      %dma_start3A_607 = arith.constant 0 : i32
      %dma_start3A_608 = tpu.memref_slice %arg15[%dma_start3A_606, %dma_start3A_607] : memref<10000x128xf32, #tpu.memory_space<vmem_shared>> -> memref<10000x128xf32, #tpu.memory_space<vmem_shared>>
      tpu.enqueue_indirect_dma source(%arg12 : memref<64x128xf32, #tpu.memory_space<vmem>>) target(%dma_start3A_608 : memref<10000x128xf32, #tpu.memory_space<vmem_shared>>) offsets(%dma_start3A_605 : memref<64xi32, #tpu.memory_space<vmem>>) semaphore(%arg21 : memref<!tpu.dma_semaphore, #tpu.memory_space<semaphore_mem>>) {add = true}
      %sub3A_609 = arith.constant 2 : i32
      %sub3A_610 = arith.subi %add3A_596, %sub3A_609 : i32
      %mul3A_611 = arith.constant 64 : i32
      %mul3A_612 = arith.muli %sub3A_610, %mul3A_611 : i32
      %dma_wait3A_613 = tpu.memref_slice %arg10[%mul3A_612] : memref<3328xi32, #tpu.memory_space<vmem>> -> memref<64xi32, #tpu.memory_space<vmem>>
      %dma_wait3A_614 = arith.constant 0 : i32
      %dma_wait3A_615 = arith.constant 0 : i32
      %dma_wait3A_616 = tpu.memref_slice %arg15[%dma_wait3A_614, %dma_wait3A_615] : memref<10000x128xf32, #tpu.memory_space<vmem_shared>> -> memref<10000x128xf32, #tpu.memory_space<vmem_shared>>
      tpu.wait_indirect_dma semaphore(%arg23 : memref<!tpu.dma_semaphore, #tpu.memory_space<semaphore_mem>>) src(%arg14 : memref<64x128xf32, #tpu.memory_space<vmem>>) dst(%dma_wait3A_616 : memref<10000x128xf32, #tpu.memory_space<vmem_shared>>)
      %add3A_617 = arith.constant 2 : i32
      %add3A_618 = arith.addi %add3A_596, %add3A_617 : i32
      %mul3A_619 = arith.constant 64 : i32
      %mul3A_620 = arith.muli %add3A_618, %mul3A_619 : i32
      %dma_start3A_621 = tpu.memref_slice %arg8[%mul3A_620] : memref<3328xi32, #tpu.memory_space<vmem>> -> memref<64xi32, #tpu.memory_space<vmem>>
      %dma_start3A_622 = arith.constant 0 : i32
      %dma_start3A_623 = arith.constant 0 : i32
      %dma_start3A_624 = tpu.memref_slice %arg2[%dma_start3A_622, %dma_start3A_623] : memref<10000x128xf32, #tpu.memory_space<hbm>> -> memref<10000x128xf32, #tpu.memory_space<hbm>>
      tpu.enqueue_indirect_dma source(%dma_start3A_624 : memref<10000x128xf32, #tpu.memory_space<hbm>>) target(%arg14 : memref<64x128xf32, #tpu.memory_space<vmem>>) offsets(%dma_start3A_621 : memref<64xi32, #tpu.memory_space<vmem>>) semaphore(%arg19 : memref<!tpu.dma_semaphore, #tpu.memory_space<semaphore_mem>>)
      %mul3A_625 = arith.constant 4 : i32
      %mul3A_626 = arith.muli %mul3A_625, %scan3A_561 : i32
      %add3A_627 = arith.constant 2 : i32
      %add3A_628 = arith.addi %mul3A_626, %add3A_627 : i32
      %mul3A_629 = arith.constant 64 : i32
      %mul3A_630 = arith.muli %add3A_628, %mul3A_629 : i32
      %dma_wait3A_631 = tpu.memref_slice %arg8[%mul3A_630] : memref<3328xi32, #tpu.memory_space<vmem>> -> memref<64xi32, #tpu.memory_space<vmem>>
      %dma_wait3A_632 = arith.constant 0 : i32
      %dma_wait3A_633 = arith.constant 0 : i32
      %dma_wait3A_634 = tpu.memref_slice %arg2[%dma_wait3A_632, %dma_wait3A_633] : memref<10000x128xf32, #tpu.memory_space<hbm>> -> memref<10000x128xf32, #tpu.memory_space<hbm>>
      tpu.wait_indirect_dma semaphore(%arg18 : memref<!tpu.dma_semaphore, #tpu.memory_space<semaphore_mem>>) src(%dma_wait3A_634 : memref<10000x128xf32, #tpu.memory_space<hbm>>) dst(%arg13 : memref<64x128xf32, #tpu.memory_space<vmem>>)
      %mul3A_635 = arith.constant 64 : i32
      %mul3A_636 = arith.muli %add3A_628, %mul3A_635 : i32
      %dma_start3A_637 = tpu.memref_slice %arg10[%mul3A_636] : memref<3328xi32, #tpu.memory_space<vmem>> -> memref<64xi32, #tpu.memory_space<vmem>>
      %dma_start3A_638 = arith.constant 0 : i32
      %dma_start3A_639 = arith.constant 0 : i32
      %dma_start3A_640 = tpu.memref_slice %arg15[%dma_start3A_638, %dma_start3A_639] : memref<10000x128xf32, #tpu.memory_space<vmem_shared>> -> memref<10000x128xf32, #tpu.memory_space<vmem_shared>>
      tpu.enqueue_indirect_dma source(%arg13 : memref<64x128xf32, #tpu.memory_space<vmem>>) target(%dma_start3A_640 : memref<10000x128xf32, #tpu.memory_space<vmem_shared>>) offsets(%dma_start3A_637 : memref<64xi32, #tpu.memory_space<vmem>>) semaphore(%arg22 : memref<!tpu.dma_semaphore, #tpu.memory_space<semaphore_mem>>) {add = true}
      %sub3A_641 = arith.constant 2 : i32
      %sub3A_642 = arith.subi %add3A_628, %sub3A_641 : i32
      %mul3A_643 = arith.constant 64 : i32
      %mul3A_644 = arith.muli %sub3A_642, %mul3A_643 : i32
      %dma_wait3A_645 = tpu.memref_slice %arg10[%mul3A_644] : memref<3328xi32, #tpu.memory_space<vmem>> -> memref<64xi32, #tpu.memory_space<vmem>>
      %dma_wait3A_646 = arith.constant 0 : i32
      %dma_wait3A_647 = arith.constant 0 : i32
      %dma_wait3A_648 = tpu.memref_slice %arg15[%dma_wait3A_646, %dma_wait3A_647] : memref<10000x128xf32, #tpu.memory_space<vmem_shared>> -> memref<10000x128xf32, #tpu.memory_space<vmem_shared>>
      tpu.wait_indirect_dma semaphore(%arg20 : memref<!tpu.dma_semaphore, #tpu.memory_space<semaphore_mem>>) src(%arg11 : memref<64x128xf32, #tpu.memory_space<vmem>>) dst(%dma_wait3A_648 : memref<10000x128xf32, #tpu.memory_space<vmem_shared>>)
      %add3A_649 = arith.constant 2 : i32
      %add3A_650 = arith.addi %add3A_628, %add3A_649 : i32
      %mul3A_651 = arith.constant 64 : i32
      %mul3A_652 = arith.muli %add3A_650, %mul3A_651 : i32
      %dma_start3A_653 = tpu.memref_slice %arg8[%mul3A_652] : memref<3328xi32, #tpu.memory_space<vmem>> -> memref<64xi32, #tpu.memory_space<vmem>>
      %dma_start3A_654 = arith.constant 0 : i32
      %dma_start3A_655 = arith.constant 0 : i32
      %dma_start3A_656 = tpu.memref_slice %arg2[%dma_start3A_654, %dma_start3A_655] : memref<10000x128xf32, #tpu.memory_space<hbm>> -> memref<10000x128xf32, #tpu.memory_space<hbm>>
      tpu.enqueue_indirect_dma source(%dma_start3A_656 : memref<10000x128xf32, #tpu.memory_space<hbm>>) target(%arg11 : memref<64x128xf32, #tpu.memory_space<vmem>>) offsets(%dma_start3A_653 : memref<64xi32, #tpu.memory_space<vmem>>) semaphore(%arg16 : memref<!tpu.dma_semaphore, #tpu.memory_space<semaphore_mem>>)
      %mul3A_657 = arith.constant 4 : i32
      %mul3A_658 = arith.muli %mul3A_657, %scan3A_561 : i32
      %add3A_659 = arith.constant 3 : i32
      %add3A_660 = arith.addi %mul3A_658, %add3A_659 : i32
      %mul3A_661 = arith.constant 64 : i32
      %mul3A_662 = arith.muli %add3A_660, %mul3A_661 : i32
      %dma_wait3A_663 = tpu.memref_slice %arg8[%mul3A_662] : memref<3328xi32, #tpu.memory_space<vmem>> -> memref<64xi32, #tpu.memory_space<vmem>>
      %dma_wait3A_664 = arith.constant 0 : i32
      %dma_wait3A_665 = arith.constant 0 : i32
      %dma_wait3A_666 = tpu.memref_slice %arg2[%dma_wait3A_664, %dma_wait3A_665] : memref<10000x128xf32, #tpu.memory_space<hbm>> -> memref<10000x128xf32, #tpu.memory_space<hbm>>
      tpu.wait_indirect_dma semaphore(%arg19 : memref<!tpu.dma_semaphore, #tpu.memory_space<semaphore_mem>>) src(%dma_wait3A_666 : memref<10000x128xf32, #tpu.memory_space<hbm>>) dst(%arg14 : memref<64x128xf32, #tpu.memory_space<vmem>>)
      %mul3A_667 = arith.constant 64 : i32
      %mul3A_668 = arith.muli %add3A_660, %mul3A_667 : i32
      %dma_start3A_669 = tpu.memref_slice %arg10[%mul3A_668] : memref<3328xi32, #tpu.memory_space<vmem>> -> memref<64xi32, #tpu.memory_space<vmem>>
      %dma_start3A_670 = arith.constant 0 : i32
      %dma_start3A_671 = arith.constant 0 : i32
      %dma_start3A_672 = tpu.memref_slice %arg15[%dma_start3A_670, %dma_start3A_671] : memref<10000x128xf32, #tpu.memory_space<vmem_shared>> -> memref<10000x128xf32, #tpu.memory_space<vmem_shared>>
      tpu.enqueue_indirect_dma source(%arg14 : memref<64x128xf32, #tpu.memory_space<vmem>>) target(%dma_start3A_672 : memref<10000x128xf32, #tpu.memory_space<vmem_shared>>) offsets(%dma_start3A_669 : memref<64xi32, #tpu.memory_space<vmem>>) semaphore(%arg23 : memref<!tpu.dma_semaphore, #tpu.memory_space<semaphore_mem>>) {add = true}
      %sub3A_673 = arith.constant 2 : i32
      %sub3A_674 = arith.subi %add3A_660, %sub3A_673 : i32
      %mul3A_675 = arith.constant 64 : i32
      %mul3A_676 = arith.muli %sub3A_674, %mul3A_675 : i32
      %dma_wait3A_677 = tpu.memref_slice %arg10[%mul3A_676] : memref<3328xi32, #tpu.memory_space<vmem>> -> memref<64xi32, #tpu.memory_space<vmem>>
      %dma_wait3A_678 = arith.constant 0 : i32
      %dma_wait3A_679 = arith.constant 0 : i32
      %dma_wait3A_680 = tpu.memref_slice %arg15[%dma_wait3A_678, %dma_wait3A_679] : memref<10000x128xf32, #tpu.memory_space<vmem_shared>> -> memref<10000x128xf32, #tpu.memory_space<vmem_shared>>
      tpu.wait_indirect_dma semaphore(%arg21 : memref<!tpu.dma_semaphore, #tpu.memory_space<semaphore_mem>>) src(%arg12 : memref<64x128xf32, #tpu.memory_space<vmem>>) dst(%dma_wait3A_680 : memref<10000x128xf32, #tpu.memory_space<vmem_shared>>)
      %add3A_681 = arith.constant 2 : i32
      %add3A_682 = arith.addi %add3A_660, %add3A_681 : i32
      %mul3A_683 = arith.constant 64 : i32
      %mul3A_684 = arith.muli %add3A_682, %mul3A_683 : i32
      %dma_start3A_685 = tpu.memref_slice %arg8[%mul3A_684] : memref<3328xi32, #tpu.memory_space<vmem>> -> memref<64xi32, #tpu.memory_space<vmem>>
      %dma_start3A_686 = arith.constant 0 : i32
      %dma_start3A_687 = arith.constant 0 : i32
      %dma_start3A_688 = tpu.memref_slice %arg2[%dma_start3A_686, %dma_start3A_687] : memref<10000x128xf32, #tpu.memory_space<hbm>> -> memref<10000x128xf32, #tpu.memory_space<hbm>>
      tpu.enqueue_indirect_dma source(%dma_start3A_688 : memref<10000x128xf32, #tpu.memory_space<hbm>>) target(%arg12 : memref<64x128xf32, #tpu.memory_space<vmem>>) offsets(%dma_start3A_685 : memref<64xi32, #tpu.memory_space<vmem>>) semaphore(%arg17 : memref<!tpu.dma_semaphore, #tpu.memory_space<semaphore_mem>>)
    }
    %scan3A_280 = arith.constant 11 : i32
    %dma_wait3A_281 = arith.constant 3072 : i32
    %dma_wait3A_282 = tpu.memref_slice %arg8[%dma_wait3A_281] : memref<3328xi32, #tpu.memory_space<vmem>> -> memref<64xi32, #tpu.memory_space<vmem>>
    %dma_wait3A_283 = arith.constant 0 : i32
    %dma_wait3A_284 = arith.constant 0 : i32
    %dma_wait3A_285 = tpu.memref_slice %arg2[%dma_wait3A_283, %dma_wait3A_284] : memref<10000x128xf32, #tpu.memory_space<hbm>> -> memref<10000x128xf32, #tpu.memory_space<hbm>>
    tpu.wait_indirect_dma semaphore(%arg16 : memref<!tpu.dma_semaphore, #tpu.memory_space<semaphore_mem>>) src(%dma_wait3A_285 : memref<10000x128xf32, #tpu.memory_space<hbm>>) dst(%arg11 : memref<64x128xf32, #tpu.memory_space<vmem>>)
    %dma_start3A_286 = arith.constant 3072 : i32
    %dma_start3A_287 = tpu.memref_slice %arg10[%dma_start3A_286] : memref<3328xi32, #tpu.memory_space<vmem>> -> memref<64xi32, #tpu.memory_space<vmem>>
    %dma_start3A_288 = arith.constant 0 : i32
    %dma_start3A_289 = arith.constant 0 : i32
    %dma_start3A_290 = tpu.memref_slice %arg15[%dma_start3A_288, %dma_start3A_289] : memref<10000x128xf32, #tpu.memory_space<vmem_shared>> -> memref<10000x128xf32, #tpu.memory_space<vmem_shared>>
    tpu.enqueue_indirect_dma source(%arg11 : memref<64x128xf32, #tpu.memory_space<vmem>>) target(%dma_start3A_290 : memref<10000x128xf32, #tpu.memory_space<vmem_shared>>) offsets(%dma_start3A_287 : memref<64xi32, #tpu.memory_space<vmem>>) semaphore(%arg20 : memref<!tpu.dma_semaphore, #tpu.memory_space<semaphore_mem>>) {add = true}
    %dma_wait3A_291 = arith.constant 2944 : i32
    %dma_wait3A_292 = tpu.memref_slice %arg10[%dma_wait3A_291] : memref<3328xi32, #tpu.memory_space<vmem>> -> memref<64xi32, #tpu.memory_space<vmem>>
    %dma_wait3A_293 = arith.constant 0 : i32
    %dma_wait3A_294 = arith.constant 0 : i32
    %dma_wait3A_295 = tpu.memref_slice %arg15[%dma_wait3A_293, %dma_wait3A_294] : memref<10000x128xf32, #tpu.memory_space<vmem_shared>> -> memref<10000x128xf32, #tpu.memory_space<vmem_shared>>
    tpu.wait_indirect_dma semaphore(%arg22 : memref<!tpu.dma_semaphore, #tpu.memory_space<semaphore_mem>>) src(%arg13 : memref<64x128xf32, #tpu.memory_space<vmem>>) dst(%dma_wait3A_295 : memref<10000x128xf32, #tpu.memory_space<vmem_shared>>)
    %dma_start3A_296 = arith.constant 3200 : i32
    %dma_start3A_297 = tpu.memref_slice %arg8[%dma_start3A_296] : memref<3328xi32, #tpu.memory_space<vmem>> -> memref<64xi32, #tpu.memory_space<vmem>>
    %dma_start3A_298 = arith.constant 0 : i32
    %dma_start3A_299 = arith.constant 0 : i32
    %dma_start3A_300 = tpu.memref_slice %arg2[%dma_start3A_298, %dma_start3A_299] : memref<10000x128xf32, #tpu.memory_space<hbm>> -> memref<10000x128xf32, #tpu.memory_space<hbm>>
    tpu.enqueue_indirect_dma source(%dma_start3A_300 : memref<10000x128xf32, #tpu.memory_space<hbm>>) target(%arg13 : memref<64x128xf32, #tpu.memory_space<vmem>>) offsets(%dma_start3A_297 : memref<64xi32, #tpu.memory_space<vmem>>) semaphore(%arg18 : memref<!tpu.dma_semaphore, #tpu.memory_space<semaphore_mem>>)
    %dma_wait3A_301 = arith.constant 3136 : i32
    %dma_wait3A_302 = tpu.memref_slice %arg8[%dma_wait3A_301] : memref<3328xi32, #tpu.memory_space<vmem>> -> memref<64xi32, #tpu.memory_space<vmem>>
    %dma_wait3A_303 = arith.constant 0 : i32
    %dma_wait3A_304 = arith.constant 0 : i32
    %dma_wait3A_305 = tpu.memref_slice %arg2[%dma_wait3A_303, %dma_wait3A_304] : memref<10000x128xf32, #tpu.memory_space<hbm>> -> memref<10000x128xf32, #tpu.memory_space<hbm>>
    tpu.wait_indirect_dma semaphore(%arg17 : memref<!tpu.dma_semaphore, #tpu.memory_space<semaphore_mem>>) src(%dma_wait3A_305 : memref<10000x128xf32, #tpu.memory_space<hbm>>) dst(%arg12 : memref<64x128xf32, #tpu.memory_space<vmem>>)
    %dma_start3A_306 = arith.constant 3136 : i32
    %dma_start3A_307 = tpu.memref_slice %arg10[%dma_start3A_306] : memref<3328xi32, #tpu.memory_space<vmem>> -> memref<64xi32, #tpu.memory_space<vmem>>
    %dma_start3A_308 = arith.constant 0 : i32
    %dma_start3A_309 = arith.constant 0 : i32
    %dma_start3A_310 = tpu.memref_slice %arg15[%dma_start3A_308, %dma_start3A_309] : memref<10000x128xf32, #tpu.memory_space<vmem_shared>> -> memref<10000x128xf32, #tpu.memory_space<vmem_shared>>
    tpu.enqueue_indirect_dma source(%arg12 : memref<64x128xf32, #tpu.memory_space<vmem>>) target(%dma_start3A_310 : memref<10000x128xf32, #tpu.memory_space<vmem_shared>>) offsets(%dma_start3A_307 : memref<64xi32, #tpu.memory_space<vmem>>) semaphore(%arg21 : memref<!tpu.dma_semaphore, #tpu.memory_space<semaphore_mem>>) {add = true}
    %dma_wait3A_311 = arith.constant 3008 : i32
    %dma_wait3A_312 = tpu.memref_slice %arg10[%dma_wait3A_311] : memref<3328xi32, #tpu.memory_space<vmem>> -> memref<64xi32, #tpu.memory_space<vmem>>
    %dma_wait3A_313 = arith.constant 0 : i32
    %dma_wait3A_314 = arith.constant 0 : i32
    %dma_wait3A_315 = tpu.memref_slice %arg15[%dma_wait3A_313, %dma_wait3A_314] : memref<10000x128xf32, #tpu.memory_space<vmem_shared>> -> memref<10000x128xf32, #tpu.memory_space<vmem_shared>>
    tpu.wait_indirect_dma semaphore(%arg23 : memref<!tpu.dma_semaphore, #tpu.memory_space<semaphore_mem>>) src(%arg14 : memref<64x128xf32, #tpu.memory_space<vmem>>) dst(%dma_wait3A_315 : memref<10000x128xf32, #tpu.memory_space<vmem_shared>>)
    %dma_start3A_316 = arith.constant 3264 : i32
    %dma_start3A_317 = tpu.memref_slice %arg8[%dma_start3A_316] : memref<3328xi32, #tpu.memory_space<vmem>> -> memref<64xi32, #tpu.memory_space<vmem>>
    %dma_start3A_318 = arith.constant 0 : i32
    %dma_start3A_319 = arith.constant 0 : i32
    %dma_start3A_320 = tpu.memref_slice %arg2[%dma_start3A_318, %dma_start3A_319] : memref<10000x128xf32, #tpu.memory_space<hbm>> -> memref<10000x128xf32, #tpu.memory_space<hbm>>
    tpu.enqueue_indirect_dma source(%dma_start3A_320 : memref<10000x128xf32, #tpu.memory_space<hbm>>) target(%arg14 : memref<64x128xf32, #tpu.memory_space<vmem>>) offsets(%dma_start3A_317 : memref<64xi32, #tpu.memory_space<vmem>>) semaphore(%arg19 : memref<!tpu.dma_semaphore, #tpu.memory_space<semaphore_mem>>)
    %dma_wait3A_321 = arith.constant 3200 : i32
    %dma_wait3A_322 = tpu.memref_slice %arg8[%dma_wait3A_321] : memref<3328xi32, #tpu.memory_space<vmem>> -> memref<64xi32, #tpu.memory_space<vmem>>
    %dma_wait3A_323 = arith.constant 0 : i32
    %dma_wait3A_324 = arith.constant 0 : i32
    %dma_wait3A_325 = tpu.memref_slice %arg2[%dma_wait3A_323, %dma_wait3A_324] : memref<10000x128xf32, #tpu.memory_space<hbm>> -> memref<10000x128xf32, #tpu.memory_space<hbm>>
    tpu.wait_indirect_dma semaphore(%arg18 : memref<!tpu.dma_semaphore, #tpu.memory_space<semaphore_mem>>) src(%dma_wait3A_325 : memref<10000x128xf32, #tpu.memory_space<hbm>>) dst(%arg13 : memref<64x128xf32, #tpu.memory_space<vmem>>)
    %dma_start3A_326 = arith.constant 3200 : i32
    %dma_start3A_327 = tpu.memref_slice %arg10[%dma_start3A_326] : memref<3328xi32, #tpu.memory_space<vmem>> -> memref<64xi32, #tpu.memory_space<vmem>>
    %dma_start3A_328 = arith.constant 0 : i32
    %dma_start3A_329 = arith.constant 0 : i32
    %dma_start3A_330 = tpu.memref_slice %arg15[%dma_start3A_328, %dma_start3A_329] : memref<10000x128xf32, #tpu.memory_space<vmem_shared>> -> memref<10000x128xf32, #tpu.memory_space<vmem_shared>>
    tpu.enqueue_indirect_dma source(%arg13 : memref<64x128xf32, #tpu.memory_space<vmem>>) target(%dma_start3A_330 : memref<10000x128xf32, #tpu.memory_space<vmem_shared>>) offsets(%dma_start3A_327 : memref<64xi32, #tpu.memory_space<vmem>>) semaphore(%arg22 : memref<!tpu.dma_semaphore, #tpu.memory_space<semaphore_mem>>) {add = true}
    %dma_wait3A_331 = arith.constant 3072 : i32
    %dma_wait3A_332 = tpu.memref_slice %arg10[%dma_wait3A_331] : memref<3328xi32, #tpu.memory_space<vmem>> -> memref<64xi32, #tpu.memory_space<vmem>>
    %dma_wait3A_333 = arith.constant 0 : i32
    %dma_wait3A_334 = arith.constant 0 : i32
    %dma_wait3A_335 = tpu.memref_slice %arg15[%dma_wait3A_333, %dma_wait3A_334] : memref<10000x128xf32, #tpu.memory_space<vmem_shared>> -> memref<10000x128xf32, #tpu.memory_space<vmem_shared>>
    tpu.wait_indirect_dma semaphore(%arg20 : memref<!tpu.dma_semaphore, #tpu.memory_space<semaphore_mem>>) src(%arg11 : memref<64x128xf32, #tpu.memory_space<vmem>>) dst(%dma_wait3A_335 : memref<10000x128xf32, #tpu.memory_space<vmem_shared>>)
    %dma_wait3A_336 = arith.constant 0 : i32
    %dma_wait3A_337 = tpu.memref_slice %arg3[%dma_wait3A_336] : memref<320000xi32, #tpu.memory_space<hbm>> -> memref<3328xi32, #tpu.memory_space<hbm>>
    %dma_wait3A_338 = arith.constant 0 : i32
    %dma_wait3A_339 = tpu.memref_slice %arg3[%dma_wait3A_338] : memref<320000xi32, #tpu.memory_space<hbm>> -> memref<3328xi32, #tpu.memory_space<hbm>>
    tpu.wait_dma2 semaphore(%arg24 : memref<!tpu.dma_semaphore, #tpu.memory_space<semaphore_mem>>) src(%dma_wait3A_339 : memref<3328xi32, #tpu.memory_space<hbm>>) dst(%arg7 : memref<3328xi32, #tpu.memory_space<vmem>>)
    %dma_wait3A_340 = arith.constant 0 : i32
    %dma_wait3A_341 = tpu.memref_slice %arg4[%dma_wait3A_340] : memref<320000xi32, #tpu.memory_space<hbm>> -> memref<3328xi32, #tpu.memory_space<hbm>>
    %dma_wait3A_342 = arith.constant 0 : i32
    %dma_wait3A_343 = tpu.memref_slice %arg4[%dma_wait3A_342] : memref<320000xi32, #tpu.memory_space<hbm>> -> memref<3328xi32, #tpu.memory_space<hbm>>
    tpu.wait_dma2 semaphore(%arg24 : memref<!tpu.dma_semaphore, #tpu.memory_space<semaphore_mem>>) src(%dma_wait3A_343 : memref<3328xi32, #tpu.memory_space<hbm>>) dst(%arg9 : memref<3328xi32, #tpu.memory_space<vmem>>)
    %dma_start3A_344 = arith.constant 0 : i32
    %dma_start3A_345 = tpu.memref_slice %arg7[%dma_start3A_344] : memref<3328xi32, #tpu.memory_space<vmem>> -> memref<64xi32, #tpu.memory_space<vmem>>
    %dma_start3A_346 = arith.constant 0 : i32
    %dma_start3A_347 = arith.constant 0 : i32
    %dma_start3A_348 = tpu.memref_slice %arg2[%dma_start3A_346, %dma_start3A_347] : memref<10000x128xf32, #tpu.memory_space<hbm>> -> memref<10000x128xf32, #tpu.memory_space<hbm>>
    tpu.enqueue_indirect_dma source(%dma_start3A_348 : memref<10000x128xf32, #tpu.memory_space<hbm>>) target(%arg11 : memref<64x128xf32, #tpu.memory_space<vmem>>) offsets(%dma_start3A_345 : memref<64xi32, #tpu.memory_space<vmem>>) semaphore(%arg16 : memref<!tpu.dma_semaphore, #tpu.memory_space<semaphore_mem>>)
    %dma_wait3A_349 = arith.constant 3264 : i32
    %dma_wait3A_350 = tpu.memref_slice %arg8[%dma_wait3A_349] : memref<3328xi32, #tpu.memory_space<vmem>> -> memref<64xi32, #tpu.memory_space<vmem>>
    %dma_wait3A_351 = arith.constant 0 : i32
    %dma_wait3A_352 = arith.constant 0 : i32
    %dma_wait3A_353 = tpu.memref_slice %arg2[%dma_wait3A_351, %dma_wait3A_352] : memref<10000x128xf32, #tpu.memory_space<hbm>> -> memref<10000x128xf32, #tpu.memory_space<hbm>>
    tpu.wait_indirect_dma semaphore(%arg19 : memref<!tpu.dma_semaphore, #tpu.memory_space<semaphore_mem>>) src(%dma_wait3A_353 : memref<10000x128xf32, #tpu.memory_space<hbm>>) dst(%arg14 : memref<64x128xf32, #tpu.memory_space<vmem>>)
    %dma_start3A_354 = arith.constant 3264 : i32
    %dma_start3A_355 = tpu.memref_slice %arg10[%dma_start3A_354] : memref<3328xi32, #tpu.memory_space<vmem>> -> memref<64xi32, #tpu.memory_space<vmem>>
    %dma_start3A_356 = arith.constant 0 : i32
    %dma_start3A_357 = arith.constant 0 : i32
    %dma_start3A_358 = tpu.memref_slice %arg15[%dma_start3A_356, %dma_start3A_357] : memref<10000x128xf32, #tpu.memory_space<vmem_shared>> -> memref<10000x128xf32, #tpu.memory_space<vmem_shared>>
    tpu.enqueue_indirect_dma source(%arg14 : memref<64x128xf32, #tpu.memory_space<vmem>>) target(%dma_start3A_358 : memref<10000x128xf32, #tpu.memory_space<vmem_shared>>) offsets(%dma_start3A_355 : memref<64xi32, #tpu.memory_space<vmem>>) semaphore(%arg23 : memref<!tpu.dma_semaphore, #tpu.memory_space<semaphore_mem>>) {add = true}
    %dma_wait3A_359 = arith.constant 3136 : i32
    %dma_wait3A_360 = tpu.memref_slice %arg10[%dma_wait3A_359] : memref<3328xi32, #tpu.memory_space<vmem>> -> memref<64xi32, #tpu.memory_space<vmem>>
    %dma_wait3A_361 = arith.constant 0 : i32
    %dma_wait3A_362 = arith.constant 0 : i32
    %dma_wait3A_363 = tpu.memref_slice %arg15[%dma_wait3A_361, %dma_wait3A_362] : memref<10000x128xf32, #tpu.memory_space<vmem_shared>> -> memref<10000x128xf32, #tpu.memory_space<vmem_shared>>
    tpu.wait_indirect_dma semaphore(%arg21 : memref<!tpu.dma_semaphore, #tpu.memory_space<semaphore_mem>>) src(%arg12 : memref<64x128xf32, #tpu.memory_space<vmem>>) dst(%dma_wait3A_363 : memref<10000x128xf32, #tpu.memory_space<vmem_shared>>)
    %dma_start3A_364 = arith.constant 64 : i32
    %dma_start3A_365 = tpu.memref_slice %arg7[%dma_start3A_364] : memref<3328xi32, #tpu.memory_space<vmem>> -> memref<64xi32, #tpu.memory_space<vmem>>
    %dma_start3A_366 = arith.constant 0 : i32
    %dma_start3A_367 = arith.constant 0 : i32
    %dma_start3A_368 = tpu.memref_slice %arg2[%dma_start3A_366, %dma_start3A_367] : memref<10000x128xf32, #tpu.memory_space<hbm>> -> memref<10000x128xf32, #tpu.memory_space<hbm>>
    tpu.enqueue_indirect_dma source(%dma_start3A_368 : memref<10000x128xf32, #tpu.memory_space<hbm>>) target(%arg12 : memref<64x128xf32, #tpu.memory_space<vmem>>) offsets(%dma_start3A_365 : memref<64xi32, #tpu.memory_space<vmem>>) semaphore(%arg17 : memref<!tpu.dma_semaphore, #tpu.memory_space<semaphore_mem>>)
    %dma_wait3A_369 = arith.constant 0 : i32
    %dma_wait3A_370 = tpu.memref_slice %arg7[%dma_wait3A_369] : memref<3328xi32, #tpu.memory_space<vmem>> -> memref<64xi32, #tpu.memory_space<vmem>>
    %dma_wait3A_371 = arith.constant 0 : i32
    %dma_wait3A_372 = arith.constant 0 : i32
    %dma_wait3A_373 = tpu.memref_slice %arg2[%dma_wait3A_371, %dma_wait3A_372] : memref<10000x128xf32, #tpu.memory_space<hbm>> -> memref<10000x128xf32, #tpu.memory_space<hbm>>
    tpu.wait_indirect_dma semaphore(%arg16 : memref<!tpu.dma_semaphore, #tpu.memory_space<semaphore_mem>>) src(%dma_wait3A_373 : memref<10000x128xf32, #tpu.memory_space<hbm>>) dst(%arg11 : memref<64x128xf32, #tpu.memory_space<vmem>>)
    %dma_start3A_374 = arith.constant 0 : i32
    %dma_start3A_375 = tpu.memref_slice %arg9[%dma_start3A_374] : memref<3328xi32, #tpu.memory_space<vmem>> -> memref<64xi32, #tpu.memory_space<vmem>>
    %dma_start3A_376 = arith.constant 0 : i32
    %dma_start3A_377 = arith.constant 0 : i32
    %dma_start3A_378 = tpu.memref_slice %arg15[%dma_start3A_376, %dma_start3A_377] : memref<10000x128xf32, #tpu.memory_space<vmem_shared>> -> memref<10000x128xf32, #tpu.memory_space<vmem_shared>>
    tpu.enqueue_indirect_dma source(%arg11 : memref<64x128xf32, #tpu.memory_space<vmem>>) target(%dma_start3A_378 : memref<10000x128xf32, #tpu.memory_space<vmem_shared>>) offsets(%dma_start3A_375 : memref<64xi32, #tpu.memory_space<vmem>>) semaphore(%arg20 : memref<!tpu.dma_semaphore, #tpu.memory_space<semaphore_mem>>) {add = true}
    %dma_wait3A_379 = arith.constant 3200 : i32
    %dma_wait3A_380 = tpu.memref_slice %arg10[%dma_wait3A_379] : memref<3328xi32, #tpu.memory_space<vmem>> -> memref<64xi32, #tpu.memory_space<vmem>>
    %dma_wait3A_381 = arith.constant 0 : i32
    %dma_wait3A_382 = arith.constant 0 : i32
    %dma_wait3A_383 = tpu.memref_slice %arg15[%dma_wait3A_381, %dma_wait3A_382] : memref<10000x128xf32, #tpu.memory_space<vmem_shared>> -> memref<10000x128xf32, #tpu.memory_space<vmem_shared>>
    tpu.wait_indirect_dma semaphore(%arg22 : memref<!tpu.dma_semaphore, #tpu.memory_space<semaphore_mem>>) src(%arg13 : memref<64x128xf32, #tpu.memory_space<vmem>>) dst(%dma_wait3A_383 : memref<10000x128xf32, #tpu.memory_space<vmem_shared>>)
    %dma_start3A_384 = arith.constant 128 : i32
    %dma_start3A_385 = tpu.memref_slice %arg7[%dma_start3A_384] : memref<3328xi32, #tpu.memory_space<vmem>> -> memref<64xi32, #tpu.memory_space<vmem>>
    %dma_start3A_386 = arith.constant 0 : i32
    %dma_start3A_387 = arith.constant 0 : i32
    %dma_start3A_388 = tpu.memref_slice %arg2[%dma_start3A_386, %dma_start3A_387] : memref<10000x128xf32, #tpu.memory_space<hbm>> -> memref<10000x128xf32, #tpu.memory_space<hbm>>
    tpu.enqueue_indirect_dma source(%dma_start3A_388 : memref<10000x128xf32, #tpu.memory_space<hbm>>) target(%arg13 : memref<64x128xf32, #tpu.memory_space<vmem>>) offsets(%dma_start3A_385 : memref<64xi32, #tpu.memory_space<vmem>>) semaphore(%arg18 : memref<!tpu.dma_semaphore, #tpu.memory_space<semaphore_mem>>)
    %dma_wait3A_389 = arith.constant 64 : i32
    %dma_wait3A_390 = tpu.memref_slice %arg7[%dma_wait3A_389] : memref<3328xi32, #tpu.memory_space<vmem>> -> memref<64xi32, #tpu.memory_space<vmem>>
    %dma_wait3A_391 = arith.constant 0 : i32
    %dma_wait3A_392 = arith.constant 0 : i32
    %dma_wait3A_393 = tpu.memref_slice %arg2[%dma_wait3A_391, %dma_wait3A_392] : memref<10000x128xf32, #tpu.memory_space<hbm>> -> memref<10000x128xf32, #tpu.memory_space<hbm>>
    tpu.wait_indirect_dma semaphore(%arg17 : memref<!tpu.dma_semaphore, #tpu.memory_space<semaphore_mem>>) src(%dma_wait3A_393 : memref<10000x128xf32, #tpu.memory_space<hbm>>) dst(%arg12 : memref<64x128xf32, #tpu.memory_space<vmem>>)
    %dma_start3A_394 = arith.constant 64 : i32
    %dma_start3A_395 = tpu.memref_slice %arg9[%dma_start3A_394] : memref<3328xi32, #tpu.memory_space<vmem>> -> memref<64xi32, #tpu.memory_space<vmem>>
    %dma_start3A_396 = arith.constant 0 : i32
    %dma_start3A_397 = arith.constant 0 : i32
    %dma_start3A_398 = tpu.memref_slice %arg15[%dma_start3A_396, %dma_start3A_397] : memref<10000x128xf32, #tpu.memory_space<vmem_shared>> -> memref<10000x128xf32, #tpu.memory_space<vmem_shared>>
    tpu.enqueue_indirect_dma source(%arg12 : memref<64x128xf32, #tpu.memory_space<vmem>>) target(%dma_start3A_398 : memref<10000x128xf32, #tpu.memory_space<vmem_shared>>) offsets(%dma_start3A_395 : memref<64xi32, #tpu.memory_space<vmem>>) semaphore(%arg21 : memref<!tpu.dma_semaphore, #tpu.memory_space<semaphore_mem>>) {add = true}
    %dma_wait3A_399 = arith.constant 3264 : i32
    %dma_wait3A_400 = tpu.memref_slice %arg10[%dma_wait3A_399] : memref<3328xi32, #tpu.memory_space<vmem>> -> memref<64xi32, #tpu.memory_space<vmem>>
    %dma_wait3A_401 = arith.constant 0 : i32
    %dma_wait3A_402 = arith.constant 0 : i32
    %dma_wait3A_403 = tpu.memref_slice %arg15[%dma_wait3A_401, %dma_wait3A_402] : memref<10000x128xf32, #tpu.memory_space<vmem_shared>> -> memref<10000x128xf32, #tpu.memory_space<vmem_shared>>
    tpu.wait_indirect_dma semaphore(%arg23 : memref<!tpu.dma_semaphore, #tpu.memory_space<semaphore_mem>>) src(%arg14 : memref<64x128xf32, #tpu.memory_space<vmem>>) dst(%dma_wait3A_403 : memref<10000x128xf32, #tpu.memory_space<vmem_shared>>)
    %dma_start3A_404 = arith.constant 192 : i32
    %dma_start3A_405 = tpu.memref_slice %arg7[%dma_start3A_404] : memref<3328xi32, #tpu.memory_space<vmem>> -> memref<64xi32, #tpu.memory_space<vmem>>
    %dma_start3A_406 = arith.constant 0 : i32
    %dma_start3A_407 = arith.constant 0 : i32
    %dma_start3A_408 = tpu.memref_slice %arg2[%dma_start3A_406, %dma_start3A_407] : memref<10000x128xf32, #tpu.memory_space<hbm>> -> memref<10000x128xf32, #tpu.memory_space<hbm>>
    tpu.enqueue_indirect_dma source(%dma_start3A_408 : memref<10000x128xf32, #tpu.memory_space<hbm>>) target(%arg14 : memref<64x128xf32, #tpu.memory_space<vmem>>) offsets(%dma_start3A_405 : memref<64xi32, #tpu.memory_space<vmem>>) semaphore(%arg19 : memref<!tpu.dma_semaphore, #tpu.memory_space<semaphore_mem>>)
    %dma_wait3A_409 = arith.constant 128 : i32
    %dma_wait3A_410 = tpu.memref_slice %arg7[%dma_wait3A_409] : memref<3328xi32, #tpu.memory_space<vmem>> -> memref<64xi32, #tpu.memory_space<vmem>>
    %dma_wait3A_411 = arith.constant 0 : i32
    %dma_wait3A_412 = arith.constant 0 : i32
    %dma_wait3A_413 = tpu.memref_slice %arg2[%dma_wait3A_411, %dma_wait3A_412] : memref<10000x128xf32, #tpu.memory_space<hbm>> -> memref<10000x128xf32, #tpu.memory_space<hbm>>
    tpu.wait_indirect_dma semaphore(%arg18 : memref<!tpu.dma_semaphore, #tpu.memory_space<semaphore_mem>>) src(%dma_wait3A_413 : memref<10000x128xf32, #tpu.memory_space<hbm>>) dst(%arg13 : memref<64x128xf32, #tpu.memory_space<vmem>>)
    %dma_start3A_414 = arith.constant 128 : i32
    %dma_start3A_415 = tpu.memref_slice %arg9[%dma_start3A_414] : memref<3328xi32, #tpu.memory_space<vmem>> -> memref<64xi32, #tpu.memory_space<vmem>>
    %dma_start3A_416 = arith.constant 0 : i32
    %dma_start3A_417 = arith.constant 0 : i32
    %dma_start3A_418 = tpu.memref_slice %arg15[%dma_start3A_416, %dma_start3A_417] : memref<10000x128xf32, #tpu.memory_space<vmem_shared>> -> memref<10000x128xf32, #tpu.memory_space<vmem_shared>>
    tpu.enqueue_indirect_dma source(%arg13 : memref<64x128xf32, #tpu.memory_space<vmem>>) target(%dma_start3A_418 : memref<10000x128xf32, #tpu.memory_space<vmem_shared>>) offsets(%dma_start3A_415 : memref<64xi32, #tpu.memory_space<vmem>>) semaphore(%arg22 : memref<!tpu.dma_semaphore, #tpu.memory_space<semaphore_mem>>) {add = true}
    %dma_wait3A_419 = arith.constant 0 : i32
    %dma_wait3A_420 = tpu.memref_slice %arg9[%dma_wait3A_419] : memref<3328xi32, #tpu.memory_space<vmem>> -> memref<64xi32, #tpu.memory_space<vmem>>
    %dma_wait3A_421 = arith.constant 0 : i32
    %dma_wait3A_422 = arith.constant 0 : i32
    %dma_wait3A_423 = tpu.memref_slice %arg15[%dma_wait3A_421, %dma_wait3A_422] : memref<10000x128xf32, #tpu.memory_space<vmem_shared>> -> memref<10000x128xf32, #tpu.memory_space<vmem_shared>>
    tpu.wait_indirect_dma semaphore(%arg20 : memref<!tpu.dma_semaphore, #tpu.memory_space<semaphore_mem>>) src(%arg11 : memref<64x128xf32, #tpu.memory_space<vmem>>) dst(%dma_wait3A_423 : memref<10000x128xf32, #tpu.memory_space<vmem_shared>>)
    %dma_start3A_424 = arith.constant 256 : i32
    %dma_start3A_425 = tpu.memref_slice %arg7[%dma_start3A_424] : memref<3328xi32, #tpu.memory_space<vmem>> -> memref<64xi32, #tpu.memory_space<vmem>>
    %dma_start3A_426 = arith.constant 0 : i32
    %dma_start3A_427 = arith.constant 0 : i32
    %dma_start3A_428 = tpu.memref_slice %arg2[%dma_start3A_426, %dma_start3A_427] : memref<10000x128xf32, #tpu.memory_space<hbm>> -> memref<10000x128xf32, #tpu.memory_space<hbm>>
    tpu.enqueue_indirect_dma source(%dma_start3A_428 : memref<10000x128xf32, #tpu.memory_space<hbm>>) target(%arg11 : memref<64x128xf32, #tpu.memory_space<vmem>>) offsets(%dma_start3A_425 : memref<64xi32, #tpu.memory_space<vmem>>) semaphore(%arg16 : memref<!tpu.dma_semaphore, #tpu.memory_space<semaphore_mem>>)
    %dma_wait3A_429 = arith.constant 192 : i32
    %dma_wait3A_430 = tpu.memref_slice %arg7[%dma_wait3A_429] : memref<3328xi32, #tpu.memory_space<vmem>> -> memref<64xi32, #tpu.memory_space<vmem>>
    %dma_wait3A_431 = arith.constant 0 : i32
    %dma_wait3A_432 = arith.constant 0 : i32
    %dma_wait3A_433 = tpu.memref_slice %arg2[%dma_wait3A_431, %dma_wait3A_432] : memref<10000x128xf32, #tpu.memory_space<hbm>> -> memref<10000x128xf32, #tpu.memory_space<hbm>>
    tpu.wait_indirect_dma semaphore(%arg19 : memref<!tpu.dma_semaphore, #tpu.memory_space<semaphore_mem>>) src(%dma_wait3A_433 : memref<10000x128xf32, #tpu.memory_space<hbm>>) dst(%arg14 : memref<64x128xf32, #tpu.memory_space<vmem>>)
    %dma_start3A_434 = arith.constant 192 : i32
    %dma_start3A_435 = tpu.memref_slice %arg9[%dma_start3A_434] : memref<3328xi32, #tpu.memory_space<vmem>> -> memref<64xi32, #tpu.memory_space<vmem>>
    %dma_start3A_436 = arith.constant 0 : i32
    %dma_start3A_437 = arith.constant 0 : i32
    %dma_start3A_438 = tpu.memref_slice %arg15[%dma_start3A_436, %dma_start3A_437] : memref<10000x128xf32, #tpu.memory_space<vmem_shared>> -> memref<10000x128xf32, #tpu.memory_space<vmem_shared>>
    tpu.enqueue_indirect_dma source(%arg14 : memref<64x128xf32, #tpu.memory_space<vmem>>) target(%dma_start3A_438 : memref<10000x128xf32, #tpu.memory_space<vmem_shared>>) offsets(%dma_start3A_435 : memref<64xi32, #tpu.memory_space<vmem>>) semaphore(%arg23 : memref<!tpu.dma_semaphore, #tpu.memory_space<semaphore_mem>>) {add = true}
    %dma_wait3A_439 = arith.constant 64 : i32
    %dma_wait3A_440 = tpu.memref_slice %arg9[%dma_wait3A_439] : memref<3328xi32, #tpu.memory_space<vmem>> -> memref<64xi32, #tpu.memory_space<vmem>>
    %dma_wait3A_441 = arith.constant 0 : i32
    %dma_wait3A_442 = arith.constant 0 : i32
    %dma_wait3A_443 = tpu.memref_slice %arg15[%dma_wait3A_441, %dma_wait3A_442] : memref<10000x128xf32, #tpu.memory_space<vmem_shared>> -> memref<10000x128xf32, #tpu.memory_space<vmem_shared>>
    tpu.wait_indirect_dma semaphore(%arg21 : memref<!tpu.dma_semaphore, #tpu.memory_space<semaphore_mem>>) src(%arg12 : memref<64x128xf32, #tpu.memory_space<vmem>>) dst(%dma_wait3A_443 : memref<10000x128xf32, #tpu.memory_space<vmem_shared>>)
    %dma_start3A_444 = arith.constant 320 : i32
    %dma_start3A_445 = tpu.memref_slice %arg7[%dma_start3A_444] : memref<3328xi32, #tpu.memory_space<vmem>> -> memref<64xi32, #tpu.memory_space<vmem>>
    %dma_start3A_446 = arith.constant 0 : i32
    %dma_start3A_447 = arith.constant 0 : i32
    %dma_start3A_448 = tpu.memref_slice %arg2[%dma_start3A_446, %dma_start3A_447] : memref<10000x128xf32, #tpu.memory_space<hbm>> -> memref<10000x128xf32, #tpu.memory_space<hbm>>
    tpu.enqueue_indirect_dma source(%dma_start3A_448 : memref<10000x128xf32, #tpu.memory_space<hbm>>) target(%arg12 : memref<64x128xf32, #tpu.memory_space<vmem>>) offsets(%dma_start3A_445 : memref<64xi32, #tpu.memory_space<vmem>>) semaphore(%arg17 : memref<!tpu.dma_semaphore, #tpu.memory_space<semaphore_mem>>)
    %scan3A_449 = arith.constant 0 : i32
    %scan3A_450 = arith.constant 1 : i32
    %scan3A_451 = arith.constant 11 : i32
    %scan3A_452 = arith.addi %scan3A_450, %scan3A_451 : i32
    %scan3A_453 = arith.constant 1 : i32
    scf.for %scan3A_561 = %scan3A_450 to %scan3A_452 step %scan3A_453  : i32 {
      %mul3A_562 = arith.constant 4 : i32
      %mul3A_563 = arith.muli %mul3A_562, %scan3A_561 : i32
      %add3A_564 = arith.constant 0 : i32
      %add3A_565 = arith.addi %mul3A_563, %add3A_564 : i32
      %mul3A_566 = arith.constant 64 : i32
      %mul3A_567 = arith.muli %add3A_565, %mul3A_566 : i32
      %dma_wait3A_568 = tpu.memref_slice %arg7[%mul3A_567] : memref<3328xi32, #tpu.memory_space<vmem>> -> memref<64xi32, #tpu.memory_space<vmem>>
      %dma_wait3A_569 = arith.constant 0 : i32
      %dma_wait3A_570 = arith.constant 0 : i32
      %dma_wait3A_571 = tpu.memref_slice %arg2[%dma_wait3A_569, %dma_wait3A_570] : memref<10000x128xf32, #tpu.memory_space<hbm>> -> memref<10000x128xf32, #tpu.memory_space<hbm>>
      tpu.wait_indirect_dma semaphore(%arg16 : memref<!tpu.dma_semaphore, #tpu.memory_space<semaphore_mem>>) src(%dma_wait3A_571 : memref<10000x128xf32, #tpu.memory_space<hbm>>) dst(%arg11 : memref<64x128xf32, #tpu.memory_space<vmem>>)
      %mul3A_572 = arith.constant 64 : i32
      %mul3A_573 = arith.muli %add3A_565, %mul3A_572 : i32
      %dma_start3A_574 = tpu.memref_slice %arg9[%mul3A_573] : memref<3328xi32, #tpu.memory_space<vmem>> -> memref<64xi32, #tpu.memory_space<vmem>>
      %dma_start3A_575 = arith.constant 0 : i32
      %dma_start3A_576 = arith.constant 0 : i32
      %dma_start3A_577 = tpu.memref_slice %arg15[%dma_start3A_575, %dma_start3A_576] : memref<10000x128xf32, #tpu.memory_space<vmem_shared>> -> memref<10000x128xf32, #tpu.memory_space<vmem_shared>>
      tpu.enqueue_indirect_dma source(%arg11 : memref<64x128xf32, #tpu.memory_space<vmem>>) target(%dma_start3A_577 : memref<10000x128xf32, #tpu.memory_space<vmem_shared>>) offsets(%dma_start3A_574 : memref<64xi32, #tpu.memory_space<vmem>>) semaphore(%arg20 : memref<!tpu.dma_semaphore, #tpu.memory_space<semaphore_mem>>) {add = true}
      %sub3A = arith.constant 2 : i32
      %sub3A_578 = arith.subi %add3A_565, %sub3A : i32
      %mul3A_579 = arith.constant 64 : i32
      %mul3A_580 = arith.muli %sub3A_578, %mul3A_579 : i32
      %dma_wait3A_581 = tpu.memref_slice %arg9[%mul3A_580] : memref<3328xi32, #tpu.memory_space<vmem>> -> memref<64xi32, #tpu.memory_space<vmem>>
      %dma_wait3A_582 = arith.constant 0 : i32
      %dma_wait3A_583 = arith.constant 0 : i32
      %dma_wait3A_584 = tpu.memref_slice %arg15[%dma_wait3A_582, %dma_wait3A_583] : memref<10000x128xf32, #tpu.memory_space<vmem_shared>> -> memref<10000x128xf32, #tpu.memory_space<vmem_shared>>
      tpu.wait_indirect_dma semaphore(%arg22 : memref<!tpu.dma_semaphore, #tpu.memory_space<semaphore_mem>>) src(%arg13 : memref<64x128xf32, #tpu.memory_space<vmem>>) dst(%dma_wait3A_584 : memref<10000x128xf32, #tpu.memory_space<vmem_shared>>)
      %add3A_585 = arith.constant 2 : i32
      %add3A_586 = arith.addi %add3A_565, %add3A_585 : i32
      %mul3A_587 = arith.constant 64 : i32
      %mul3A_588 = arith.muli %add3A_586, %mul3A_587 : i32
      %dma_start3A_589 = tpu.memref_slice %arg7[%mul3A_588] : memref<3328xi32, #tpu.memory_space<vmem>> -> memref<64xi32, #tpu.memory_space<vmem>>
      %dma_start3A_590 = arith.constant 0 : i32
      %dma_start3A_591 = arith.constant 0 : i32
      %dma_start3A_592 = tpu.memref_slice %arg2[%dma_start3A_590, %dma_start3A_591] : memref<10000x128xf32, #tpu.memory_space<hbm>> -> memref<10000x128xf32, #tpu.memory_space<hbm>>
      tpu.enqueue_indirect_dma source(%dma_start3A_592 : memref<10000x128xf32, #tpu.memory_space<hbm>>) target(%arg13 : memref<64x128xf32, #tpu.memory_space<vmem>>) offsets(%dma_start3A_589 : memref<64xi32, #tpu.memory_space<vmem>>) semaphore(%arg18 : memref<!tpu.dma_semaphore, #tpu.memory_space<semaphore_mem>>)
      %mul3A_593 = arith.constant 4 : i32
      %mul3A_594 = arith.muli %mul3A_593, %scan3A_561 : i32
      %add3A_595 = arith.constant 1 : i32
      %add3A_596 = arith.addi %mul3A_594, %add3A_595 : i32
      %mul3A_597 = arith.constant 64 : i32
      %mul3A_598 = arith.muli %add3A_596, %mul3A_597 : i32
      %dma_wait3A_599 = tpu.memref_slice %arg7[%mul3A_598] : memref<3328xi32, #tpu.memory_space<vmem>> -> memref<64xi32, #tpu.memory_space<vmem>>
      %dma_wait3A_600 = arith.constant 0 : i32
      %dma_wait3A_601 = arith.constant 0 : i32
      %dma_wait3A_602 = tpu.memref_slice %arg2[%dma_wait3A_600, %dma_wait3A_601] : memref<10000x128xf32, #tpu.memory_space<hbm>> -> memref<10000x128xf32, #tpu.memory_space<hbm>>
      tpu.wait_indirect_dma semaphore(%arg17 : memref<!tpu.dma_semaphore, #tpu.memory_space<semaphore_mem>>) src(%dma_wait3A_602 : memref<10000x128xf32, #tpu.memory_space<hbm>>) dst(%arg12 : memref<64x128xf32, #tpu.memory_space<vmem>>)
      %mul3A_603 = arith.constant 64 : i32
      %mul3A_604 = arith.muli %add3A_596, %mul3A_603 : i32
      %dma_start3A_605 = tpu.memref_slice %arg9[%mul3A_604] : memref<3328xi32, #tpu.memory_space<vmem>> -> memref<64xi32, #tpu.memory_space<vmem>>
      %dma_start3A_606 = arith.constant 0 : i32
      %dma_start3A_607 = arith.constant 0 : i32
      %dma_start3A_608 = tpu.memref_slice %arg15[%dma_start3A_606, %dma_start3A_607] : memref<10000x128xf32, #tpu.memory_space<vmem_shared>> -> memref<10000x128xf32, #tpu.memory_space<vmem_shared>>
      tpu.enqueue_indirect_dma source(%arg12 : memref<64x128xf32, #tpu.memory_space<vmem>>) target(%dma_start3A_608 : memref<10000x128xf32, #tpu.memory_space<vmem_shared>>) offsets(%dma_start3A_605 : memref<64xi32, #tpu.memory_space<vmem>>) semaphore(%arg21 : memref<!tpu.dma_semaphore, #tpu.memory_space<semaphore_mem>>) {add = true}
      %sub3A_609 = arith.constant 2 : i32
      %sub3A_610 = arith.subi %add3A_596, %sub3A_609 : i32
      %mul3A_611 = arith.constant 64 : i32
      %mul3A_612 = arith.muli %sub3A_610, %mul3A_611 : i32
      %dma_wait3A_613 = tpu.memref_slice %arg9[%mul3A_612] : memref<3328xi32, #tpu.memory_space<vmem>> -> memref<64xi32, #tpu.memory_space<vmem>>
      %dma_wait3A_614 = arith.constant 0 : i32
      %dma_wait3A_615 = arith.constant 0 : i32
      %dma_wait3A_616 = tpu.memref_slice %arg15[%dma_wait3A_614, %dma_wait3A_615] : memref<10000x128xf32, #tpu.memory_space<vmem_shared>> -> memref<10000x128xf32, #tpu.memory_space<vmem_shared>>
      tpu.wait_indirect_dma semaphore(%arg23 : memref<!tpu.dma_semaphore, #tpu.memory_space<semaphore_mem>>) src(%arg14 : memref<64x128xf32, #tpu.memory_space<vmem>>) dst(%dma_wait3A_616 : memref<10000x128xf32, #tpu.memory_space<vmem_shared>>)
      %add3A_617 = arith.constant 2 : i32
      %add3A_618 = arith.addi %add3A_596, %add3A_617 : i32
      %mul3A_619 = arith.constant 64 : i32
      %mul3A_620 = arith.muli %add3A_618, %mul3A_619 : i32
      %dma_start3A_621 = tpu.memref_slice %arg7[%mul3A_620] : memref<3328xi32, #tpu.memory_space<vmem>> -> memref<64xi32, #tpu.memory_space<vmem>>
      %dma_start3A_622 = arith.constant 0 : i32
      %dma_start3A_623 = arith.constant 0 : i32
      %dma_start3A_624 = tpu.memref_slice %arg2[%dma_start3A_622, %dma_start3A_623] : memref<10000x128xf32, #tpu.memory_space<hbm>> -> memref<10000x128xf32, #tpu.memory_space<hbm>>
      tpu.enqueue_indirect_dma source(%dma_start3A_624 : memref<10000x128xf32, #tpu.memory_space<hbm>>) target(%arg14 : memref<64x128xf32, #tpu.memory_space<vmem>>) offsets(%dma_start3A_621 : memref<64xi32, #tpu.memory_space<vmem>>) semaphore(%arg19 : memref<!tpu.dma_semaphore, #tpu.memory_space<semaphore_mem>>)
      %mul3A_625 = arith.constant 4 : i32
      %mul3A_626 = arith.muli %mul3A_625, %scan3A_561 : i32
      %add3A_627 = arith.constant 2 : i32
      %add3A_628 = arith.addi %mul3A_626, %add3A_627 : i32
      %mul3A_629 = arith.constant 64 : i32
      %mul3A_630 = arith.muli %add3A_628, %mul3A_629 : i32
      %dma_wait3A_631 = tpu.memref_slice %arg7[%mul3A_630] : memref<3328xi32, #tpu.memory_space<vmem>> -> memref<64xi32, #tpu.memory_space<vmem>>
      %dma_wait3A_632 = arith.constant 0 : i32
      %dma_wait3A_633 = arith.constant 0 : i32
      %dma_wait3A_634 = tpu.memref_slice %arg2[%dma_wait3A_632, %dma_wait3A_633] : memref<10000x128xf32, #tpu.memory_space<hbm>> -> memref<10000x128xf32, #tpu.memory_space<hbm>>
      tpu.wait_indirect_dma semaphore(%arg18 : memref<!tpu.dma_semaphore, #tpu.memory_space<semaphore_mem>>) src(%dma_wait3A_634 : memref<10000x128xf32, #tpu.memory_space<hbm>>) dst(%arg13 : memref<64x128xf32, #tpu.memory_space<vmem>>)
      %mul3A_635 = arith.constant 64 : i32
      %mul3A_636 = arith.muli %add3A_628, %mul3A_635 : i32
      %dma_start3A_637 = tpu.memref_slice %arg9[%mul3A_636] : memref<3328xi32, #tpu.memory_space<vmem>> -> memref<64xi32, #tpu.memory_space<vmem>>
      %dma_start3A_638 = arith.constant 0 : i32
      %dma_start3A_639 = arith.constant 0 : i32
      %dma_start3A_640 = tpu.memref_slice %arg15[%dma_start3A_638, %dma_start3A_639] : memref<10000x128xf32, #tpu.memory_space<vmem_shared>> -> memref<10000x128xf32, #tpu.memory_space<vmem_shared>>
      tpu.enqueue_indirect_dma source(%arg13 : memref<64x128xf32, #tpu.memory_space<vmem>>) target(%dma_start3A_640 : memref<10000x128xf32, #tpu.memory_space<vmem_shared>>) offsets(%dma_start3A_637 : memref<64xi32, #tpu.memory_space<vmem>>) semaphore(%arg22 : memref<!tpu.dma_semaphore, #tpu.memory_space<semaphore_mem>>) {add = true}
      %sub3A_641 = arith.constant 2 : i32
      %sub3A_642 = arith.subi %add3A_628, %sub3A_641 : i32
      %mul3A_643 = arith.constant 64 : i32
      %mul3A_644 = arith.muli %sub3A_642, %mul3A_643 : i32
      %dma_wait3A_645 = tpu.memref_slice %arg9[%mul3A_644] : memref<3328xi32, #tpu.memory_space<vmem>> -> memref<64xi32, #tpu.memory_space<vmem>>
      %dma_wait3A_646 = arith.constant 0 : i32
      %dma_wait3A_647 = arith.constant 0 : i32
      %dma_wait3A_648 = tpu.memref_slice %arg15[%dma_wait3A_646, %dma_wait3A_647] : memref<10000x128xf32, #tpu.memory_space<vmem_shared>> -> memref<10000x128xf32, #tpu.memory_space<vmem_shared>>
      tpu.wait_indirect_dma semaphore(%arg20 : memref<!tpu.dma_semaphore, #tpu.memory_space<semaphore_mem>>) src(%arg11 : memref<64x128xf32, #tpu.memory_space<vmem>>) dst(%dma_wait3A_648 : memref<10000x128xf32, #tpu.memory_space<vmem_shared>>)
      %add3A_649 = arith.constant 2 : i32
      %add3A_650 = arith.addi %add3A_628, %add3A_649 : i32
      %mul3A_651 = arith.constant 64 : i32
      %mul3A_652 = arith.muli %add3A_650, %mul3A_651 : i32
      %dma_start3A_653 = tpu.memref_slice %arg7[%mul3A_652] : memref<3328xi32, #tpu.memory_space<vmem>> -> memref<64xi32, #tpu.memory_space<vmem>>
      %dma_start3A_654 = arith.constant 0 : i32
      %dma_start3A_655 = arith.constant 0 : i32
      %dma_start3A_656 = tpu.memref_slice %arg2[%dma_start3A_654, %dma_start3A_655] : memref<10000x128xf32, #tpu.memory_space<hbm>> -> memref<10000x128xf32, #tpu.memory_space<hbm>>
      tpu.enqueue_indirect_dma source(%dma_start3A_656 : memref<10000x128xf32, #tpu.memory_space<hbm>>) target(%arg11 : memref<64x128xf32, #tpu.memory_space<vmem>>) offsets(%dma_start3A_653 : memref<64xi32, #tpu.memory_space<vmem>>) semaphore(%arg16 : memref<!tpu.dma_semaphore, #tpu.memory_space<semaphore_mem>>)
      %mul3A_657 = arith.constant 4 : i32
      %mul3A_658 = arith.muli %mul3A_657, %scan3A_561 : i32
      %add3A_659 = arith.constant 3 : i32
      %add3A_660 = arith.addi %mul3A_658, %add3A_659 : i32
      %mul3A_661 = arith.constant 64 : i32
      %mul3A_662 = arith.muli %add3A_660, %mul3A_661 : i32
      %dma_wait3A_663 = tpu.memref_slice %arg7[%mul3A_662] : memref<3328xi32, #tpu.memory_space<vmem>> -> memref<64xi32, #tpu.memory_space<vmem>>
      %dma_wait3A_664 = arith.constant 0 : i32
      %dma_wait3A_665 = arith.constant 0 : i32
      %dma_wait3A_666 = tpu.memref_slice %arg2[%dma_wait3A_664, %dma_wait3A_665] : memref<10000x128xf32, #tpu.memory_space<hbm>> -> memref<10000x128xf32, #tpu.memory_space<hbm>>
      tpu.wait_indirect_dma semaphore(%arg19 : memref<!tpu.dma_semaphore, #tpu.memory_space<semaphore_mem>>) src(%dma_wait3A_666 : memref<10000x128xf32, #tpu.memory_space<hbm>>) dst(%arg14 : memref<64x128xf32, #tpu.memory_space<vmem>>)
      %mul3A_667 = arith.constant 64 : i32
      %mul3A_668 = arith.muli %add3A_660, %mul3A_667 : i32
      %dma_start3A_669 = tpu.memref_slice %arg9[%mul3A_668] : memref<3328xi32, #tpu.memory_space<vmem>> -> memref<64xi32, #tpu.memory_space<vmem>>
      %dma_start3A_670 = arith.constant 0 : i32
      %dma_start3A_671 = arith.constant 0 : i32
      %dma_start3A_672 = tpu.memref_slice %arg15[%dma_start3A_670, %dma_start3A_671] : memref<10000x128xf32, #tpu.memory_space<vmem_shared>> -> memref<10000x128xf32, #tpu.memory_space<vmem_shared>>
      tpu.enqueue_indirect_dma source(%arg14 : memref<64x128xf32, #tpu.memory_space<vmem>>) target(%dma_start3A_672 : memref<10000x128xf32, #tpu.memory_space<vmem_shared>>) offsets(%dma_start3A_669 : memref<64xi32, #tpu.memory_space<vmem>>) semaphore(%arg23 : memref<!tpu.dma_semaphore, #tpu.memory_space<semaphore_mem>>) {add = true}
      %sub3A_673 = arith.constant 2 : i32
      %sub3A_674 = arith.subi %add3A_660, %sub3A_673 : i32
      %mul3A_675 = arith.constant 64 : i32
      %mul3A_676 = arith.muli %sub3A_674, %mul3A_675 : i32
      %dma_wait3A_677 = tpu.memref_slice %arg9[%mul3A_676] : memref<3328xi32, #tpu.memory_space<vmem>> -> memref<64xi32, #tpu.memory_space<vmem>>
      %dma_wait3A_678 = arith.constant 0 : i32
      %dma_wait3A_679 = arith.constant 0 : i32
      %dma_wait3A_680 = tpu.memref_slice %arg15[%dma_wait3A_678, %dma_wait3A_679] : memref<10000x128xf32, #tpu.memory_space<vmem_shared>> -> memref<10000x128xf32, #tpu.memory_space<vmem_shared>>
      tpu.wait_indirect_dma semaphore(%arg21 : memref<!tpu.dma_semaphore, #tpu.memory_space<semaphore_mem>>) src(%arg12 : memref<64x128xf32, #tpu.memory_space<vmem>>) dst(%dma_wait3A_680 : memref<10000x128xf32, #tpu.memory_space<vmem_shared>>)
      %add3A_681 = arith.constant 2 : i32
      %add3A_682 = arith.addi %add3A_660, %add3A_681 : i32
      %mul3A_683 = arith.constant 64 : i32
      %mul3A_684 = arith.muli %add3A_682, %mul3A_683 : i32
      %dma_start3A_685 = tpu.memref_slice %arg7[%mul3A_684] : memref<3328xi32, #tpu.memory_space<vmem>> -> memref<64xi32, #tpu.memory_space<vmem>>
      %dma_start3A_686 = arith.constant 0 : i32
      %dma_start3A_687 = arith.constant 0 : i32
      %dma_start3A_688 = tpu.memref_slice %arg2[%dma_start3A_686, %dma_start3A_687] : memref<10000x128xf32, #tpu.memory_space<hbm>> -> memref<10000x128xf32, #tpu.memory_space<hbm>>
      tpu.enqueue_indirect_dma source(%dma_start3A_688 : memref<10000x128xf32, #tpu.memory_space<hbm>>) target(%arg12 : memref<64x128xf32, #tpu.memory_space<vmem>>) offsets(%dma_start3A_685 : memref<64xi32, #tpu.memory_space<vmem>>) semaphore(%arg17 : memref<!tpu.dma_semaphore, #tpu.memory_space<semaphore_mem>>)
    }
    %scan3A_454 = arith.constant 11 : i32
    %dma_wait3A_455 = arith.constant 3072 : i32
    %dma_wait3A_456 = tpu.memref_slice %arg7[%dma_wait3A_455] : memref<3328xi32, #tpu.memory_space<vmem>> -> memref<64xi32, #tpu.memory_space<vmem>>
    %dma_wait3A_457 = arith.constant 0 : i32
    %dma_wait3A_458 = arith.constant 0 : i32
    %dma_wait3A_459 = tpu.memref_slice %arg2[%dma_wait3A_457, %dma_wait3A_458] : memref<10000x128xf32, #tpu.memory_space<hbm>> -> memref<10000x128xf32, #tpu.memory_space<hbm>>
    tpu.wait_indirect_dma semaphore(%arg16 : memref<!tpu.dma_semaphore, #tpu.memory_space<semaphore_mem>>) src(%dma_wait3A_459 : memref<10000x128xf32, #tpu.memory_space<hbm>>) dst(%arg11 : memref<64x128xf32, #tpu.memory_space<vmem>>)
    %dma_start3A_460 = arith.constant 3072 : i32
    %dma_start3A_461 = tpu.memref_slice %arg9[%dma_start3A_460] : memref<3328xi32, #tpu.memory_space<vmem>> -> memref<64xi32, #tpu.memory_space<vmem>>
    %dma_start3A_462 = arith.constant 0 : i32
    %dma_start3A_463 = arith.constant 0 : i32
    %dma_start3A_464 = tpu.memref_slice %arg15[%dma_start3A_462, %dma_start3A_463] : memref<10000x128xf32, #tpu.memory_space<vmem_shared>> -> memref<10000x128xf32, #tpu.memory_space<vmem_shared>>
    tpu.enqueue_indirect_dma source(%arg11 : memref<64x128xf32, #tpu.memory_space<vmem>>) target(%dma_start3A_464 : memref<10000x128xf32, #tpu.memory_space<vmem_shared>>) offsets(%dma_start3A_461 : memref<64xi32, #tpu.memory_space<vmem>>) semaphore(%arg20 : memref<!tpu.dma_semaphore, #tpu.memory_space<semaphore_mem>>) {add = true}
    %dma_wait3A_465 = arith.constant 2944 : i32
    %dma_wait3A_466 = tpu.memref_slice %arg9[%dma_wait3A_465] : memref<3328xi32, #tpu.memory_space<vmem>> -> memref<64xi32, #tpu.memory_space<vmem>>
    %dma_wait3A_467 = arith.constant 0 : i32
    %dma_wait3A_468 = arith.constant 0 : i32
    %dma_wait3A_469 = tpu.memref_slice %arg15[%dma_wait3A_467, %dma_wait3A_468] : memref<10000x128xf32, #tpu.memory_space<vmem_shared>> -> memref<10000x128xf32, #tpu.memory_space<vmem_shared>>
    tpu.wait_indirect_dma semaphore(%arg22 : memref<!tpu.dma_semaphore, #tpu.memory_space<semaphore_mem>>) src(%arg13 : memref<64x128xf32, #tpu.memory_space<vmem>>) dst(%dma_wait3A_469 : memref<10000x128xf32, #tpu.memory_space<vmem_shared>>)
    %dma_start3A_470 = arith.constant 3200 : i32
    %dma_start3A_471 = tpu.memref_slice %arg7[%dma_start3A_470] : memref<3328xi32, #tpu.memory_space<vmem>> -> memref<64xi32, #tpu.memory_space<vmem>>
    %dma_start3A_472 = arith.constant 0 : i32
    %dma_start3A_473 = arith.constant 0 : i32
    %dma_start3A_474 = tpu.memref_slice %arg2[%dma_start3A_472, %dma_start3A_473] : memref<10000x128xf32, #tpu.memory_space<hbm>> -> memref<10000x128xf32, #tpu.memory_space<hbm>>
    tpu.enqueue_indirect_dma source(%dma_start3A_474 : memref<10000x128xf32, #tpu.memory_space<hbm>>) target(%arg13 : memref<64x128xf32, #tpu.memory_space<vmem>>) offsets(%dma_start3A_471 : memref<64xi32, #tpu.memory_space<vmem>>) semaphore(%arg18 : memref<!tpu.dma_semaphore, #tpu.memory_space<semaphore_mem>>)
    %dma_wait3A_475 = arith.constant 3136 : i32
    %dma_wait3A_476 = tpu.memref_slice %arg7[%dma_wait3A_475] : memref<3328xi32, #tpu.memory_space<vmem>> -> memref<64xi32, #tpu.memory_space<vmem>>
    %dma_wait3A_477 = arith.constant 0 : i32
    %dma_wait3A_478 = arith.constant 0 : i32
    %dma_wait3A_479 = tpu.memref_slice %arg2[%dma_wait3A_477, %dma_wait3A_478] : memref<10000x128xf32, #tpu.memory_space<hbm>> -> memref<10000x128xf32, #tpu.memory_space<hbm>>
    tpu.wait_indirect_dma semaphore(%arg17 : memref<!tpu.dma_semaphore, #tpu.memory_space<semaphore_mem>>) src(%dma_wait3A_479 : memref<10000x128xf32, #tpu.memory_space<hbm>>) dst(%arg12 : memref<64x128xf32, #tpu.memory_space<vmem>>)
    %dma_start3A_480 = arith.constant 3136 : i32
    %dma_start3A_481 = tpu.memref_slice %arg9[%dma_start3A_480] : memref<3328xi32, #tpu.memory_space<vmem>> -> memref<64xi32, #tpu.memory_space<vmem>>
    %dma_start3A_482 = arith.constant 0 : i32
    %dma_start3A_483 = arith.constant 0 : i32
    %dma_start3A_484 = tpu.memref_slice %arg15[%dma_start3A_482, %dma_start3A_483] : memref<10000x128xf32, #tpu.memory_space<vmem_shared>> -> memref<10000x128xf32, #tpu.memory_space<vmem_shared>>
    tpu.enqueue_indirect_dma source(%arg12 : memref<64x128xf32, #tpu.memory_space<vmem>>) target(%dma_start3A_484 : memref<10000x128xf32, #tpu.memory_space<vmem_shared>>) offsets(%dma_start3A_481 : memref<64xi32, #tpu.memory_space<vmem>>) semaphore(%arg21 : memref<!tpu.dma_semaphore, #tpu.memory_space<semaphore_mem>>) {add = true}
    %dma_wait3A_485 = arith.constant 3008 : i32
    %dma_wait3A_486 = tpu.memref_slice %arg9[%dma_wait3A_485] : memref<3328xi32, #tpu.memory_space<vmem>> -> memref<64xi32, #tpu.memory_space<vmem>>
    %dma_wait3A_487 = arith.constant 0 : i32
    %dma_wait3A_488 = arith.constant 0 : i32
    %dma_wait3A_489 = tpu.memref_slice %arg15[%dma_wait3A_487, %dma_wait3A_488] : memref<10000x128xf32, #tpu.memory_space<vmem_shared>> -> memref<10000x128xf32, #tpu.memory_space<vmem_shared>>
    tpu.wait_indirect_dma semaphore(%arg23 : memref<!tpu.dma_semaphore, #tpu.memory_space<semaphore_mem>>) src(%arg14 : memref<64x128xf32, #tpu.memory_space<vmem>>) dst(%dma_wait3A_489 : memref<10000x128xf32, #tpu.memory_space<vmem_shared>>)
    %dma_start3A_490 = arith.constant 3264 : i32
    %dma_start3A_491 = tpu.memref_slice %arg7[%dma_start3A_490] : memref<3328xi32, #tpu.memory_space<vmem>> -> memref<64xi32, #tpu.memory_space<vmem>>
    %dma_start3A_492 = arith.constant 0 : i32
    %dma_start3A_493 = arith.constant 0 : i32
    %dma_start3A_494 = tpu.memref_slice %arg2[%dma_start3A_492, %dma_start3A_493] : memref<10000x128xf32, #tpu.memory_space<hbm>> -> memref<10000x128xf32, #tpu.memory_space<hbm>>
    tpu.enqueue_indirect_dma source(%dma_start3A_494 : memref<10000x128xf32, #tpu.memory_space<hbm>>) target(%arg14 : memref<64x128xf32, #tpu.memory_space<vmem>>) offsets(%dma_start3A_491 : memref<64xi32, #tpu.memory_space<vmem>>) semaphore(%arg19 : memref<!tpu.dma_semaphore, #tpu.memory_space<semaphore_mem>>)
    %dma_wait3A_495 = arith.constant 3200 : i32
    %dma_wait3A_496 = tpu.memref_slice %arg7[%dma_wait3A_495] : memref<3328xi32, #tpu.memory_space<vmem>> -> memref<64xi32, #tpu.memory_space<vmem>>
    %dma_wait3A_497 = arith.constant 0 : i32
    %dma_wait3A_498 = arith.constant 0 : i32
    %dma_wait3A_499 = tpu.memref_slice %arg2[%dma_wait3A_497, %dma_wait3A_498] : memref<10000x128xf32, #tpu.memory_space<hbm>> -> memref<10000x128xf32, #tpu.memory_space<hbm>>
    tpu.wait_indirect_dma semaphore(%arg18 : memref<!tpu.dma_semaphore, #tpu.memory_space<semaphore_mem>>) src(%dma_wait3A_499 : memref<10000x128xf32, #tpu.memory_space<hbm>>) dst(%arg13 : memref<64x128xf32, #tpu.memory_space<vmem>>)
    %dma_start3A_500 = arith.constant 3200 : i32
    %dma_start3A_501 = tpu.memref_slice %arg9[%dma_start3A_500] : memref<3328xi32, #tpu.memory_space<vmem>> -> memref<64xi32, #tpu.memory_space<vmem>>
    %dma_start3A_502 = arith.constant 0 : i32
    %dma_start3A_503 = arith.constant 0 : i32
    %dma_start3A_504 = tpu.memref_slice %arg15[%dma_start3A_502, %dma_start3A_503] : memref<10000x128xf32, #tpu.memory_space<vmem_shared>> -> memref<10000x128xf32, #tpu.memory_space<vmem_shared>>
    tpu.enqueue_indirect_dma source(%arg13 : memref<64x128xf32, #tpu.memory_space<vmem>>) target(%dma_start3A_504 : memref<10000x128xf32, #tpu.memory_space<vmem_shared>>) offsets(%dma_start3A_501 : memref<64xi32, #tpu.memory_space<vmem>>) semaphore(%arg22 : memref<!tpu.dma_semaphore, #tpu.memory_space<semaphore_mem>>) {add = true}
    %dma_wait3A_505 = arith.constant 3072 : i32
    %dma_wait3A_506 = tpu.memref_slice %arg9[%dma_wait3A_505] : memref<3328xi32, #tpu.memory_space<vmem>> -> memref<64xi32, #tpu.memory_space<vmem>>
    %dma_wait3A_507 = arith.constant 0 : i32
    %dma_wait3A_508 = arith.constant 0 : i32
    %dma_wait3A_509 = tpu.memref_slice %arg15[%dma_wait3A_507, %dma_wait3A_508] : memref<10000x128xf32, #tpu.memory_space<vmem_shared>> -> memref<10000x128xf32, #tpu.memory_space<vmem_shared>>
    tpu.wait_indirect_dma semaphore(%arg20 : memref<!tpu.dma_semaphore, #tpu.memory_space<semaphore_mem>>) src(%arg11 : memref<64x128xf32, #tpu.memory_space<vmem>>) dst(%dma_wait3A_509 : memref<10000x128xf32, #tpu.memory_space<vmem_shared>>)
    %dma_wait3A_510 = arith.constant 3264 : i32
    %dma_wait3A_511 = tpu.memref_slice %arg7[%dma_wait3A_510] : memref<3328xi32, #tpu.memory_space<vmem>> -> memref<64xi32, #tpu.memory_space<vmem>>
    %dma_wait3A_512 = arith.constant 0 : i32
    %dma_wait3A_513 = arith.constant 0 : i32
    %dma_wait3A_514 = tpu.memref_slice %arg2[%dma_wait3A_512, %dma_wait3A_513] : memref<10000x128xf32, #tpu.memory_space<hbm>> -> memref<10000x128xf32, #tpu.memory_space<hbm>>
    tpu.wait_indirect_dma semaphore(%arg19 : memref<!tpu.dma_semaphore, #tpu.memory_space<semaphore_mem>>) src(%dma_wait3A_514 : memref<10000x128xf32, #tpu.memory_space<hbm>>) dst(%arg14 : memref<64x128xf32, #tpu.memory_space<vmem>>)
    %dma_start3A_515 = arith.constant 3264 : i32
    %dma_start3A_516 = tpu.memref_slice %arg9[%dma_start3A_515] : memref<3328xi32, #tpu.memory_space<vmem>> -> memref<64xi32, #tpu.memory_space<vmem>>
    %dma_start3A_517 = arith.constant 0 : i32
    %dma_start3A_518 = arith.constant 0 : i32
    %dma_start3A_519 = tpu.memref_slice %arg15[%dma_start3A_517, %dma_start3A_518] : memref<10000x128xf32, #tpu.memory_space<vmem_shared>> -> memref<10000x128xf32, #tpu.memory_space<vmem_shared>>
    tpu.enqueue_indirect_dma source(%arg14 : memref<64x128xf32, #tpu.memory_space<vmem>>) target(%dma_start3A_519 : memref<10000x128xf32, #tpu.memory_space<vmem_shared>>) offsets(%dma_start3A_516 : memref<64xi32, #tpu.memory_space<vmem>>) semaphore(%arg23 : memref<!tpu.dma_semaphore, #tpu.memory_space<semaphore_mem>>) {add = true}
    %dma_wait3A_520 = arith.constant 3136 : i32
    %dma_wait3A_521 = tpu.memref_slice %arg9[%dma_wait3A_520] : memref<3328xi32, #tpu.memory_space<vmem>> -> memref<64xi32, #tpu.memory_space<vmem>>
    %dma_wait3A_522 = arith.constant 0 : i32
    %dma_wait3A_523 = arith.constant 0 : i32
    %dma_wait3A_524 = tpu.memref_slice %arg15[%dma_wait3A_522, %dma_wait3A_523] : memref<10000x128xf32, #tpu.memory_space<vmem_shared>> -> memref<10000x128xf32, #tpu.memory_space<vmem_shared>>
    tpu.wait_indirect_dma semaphore(%arg21 : memref<!tpu.dma_semaphore, #tpu.memory_space<semaphore_mem>>) src(%arg12 : memref<64x128xf32, #tpu.memory_space<vmem>>) dst(%dma_wait3A_524 : memref<10000x128xf32, #tpu.memory_space<vmem_shared>>)
    %dma_wait3A_525 = arith.constant 3200 : i32
    %dma_wait3A_526 = tpu.memref_slice %arg9[%dma_wait3A_525] : memref<3328xi32, #tpu.memory_space<vmem>> -> memref<64xi32, #tpu.memory_space<vmem>>
    %dma_wait3A_527 = arith.constant 0 : i32
    %dma_wait3A_528 = arith.constant 0 : i32
    %dma_wait3A_529 = tpu.memref_slice %arg15[%dma_wait3A_527, %dma_wait3A_528] : memref<10000x128xf32, #tpu.memory_space<vmem_shared>> -> memref<10000x128xf32, #tpu.memory_space<vmem_shared>>
    tpu.wait_indirect_dma semaphore(%arg22 : memref<!tpu.dma_semaphore, #tpu.memory_space<semaphore_mem>>) src(%arg13 : memref<64x128xf32, #tpu.memory_space<vmem>>) dst(%dma_wait3A_529 : memref<10000x128xf32, #tpu.memory_space<vmem_shared>>)
    %dma_wait3A_530 = arith.constant 3264 : i32
    %dma_wait3A_531 = tpu.memref_slice %arg9[%dma_wait3A_530] : memref<3328xi32, #tpu.memory_space<vmem>> -> memref<64xi32, #tpu.memory_space<vmem>>
    %dma_wait3A_532 = arith.constant 0 : i32
    %dma_wait3A_533 = arith.constant 0 : i32
    %dma_wait3A_534 = tpu.memref_slice %arg15[%dma_wait3A_532, %dma_wait3A_533] : memref<10000x128xf32, #tpu.memory_space<vmem_shared>> -> memref<10000x128xf32, #tpu.memory_space<vmem_shared>>
    tpu.wait_indirect_dma semaphore(%arg23 : memref<!tpu.dma_semaphore, #tpu.memory_space<semaphore_mem>>) src(%arg14 : memref<64x128xf32, #tpu.memory_space<vmem>>) dst(%dma_wait3A_534 : memref<10000x128xf32, #tpu.memory_space<vmem_shared>>)
    %add3A_535 = arith.constant 9984 : i32
    %add3A_536 = arith.addi %mul3A_11, %add3A_535 : i32
    "tpu.region"() ({
      %run_scoped3A = tpu.sem_alloc : memref<!tpu.dma_semaphore, #tpu.memory_space<semaphore_mem>>
      %dma_start3A_561 = arith.constant 0 : i32
      %dma_start3A_562 = tpu.memref_slice %arg7[%dma_start3A_561] : memref<3328xi32, #tpu.memory_space<vmem>> -> memref<16xi32, #tpu.memory_space<vmem>>
      %dma_start3A_563 = tpu.memref_slice %arg3[%add3A_536] : memref<320000xi32, #tpu.memory_space<hbm>> -> memref<16xi32, #tpu.memory_space<hbm>>
      %dma_start3A_564 = arith.constant 0 : i32
      %dma_start3A_565 = tpu.memref_slice %arg7[%dma_start3A_564] : memref<3328xi32, #tpu.memory_space<vmem>> -> memref<16xi32, #tpu.memory_space<vmem>>
      %dma_start3A_566 = tpu.memref_slice %arg3[%add3A_536] : memref<320000xi32, #tpu.memory_space<hbm>> -> memref<16xi32, #tpu.memory_space<hbm>>
      tpu.enqueue_dma source(%dma_start3A_566 : memref<16xi32, #tpu.memory_space<hbm>>) target(%dma_start3A_565 : memref<16xi32, #tpu.memory_space<vmem>>) target_semaphore(%run_scoped3A : memref<!tpu.dma_semaphore, #tpu.memory_space<semaphore_mem>>)
      %dma_wait3A_567 = arith.constant 0 : i32
      %dma_wait3A_568 = tpu.memref_slice %arg7[%dma_wait3A_567] : memref<3328xi32, #tpu.memory_space<vmem>> -> memref<16xi32, #tpu.memory_space<vmem>>
      %dma_wait3A_569 = tpu.memref_slice %arg3[%add3A_536] : memref<320000xi32, #tpu.memory_space<hbm>> -> memref<16xi32, #tpu.memory_space<hbm>>
      %dma_wait3A_570 = arith.constant 0 : i32
      %dma_wait3A_571 = tpu.memref_slice %arg7[%dma_wait3A_570] : memref<3328xi32, #tpu.memory_space<vmem>> -> memref<16xi32, #tpu.memory_space<vmem>>
      %dma_wait3A_572 = tpu.memref_slice %arg3[%add3A_536] : memref<320000xi32, #tpu.memory_space<hbm>> -> memref<16xi32, #tpu.memory_space<hbm>>
      tpu.wait_dma2 semaphore(%run_scoped3A : memref<!tpu.dma_semaphore, #tpu.memory_space<semaphore_mem>>) src(%dma_wait3A_572 : memref<16xi32, #tpu.memory_space<hbm>>) dst(%dma_wait3A_571 : memref<16xi32, #tpu.memory_space<vmem>>)
      tpu.yield
    }) : () -> ()
    %add3A_537 = arith.constant 9984 : i32
    %add3A_538 = arith.addi %mul3A_11, %add3A_537 : i32
    "tpu.region"() ({
      %run_scoped3A = tpu.sem_alloc : memref<!tpu.dma_semaphore, #tpu.memory_space<semaphore_mem>>
      %dma_start3A_561 = arith.constant 0 : i32
      %dma_start3A_562 = tpu.memref_slice %arg9[%dma_start3A_561] : memref<3328xi32, #tpu.memory_space<vmem>> -> memref<16xi32, #tpu.memory_space<vmem>>
      %dma_start3A_563 = tpu.memref_slice %arg4[%add3A_538] : memref<320000xi32, #tpu.memory_space<hbm>> -> memref<16xi32, #tpu.memory_space<hbm>>
      %dma_start3A_564 = arith.constant 0 : i32
      %dma_start3A_565 = tpu.memref_slice %arg9[%dma_start3A_564] : memref<3328xi32, #tpu.memory_space<vmem>> -> memref<16xi32, #tpu.memory_space<vmem>>
      %dma_start3A_566 = tpu.memref_slice %arg4[%add3A_538] : memref<320000xi32, #tpu.memory_space<hbm>> -> memref<16xi32, #tpu.memory_space<hbm>>
      tpu.enqueue_dma source(%dma_start3A_566 : memref<16xi32, #tpu.memory_space<hbm>>) target(%dma_start3A_565 : memref<16xi32, #tpu.memory_space<vmem>>) target_semaphore(%run_scoped3A : memref<!tpu.dma_semaphore, #tpu.memory_space<semaphore_mem>>)
      %dma_wait3A_567 = arith.constant 0 : i32
      %dma_wait3A_568 = tpu.memref_slice %arg9[%dma_wait3A_567] : memref<3328xi32, #tpu.memory_space<vmem>> -> memref<16xi32, #tpu.memory_space<vmem>>
      %dma_wait3A_569 = tpu.memref_slice %arg4[%add3A_538] : memref<320000xi32, #tpu.memory_space<hbm>> -> memref<16xi32, #tpu.memory_space<hbm>>
      %dma_wait3A_570 = arith.constant 0 : i32
      %dma_wait3A_571 = tpu.memref_slice %arg9[%dma_wait3A_570] : memref<3328xi32, #tpu.memory_space<vmem>> -> memref<16xi32, #tpu.memory_space<vmem>>
      %dma_wait3A_572 = tpu.memref_slice %arg4[%add3A_538] : memref<320000xi32, #tpu.memory_space<hbm>> -> memref<16xi32, #tpu.memory_space<hbm>>
      tpu.wait_dma2 semaphore(%run_scoped3A : memref<!tpu.dma_semaphore, #tpu.memory_space<semaphore_mem>>) src(%dma_wait3A_572 : memref<16xi32, #tpu.memory_space<hbm>>) dst(%dma_wait3A_571 : memref<16xi32, #tpu.memory_space<vmem>>)
      tpu.yield
    }) : () -> ()
    %dma_start3A_539 = arith.constant 0 : i32
    %dma_start3A_540 = arith.constant 0 : i32
    %dma_start3A_541 = tpu.memref_slice %arg11[%dma_start3A_539, %dma_start3A_540] : memref<64x128xf32, #tpu.memory_space<vmem>> -> memref<16x128xf32, #tpu.memory_space<vmem>>
    %dma_start3A_542 = arith.constant 0 : i32
    %dma_start3A_543 = tpu.memref_slice %arg7[%dma_start3A_542] : memref<3328xi32, #tpu.memory_space<vmem>> -> memref<16xi32, #tpu.memory_space<vmem>>
    %dma_start3A_544 = arith.constant 0 : i32
    %dma_start3A_545 = arith.constant 0 : i32
    %dma_start3A_546 = tpu.memref_slice %arg2[%dma_start3A_544, %dma_start3A_545] : memref<10000x128xf32, #tpu.memory_space<hbm>> -> memref<10000x128xf32, #tpu.memory_space<hbm>>
    tpu.enqueue_indirect_dma source(%dma_start3A_546 : memref<10000x128xf32, #tpu.memory_space<hbm>>) target(%dma_start3A_541 : memref<16x128xf32, #tpu.memory_space<vmem>>) offsets(%dma_start3A_543 : memref<16xi32, #tpu.memory_space<vmem>>) semaphore(%arg16 : memref<!tpu.dma_semaphore, #tpu.memory_space<semaphore_mem>>)
    %dma_wait3A_547 = arith.constant 0 : i32
    %dma_wait3A_548 = arith.constant 0 : i32
    %dma_wait3A_549 = tpu.memref_slice %arg11[%dma_wait3A_547, %dma_wait3A_548] : memref<64x128xf32, #tpu.memory_space<vmem>> -> memref<16x128xf32, #tpu.memory_space<vmem>>
    %dma_wait3A_550 = arith.constant 0 : i32
    %dma_wait3A_551 = tpu.memref_slice %arg7[%dma_wait3A_550] : memref<3328xi32, #tpu.memory_space<vmem>> -> memref<16xi32, #tpu.memory_space<vmem>>
    %dma_wait3A_552 = arith.constant 0 : i32
    %dma_wait3A_553 = arith.constant 0 : i32
    %dma_wait3A_554 = tpu.memref_slice %arg2[%dma_wait3A_552, %dma_wait3A_553] : memref<10000x128xf32, #tpu.memory_space<hbm>> -> memref<10000x128xf32, #tpu.memory_space<hbm>>
    tpu.wait_indirect_dma semaphore(%arg16 : memref<!tpu.dma_semaphore, #tpu.memory_space<semaphore_mem>>) src(%dma_wait3A_554 : memref<10000x128xf32, #tpu.memory_space<hbm>>) dst(%dma_wait3A_549 : memref<16x128xf32, #tpu.memory_space<vmem>>)
    "tpu.region"() ({
      %run_scoped3A = tpu.sem_alloc : memref<!tpu.dma_semaphore, #tpu.memory_space<semaphore_mem>>
      %dma_start3A_561 = arith.constant 0 : i32
      %dma_start3A_562 = arith.constant 0 : i32
      %dma_start3A_563 = tpu.memref_slice %arg11[%dma_start3A_561, %dma_start3A_562] : memref<64x128xf32, #tpu.memory_space<vmem>> -> memref<16x128xf32, #tpu.memory_space<vmem>>
      %dma_start3A_564 = arith.constant 0 : i32
      %dma_start3A_565 = tpu.memref_slice %arg9[%dma_start3A_564] : memref<3328xi32, #tpu.memory_space<vmem>> -> memref<16xi32, #tpu.memory_space<vmem>>
      %dma_start3A_566 = arith.constant 0 : i32
      %dma_start3A_567 = arith.constant 0 : i32
      %dma_start3A_568 = tpu.memref_slice %arg15[%dma_start3A_566, %dma_start3A_567] : memref<10000x128xf32, #tpu.memory_space<vmem_shared>> -> memref<10000x128xf32, #tpu.memory_space<vmem_shared>>
      tpu.enqueue_indirect_dma source(%dma_start3A_563 : memref<16x128xf32, #tpu.memory_space<vmem>>) target(%dma_start3A_568 : memref<10000x128xf32, #tpu.memory_space<vmem_shared>>) offsets(%dma_start3A_565 : memref<16xi32, #tpu.memory_space<vmem>>) semaphore(%run_scoped3A : memref<!tpu.dma_semaphore, #tpu.memory_space<semaphore_mem>>) {add = true}
      %dma_wait3A_569 = arith.constant 0 : i32
      %dma_wait3A_570 = arith.constant 0 : i32
      %dma_wait3A_571 = tpu.memref_slice %arg11[%dma_wait3A_569, %dma_wait3A_570] : memref<64x128xf32, #tpu.memory_space<vmem>> -> memref<16x128xf32, #tpu.memory_space<vmem>>
      %dma_wait3A_572 = arith.constant 0 : i32
      %dma_wait3A_573 = tpu.memref_slice %arg9[%dma_wait3A_572] : memref<3328xi32, #tpu.memory_space<vmem>> -> memref<16xi32, #tpu.memory_space<vmem>>
      %dma_wait3A_574 = arith.constant 0 : i32
      %dma_wait3A_575 = arith.constant 0 : i32
      %dma_wait3A_576 = tpu.memref_slice %arg15[%dma_wait3A_574, %dma_wait3A_575] : memref<10000x128xf32, #tpu.memory_space<vmem_shared>> -> memref<10000x128xf32, #tpu.memory_space<vmem_shared>>
      tpu.wait_indirect_dma semaphore(%run_scoped3A : memref<!tpu.dma_semaphore, #tpu.memory_space<semaphore_mem>>) src(%dma_wait3A_571 : memref<16x128xf32, #tpu.memory_space<vmem>>) dst(%dma_wait3A_576 : memref<10000x128xf32, #tpu.memory_space<vmem_shared>>)
      tpu.yield
    }) : () -> ()
    %barrier3A_555 = arith.constant 0 : index
    tpu.barrier barrier_id(%barrier3A_555)
    "tpu.region"() ({
      %run_scoped3A = tpu.sem_alloc : memref<!tpu.dma_semaphore, #tpu.memory_space<semaphore_mem>>
      %dma_start3A_561 = arith.constant 0 : i32
      %dma_start3A_562 = arith.constant 0 : i32
      %dma_start3A_563 = tpu.memref_slice %arg6[%arg0, %dma_start3A_561, %dma_start3A_562] : memref<2x10000x128xf32, #tpu.memory_space<hbm>> -> memref<1x10000x128xf32, #tpu.memory_space<hbm>>
      %dma_start3A_564 = tpu.memref_squeeze %dma_start3A_563 : memref<1x10000x128xf32, #tpu.memory_space<hbm>> -> memref<10000x128xf32, #tpu.memory_space<hbm>>
      %dma_start3A_565 = arith.constant 0 : i32
      %dma_start3A_566 = tpu.memref_slice %dma_start3A_564[%mul3A_0, %dma_start3A_565] : memref<10000x128xf32, #tpu.memory_space<hbm>> -> memref<624x128xf32, #tpu.memory_space<hbm>>
      %dma_start3A_567 = arith.constant 0 : i32
      %dma_start3A_568 = tpu.memref_slice %arg15[%mul3A_0, %dma_start3A_567] : memref<10000x128xf32, #tpu.memory_space<vmem_shared>> -> memref<624x128xf32, #tpu.memory_space<vmem_shared>>
      tpu.enqueue_dma source(%dma_start3A_568 : memref<624x128xf32, #tpu.memory_space<vmem_shared>>) target(%dma_start3A_566 : memref<624x128xf32, #tpu.memory_space<hbm>>) target_semaphore(%run_scoped3A : memref<!tpu.dma_semaphore, #tpu.memory_space<semaphore_mem>>)
      %dma_wait3A_569 = arith.constant 0 : i32
      %dma_wait3A_570 = arith.constant 0 : i32
      %dma_wait3A_571 = tpu.memref_slice %arg6[%arg0, %dma_wait3A_569, %dma_wait3A_570] : memref<2x10000x128xf32, #tpu.memory_space<hbm>> -> memref<1x10000x128xf32, #tpu.memory_space<hbm>>
      %dma_wait3A_572 = tpu.memref_squeeze %dma_wait3A_571 : memref<1x10000x128xf32, #tpu.memory_space<hbm>> -> memref<10000x128xf32, #tpu.memory_space<hbm>>
      %dma_wait3A_573 = arith.constant 0 : i32
      %dma_wait3A_574 = tpu.memref_slice %dma_wait3A_572[%mul3A_0, %dma_wait3A_573] : memref<10000x128xf32, #tpu.memory_space<hbm>> -> memref<624x128xf32, #tpu.memory_space<hbm>>
      %dma_wait3A_575 = arith.constant 0 : i32
      %dma_wait3A_576 = tpu.memref_slice %arg15[%mul3A_0, %dma_wait3A_575] : memref<10000x128xf32, #tpu.memory_space<vmem_shared>> -> memref<624x128xf32, #tpu.memory_space<vmem_shared>>
      tpu.wait_dma2 semaphore(%run_scoped3A : memref<!tpu.dma_semaphore, #tpu.memory_space<semaphore_mem>>) src(%dma_wait3A_576 : memref<624x128xf32, #tpu.memory_space<vmem_shared>>) dst(%dma_wait3A_574 : memref<624x128xf32, #tpu.memory_space<hbm>>)
      tpu.yield
    }) : () -> ()
    %eq3A_556 = arith.constant 15 : i32
    %eq3A_557 = arith.cmpi eq, %arg1, %eq3A_556 : i32
    %convert_element_type3A_558 = arith.extui %eq3A_557 : i1 to i32
    %cond3A_559 = arith.constant 0 : i32
    %cond3A_560 = arith.cmpi ne, %convert_element_type3A_558, %cond3A_559 : i32
    scf.if %cond3A_560 {
      "tpu.region"() ({
        %run_scoped3A = tpu.sem_alloc : memref<!tpu.dma_semaphore, #tpu.memory_space<semaphore_mem>>
        %dma_start3A_561 = arith.constant 0 : i32
        %dma_start3A_562 = arith.constant 0 : i32
        %dma_start3A_563 = tpu.memref_slice %arg6[%arg0, %dma_start3A_561, %dma_start3A_562] : memref<2x10000x128xf32, #tpu.memory_space<hbm>> -> memref<1x10000x128xf32, #tpu.memory_space<hbm>>
        %dma_start3A_564 = tpu.memref_squeeze %dma_start3A_563 : memref<1x10000x128xf32, #tpu.memory_space<hbm>> -> memref<10000x128xf32, #tpu.memory_space<hbm>>
        %dma_start3A_565 = arith.constant 9984 : i32
        %dma_start3A_566 = arith.constant 0 : i32
        %dma_start3A_567 = tpu.memref_slice %dma_start3A_564[%dma_start3A_565, %dma_start3A_566] : memref<10000x128xf32, #tpu.memory_space<hbm>> -> memref<16x128xf32, #tpu.memory_space<hbm>>
        %dma_start3A_568 = arith.constant 9984 : i32
        %dma_start3A_569 = arith.constant 0 : i32
        %dma_start3A_570 = tpu.memref_slice %arg15[%dma_start3A_568, %dma_start3A_569] : memref<10000x128xf32, #tpu.memory_space<vmem_shared>> -> memref<16x128xf32, #tpu.memory_space<vmem_shared>>
        tpu.enqueue_dma source(%dma_start3A_570 : memref<16x128xf32, #tpu.memory_space<vmem_shared>>) target(%dma_start3A_567 : memref<16x128xf32, #tpu.memory_space<hbm>>) target_semaphore(%run_scoped3A : memref<!tpu.dma_semaphore, #tpu.memory_space<semaphore_mem>>)
        %dma_wait3A_571 = arith.constant 0 : i32
        %dma_wait3A_572 = arith.constant 0 : i32
        %dma_wait3A_573 = tpu.memref_slice %arg6[%arg0, %dma_wait3A_571, %dma_wait3A_572] : memref<2x10000x128xf32, #tpu.memory_space<hbm>> -> memref<1x10000x128xf32, #tpu.memory_space<hbm>>
        %dma_wait3A_574 = tpu.memref_squeeze %dma_wait3A_573 : memref<1x10000x128xf32, #tpu.memory_space<hbm>> -> memref<10000x128xf32, #tpu.memory_space<hbm>>
        %dma_wait3A_575 = arith.constant 9984 : i32
        %dma_wait3A_576 = arith.constant 0 : i32
        %dma_wait3A_577 = tpu.memref_slice %dma_wait3A_574[%dma_wait3A_575, %dma_wait3A_576] : memref<10000x128xf32, #tpu.memory_space<hbm>> -> memref<16x128xf32, #tpu.memory_space<hbm>>
        %dma_wait3A_578 = arith.constant 9984 : i32
        %dma_wait3A_579 = arith.constant 0 : i32
        %dma_wait3A_580 = tpu.memref_slice %arg15[%dma_wait3A_578, %dma_wait3A_579] : memref<10000x128xf32, #tpu.memory_space<vmem_shared>> -> memref<16x128xf32, #tpu.memory_space<vmem_shared>>
        tpu.wait_dma2 semaphore(%run_scoped3A : memref<!tpu.dma_semaphore, #tpu.memory_space<semaphore_mem>>) src(%dma_wait3A_580 : memref<16x128xf32, #tpu.memory_space<vmem_shared>>) dst(%dma_wait3A_577 : memref<16x128xf32, #tpu.memory_space<hbm>>)
        tpu.yield
      }) : () -> ()
    } else {
    }
    return
  }
}

module attributes {stable_mosaic.version = 14 : i64} {
  func.func @_tc1_body(%arg0: i32, %arg1: memref<1000x128xf32, #tpu.memory_space<vmem>>, %arg2: memref<128x128xf32, #tpu.memory_space<vmem>>, %arg3: memref<1x32x1000xf32, #tpu.memory_space<vmem>>, %arg4: memref<1000x128xf32, #tpu.memory_space<vmem>>) attributes {dimension_semantics = [#tpu.dimension_semantics<arbitrary>], iteration_bounds = array<i64: 10>, scalar_prefetch = 0 : i64, scratch_operands = 0 : i64, tpu.core_type = #tpu.core_type<tc>, window_params = [{transform_indices = @transform_0, window_bounds = array<i64: 1000, 128>}, {pipeline_mode = #tpu.pipeline_mode<synchronous>, transform_indices = @transform_1, window_bounds = array<i64: 128, 128>}, {transform_indices = @transform_2, window_bounds = array<i64: 1, 32, 1000>}, {transform_indices = @transform_3, window_bounds = array<i64: 1000, 128>}]} {
    %get3A = arith.constant 0 : index
    %get3A_0 = arith.constant 0 : index
    %get3A_1 = vector.load %arg1[%get3A, %get3A_0] : memref<1000x128xf32, #tpu.memory_space<vmem>>, vector<1000x128xf32>
    %get3A_2 = arith.constant 0 : index
    %get3A_3 = arith.constant 0 : index
    %get3A_4 = vector.load %arg2[%get3A_2, %get3A_3] : memref<128x128xf32, #tpu.memory_space<vmem>>, vector<128x128xf32>
    %dot_general3A = arith.constant dense<0.000000e+00> : vector<1000x128xf32>
    %dot_general3A_5 = tpu.matmul %get3A_1, %get3A_4, %dot_general3A {dimension_numbers = #tpu.dot_dimension_numbers<[1], [0], [0], [1], [0, 0, 1, 1], [], []>, transpose_lhs_hint = false} : vector<1000x128xf32>, vector<128x128xf32>, vector<1000x128xf32> -> vector<1000x128xf32>
    %broadcast_in_dim3A = arith.constant 1.000000e+00 : f32
    %broadcast_in_dim3A_6 = vector.broadcast %broadcast_in_dim3A : f32 to vector<32x128xf32>
    %get3A_7 = arith.constant 0 : index
    %get3A_8 = arith.constant 0 : index
    %get3A_9 = arith.constant 0 : index
    %get3A_10 = vector.load %arg3[%get3A_7, %get3A_8, %get3A_9] : memref<1x32x1000xf32, #tpu.memory_space<vmem>>, vector<1x32x1000xf32>
    %get3A_11 = vector.shape_cast %get3A_10 : vector<1x32x1000xf32> to vector<32x1000xf32>
    %dot_general3A_12 = arith.constant dense<0.000000e+00> : vector<1000x128xf32>
    %dot_general3A_13 = tpu.matmul %get3A_11, %broadcast_in_dim3A_6, %dot_general3A_12 {dimension_numbers = #tpu.dot_dimension_numbers<[0], [0], [1], [1], [0, 1, 1, 1], [], []>, transpose_lhs_hint = false} : vector<32x1000xf32>, vector<32x128xf32>, vector<1000x128xf32> -> vector<1000x128xf32>
    %add3A = arith.constant 1.000000e+00 : f32
    %add3A_14 = vector.broadcast %add3A : f32 to vector<1000x128xf32>
    %add3A_15 = arith.addf %dot_general3A_13, %add3A_14 : vector<1000x128xf32>
    %rsqrt3A = math.rsqrt %add3A_15 : vector<1000x128xf32>
    %mul3A = arith.mulf %dot_general3A_5, %rsqrt3A : vector<1000x128xf32>
    %swap3A = arith.constant 0 : index
    %swap3A_16 = arith.constant 0 : index
    %swap3A_17 = vector.load %arg4[%swap3A, %swap3A_16] : memref<1000x128xf32, #tpu.memory_space<vmem>>, vector<1000x128xf32>
    tpu.vector_store %arg4[%swap3A, %swap3A_16], %mul3A {strides = array<i32>} : memref<1000x128xf32, #tpu.memory_space<vmem>>, vector<1000x128xf32>,
    return
  }
  func.func @transform_0(%arg0: i32) -> (i32, i32) {
    %c0_i32 = arith.constant 0 : i32
    %c0_i32_0 = arith.constant 0 : i32
    return %arg0, %c0_i32 : i32, i32
  }
  func.func @transform_1(%arg0: i32) -> (i32, i32) {
    %c0_i32 = arith.constant 0 : i32
    %c0_i32_0 = arith.constant 0 : i32
    %c0_i32_1 = arith.constant 0 : i32
    return %c0_i32, %c0_i32_0 : i32, i32
  }
  func.func @transform_2(%arg0: i32) -> (i32, i32, i32) {
    %c0_i32 = arith.constant 0 : i32
    %c0_i32_0 = arith.constant 0 : i32
    %c0_i32_1 = arith.constant 0 : i32
    return %arg0, %c0_i32, %c0_i32_0 : i32, i32, i32
  }
  func.func @transform_3(%arg0: i32) -> (i32, i32) {
    %c0_i32 = arith.constant 0 : i32
    %c0_i32_0 = arith.constant 0 : i32
    return %arg0, %c0_i32 : i32, i32
  }
}

module attributes {stable_mosaic.version = 14 : i64} {
  func.func @_tc2_body(%arg0: i32, %arg1: memref<2x1000x128xf32, #tpu.memory_space<vmem>>, %arg2: memref<1x32x1000xf32, #tpu.memory_space<vmem>>, %arg3: memref<1x128xf32, #tpu.memory_space<vmem>>, %arg4: memref<1000x128xf32, #tpu.memory_space<vmem>>) attributes {dimension_semantics = [#tpu.dimension_semantics<arbitrary>], iteration_bounds = array<i64: 10>, scalar_prefetch = 0 : i64, scratch_operands = 0 : i64, tpu.core_type = #tpu.core_type<tc>, window_params = [{transform_indices = @transform_0, window_bounds = array<i64: 2, 1000, 128>}, {transform_indices = @transform_1, window_bounds = array<i64: 1, 32, 1000>}, {pipeline_mode = #tpu.pipeline_mode<synchronous>, transform_indices = @transform_2, window_bounds = array<i64: 1, 128>}, {transform_indices = @transform_3, window_bounds = array<i64: 1000, 128>}]} {
    %broadcast_in_dim3A = arith.constant 1.000000e+00 : f32
    %broadcast_in_dim3A_0 = vector.broadcast %broadcast_in_dim3A : f32 to vector<32x128xf32>
    %get3A = arith.constant 0 : index
    %get3A_1 = arith.constant 0 : index
    %get3A_2 = arith.constant 0 : index
    %get3A_3 = vector.load %arg2[%get3A, %get3A_1, %get3A_2] : memref<1x32x1000xf32, #tpu.memory_space<vmem>>, vector<1x32x1000xf32>
    %get3A_4 = vector.shape_cast %get3A_3 : vector<1x32x1000xf32> to vector<32x1000xf32>
    %dot_general3A = arith.constant dense<0.000000e+00> : vector<1000x128xf32>
    %dot_general3A_5 = tpu.matmul %get3A_4, %broadcast_in_dim3A_0, %dot_general3A {dimension_numbers = #tpu.dot_dimension_numbers<[0], [0], [1], [1], [0, 1, 1, 1], [], []>, transpose_lhs_hint = false} : vector<32x1000xf32>, vector<32x128xf32>, vector<1000x128xf32> -> vector<1000x128xf32>
    %add3A = arith.constant 1.000000e+00 : f32
    %add3A_6 = vector.broadcast %add3A : f32 to vector<1000x128xf32>
    %add3A_7 = arith.addf %dot_general3A_5, %add3A_6 : vector<1000x128xf32>
    %rsqrt3A = math.rsqrt %add3A_7 : vector<1000x128xf32>
    %get3A_8 = arith.constant 0 : index
    %get3A_9 = arith.constant 0 : index
    %get3A_10 = arith.constant 0 : index
    %get3A_11 = vector.load %arg1[%get3A_8, %get3A_9, %get3A_10] : memref<2x1000x128xf32, #tpu.memory_space<vmem>>, vector<1x1000x128xf32>
    %get3A_12 = vector.shape_cast %get3A_11 : vector<1x1000x128xf32> to vector<1000x128xf32>
    %get3A_13 = arith.constant 1 : index
    %get3A_14 = arith.constant 0 : index
    %get3A_15 = arith.constant 0 : index
    %get3A_16 = vector.load %arg1[%get3A_13, %get3A_14, %get3A_15] : memref<2x1000x128xf32, #tpu.memory_space<vmem>>, vector<1x1000x128xf32>
    %get3A_17 = vector.shape_cast %get3A_16 : vector<1x1000x128xf32> to vector<1000x128xf32>
    %add3A_18 = arith.addf %get3A_12, %get3A_17 : vector<1000x128xf32>
    %mul3A = arith.mulf %rsqrt3A, %add3A_18 : vector<1000x128xf32>
    %get3A_19 = arith.constant 0 : index
    %get3A_20 = arith.constant 0 : index
    %get3A_21 = vector.load %arg3[%get3A_19, %get3A_20] : memref<1x128xf32, #tpu.memory_space<vmem>>, vector<1x128xf32>
    %add3A_22 = vector.broadcast %get3A_21 : vector<1x128xf32> to vector<1000x128xf32>
    %add3A_23 = arith.addf %mul3A, %add3A_22 : vector<1000x128xf32>
    %max3A = arith.constant 0.000000e+00 : f32
    %max3A_24 = vector.broadcast %max3A : f32 to vector<1000x128xf32>
    %max3A_25 = arith.maximumf %add3A_23, %max3A_24 : vector<1000x128xf32>
    %mul3A_26 = arith.mulf %rsqrt3A, %max3A_25 : vector<1000x128xf32>
    %swap3A = arith.constant 0 : index
    %swap3A_27 = arith.constant 0 : index
    %swap3A_28 = vector.load %arg4[%swap3A, %swap3A_27] : memref<1000x128xf32, #tpu.memory_space<vmem>>, vector<1000x128xf32>
    tpu.vector_store %arg4[%swap3A, %swap3A_27], %mul3A_26 {strides = array<i32>} : memref<1000x128xf32, #tpu.memory_space<vmem>>, vector<1000x128xf32>,
    return
  }
  func.func @transform_0(%arg0: i32) -> (i32, i32, i32) {
    %c0_i32 = arith.constant 0 : i32
    %c0_i32_0 = arith.constant 0 : i32
    %c0_i32_1 = arith.constant 0 : i32
    return %c0_i32, %arg0, %c0_i32_0 : i32, i32, i32
  }
  func.func @transform_1(%arg0: i32) -> (i32, i32, i32) {
    %c0_i32 = arith.constant 0 : i32
    %c0_i32_0 = arith.constant 0 : i32
    %c0_i32_1 = arith.constant 0 : i32
    return %arg0, %c0_i32, %c0_i32_0 : i32, i32, i32
  }
  func.func @transform_2(%arg0: i32) -> (i32, i32) {
    %c0_i32 = arith.constant 0 : i32
    %c0_i32_0 = arith.constant 0 : i32
    %c0_i32_1 = arith.constant 0 : i32
    return %c0_i32, %c0_i32_0 : i32, i32
  }
  func.func @transform_3(%arg0: i32) -> (i32, i32) {
    %c0_i32 = arith.constant 0 : i32
    %c0_i32_0 = arith.constant 0 : i32
    return %arg0, %c0_i32 : i32, i32
  }
}

module attributes {stable_mosaic.version = 14 : i64} {
  func.func @_tc3_body(%arg0: i32, %arg1: memref<2x1000x128xf32, #tpu.memory_space<vmem>>, %arg2: memref<1x32x1000xf32, #tpu.memory_space<vmem>>, %arg3: memref<128x64xf32, #tpu.memory_space<vmem>>, %arg4: memref<1x64xf32, #tpu.memory_space<vmem>>, %arg5: memref<128x64xf32, #tpu.memory_space<vmem>>, %arg6: memref<1x64xf32, #tpu.memory_space<vmem>>, %arg7: memref<1000x64xf32, #tpu.memory_space<vmem>>, %arg8: memref<1000x64xf32, #tpu.memory_space<vmem>>) attributes {dimension_semantics = [#tpu.dimension_semantics<arbitrary>], iteration_bounds = array<i64: 10>, scalar_prefetch = 0 : i64, scratch_operands = 0 : i64, tpu.core_type = #tpu.core_type<tc>, window_params = [{transform_indices = @transform_0, window_bounds = array<i64: 2, 1000, 128>}, {transform_indices = @transform_1, window_bounds = array<i64: 1, 32, 1000>}, {pipeline_mode = #tpu.pipeline_mode<synchronous>, transform_indices = @transform_2, window_bounds = array<i64: 128, 64>}, {pipeline_mode = #tpu.pipeline_mode<synchronous>, transform_indices = @transform_3, window_bounds = array<i64: 1, 64>}, {pipeline_mode = #tpu.pipeline_mode<synchronous>, transform_indices = @transform_4, window_bounds = array<i64: 128, 64>}, {pipeline_mode = #tpu.pipeline_mode<synchronous>, transform_indices = @transform_5, window_bounds = array<i64: 1, 64>}, {transform_indices = @transform_6, window_bounds = array<i64: 1000, 64>}, {transform_indices = @transform_7, window_bounds = array<i64: 1000, 64>}]} {
    %broadcast_in_dim3A = arith.constant 1.000000e+00 : f32
    %broadcast_in_dim3A_0 = vector.broadcast %broadcast_in_dim3A : f32 to vector<32x128xf32>
    %get3A = arith.constant 0 : index
    %get3A_1 = arith.constant 0 : index
    %get3A_2 = arith.constant 0 : index
    %get3A_3 = vector.load %arg2[%get3A, %get3A_1, %get3A_2] : memref<1x32x1000xf32, #tpu.memory_space<vmem>>, vector<1x32x1000xf32>
    %get3A_4 = vector.shape_cast %get3A_3 : vector<1x32x1000xf32> to vector<32x1000xf32>
    %dot_general3A = arith.constant dense<0.000000e+00> : vector<1000x128xf32>
    %dot_general3A_5 = tpu.matmul %get3A_4, %broadcast_in_dim3A_0, %dot_general3A {dimension_numbers = #tpu.dot_dimension_numbers<[0], [0], [1], [1], [0, 1, 1, 1], [], []>, transpose_lhs_hint = false} : vector<32x1000xf32>, vector<32x128xf32>, vector<1000x128xf32> -> vector<1000x128xf32>
    %add3A = arith.constant 1.000000e+00 : f32
    %add3A_6 = vector.broadcast %add3A : f32 to vector<1000x128xf32>
    %add3A_7 = arith.addf %dot_general3A_5, %add3A_6 : vector<1000x128xf32>
    %rsqrt3A = math.rsqrt %add3A_7 : vector<1000x128xf32>
    %get3A_8 = arith.constant 0 : index
    %get3A_9 = arith.constant 0 : index
    %get3A_10 = arith.constant 0 : index
    %get3A_11 = vector.load %arg1[%get3A_8, %get3A_9, %get3A_10] : memref<2x1000x128xf32, #tpu.memory_space<vmem>>, vector<1x1000x128xf32>
    %get3A_12 = vector.shape_cast %get3A_11 : vector<1x1000x128xf32> to vector<1000x128xf32>
    %get3A_13 = arith.constant 1 : index
    %get3A_14 = arith.constant 0 : index
    %get3A_15 = arith.constant 0 : index
    %get3A_16 = vector.load %arg1[%get3A_13, %get3A_14, %get3A_15] : memref<2x1000x128xf32, #tpu.memory_space<vmem>>, vector<1x1000x128xf32>
    %get3A_17 = vector.shape_cast %get3A_16 : vector<1x1000x128xf32> to vector<1000x128xf32>
    %add3A_18 = arith.addf %get3A_12, %get3A_17 : vector<1000x128xf32>
    %mul3A = arith.mulf %rsqrt3A, %add3A_18 : vector<1000x128xf32>
    %get3A_19 = arith.constant 0 : index
    %get3A_20 = arith.constant 0 : index
    %get3A_21 = vector.load %arg3[%get3A_19, %get3A_20] : memref<128x64xf32, #tpu.memory_space<vmem>>, vector<128x64xf32>
    %dot_general3A_22 = arith.constant dense<0.000000e+00> : vector<1000x64xf32>
    %dot_general3A_23 = tpu.matmul %mul3A, %get3A_21, %dot_general3A_22 {dimension_numbers = #tpu.dot_dimension_numbers<[1], [0], [0], [1], [0, 0, 1, 1], [], []>, transpose_lhs_hint = false} : vector<1000x128xf32>, vector<128x64xf32>, vector<1000x64xf32> -> vector<1000x64xf32>
    %get3A_24 = arith.constant 0 : index
    %get3A_25 = arith.constant 0 : index
    %get3A_26 = vector.load %arg4[%get3A_24, %get3A_25] : memref<1x64xf32, #tpu.memory_space<vmem>>, vector<1x64xf32>
    %add3A_27 = vector.broadcast %get3A_26 : vector<1x64xf32> to vector<1000x64xf32>
    %add3A_28 = arith.addf %dot_general3A_23, %add3A_27 : vector<1000x64xf32>
    %swap3A = arith.constant 0 : index
    %swap3A_29 = arith.constant 0 : index
    %swap3A_30 = vector.load %arg7[%swap3A, %swap3A_29] : memref<1000x64xf32, #tpu.memory_space<vmem>>, vector<1000x64xf32>
    tpu.vector_store %arg7[%swap3A, %swap3A_29], %add3A_28 {strides = array<i32>} : memref<1000x64xf32, #tpu.memory_space<vmem>>, vector<1000x64xf32>,
    %get3A_31 = arith.constant 0 : index
    %get3A_32 = arith.constant 0 : index
    %get3A_33 = vector.load %arg5[%get3A_31, %get3A_32] : memref<128x64xf32, #tpu.memory_space<vmem>>, vector<128x64xf32>
    %dot_general3A_34 = arith.constant dense<0.000000e+00> : vector<1000x64xf32>
    %dot_general3A_35 = tpu.matmul %mul3A, %get3A_33, %dot_general3A_34 {dimension_numbers = #tpu.dot_dimension_numbers<[1], [0], [0], [1], [0, 0, 1, 1], [], []>, transpose_lhs_hint = false} : vector<1000x128xf32>, vector<128x64xf32>, vector<1000x64xf32> -> vector<1000x64xf32>
    %get3A_36 = arith.constant 0 : index
    %get3A_37 = arith.constant 0 : index
    %get3A_38 = vector.load %arg6[%get3A_36, %get3A_37] : memref<1x64xf32, #tpu.memory_space<vmem>>, vector<1x64xf32>
    %add3A_39 = vector.broadcast %get3A_38 : vector<1x64xf32> to vector<1000x64xf32>
    %add3A_40 = arith.addf %dot_general3A_35, %add3A_39 : vector<1000x64xf32>
    %swap3A_41 = arith.constant 0 : index
    %swap3A_42 = arith.constant 0 : index
    %swap3A_43 = vector.load %arg8[%swap3A_41, %swap3A_42] : memref<1000x64xf32, #tpu.memory_space<vmem>>, vector<1000x64xf32>
    tpu.vector_store %arg8[%swap3A_41, %swap3A_42], %add3A_40 {strides = array<i32>} : memref<1000x64xf32, #tpu.memory_space<vmem>>, vector<1000x64xf32>,
    return
  }
  func.func @transform_0(%arg0: i32) -> (i32, i32, i32) {
    %c0_i32 = arith.constant 0 : i32
    %c0_i32_0 = arith.constant 0 : i32
    %c0_i32_1 = arith.constant 0 : i32
    return %c0_i32, %arg0, %c0_i32_0 : i32, i32, i32
  }
  func.func @transform_1(%arg0: i32) -> (i32, i32, i32) {
    %c0_i32 = arith.constant 0 : i32
    %c0_i32_0 = arith.constant 0 : i32
    %c0_i32_1 = arith.constant 0 : i32
    return %arg0, %c0_i32, %c0_i32_0 : i32, i32, i32
  }
  func.func @transform_2(%arg0: i32) -> (i32, i32) {
    %c0_i32 = arith.constant 0 : i32
    %c0_i32_0 = arith.constant 0 : i32
    %c0_i32_1 = arith.constant 0 : i32
    return %c0_i32, %c0_i32_0 : i32, i32
  }
  func.func @transform_3(%arg0: i32) -> (i32, i32) {
    %c0_i32 = arith.constant 0 : i32
    %c0_i32_0 = arith.constant 0 : i32
    %c0_i32_1 = arith.constant 0 : i32
    return %c0_i32, %c0_i32_0 : i32, i32
  }
  func.func @transform_4(%arg0: i32) -> (i32, i32) {
    %c0_i32 = arith.constant 0 : i32
    %c0_i32_0 = arith.constant 0 : i32
    %c0_i32_1 = arith.constant 0 : i32
    return %c0_i32, %c0_i32_0 : i32, i32
  }
  func.func @transform_5(%arg0: i32) -> (i32, i32) {
    %c0_i32 = arith.constant 0 : i32
    %c0_i32_0 = arith.constant 0 : i32
    %c0_i32_1 = arith.constant 0 : i32
    return %c0_i32, %c0_i32_0 : i32, i32
  }
  func.func @transform_6(%arg0: i32) -> (i32, i32) {
    %c0_i32 = arith.constant 0 : i32
    %c0_i32_0 = arith.constant 0 : i32
    return %arg0, %c0_i32 : i32, i32
  }
  func.func @transform_7(%arg0: i32) -> (i32, i32) {
    %c0_i32 = arith.constant 0 : i32
    %c0_i32_0 = arith.constant 0 : i32
    return %arg0, %c0_i32 : i32, i32
  }
}

</mosaic_0001>

<sc_bundles>
// kernel: kernel.11.cloned.1.call-start
scs
__scs_entry_jumppad:
0x0: {  	(pc) =	sbr.rel $0x88, $3  }
0x1: {  	(tag) =	ssettag $0x0;
	lr =	simm.s32 $0x1  }
0x2: {  	[smem:$0x3F99] =	sst lr;
	_ =	strace $0xD0000000  }
0x3: {  	_ = 	snop  }
0x4: {  	_ = 	snop  }
0x5: {  	_ = 	snop  }
0x6: {  	_ = 	snop  }
0x7: {  	_ = 	snop  }
__scs_overlays_trampoline_lowered:
0x8: {  	[smem:$0x3FA8] =	sst s0  }
0x9: {  	[smem:$0x3FA9] =	sst s1  }
0xa: {  	[smem:$0x3FAA] =	sst s2  }
0xb: {  	[smem:$0x3FAB] =	sst s3  }
0xc: {  	[smem:$0x3FAC] =	sst s4  }
0xd: {  	[smem:$0x3FAD] =	sst s5  }
0xe: {  	[smem:$0x3FAE] =	sst s6  }
0xf: {  	[smem:$0x3FAF] =	sst s7  }
0x10: {  	[smem:$0x3FB0] =	sst s8  }
0x11: {  	[smem:$0x3FB1] =	sst s9;
	s0 =	simm.s32 @!p0 $0x0  }
0x12: {  	s1 =	sld [smem:$0x3F97];
	s0 =	simm.s32 @p0 $0x1  }
0x13: {  	[smem:$0x3FB2] =	sst s0;
	s0 =	simm.s32 @!p1 $0x0  }
0x14: {  	s2 =	sld [smem:$0x3F96];
	s0 =	simm.s32 @p1 $0x1  }
0x15: {  	[smem:$0x3FB3] =	sst s0;
	s0 =	simm.s32 @!p2 $0x0  }
0x16: {  	s3 =	sld [smem:$0x3FDB];
	s0 =	simm.s32 @p2 $0x1  }
0x17: {  	s4 =	simm.s32 $0x1BF5;
	[smem:$0x3FB5] =	sst s0  }
0x18: {  	s0 =	sld [smem:$0x3F98];
	_ =	swait.ge [sflag:s4], $0x0  }
0x19: {  	s7 =	sld [smem:$0x3F99]  }
0x1a: {  	s8 =	sadd.s32 $0xFFFFE003, lr  }
0x1b: {  	s9 =	sadd.s32 $0xFFFFFEF7, lr;
	s5 =	simm.s32 $0xFFFFFFFF;
	p2 =	slt.u32 s8, $0xFFFFF086  }
0x1c: {  	p1 =	slt.u32 s9, $0xF7A;
	s5 =	simm.s32 @!p2 $0x0  }
0x1d: {  	s5 =	simm.s32 @p1 $0x1;
	p0 =	seq.s32 s7, s2  }
0x1e: {  	s7 =	smul.u32 @!p0 $0xF7A, s2;
	p2 =	seq.s32 @!p0 s5, $0x0  }
0x1f: {  	s9 =	smul.u32 $0xF7A, s1;
	s8 =	simm.s32 @!p0 $0x1BF5;
	p2 =	por !p2, p0  }
0x20: {  	[sflag:s8] =	ssyncset.s32 @!p0 $0xFFFFF086;
	s6 =	sadd.s32 @!p0 s3, s7;
	s7 =	simm.s32 @!p0 $0x108  }
0x21: {  	s3 =	sadd.s32 s3, s9;
	s6 =	sadd.s32 @!p0 $0x88, s6;
	s7 =	simm.s32 @p2 $0x1082  }
0x22: {  	[simem:s7], [sflag:s8] =	dma.local @!p0 [hbm:s6], $0xF7A  }
0x23: {  	s9 =	sor.u32 $0xD0000000, s2;
	s6 =	simm.s32 $0x108;
	_ =	swait.ge @!p0 [sflag:s8], $0x0  }
0x24: {  	s3 =	sadd.s32 $0x88, s3;
	s6 =	simm.s32 @!p1 $0x1082;
	[sflag:s4] =	ssyncset.s32 $0xFFFFF086  }
0x25: {  	[simem:s6], [sflag:s4] =	dma.local [hbm:s3], $0xF7A  }
0x26: {  	[smem:$0x3F99] =	sst s1;
	(tag) =	ssettag s2;
	_ =	strace s9  }
0x27: {  	s1 =	sld [smem:$0x3FA9]  }
0x28: {  	s2 =	sld [smem:$0x3FAA]  }
0x29: {  	s4 =	sld [smem:$0x3FAC]  }
0x2a: {  	p0 =	seq.s32 s5, $0x0;
	s5 =	sld [smem:$0x3FAD]  }
0x2b: {  	s6 =	sld [smem:$0x3FAE]  }
0x2c: {  	s7 =	sld [smem:$0x3FAF]  }
0x2d: {  	s3 =	simm.s32 $0x108;
	s8 =	sld [smem:$0x3FB0]  }
0x2e: {  	s3 =	simm.s32 @!p0 $0x1082;
	s9 =	sld [smem:$0x3FB1]  }
0x2f: {  	lr =	sadd.s32 s0, s3;
	s0 =	sld [smem:$0x3FA8]  }
0x30: {  	s3 =	sld [smem:$0x3FAB]  }
0x31: {  	[smem:$0x3FB4] =	sst s10  }
0x32: {  	s10 =	sld [smem:$0x3FB2];
	_ =	sdelay $0x3  }
0x33: {  	p0 =	seq.s32 s10, $0x1;
	s10 =	sld [smem:$0x3FB4];
	_ =	sdelay $0x3  }
0x34: {  	[smem:$0x3FB4] =	sst s10  }
0x35: {  	s10 =	sld [smem:$0x3FB3];
	_ =	sdelay $0x3  }
0x36: {  	p1 =	seq.s32 s10, $0x1;
	s10 =	sld [smem:$0x3FB4];
	_ =	sdelay $0x3  }
0x37: {  	[smem:$0x3FB4] =	sst s10  }
0x38: {  	s10 =	sld [smem:$0x3FB5]  }
0x39: {  	_ = 	snop;
	(pc) =	sbr.ind lr, $3  }
0x3a: {  	_ = 	snop  }
0x3b: {  	_ = 	snop  }
0x3c: {  	p2 =	seq.s32 s10, $0x1;
	s10 =	sld [smem:$0x3FB4]  }
0x3d: {  	_ =	shalt  }
0x3e: {  	_ =	shalt  }
0x3f: {  	_ =	shalt  }
0x40: {  	_ =	shalt  }
0x41: {  	_ =	shalt  }
0x42: {  	_ =	shalt  }
0x43: {  	_ =	shalt  }
0x44: {  	_ =	shalt  }
0x45: {  	_ =	shalt  }
0x46: {  	_ =	shalt  }
0x47: {  	_ =	shalt  }
0x48: {  	_ =	shalt  }
0x49: {  	_ =	shalt  }
0x4a: {  	_ =	shalt  }
0x4b: {  	_ =	shalt  }
0x4c: {  	_ =	shalt  }
0x4d: {  	_ =	shalt  }
0x4e: {  	_ =	shalt  }
0x4f: {  	_ =	shalt  }
0x50: {  	_ =	shalt  }
0x51: {  	_ =	shalt  }
0x52: {  	_ =	shalt  }
0x53: {  	_ =	shalt  }
0x54: {  	_ =	shalt  }
0x55: {  	_ =	shalt  }
0x56: {  	_ =	shalt  }
0x57: {  	_ =	shalt  }
0x58: {  	_ =	shalt  }
0x59: {  	_ =	shalt  }
0x5a: {  	_ =	shalt  }
0x5b: {  	_ =	shalt  }
0x5c: {  	_ =	shalt  }
0x5d: {  	_ =	shalt  }
0x5e: {  	_ =	shalt  }
0x5f: {  	_ =	shalt  }
0x60: {  	_ =	shalt  }
0x61: {  	_ =	shalt  }
0x62: {  	_ =	shalt  }
0x63: {  	_ =	shalt  }
0x64: {  	_ =	shalt  }
0x65: {  	_ =	shalt  }
0x66: {  	_ =	shalt  }
0x67: {  	_ =	shalt  }
0x68: {  	_ =	shalt  }
0x69: {  	_ =	shalt  }
0x6a: {  	_ =	shalt  }
0x6b: {  	_ =	shalt  }
0x6c: {  	_ =	shalt  }
0x6d: {  	_ =	shalt  }
0x6e: {  	_ =	shalt  }
0x6f: {  	_ =	shalt  }
0x70: {  	_ =	shalt  }
0x71: {  	_ =	shalt  }
0x72: {  	_ =	shalt  }
0x73: {  	_ =	shalt  }
0x74: {  	_ =	shalt  }
0x75: {  	_ =	shalt  }
0x76: {  	_ =	shalt  }
0x77: {  	_ =	shalt  }
0x78: {  	_ =	shalt  }
0x79: {  	_ =	shalt  }
0x7a: {  	_ =	shalt  }
0x7b: {  	_ =	shalt  }
0x7c: {  	_ =	shalt  }
0x7d: {  	_ =	shalt  }
0x7e: {  	_ =	shalt  }
0x7f: {  	_ =	shalt  }
0x80: {  	_ =	shalt  }
0x81: {  	_ =	shalt  }
0x82: {  	_ =	shalt  }
0x83: {  	_ =	shalt  }
0x84: {  	_ =	shalt  }
0x85: {  	_ =	shalt  }
0x86: {  	_ =	shalt  }
0x87: {  	_ =	shalt  }
.Lfunc_end0:
.L_simem_size_0:
called_computation.1_lowered:
.L_overlay_start_0:
0x88: {  	s2 =	sld [smem:$0x3FD9]  }
0x89: {  	s3 =	sld [smem:$0x3FFE];
	_ =	sdelay $0x1  }
0x8a: {  	s1 =	srdreg.scid  }
0x8b: {  	s0 =	sand.u32 $0x1, s1  }
0x8c: {  	s14 =	sshll.u32 s0, $0xA;
	s2 =	sadd.s32 s3, s2  }
0x8d: {  	s2 =	sadd.s32 s2, s14  }
0x8e: {  	[smem:$0x3FC0] =	sst s2  }
0x8f: {  	_ = 	snop  }
0x90: {  	s2 =	sld [smem:$0x3FD0];
	_ =	sdelay $0x2  }
0x91: {  	s15 =	simm.s32 $0xA;
	s4 =	simm.s32 $0x10  }
0x92: {  	[smem:s4], [sflag:s15] =	dma.local [hbm:s2], $0x1  }
0x93: {  	_ =	swait.eq [sflag:s15], $0x1  }
0x94: {  	[sflag:s15] =	ssyncset.done $0x0  }
0x95: {  	s16 =	sld [smem:$0x10];
	[sflag:s15] =	ssyncadd.s32 $0xFFFFFFFF  }
0x96: {  	s17 =	sld [smem:$0x11];
	(tm) =	ssettm $0x1  }
0x97: {  	s18 =	sld [smem:$0x3FFB];
	_ =	sdelay $0x3  }
0x98: {  	_ =	strace s18  }
0x99: {  	s4 =	sld [smem:$0x3FFC];
	_ =	sdelay $0x3  }
0x9a: {  	_ =	strace s4  }
0x9b: {  	s4 =	sld [smem:$0x3FFD];
	_ =	sdelay $0x3  }
0x9c: {  	_ =	strace s4  }
0x9d: {  	_ =	strace $0x8FFFFFFF  }
0x9e: {  	s19 =	sld [smem:$0x3FDB];
	_ =	sdelay $0x1  }
0x9f: {  	s5 =	simm.s32 $_scs_section_size  }
0xa0: {  	s6 =	simm.s32 $_size__tile_overlayer_lowered;
	s7 =	simm.s32 $_tile_overlayer_lowered  }
0xa1: {  	s22 =	simm.s32 $0x1BFF;
	s21 =	sshll.u32 s7, $0x1;
	s4 =	sadd.s32 s5, s19  }
0xa2: {  	s8 =	simm.s32 $0x0;
	s20 =	sshll.u32 s6, $0x1;
	s6 =	sadd.s32 s21, s4  }
0xa3: {  	[timem:s8], [sflag:s22] =	dma.local [hbm:s6], s20  }
0xa4: {  	_ =	swait.ge [sflag:s22], s20  }
0xa5: {  	s5 =	ssub.s32 $0x0, s20;
	[sflag:s22] =	ssyncset.done $0x0  }
0xa6: {  	[sflag:s22] =	ssyncadd.s32 s5;
	_ =	sdelay $0x1  }
0xa7: {  	s23 =	simm.s32 $0x1B8B  }
0xa8: {  	_ =	swait.ge [sflag:s23], $0x1  }
0xa9: {  	[sflag:s23] =	ssyncset.done $0x0  }
0xaa: {  	s25 =	simm.s32 $0x1B8E;
	s24 =	sld [smem:$0x3FFE];
	[sflag:s23] =	ssyncadd.s32 $0xFFFFFFFF  }
0xab: {  	s26 =	simm.s32 $execute0_lowered;
	[smem:$0x3FD2] =	sst s25  }
0xac: {  	s6 =	sshll.u32 s26, $0x1;
	_ =	strace $0x80000049;
	[dreg:$0x1] =	wrdreg $0xFFFFFFFF  }
0xad: {  	s28 =	simm.s32 $_size_execute0_lowered;
	s4 =	sadd.s32 s4, s6;
	[dreg:$0x0] =	wrdreg $0x0  }
0xae: {  	s6 =	sshll.u32 s28, $0x1;
	[dreg:$0x2] =	wrdreg s4  }
0xaf: {  	[dreg:$0x3] =	wrdreg s6  }
0xb0: {  	[dreg:$0x4] =	wrdreg $0xC0  }
0xb1: {  	_ =	task [dreg:s8], $0x5FFFF  }
0xb2: {  	[dreg:$0x1] =	wrdreg $0xFFFFFFFF  }
0xb3: {  	[dreg:$0x0] =	wrdreg $0x60  }
0xb4: {  	[dreg:$0x2] =	wrdreg s24  }
0xb5: {  	[dreg:$0x3] =	wrdreg s17  }
0xb6: {  	[dreg:$0x4] =	wrdreg s16  }
0xb7: {  	[dreg:$0x5] =	wrdreg $0xB4000  }
0xb8: {  	[dreg:$0x6] =	wrdreg $0x9  }
0xb9: {  	_ =	task.clear_ibuf [dreg:s8], $0x7FFFF;
	_ =	strace $0x90000049  }
0xba: {  	s29 =	simm.s32 $0x9;
	_ =	strace $0x8000004B  }
0xbb: {  	_ =	swait.ge [sflag:s29], $0x1  }
0xbc: {  	[sflag:s29] =	ssyncadd.s32 $0xFFFFFFFF  }
0xbd: {  	_ =	strace $0x9000004B  }
0xbe: {  	_ =	sfence  }
0xbf: {  	s30 =	sld [smem:$0x0];
	_ =	sdelay $0x2  }
0xc0: {  	s31 =	sshll.u32 s1, $0xD;
	s1 =	sshrl.u32 s1, $0x2  }
0xc1: {  	s3 =	sand.u32 $0x4000, s31;
	s1 =	sadd.s32 s1, s30  }
0xc2: {  	s0 =	sor.u32 s3, s0;
	s1 =	sshll.u32 s1, $0x11  }
0xc3: {  	s0 =	sor.u32 s1, s0  }
0xc4: {  	s0 =	sadd.s32 $0x8F2B, s0  }
0xc5: {  	[sflag:s0] =	ssyncadd.remote.s32 $0x1  }
0xc6: {  	_ =	sfence.sel $0xFFFF  }
0xc7: {  	[dreg:$0x0] =	wrdreg $0xFFFFFFFF;
	(pc) =	sbr.abs _section_cstart, $3  }
0xc8: {  	[dreg:$0x1] =	wrdreg $0xFFFFFFFF  }
0xc9: {  	_ =	task.clear_ibuf [dreg:s8], $0x2FFFF;
	_ =	strace $0x9FFFFFFF  }
0xca: {  	(tm) =	ssettm $0x7FFFFFFF  }
0xcb: {  	_ =	shalt  }
tec
execute0_lowered:
.L_overlay_start_1:
0x0: {  	(tag) =	ssettag $0x1  }
0x1: {  	s0 =	rddreg [dreg:$0x0]  }
0x2: {  	s3 =	rddreg [dreg:$0x1]  }
0x3: {  	s5 =	rddreg [dreg:$0x2]  }
0x4: {  	s1 =	rddreg [dreg:$0x3]  }
0x5: {  	s2 =	simm.s32 $0x0;
	s4 =	srdreg.scid;
	s13 =	stileid.u32  }
0x6: {  	s29 =	simm.s32 $0x7400;
	s30 =	simm.s32 $0x2;
	[smem:$0x7FF] =	sst s2  }
0x7: {  	s7 =	sand.u32 $0x1, s4;
	s4 =	sadd.s32 $0x2200, s0;
	s8 =	smul.u32 $0x4E000, s13  }
0x8: {  	s14 =	sadd.s32 $0x29400, s0;
	s15 =	smul.u32 $0x2700, s13;
	p1 =	sne.s32 s13, $0xF  }
0x9: {  	p2 =	seq.s32 s13, $0xF;
	_ =	strace $0x8000004A;
	s6 =	smul.u32 $0x27100, s7  }
0xa: {  	s9 =	sshll.u32 s7, $0x4;
	s10 =	ssub.s32 $0x2, s7;
	p0 =	seq.s32 s7, $0x1  }
0xb: {  	[dreg:$0x5] =	wrdreg s14;
	s9 =	sor.u32 s13, s9;
	s11 =	sshrl.u32 s10, $0x1  }
0xc: {  	s8 =	sshrl.u32 s8, $0x2;
	s17 =	sadd.s32 s4, s15;
	[dreg:$0x6] =	wrdreg s15  }
0xd: {  	s13 =	simm.s32 $0x6;
	s0 =	sadd.s32 s6, s0;
	s12 =	smul.u32 $0x2710, s9  }
0xe: {  	s10 =	ssub.s32 s10, s11;
	s16 =	sadd.s32 s8, s1;
	[dreg:$0x8] =	wrdreg s17  }
0xf: {  	s9 =	sadd.s32 $0x138000, s1;
	s6 =	sadd.s32 s14, s15;
	s8 =	simm.s32 $0x9400  }
0x10: {  	s11 =	simm.s32 $0x4;
	s17 =	simm.s32 $0x7;
	[dreg:$0x7] =	wrdreg s16  }
0x11: {  	s14 =	simm.s32 $0x10;
	s15 =	simm.s32 $0x0;
	[dreg:$0x9] =	wrdreg s6  }
0x12: {  	s31 =	smax.u32 s10, $0x1;
	s10 =	simm.s32 $0x3;
	s18 =	sshrl.u32 s12, $0x3  }
0x13: {  	[dreg:$0x12] =	wrdreg s31;
	s12 =	simm.s32 $0x26C0;
	s19 =	sadd.s32 s3, s18  }
0x14: {  	s20 =	sadd.s32 $0x1A0, s18;
	s21 =	sadd.s32 s5, s18;
	s23 =	sadd.s32 $0x340, s18  }
0x15: {  	s7 =	sadd.s32 $0x4E0, s18;
	s18 =	simm.s32 $0x8;
	[dreg:$0xa] =	wrdreg s19  }
0x16: {  	[dreg:$0xb] =	wrdreg s21;
	s22 =	sadd.s32 s3, s20;
	s24 =	sadd.s32 s5, s20  }
0x17: {  	s25 =	sadd.s32 s3, s23;
	s26 =	sadd.s32 s5, s23;
	[dreg:$0xc] =	wrdreg s22  }
0x18: {  	s3 =	sadd.s32 s3, s7;
	s28 =	sadd.s32 s5, s7;
	[dreg:$0xd] =	wrdreg s24  }
0x19: {  	s19 =	sadd.s32 $0x50600, s0;
	s21 =	simm.s32 $0xA;
	[dreg:$0xe] =	wrdreg s25  }
0x1a: {  	s23 =	simm.s32 $0x40;
	s0 =	simm.s32 $0xCC0;
	[dreg:$0xf] =	wrdreg s26  }
0x1b: {  	s5 =	simm.s32 $0x2680;
	s7 =	simm.s32 $0x9;
	[dreg:$0x10] =	wrdreg s3  }
0x1c: {  	[dreg:$0x11] =	wrdreg s28;
	s22 =	simm.s32 $0x1A00;
	s24 =	simm.s32 $0x3400  }
0x1d: {  	s25 =	simm.s32 $0x5400;
	s26 =	simm.s32 $0x1;
	s3 =	simm.s32 $0x5  }
.LBB2_1:
.Ltmp0:
0x1e: {  	(pc) =	sbr.rel @!p0 .LBB2_2-.Ltmp0, $4  }
0x1f: {  	_ = 	snop  }
0x20: {  	s6 =	stileid.u32  }
0x21: {  	s31 =	rddreg [dreg:$0x7];
	s16 =	sshll.u32 s6, $0x6  }
0x22: {  	s28 =	sshrl.u32 s31, $0x3;
	s20 =	sor.u32 $0x1C0A, s16  }
0x23: {  	s20 =	sor.u32 $0x1C0A, s16;
	s6 =	rddreg [dreg:$0x9]  }
0x24: {  	[spmem:s28], [sflag:s20] =	dma.local [hbm:s6], $0x2700  }
.Ltmp1:
0x25: {  	_ = 	snop;
	(pc) =	sbr.rel @p1 .LBB2_5-.Ltmp1, $4  }
.Ltmp2:
0x26: {  	_ = 	snop;
	(pc) =	sbr.rel @!p1 .LBB2_4-.Ltmp2, $4  }
0x27: {  	_ =	swait.ge [sflag:s21], $0x2700  }
0x28: {  	[sflag:s21] =	ssyncset.done $0x0  }
0x29: {  	s31 =	rddreg [dreg:$0x5];
	[sflag:s21] =	ssyncadd.s32 $0xFFFFD900  }
0x2a: {  	_ = 	snop  }
.LBB2_2:
.Ltmp3:
0x2b: {  	s6 =	rddreg [dreg:$0x8];
	(pc) =	sbr.rel @!p2 .LBB2_5-.Ltmp3, $4  }
0x2c: {  	[spmem:s28], [sflag:s20] =	dma.local [hbm:s6], $0x2700  }
0x2d: {  	_ =	swait.ge [sflag:s21], $0x2700  }
0x2e: {  	[sflag:s21] =	ssyncset.done $0x0  }
0x2f: {  	s31 =	smov.u32 s4;
	[sflag:s21] =	ssyncadd.s32 $0xFFFFD900  }
.LBB2_4:
0x30: {  	s31 =	sadd.s32 $0x27000, s31;
	s6 =	sshrl.u32 s9, $0x3  }
0x31: {  	[spmem:s6], [sflag:s20] =	dma.local [hbm:s31], $0x100  }
0x32: {  	_ =	swait.ge [sflag:s21], $0x100  }
0x33: {  	[sflag:s21] =	ssyncset.done $0x0  }
0x34: {  	[sflag:s21] =	ssyncadd.s32 $0xFFFFFF00  }
.LBB2_5:
0x35: {  	[bflag:$0x0] =	sbarrier.arrive $0xFFFF  }
0x36: {  	s6 =	simm.s32 $0x0;
	s20 =	rddreg [dreg:$0xa]  }
0x37: {  	[tilespmem:s6], [sflag:$0xA] =	stream.linear.gather [hbm4b:s20+s6], $0xD00, $0x38;
	[tilespmem:$0x1EC80] =	vst v63  }
0x38: {  	_ =	swait.ge [sflag:s21], $0xD00  }
0x39: {  	[sflag:s21] =	ssyncset.done $0x0  }
0x3a: {  	s20 =	rddreg [dreg:$0xb];
	[sflag:s21] =	ssyncadd.s32 $0xFFFFF300  }
0x3b: {  	[tilespmem:s22], [sflag:$0xA] =	stream.linear.gather [hbm4b:s20+s6], $0xD00, $0x38;
	[tilespmem:$0x1EC80] =	vst v63  }
0x3c: {  	_ =	swait.ge [sflag:s21], $0xD00  }
0x3d: {  	[sflag:s21] =	ssyncset.done $0x0  }
0x3e: {  	[sflag:s21] =	ssyncadd.s32 $0xFFFFF300  }
0x3f: {  	[tilespmem:s24], [sflag:$0x1] =	stream.indirect.gather [hbm4b:s4+s23], $0x80, s6, s23, $0xb8;
	[tilespmem:$0x1EC80] =	vst v63  }
0x40: {  	_ = 	snop  }
0x41: {  	[tilespmem:s25], [sflag:$0x2] =	stream.indirect.gather [hbm4b:s4+s23], $0x80, s23, s23, $0xb8;
	[tilespmem:$0x1EC80] =	vst v63  }
0x42: {  	_ =	swait.ge [sflag:s26], $0x2000  }
0x43: {  	[sflag:s26] =	ssyncset.done $0x0  }
0x44: {  	[sflag:s26] =	ssyncadd.s32 $0xFFFFE000  }
0x45: {  	[spmem:s1] =	stream.indirect.scatter.add.f32 [tilespmem:s24], [sflag:$0x5], $0x80, s22, s23, $0xb8;
	[tilespmem:$0x1EC80] =	vst v63  }
0x46: {  	s20 =	simm.s32 $0x80  }
0x47: {  	[tilespmem:s29], [sflag:$0x3] =	stream.indirect.gather [hbm4b:s4+s23], $0x80, s20, s23, $0xb8;
	[tilespmem:$0x1EC80] =	vst v63  }
0x48: {  	_ =	swait.ge [sflag:s30], $0x2000  }
0x49: {  	[sflag:s30] =	ssyncset.done $0x0  }
0x4a: {  	s20 =	simm.s32 $0x1A40;
	[sflag:s30] =	ssyncadd.s32 $0xFFFFE000  }
0x4b: {  	[spmem:s1] =	stream.indirect.scatter.add.f32 [tilespmem:s25], [sflag:$0x6], $0x80, s20, s23, $0xb8;
	[tilespmem:$0x1EC80] =	vst v63  }
0x4c: {  	s20 =	simm.s32 $0xC0  }
0x4d: {  	[tilespmem:s8], [sflag:$0x4] =	stream.indirect.gather [hbm4b:s4+s23], $0x80, s20, s23, $0xb8;
	[tilespmem:$0x1EC80] =	vst v63  }
0x4e: {  	_ =	swait.ge [sflag:s10], $0x2000  }
0x4f: {  	[sflag:s10] =	ssyncset.done $0x0  }
0x50: {  	s20 =	simm.s32 $0x1A80;
	[sflag:s10] =	ssyncadd.s32 $0xFFFFE000  }
0x51: {  	[spmem:s1] =	stream.indirect.scatter.add.f32 [tilespmem:s29], [sflag:$0x7], $0x80, s20, s23, $0xb8;
	[tilespmem:$0x1EC80] =	vst v63  }
0x52: {  	_ =	swait.ge [sflag:s3], $0x2000  }
0x53: {  	[sflag:s3] =	ssyncset.done $0x0  }
0x54: {  	s20 =	simm.s32 $0x100;
	[sflag:s3] =	ssyncadd.s32 $0xFFFFE000  }
0x55: {  	[tilespmem:s24], [sflag:$0x1] =	stream.indirect.gather [hbm4b:s4+s23], $0x80, s20, s23, $0xb8;
	[tilespmem:$0x1EC80] =	vst v63  }
0x56: {  	_ =	swait.ge [sflag:s11], $0x2000  }
0x57: {  	[sflag:s11] =	ssyncset.done $0x0  }
0x58: {  	s20 =	simm.s32 $0x1AC0;
	[sflag:s11] =	ssyncadd.s32 $0xFFFFE000  }
0x59: {  	[spmem:s1] =	stream.indirect.scatter.add.f32 [tilespmem:s8], [sflag:$0x8], $0x80, s20, s23, $0xb8;
	[tilespmem:$0x1EC80] =	vst v63  }
0x5a: {  	_ =	swait.ge [sflag:s13], $0x2000  }
0x5b: {  	[sflag:s13] =	ssyncset.done $0x0  }
0x5c: {  	s20 =	simm.s32 $0x140;
	[sflag:s13] =	ssyncadd.s32 $0xFFFFE000  }
0x5d: {  	[tilespmem:s25], [sflag:$0x2] =	stream.indirect.gather [hbm4b:s4+s23], $0x80, s20, s23, $0xb8;
	[tilespmem:$0x1EC80] =	vst v63  }
0x5e: {  	s31 =	simm.s32 $0xD00;
	s20 =	rddreg [dreg:$0xc]  }
0x5f: {  	[tilespmem:s31], [sflag:$0x9] =	stream.linear.gather [hbm4b:s20+s6], $0xD00, $0x38;
	[tilespmem:$0x1EC80] =	vst v63  }
0x60: {  	s20 =	rddreg [dreg:$0xd];
	s31 =	simm.s32 $0x2700  }
0x61: {  	[tilespmem:s31], [sflag:$0x9] =	stream.linear.gather [hbm4b:s20+s6], $0xD00, $0x38;
	[tilespmem:$0x1EC80] =	vst v63  }
0x62: {  	_ =	swait.ge [sflag:s26], $0x2000  }
0x63: {  	[sflag:s26] =	ssyncset.done $0x0  }
0x64: {  	s20 =	simm.s32 $0x1B00;
	[sflag:s26] =	ssyncadd.s32 $0xFFFFE000  }
0x65: {  	[spmem:s1] =	stream.indirect.scatter.add.f32 [tilespmem:s24], [sflag:$0x5], $0x80, s20, s23, $0xb8;
	[tilespmem:$0x1EC80] =	vst v63  }
0x66: {  	_ =	swait.ge [sflag:s17], $0x2000  }
0x67: {  	[sflag:s17] =	ssyncset.done $0x0  }
0x68: {  	s20 =	simm.s32 $0x180;
	[sflag:s17] =	ssyncadd.s32 $0xFFFFE000  }
0x69: {  	[tilespmem:s29], [sflag:$0x3] =	stream.indirect.gather [hbm4b:s4+s23], $0x80, s20, s23, $0xb8;
	[tilespmem:$0x1EC80] =	vst v63  }
0x6a: {  	_ =	swait.ge [sflag:s30], $0x2000  }
0x6b: {  	[sflag:s30] =	ssyncset.done $0x0  }
0x6c: {  	s20 =	simm.s32 $0x1B40;
	[sflag:s30] =	ssyncadd.s32 $0xFFFFE000  }
0x6d: {  	[spmem:s1] =	stream.indirect.scatter.add.f32 [tilespmem:s25], [sflag:$0x6], $0x80, s20, s23, $0xb8;
	[tilespmem:$0x1EC80] =	vst v63  }
0x6e: {  	_ =	swait.ge [sflag:s18], $0x2000  }
0x6f: {  	[sflag:s18] =	ssyncset.done $0x0  }
0x70: {  	s20 =	simm.s32 $0x1C0;
	[sflag:s18] =	ssyncadd.s32 $0xFFFFE000  }
0x71: {  	[tilespmem:s8], [sflag:$0x4] =	stream.indirect.gather [hbm4b:s4+s23], $0x80, s20, s23, $0xb8;
	[tilespmem:$0x1EC80] =	vst v63  }
0x72: {  	_ =	swait.ge [sflag:s10], $0x2000  }
0x73: {  	[sflag:s10] =	ssyncset.done $0x0  }
0x74: {  	s20 =	simm.s32 $0x1B80;
	[sflag:s10] =	ssyncadd.s32 $0xFFFFE000  }
0x75: {  	[spmem:s1] =	stream.indirect.scatter.add.f32 [tilespmem:s29], [sflag:$0x7], $0x80, s20, s23, $0xb8;
	[tilespmem:$0x1EC80] =	vst v63  }
0x76: {  	_ =	swait.ge [sflag:s3], $0x2000  }
0x77: {  	[sflag:s3] =	ssyncset.done $0x0  }
0x78: {  	s20 =	simm.s32 $0x200;
	[sflag:s3] =	ssyncadd.s32 $0xFFFFE000  }
0x79: {  	[tilespmem:s24], [sflag:$0x1] =	stream.indirect.gather [hbm4b:s4+s23], $0x80, s20, s23, $0xb8;
	[tilespmem:$0x1EC80] =	vst v63  }
0x7a: {  	_ =	swait.ge [sflag:s11], $0x2000  }
0x7b: {  	[sflag:s11] =	ssyncset.done $0x0  }
0x7c: {  	s20 =	simm.s32 $0x1BC0;
	[sflag:s11] =	ssyncadd.s32 $0xFFFFE000  }
0x7d: {  	[spmem:s1] =	stream.indirect.scatter.add.f32 [tilespmem:s8], [sflag:$0x8], $0x80, s20, s23, $0xb8;
	[tilespmem:$0x1EC80] =	vst v63  }
0x7e: {  	_ =	swait.ge [sflag:s13], $0x2000  }
0x7f: {  	[sflag:s13] =	ssyncset.done $0x0  }
0x80: {  	s31 =	simm.s32 $0x240;
	s20 =	simm.s32 $0x400;
	[sflag:s13] =	ssyncadd.s32 $0xFFFFE000  }
.LBB2_6:
0x81: {  	[tilespmem:s25], [sflag:$0x2] =	stream.indirect.gather [hbm4b:s4+s23], $0x80, s31, s23, $0xb8;
	[tilespmem:$0x1EC80] =	vst v63  }
0x82: {  	s6 =	smov.u32 s20  }
0x83: {  	p3 =	sne.s32 s20, $0x2800;
	s20 =	sadd.s32 $0x400, s20;
	_ =	swait.ge [sflag:s26], $0x2000  }
0x84: {  	s31 =	sshra.s32 s6, $0x2;
	[sflag:s26] =	ssyncset.done $0x0  }
0x85: {  	s6 =	sadd.s32 $0x1B00, s31;
	[sflag:s26] =	ssyncadd.s32 $0xFFFFE000  }
0x86: {  	[spmem:s1] =	stream.indirect.scatter.add.f32 [tilespmem:s24], [sflag:$0x5], $0x80, s6, s23, $0xb8;
	[tilespmem:$0x1EC80] =	vst v63  }
0x87: {  	_ =	swait.ge [sflag:s17], $0x2000  }
0x88: {  	[sflag:s17] =	ssyncset.done $0x0  }
0x89: {  	s6 =	sadd.s32 $0x180, s31;
	[sflag:s17] =	ssyncadd.s32 $0xFFFFE000  }
0x8a: {  	[tilespmem:s29], [sflag:$0x3] =	stream.indirect.gather [hbm4b:s4+s23], $0x80, s6, s23, $0xb8;
	[tilespmem:$0x1EC80] =	vst v63  }
0x8b: {  	_ =	swait.ge [sflag:s30], $0x2000  }
0x8c: {  	[sflag:s30] =	ssyncset.done $0x0  }
0x8d: {  	s6 =	sadd.s32 $0x1B40, s31;
	[sflag:s30] =	ssyncadd.s32 $0xFFFFE000  }
0x8e: {  	[spmem:s1] =	stream.indirect.scatter.add.f32 [tilespmem:s25], [sflag:$0x6], $0x80, s6, s23, $0xb8;
	[tilespmem:$0x1EC80] =	vst v63  }
0x8f: {  	_ =	swait.ge [sflag:s18], $0x2000  }
0x90: {  	[sflag:s18] =	ssyncset.done $0x0  }
0x91: {  	s6 =	sadd.s32 $0x1C0, s31;
	[sflag:s18] =	ssyncadd.s32 $0xFFFFE000  }
0x92: {  	[tilespmem:s8], [sflag:$0x4] =	stream.indirect.gather [hbm4b:s4+s23], $0x80, s6, s23, $0xb8;
	[tilespmem:$0x1EC80] =	vst v63  }
0x93: {  	_ =	swait.ge [sflag:s10], $0x2000  }
0x94: {  	[sflag:s10] =	ssyncset.done $0x0  }
0x95: {  	s6 =	sadd.s32 $0x1B80, s31;
	[sflag:s10] =	ssyncadd.s32 $0xFFFFE000  }
0x96: {  	[spmem:s1] =	stream.indirect.scatter.add.f32 [tilespmem:s29], [sflag:$0x7], $0x80, s6, s23, $0xb8;
	[tilespmem:$0x1EC80] =	vst v63  }
0x97: {  	_ =	swait.ge [sflag:s3], $0x2000  }
0x98: {  	[sflag:s3] =	ssyncset.done $0x0  }
0x99: {  	s6 =	sadd.s32 $0x200, s31;
	[sflag:s3] =	ssyncadd.s32 $0xFFFFE000  }
0x9a: {  	[tilespmem:s24], [sflag:$0x1] =	stream.indirect.gather [hbm4b:s4+s23], $0x80, s6, s23, $0xb8;
	[tilespmem:$0x1EC80] =	vst v63  }
0x9b: {  	_ =	swait.ge [sflag:s11], $0x2000  }
0x9c: {  	[sflag:s11] =	ssyncset.done $0x0  }
.Ltmp4:
0x9d: {  	s6 =	sadd.s32 $0x1BC0, s31;
	[sflag:s11] =	ssyncadd.s32 $0xFFFFE000;
	(pc) =	sbr.rel @p3 .LBB2_6-.Ltmp4, $4  }
0x9e: {  	[spmem:s1] =	stream.indirect.scatter.add.f32 [tilespmem:s8], [sflag:$0x8], $0x80, s6, s23, $0xb8;
	[tilespmem:$0x1EC80] =	vst v63  }
0x9f: {  	_ =	swait.ge [sflag:s13], $0x2000  }
0xa0: {  	[sflag:s13] =	ssyncset.done $0x0  }
0xa1: {  	s31 =	sadd.s32 $0x240, s31;
	[sflag:s13] =	ssyncadd.s32 $0xFFFFE000  }
0xa2: {  	[tilespmem:s25], [sflag:$0x2] =	stream.indirect.gather [hbm4b:s4+s23], $0x80, s31, s23, $0xb8;
	[tilespmem:$0x1EC80] =	vst v63  }
0xa3: {  	_ =	swait.ge [sflag:s26], $0x2000  }
0xa4: {  	[sflag:s26] =	ssyncset.done $0x0  }
0xa5: {  	s6 =	simm.s32 $0x2600;
	[sflag:s26] =	ssyncadd.s32 $0xFFFFE000  }
0xa6: {  	[spmem:s1] =	stream.indirect.scatter.add.f32 [tilespmem:s24], [sflag:$0x5], $0x80, s6, s23, $0xb8;
	[tilespmem:$0x1EC80] =	vst v63  }
0xa7: {  	_ =	swait.ge [sflag:s17], $0x2000  }
0xa8: {  	[sflag:s17] =	ssyncset.done $0x0  }
0xa9: {  	s20 =	simm.s32 $0xC80;
	[sflag:s17] =	ssyncadd.s32 $0xFFFFE000  }
0xaa: {  	[tilespmem:s29], [sflag:$0x3] =	stream.indirect.gather [hbm4b:s4+s23], $0x80, s20, s23, $0xb8;
	[tilespmem:$0x1EC80] =	vst v63  }
0xab: {  	_ =	swait.ge [sflag:s30], $0x2000  }
0xac: {  	[sflag:s30] =	ssyncset.done $0x0  }
0xad: {  	s20 =	simm.s32 $0x2640;
	[sflag:s30] =	ssyncadd.s32 $0xFFFFE000  }
0xae: {  	[spmem:s1] =	stream.indirect.scatter.add.f32 [tilespmem:s25], [sflag:$0x6], $0x80, s20, s23, $0xb8;
	[tilespmem:$0x1EC80] =	vst v63  }
0xaf: {  	_ =	swait.ge [sflag:s18], $0x2000  }
0xb0: {  	[sflag:s18] =	ssyncset.done $0x0  }
0xb1: {  	[sflag:s18] =	ssyncadd.s32 $0xFFFFE000  }
0xb2: {  	[tilespmem:s8], [sflag:$0x4] =	stream.indirect.gather [hbm4b:s4+s23], $0x80, s0, s23, $0xb8;
	[tilespmem:$0x1EC80] =	vst v63  }
0xb3: {  	_ =	swait.ge [sflag:s10], $0x2000  }
0xb4: {  	[sflag:s10] =	ssyncset.done $0x0  }
0xb5: {  	[sflag:s10] =	ssyncadd.s32 $0xFFFFE000  }
0xb6: {  	[spmem:s1] =	stream.indirect.scatter.add.f32 [tilespmem:s29], [sflag:$0x7], $0x80, s5, s23, $0xb8;
	[tilespmem:$0x1EC80] =	vst v63  }
0xb7: {  	_ =	swait.ge [sflag:s3], $0x2000  }
0xb8: {  	[sflag:s3] =	ssyncset.done $0x0  }
0xb9: {  	[sflag:s3] =	ssyncadd.s32 $0xFFFFE000  }
0xba: {  	_ =	swait.ge [sflag:s7], $0xD00  }
0xbb: {  	[sflag:s7] =	ssyncset.done $0x0  }
0xbc: {  	[sflag:s7] =	ssyncadd.s32 $0xFFFFF300  }
0xbd: {  	_ =	swait.ge [sflag:s7], $0xD00  }
0xbe: {  	[sflag:s7] =	ssyncset.done $0x0  }
0xbf: {  	s20 =	simm.s32 $0xD00;
	[sflag:s7] =	ssyncadd.s32 $0xFFFFF300  }
0xc0: {  	[tilespmem:s24], [sflag:$0x1] =	stream.indirect.gather [hbm4b:s4+s23], $0x80, s20, s23, $0xb8;
	[tilespmem:$0x1EC80] =	vst v63  }
0xc1: {  	_ =	swait.ge [sflag:s11], $0x2000  }
0xc2: {  	[sflag:s11] =	ssyncset.done $0x0  }
0xc3: {  	[sflag:s11] =	ssyncadd.s32 $0xFFFFE000  }
0xc4: {  	[spmem:s1] =	stream.indirect.scatter.add.f32 [tilespmem:s8], [sflag:$0x8], $0x80, s12, s23, $0xb8;
	[tilespmem:$0x1EC80] =	vst v63  }
0xc5: {  	_ =	swait.ge [sflag:s13], $0x2000  }
0xc6: {  	[sflag:s13] =	ssyncset.done $0x0  }
0xc7: {  	s20 =	simm.s32 $0xD40;
	[sflag:s13] =	ssyncadd.s32 $0xFFFFE000  }
0xc8: {  	[tilespmem:s25], [sflag:$0x2] =	stream.indirect.gather [hbm4b:s4+s23], $0x80, s20, s23, $0xb8;
	[tilespmem:$0x1EC80] =	vst v63  }
0xc9: {  	_ =	swait.ge [sflag:s26], $0x2000  }
0xca: {  	[sflag:s26] =	ssyncset.done $0x0  }
0xcb: {  	s20 =	simm.s32 $0x2700;
	[sflag:s26] =	ssyncadd.s32 $0xFFFFE000  }
0xcc: {  	[spmem:s1] =	stream.indirect.scatter.add.f32 [tilespmem:s24], [sflag:$0x5], $0x80, s20, s23, $0xb8;
	[tilespmem:$0x1EC80] =	vst v63  }
0xcd: {  	_ =	swait.ge [sflag:s17], $0x2000  }
0xce: {  	[sflag:s17] =	ssyncset.done $0x0  }
0xcf: {  	s20 =	simm.s32 $0xD80;
	[sflag:s17] =	ssyncadd.s32 $0xFFFFE000  }
0xd0: {  	[tilespmem:s29], [sflag:$0x3] =	stream.indirect.gather [hbm4b:s4+s23], $0x80, s20, s23, $0xb8;
	[tilespmem:$0x1EC80] =	vst v63  }
0xd1: {  	_ =	swait.ge [sflag:s30], $0x2000  }
0xd2: {  	[sflag:s30] =	ssyncset.done $0x0  }
0xd3: {  	s20 =	simm.s32 $0x2740;
	[sflag:s30] =	ssyncadd.s32 $0xFFFFE000  }
0xd4: {  	[spmem:s1] =	stream.indirect.scatter.add.f32 [tilespmem:s25], [sflag:$0x6], $0x80, s20, s23, $0xb8;
	[tilespmem:$0x1EC80] =	vst v63  }
0xd5: {  	_ =	swait.ge [sflag:s18], $0x2000  }
0xd6: {  	[sflag:s18] =	ssyncset.done $0x0  }
0xd7: {  	s20 =	simm.s32 $0xDC0;
	[sflag:s18] =	ssyncadd.s32 $0xFFFFE000  }
0xd8: {  	[tilespmem:s8], [sflag:$0x4] =	stream.indirect.gather [hbm4b:s4+s23], $0x80, s20, s23, $0xb8;
	[tilespmem:$0x1EC80] =	vst v63  }
0xd9: {  	_ =	swait.ge [sflag:s10], $0x2000  }
0xda: {  	[sflag:s10] =	ssyncset.done $0x0  }
0xdb: {  	s20 =	simm.s32 $0x2780;
	[sflag:s10] =	ssyncadd.s32 $0xFFFFE000  }
0xdc: {  	[spmem:s1] =	stream.indirect.scatter.add.f32 [tilespmem:s29], [sflag:$0x7], $0x80, s20, s23, $0xb8;
	[tilespmem:$0x1EC80] =	vst v63  }
0xdd: {  	_ =	swait.ge [sflag:s3], $0x2000  }
0xde: {  	[sflag:s3] =	ssyncset.done $0x0  }
0xdf: {  	s20 =	simm.s32 $0xE00;
	[sflag:s3] =	ssyncadd.s32 $0xFFFFE000  }
0xe0: {  	[tilespmem:s24], [sflag:$0x1] =	stream.indirect.gather [hbm4b:s4+s23], $0x80, s20, s23, $0xb8;
	[tilespmem:$0x1EC80] =	vst v63  }
0xe1: {  	_ =	swait.ge [sflag:s11], $0x2000  }
0xe2: {  	[sflag:s11] =	ssyncset.done $0x0  }
0xe3: {  	s20 =	simm.s32 $0x27C0;
	[sflag:s11] =	ssyncadd.s32 $0xFFFFE000  }
0xe4: {  	[spmem:s1] =	stream.indirect.scatter.add.f32 [tilespmem:s8], [sflag:$0x8], $0x80, s20, s23, $0xb8;
	[tilespmem:$0x1EC80] =	vst v63  }
0xe5: {  	_ =	swait.ge [sflag:s13], $0x2000  }
0xe6: {  	[sflag:s13] =	ssyncset.done $0x0  }
0xe7: {  	s20 =	simm.s32 $0xE40;
	[sflag:s13] =	ssyncadd.s32 $0xFFFFE000  }
0xe8: {  	[tilespmem:s25], [sflag:$0x2] =	stream.indirect.gather [hbm4b:s4+s23], $0x80, s20, s23, $0xb8;
	[tilespmem:$0x1EC80] =	vst v63  }
0xe9: {  	s6 =	simm.s32 $0x0;
	s20 =	rddreg [dreg:$0xe]  }
0xea: {  	[tilespmem:s6], [sflag:$0x9] =	stream.linear.gather [hbm4b:s20+s6], $0xD00, $0x38;
	[tilespmem:$0x1EC80] =	vst v63  }
0xeb: {  	s20 =	rddreg [dreg:$0xf]  }
0xec: {  	[tilespmem:s22], [sflag:$0x9] =	stream.linear.gather [hbm4b:s20+s6], $0xD00, $0x38;
	[tilespmem:$0x1EC80] =	vst v63  }
0xed: {  	_ =	swait.ge [sflag:s26], $0x2000  }
0xee: {  	[sflag:s26] =	ssyncset.done $0x0  }
0xef: {  	s20 =	simm.s32 $0x2800;
	[sflag:s26] =	ssyncadd.s32 $0xFFFFE000  }
0xf0: {  	[spmem:s1] =	stream.indirect.scatter.add.f32 [tilespmem:s24], [sflag:$0x5], $0x80, s20, s23, $0xb8;
	[tilespmem:$0x1EC80] =	vst v63  }
0xf1: {  	_ =	swait.ge [sflag:s17], $0x2000  }
0xf2: {  	[sflag:s17] =	ssyncset.done $0x0  }
0xf3: {  	s20 =	simm.s32 $0xE80;
	[sflag:s17] =	ssyncadd.s32 $0xFFFFE000  }
0xf4: {  	[tilespmem:s29], [sflag:$0x3] =	stream.indirect.gather [hbm4b:s4+s23], $0x80, s20, s23, $0xb8;
	[tilespmem:$0x1EC80] =	vst v63  }
0xf5: {  	_ =	swait.ge [sflag:s30], $0x2000  }
0xf6: {  	[sflag:s30] =	ssyncset.done $0x0  }
0xf7: {  	s20 =	simm.s32 $0x2840;
	[sflag:s30] =	ssyncadd.s32 $0xFFFFE000  }
0xf8: {  	[spmem:s1] =	stream.indirect.scatter.add.f32 [tilespmem:s25], [sflag:$0x6], $0x80, s20, s23, $0xb8;
	[tilespmem:$0x1EC80] =	vst v63  }
0xf9: {  	_ =	swait.ge [sflag:s18], $0x2000  }
0xfa: {  	[sflag:s18] =	ssyncset.done $0x0  }
0xfb: {  	s20 =	simm.s32 $0xEC0;
	[sflag:s18] =	ssyncadd.s32 $0xFFFFE000  }
0xfc: {  	[tilespmem:s8], [sflag:$0x4] =	stream.indirect.gather [hbm4b:s4+s23], $0x80, s20, s23, $0xb8;
	[tilespmem:$0x1EC80] =	vst v63  }
0xfd: {  	_ =	swait.ge [sflag:s10], $0x2000  }
0xfe: {  	[sflag:s10] =	ssyncset.done $0x0  }
0xff: {  	s20 =	simm.s32 $0x2880;
	[sflag:s10] =	ssyncadd.s32 $0xFFFFE000  }
0x100: {  	[spmem:s1] =	stream.indirect.scatter.add.f32 [tilespmem:s29], [sflag:$0x7], $0x80, s20, s23, $0xb8;
	[tilespmem:$0x1EC80] =	vst v63  }
0x101: {  	_ =	swait.ge [sflag:s3], $0x2000  }
0x102: {  	[sflag:s3] =	ssyncset.done $0x0  }
0x103: {  	s20 =	simm.s32 $0xF00;
	[sflag:s3] =	ssyncadd.s32 $0xFFFFE000  }
0x104: {  	[tilespmem:s24], [sflag:$0x1] =	stream.indirect.gather [hbm4b:s4+s23], $0x80, s20, s23, $0xb8;
	[tilespmem:$0x1EC80] =	vst v63  }
0x105: {  	_ =	swait.ge [sflag:s11], $0x2000  }
0x106: {  	[sflag:s11] =	ssyncset.done $0x0  }
0x107: {  	s20 =	simm.s32 $0x28C0;
	[sflag:s11] =	ssyncadd.s32 $0xFFFFE000  }
0x108: {  	[spmem:s1] =	stream.indirect.scatter.add.f32 [tilespmem:s8], [sflag:$0x8], $0x80, s20, s23, $0xb8;
	[tilespmem:$0x1EC80] =	vst v63  }
0x109: {  	_ =	swait.ge [sflag:s13], $0x2000  }
0x10a: {  	[sflag:s13] =	ssyncset.done $0x0  }
0x10b: {  	s31 =	simm.s32 $0xF40;
	s20 =	simm.s32 $0x400;
	[sflag:s13] =	ssyncadd.s32 $0xFFFFE000  }
.LBB2_8:
0x10c: {  	[tilespmem:s25], [sflag:$0x2] =	stream.indirect.gather [hbm4b:s4+s23], $0x80, s31, s23, $0xb8;
	[tilespmem:$0x1EC80] =	vst v63  }
0x10d: {  	s6 =	smov.u32 s20  }
0x10e: {  	p3 =	sne.s32 s20, $0x2800;
	s20 =	sadd.s32 $0x400, s20;
	_ =	swait.ge [sflag:s26], $0x2000  }
0x10f: {  	s31 =	sshra.s32 s6, $0x2;
	[sflag:s26] =	ssyncset.done $0x0  }
0x110: {  	s6 =	sadd.s32 $0x2800, s31;
	[sflag:s26] =	ssyncadd.s32 $0xFFFFE000  }
0x111: {  	[spmem:s1] =	stream.indirect.scatter.add.f32 [tilespmem:s24], [sflag:$0x5], $0x80, s6, s23, $0xb8;
	[tilespmem:$0x1EC80] =	vst v63  }
0x112: {  	_ =	swait.ge [sflag:s17], $0x2000  }
0x113: {  	[sflag:s17] =	ssyncset.done $0x0  }
0x114: {  	s6 =	sadd.s32 $0xE80, s31;
	[sflag:s17] =	ssyncadd.s32 $0xFFFFE000  }
0x115: {  	[tilespmem:s29], [sflag:$0x3] =	stream.indirect.gather [hbm4b:s4+s23], $0x80, s6, s23, $0xb8;
	[tilespmem:$0x1EC80] =	vst v63  }
0x116: {  	_ =	swait.ge [sflag:s30], $0x2000  }
0x117: {  	[sflag:s30] =	ssyncset.done $0x0  }
0x118: {  	s6 =	sadd.s32 $0x2840, s31;
	[sflag:s30] =	ssyncadd.s32 $0xFFFFE000  }
0x119: {  	[spmem:s1] =	stream.indirect.scatter.add.f32 [tilespmem:s25], [sflag:$0x6], $0x80, s6, s23, $0xb8;
	[tilespmem:$0x1EC80] =	vst v63  }
0x11a: {  	_ =	swait.ge [sflag:s18], $0x2000  }
0x11b: {  	[sflag:s18] =	ssyncset.done $0x0  }
0x11c: {  	s6 =	sadd.s32 $0xEC0, s31;
	[sflag:s18] =	ssyncadd.s32 $0xFFFFE000  }
0x11d: {  	[tilespmem:s8], [sflag:$0x4] =	stream.indirect.gather [hbm4b:s4+s23], $0x80, s6, s23, $0xb8;
	[tilespmem:$0x1EC80] =	vst v63  }
0x11e: {  	_ =	swait.ge [sflag:s10], $0x2000  }
0x11f: {  	[sflag:s10] =	ssyncset.done $0x0  }
0x120: {  	s6 =	sadd.s32 $0x2880, s31;
	[sflag:s10] =	ssyncadd.s32 $0xFFFFE000  }
0x121: {  	[spmem:s1] =	stream.indirect.scatter.add.f32 [tilespmem:s29], [sflag:$0x7], $0x80, s6, s23, $0xb8;
	[tilespmem:$0x1EC80] =	vst v63  }
0x122: {  	_ =	swait.ge [sflag:s3], $0x2000  }
0x123: {  	[sflag:s3] =	ssyncset.done $0x0  }
0x124: {  	s6 =	sadd.s32 $0xF00, s31;
	[sflag:s3] =	ssyncadd.s32 $0xFFFFE000  }
0x125: {  	[tilespmem:s24], [sflag:$0x1] =	stream.indirect.gather [hbm4b:s4+s23], $0x80, s6, s23, $0xb8;
	[tilespmem:$0x1EC80] =	vst v63  }
0x126: {  	_ =	swait.ge [sflag:s11], $0x2000  }
0x127: {  	[sflag:s11] =	ssyncset.done $0x0  }
.Ltmp5:
0x128: {  	s6 =	sadd.s32 $0x28C0, s31;
	[sflag:s11] =	ssyncadd.s32 $0xFFFFE000;
	(pc) =	sbr.rel @p3 .LBB2_8-.Ltmp5, $4  }
0x129: {  	[spmem:s1] =	stream.indirect.scatter.add.f32 [tilespmem:s8], [sflag:$0x8], $0x80, s6, s23, $0xb8;
	[tilespmem:$0x1EC80] =	vst v63  }
0x12a: {  	_ =	swait.ge [sflag:s13], $0x2000  }
0x12b: {  	[sflag:s13] =	ssyncset.done $0x0  }
0x12c: {  	s31 =	sadd.s32 $0xF40, s31;
	[sflag:s13] =	ssyncadd.s32 $0xFFFFE000  }
0x12d: {  	[tilespmem:s25], [sflag:$0x2] =	stream.indirect.gather [hbm4b:s4+s23], $0x80, s31, s23, $0xb8;
	[tilespmem:$0x1EC80] =	vst v63  }
0x12e: {  	_ =	swait.ge [sflag:s26], $0x2000  }
0x12f: {  	[sflag:s26] =	ssyncset.done $0x0  }
0x130: {  	s6 =	simm.s32 $0x3300;
	[sflag:s26] =	ssyncadd.s32 $0xFFFFE000  }
0x131: {  	[spmem:s1] =	stream.indirect.scatter.add.f32 [tilespmem:s24], [sflag:$0x5], $0x80, s6, s23, $0xb8;
	[tilespmem:$0x1EC80] =	vst v63  }
0x132: {  	_ =	swait.ge [sflag:s17], $0x2000  }
0x133: {  	[sflag:s17] =	ssyncset.done $0x0  }
0x134: {  	s20 =	simm.s32 $0x1980;
	[sflag:s17] =	ssyncadd.s32 $0xFFFFE000  }
0x135: {  	[tilespmem:s29], [sflag:$0x3] =	stream.indirect.gather [hbm4b:s4+s23], $0x80, s20, s23, $0xb8;
	[tilespmem:$0x1EC80] =	vst v63  }
0x136: {  	_ =	swait.ge [sflag:s30], $0x2000  }
0x137: {  	[sflag:s30] =	ssyncset.done $0x0  }
0x138: {  	s20 =	simm.s32 $0x3340;
	[sflag:s30] =	ssyncadd.s32 $0xFFFFE000  }
0x139: {  	[spmem:s1] =	stream.indirect.scatter.add.f32 [tilespmem:s25], [sflag:$0x6], $0x80, s20, s23, $0xb8;
	[tilespmem:$0x1EC80] =	vst v63  }
0x13a: {  	_ =	swait.ge [sflag:s18], $0x2000  }
0x13b: {  	[sflag:s18] =	ssyncset.done $0x0  }
0x13c: {  	s20 =	simm.s32 $0x19C0;
	[sflag:s18] =	ssyncadd.s32 $0xFFFFE000  }
0x13d: {  	[tilespmem:s8], [sflag:$0x4] =	stream.indirect.gather [hbm4b:s4+s23], $0x80, s20, s23, $0xb8;
	[tilespmem:$0x1EC80] =	vst v63  }
0x13e: {  	_ =	swait.ge [sflag:s10], $0x2000  }
0x13f: {  	[sflag:s10] =	ssyncset.done $0x0  }
0x140: {  	s20 =	simm.s32 $0x3380;
	[sflag:s10] =	ssyncadd.s32 $0xFFFFE000  }
0x141: {  	[spmem:s1] =	stream.indirect.scatter.add.f32 [tilespmem:s29], [sflag:$0x7], $0x80, s20, s23, $0xb8;
	[tilespmem:$0x1EC80] =	vst v63  }
0x142: {  	_ =	swait.ge [sflag:s3], $0x2000  }
0x143: {  	[sflag:s3] =	ssyncset.done $0x0  }
0x144: {  	[sflag:s3] =	ssyncadd.s32 $0xFFFFE000  }
0x145: {  	_ =	swait.ge [sflag:s7], $0xD00  }
0x146: {  	[sflag:s7] =	ssyncset.done $0x0  }
0x147: {  	[sflag:s7] =	ssyncadd.s32 $0xFFFFF300  }
0x148: {  	_ =	swait.ge [sflag:s7], $0xD00  }
0x149: {  	[sflag:s7] =	ssyncset.done $0x0  }
0x14a: {  	s20 =	simm.s32 $0x0;
	[sflag:s7] =	ssyncadd.s32 $0xFFFFF300  }
0x14b: {  	[tilespmem:s24], [sflag:$0x1] =	stream.indirect.gather [hbm4b:s4+s23], $0x80, s20, s23, $0xb8;
	[tilespmem:$0x1EC80] =	vst v63  }
0x14c: {  	_ =	swait.ge [sflag:s11], $0x2000  }
0x14d: {  	[sflag:s11] =	ssyncset.done $0x0  }
0x14e: {  	s20 =	simm.s32 $0x33C0;
	[sflag:s11] =	ssyncadd.s32 $0xFFFFE000  }
0x14f: {  	[spmem:s1] =	stream.indirect.scatter.add.f32 [tilespmem:s8], [sflag:$0x8], $0x80, s20, s23, $0xb8;
	[tilespmem:$0x1EC80] =	vst v63  }
0x150: {  	_ =	swait.ge [sflag:s13], $0x2000  }
0x151: {  	[sflag:s13] =	ssyncset.done $0x0  }
0x152: {  	[sflag:s13] =	ssyncadd.s32 $0xFFFFE000  }
0x153: {  	[tilespmem:s25], [sflag:$0x2] =	stream.indirect.gather [hbm4b:s4+s23], $0x80, s23, s23, $0xb8;
	[tilespmem:$0x1EC80] =	vst v63  }
0x154: {  	_ =	swait.ge [sflag:s26], $0x2000  }
0x155: {  	[sflag:s26] =	ssyncset.done $0x0  }
0x156: {  	[sflag:s26] =	ssyncadd.s32 $0xFFFFE000  }
0x157: {  	[spmem:s1] =	stream.indirect.scatter.add.f32 [tilespmem:s24], [sflag:$0x5], $0x80, s22, s23, $0xb8;
	[tilespmem:$0x1EC80] =	vst v63  }
0x158: {  	_ =	swait.ge [sflag:s17], $0x2000  }
0x159: {  	[sflag:s17] =	ssyncset.done $0x0  }
0x15a: {  	s20 =	simm.s32 $0x80;
	[sflag:s17] =	ssyncadd.s32 $0xFFFFE000  }
0x15b: {  	[tilespmem:s29], [sflag:$0x3] =	stream.indirect.gather [hbm4b:s4+s23], $0x80, s20, s23, $0xb8;
	[tilespmem:$0x1EC80] =	vst v63  }
0x15c: {  	_ =	swait.ge [sflag:s30], $0x2000  }
0x15d: {  	[sflag:s30] =	ssyncset.done $0x0  }
0x15e: {  	s20 =	simm.s32 $0x1A40;
	[sflag:s30] =	ssyncadd.s32 $0xFFFFE000  }
0x15f: {  	[spmem:s1] =	stream.indirect.scatter.add.f32 [tilespmem:s25], [sflag:$0x6], $0x80, s20, s23, $0xb8;
	[tilespmem:$0x1EC80] =	vst v63  }
0x160: {  	_ =	swait.ge [sflag:s18], $0x2000  }
0x161: {  	[sflag:s18] =	ssyncset.done $0x0  }
0x162: {  	s20 =	simm.s32 $0xC0;
	[sflag:s18] =	ssyncadd.s32 $0xFFFFE000  }
0x163: {  	[tilespmem:s8], [sflag:$0x4] =	stream.indirect.gather [hbm4b:s4+s23], $0x80, s20, s23, $0xb8;
	[tilespmem:$0x1EC80] =	vst v63  }
0x164: {  	_ =	swait.ge [sflag:s10], $0x2000  }
0x165: {  	[sflag:s10] =	ssyncset.done $0x0  }
0x166: {  	s20 =	simm.s32 $0x1A80;
	[sflag:s10] =	ssyncadd.s32 $0xFFFFE000  }
0x167: {  	[spmem:s1] =	stream.indirect.scatter.add.f32 [tilespmem:s29], [sflag:$0x7], $0x80, s20, s23, $0xb8;
	[tilespmem:$0x1EC80] =	vst v63  }
0x168: {  	_ =	swait.ge [sflag:s3], $0x2000  }
0x169: {  	[sflag:s3] =	ssyncset.done $0x0  }
0x16a: {  	s20 =	simm.s32 $0x100;
	[sflag:s3] =	ssyncadd.s32 $0xFFFFE000  }
0x16b: {  	[tilespmem:s24], [sflag:$0x1] =	stream.indirect.gather [hbm4b:s4+s23], $0x80, s20, s23, $0xb8;
	[tilespmem:$0x1EC80] =	vst v63  }
0x16c: {  	_ =	swait.ge [sflag:s11], $0x2000  }
0x16d: {  	[sflag:s11] =	ssyncset.done $0x0  }
0x16e: {  	s20 =	simm.s32 $0x1AC0;
	[sflag:s11] =	ssyncadd.s32 $0xFFFFE000  }
0x16f: {  	[spmem:s1] =	stream.indirect.scatter.add.f32 [tilespmem:s8], [sflag:$0x8], $0x80, s20, s23, $0xb8;
	[tilespmem:$0x1EC80] =	vst v63  }
0x170: {  	_ =	swait.ge [sflag:s13], $0x2000  }
0x171: {  	[sflag:s13] =	ssyncset.done $0x0  }
0x172: {  	s20 =	simm.s32 $0x140;
	[sflag:s13] =	ssyncadd.s32 $0xFFFFE000  }
0x173: {  	[tilespmem:s25], [sflag:$0x2] =	stream.indirect.gather [hbm4b:s4+s23], $0x80, s20, s23, $0xb8;
	[tilespmem:$0x1EC80] =	vst v63  }
0x174: {  	_ =	swait.ge [sflag:s26], $0x2000  }
0x175: {  	[sflag:s26] =	ssyncset.done $0x0  }
0x176: {  	s20 =	simm.s32 $0x1B00;
	[sflag:s26] =	ssyncadd.s32 $0xFFFFE000  }
0x177: {  	[spmem:s1] =	stream.indirect.scatter.add.f32 [tilespmem:s24], [sflag:$0x5], $0x80, s20, s23, $0xb8;
	[tilespmem:$0x1EC80] =	vst v63  }
0x178: {  	_ =	swait.ge [sflag:s17], $0x2000  }
0x179: {  	[sflag:s17] =	ssyncset.done $0x0  }
0x17a: {  	s20 =	simm.s32 $0x180;
	[sflag:s17] =	ssyncadd.s32 $0xFFFFE000  }
0x17b: {  	[tilespmem:s29], [sflag:$0x3] =	stream.indirect.gather [hbm4b:s4+s23], $0x80, s20, s23, $0xb8;
	[tilespmem:$0x1EC80] =	vst v63  }
0x17c: {  	_ =	swait.ge [sflag:s30], $0x2000  }
0x17d: {  	[sflag:s30] =	ssyncset.done $0x0  }
0x17e: {  	s20 =	simm.s32 $0x1B40;
	[sflag:s30] =	ssyncadd.s32 $0xFFFFE000  }
0x17f: {  	[spmem:s1] =	stream.indirect.scatter.add.f32 [tilespmem:s25], [sflag:$0x6], $0x80, s20, s23, $0xb8;
	[tilespmem:$0x1EC80] =	vst v63  }
0x180: {  	_ =	swait.ge [sflag:s18], $0x2000  }
0x181: {  	[sflag:s18] =	ssyncset.done $0x0  }
0x182: {  	s20 =	simm.s32 $0x1C0;
	[sflag:s18] =	ssyncadd.s32 $0xFFFFE000  }
0x183: {  	[tilespmem:s8], [sflag:$0x4] =	stream.indirect.gather [hbm4b:s4+s23], $0x80, s20, s23, $0xb8;
	[tilespmem:$0x1EC80] =	vst v63  }
0x184: {  	_ =	swait.ge [sflag:s10], $0x2000  }
0x185: {  	[sflag:s10] =	ssyncset.done $0x0  }
0x186: {  	s20 =	simm.s32 $0x1B80;
	[sflag:s10] =	ssyncadd.s32 $0xFFFFE000  }
0x187: {  	[spmem:s1] =	stream.indirect.scatter.add.f32 [tilespmem:s29], [sflag:$0x7], $0x80, s20, s23, $0xb8;
	[tilespmem:$0x1EC80] =	vst v63  }
0x188: {  	_ =	swait.ge [sflag:s3], $0x2000  }
0x189: {  	[sflag:s3] =	ssyncset.done $0x0  }
0x18a: {  	s20 =	simm.s32 $0x200;
	[sflag:s3] =	ssyncadd.s32 $0xFFFFE000  }
0x18b: {  	[tilespmem:s24], [sflag:$0x1] =	stream.indirect.gather [hbm4b:s4+s23], $0x80, s20, s23, $0xb8;
	[tilespmem:$0x1EC80] =	vst v63  }
0x18c: {  	_ =	swait.ge [sflag:s11], $0x2000  }
0x18d: {  	[sflag:s11] =	ssyncset.done $0x0  }
0x18e: {  	s20 =	simm.s32 $0x1BC0;
	[sflag:s11] =	ssyncadd.s32 $0xFFFFE000  }
0x18f: {  	[spmem:s1] =	stream.indirect.scatter.add.f32 [tilespmem:s8], [sflag:$0x8], $0x80, s20, s23, $0xb8;
	[tilespmem:$0x1EC80] =	vst v63  }
0x190: {  	_ =	swait.ge [sflag:s13], $0x2000  }
0x191: {  	[sflag:s13] =	ssyncset.done $0x0  }
0x192: {  	s31 =	simm.s32 $0x240;
	s20 =	simm.s32 $0x400;
	[sflag:s13] =	ssyncadd.s32 $0xFFFFE000  }
.LBB2_10:
0x193: {  	[tilespmem:s25], [sflag:$0x2] =	stream.indirect.gather [hbm4b:s4+s23], $0x80, s31, s23, $0xb8;
	[tilespmem:$0x1EC80] =	vst v63  }
0x194: {  	s6 =	smov.u32 s20  }
0x195: {  	p3 =	sne.s32 s20, $0x2800;
	s20 =	sadd.s32 $0x400, s20;
	_ =	swait.ge [sflag:s26], $0x2000  }
0x196: {  	s31 =	sshra.s32 s6, $0x2;
	[sflag:s26] =	ssyncset.done $0x0  }
0x197: {  	s6 =	sadd.s32 $0x1B00, s31;
	[sflag:s26] =	ssyncadd.s32 $0xFFFFE000  }
0x198: {  	[spmem:s1] =	stream.indirect.scatter.add.f32 [tilespmem:s24], [sflag:$0x5], $0x80, s6, s23, $0xb8;
	[tilespmem:$0x1EC80] =	vst v63  }
0x199: {  	_ =	swait.ge [sflag:s17], $0x2000  }
0x19a: {  	[sflag:s17] =	ssyncset.done $0x0  }
0x19b: {  	s6 =	sadd.s32 $0x180, s31;
	[sflag:s17] =	ssyncadd.s32 $0xFFFFE000  }
0x19c: {  	[tilespmem:s29], [sflag:$0x3] =	stream.indirect.gather [hbm4b:s4+s23], $0x80, s6, s23, $0xb8;
	[tilespmem:$0x1EC80] =	vst v63  }
0x19d: {  	_ =	swait.ge [sflag:s30], $0x2000  }
0x19e: {  	[sflag:s30] =	ssyncset.done $0x0  }
0x19f: {  	s6 =	sadd.s32 $0x1B40, s31;
	[sflag:s30] =	ssyncadd.s32 $0xFFFFE000  }
0x1a0: {  	[spmem:s1] =	stream.indirect.scatter.add.f32 [tilespmem:s25], [sflag:$0x6], $0x80, s6, s23, $0xb8;
	[tilespmem:$0x1EC80] =	vst v63  }
0x1a1: {  	_ =	swait.ge [sflag:s18], $0x2000  }
0x1a2: {  	[sflag:s18] =	ssyncset.done $0x0  }
0x1a3: {  	s6 =	sadd.s32 $0x1C0, s31;
	[sflag:s18] =	ssyncadd.s32 $0xFFFFE000  }
0x1a4: {  	[tilespmem:s8], [sflag:$0x4] =	stream.indirect.gather [hbm4b:s4+s23], $0x80, s6, s23, $0xb8;
	[tilespmem:$0x1EC80] =	vst v63  }
0x1a5: {  	_ =	swait.ge [sflag:s10], $0x2000  }
0x1a6: {  	[sflag:s10] =	ssyncset.done $0x0  }
0x1a7: {  	s6 =	sadd.s32 $0x1B80, s31;
	[sflag:s10] =	ssyncadd.s32 $0xFFFFE000  }
0x1a8: {  	[spmem:s1] =	stream.indirect.scatter.add.f32 [tilespmem:s29], [sflag:$0x7], $0x80, s6, s23, $0xb8;
	[tilespmem:$0x1EC80] =	vst v63  }
0x1a9: {  	_ =	swait.ge [sflag:s3], $0x2000  }
0x1aa: {  	[sflag:s3] =	ssyncset.done $0x0  }
0x1ab: {  	s6 =	sadd.s32 $0x200, s31;
	[sflag:s3] =	ssyncadd.s32 $0xFFFFE000  }
0x1ac: {  	[tilespmem:s24], [sflag:$0x1] =	stream.indirect.gather [hbm4b:s4+s23], $0x80, s6, s23, $0xb8;
	[tilespmem:$0x1EC80] =	vst v63  }
0x1ad: {  	_ =	swait.ge [sflag:s11], $0x2000  }
0x1ae: {  	[sflag:s11] =	ssyncset.done $0x0  }
.Ltmp6:
0x1af: {  	s6 =	sadd.s32 $0x1BC0, s31;
	[sflag:s11] =	ssyncadd.s32 $0xFFFFE000;
	(pc) =	sbr.rel @p3 .LBB2_10-.Ltmp6, $4  }
0x1b0: {  	[spmem:s1] =	stream.indirect.scatter.add.f32 [tilespmem:s8], [sflag:$0x8], $0x80, s6, s23, $0xb8;
	[tilespmem:$0x1EC80] =	vst v63  }
0x1b1: {  	_ =	swait.ge [sflag:s13], $0x2000  }
0x1b2: {  	[sflag:s13] =	ssyncset.done $0x0  }
0x1b3: {  	s31 =	sadd.s32 $0x240, s31;
	[sflag:s13] =	ssyncadd.s32 $0xFFFFE000  }
0x1b4: {  	[tilespmem:s25], [sflag:$0x2] =	stream.indirect.gather [hbm4b:s4+s23], $0x80, s31, s23, $0xb8;
	[tilespmem:$0x1EC80] =	vst v63  }
0x1b5: {  	_ =	swait.ge [sflag:s26], $0x2000  }
0x1b6: {  	[sflag:s26] =	ssyncset.done $0x0  }
0x1b7: {  	s6 =	simm.s32 $0x2600;
	[sflag:s26] =	ssyncadd.s32 $0xFFFFE000  }
0x1b8: {  	[spmem:s1] =	stream.indirect.scatter.add.f32 [tilespmem:s24], [sflag:$0x5], $0x80, s6, s23, $0xb8;
	[tilespmem:$0x1EC80] =	vst v63  }
0x1b9: {  	_ =	swait.ge [sflag:s17], $0x2000  }
0x1ba: {  	[sflag:s17] =	ssyncset.done $0x0  }
0x1bb: {  	s20 =	simm.s32 $0xC80;
	[sflag:s17] =	ssyncadd.s32 $0xFFFFE000  }
0x1bc: {  	[tilespmem:s29], [sflag:$0x3] =	stream.indirect.gather [hbm4b:s4+s23], $0x80, s20, s23, $0xb8;
	[tilespmem:$0x1EC80] =	vst v63  }
0x1bd: {  	_ =	swait.ge [sflag:s30], $0x2000  }
0x1be: {  	[sflag:s30] =	ssyncset.done $0x0  }
0x1bf: {  	s31 =	simm.s32 $0x2640;
	[sflag:s30] =	ssyncadd.s32 $0xFFFFE000  }
0x1c0: {  	[spmem:s1] =	stream.indirect.scatter.add.f32 [tilespmem:s25], [sflag:$0x6], $0x80, s31, s23, $0xb8;
	[tilespmem:$0x1EC80] =	vst v63  }
0x1c1: {  	_ =	swait.ge [sflag:s18], $0x2000  }
0x1c2: {  	[sflag:s18] =	ssyncset.done $0x0  }
0x1c3: {  	[sflag:s18] =	ssyncadd.s32 $0xFFFFE000  }
0x1c4: {  	[tilespmem:s8], [sflag:$0x4] =	stream.indirect.gather [hbm4b:s4+s23], $0x80, s0, s23, $0xb8;
	[tilespmem:$0x1EC80] =	vst v63  }
0x1c5: {  	_ =	swait.ge [sflag:s10], $0x2000  }
0x1c6: {  	[sflag:s10] =	ssyncset.done $0x0  }
0x1c7: {  	[sflag:s10] =	ssyncadd.s32 $0xFFFFE000  }
0x1c8: {  	[spmem:s1] =	stream.indirect.scatter.add.f32 [tilespmem:s29], [sflag:$0x7], $0x80, s5, s23, $0xb8;
	[tilespmem:$0x1EC80] =	vst v63  }
0x1c9: {  	_ =	swait.ge [sflag:s3], $0x2000  }
0x1ca: {  	[sflag:s3] =	ssyncset.done $0x0  }
0x1cb: {  	[sflag:s3] =	ssyncadd.s32 $0xFFFFE000  }
0x1cc: {  	_ =	swait.ge [sflag:s11], $0x2000  }
0x1cd: {  	[sflag:s11] =	ssyncset.done $0x0  }
0x1ce: {  	[sflag:s11] =	ssyncadd.s32 $0xFFFFE000  }
0x1cf: {  	[spmem:s1] =	stream.indirect.scatter.add.f32 [tilespmem:s8], [sflag:$0x8], $0x80, s12, s23, $0xb8;
	[tilespmem:$0x1EC80] =	vst v63  }
0x1d0: {  	_ =	swait.ge [sflag:s13], $0x2000  }
0x1d1: {  	[sflag:s13] =	ssyncset.done $0x0  }
0x1d2: {  	[sflag:s13] =	ssyncadd.s32 $0xFFFFE000  }
0x1d3: {  	_ =	swait.ge [sflag:s17], $0x2000  }
0x1d4: {  	[sflag:s17] =	ssyncset.done $0x0  }
0x1d5: {  	[sflag:s17] =	ssyncadd.s32 $0xFFFFE000  }
0x1d6: {  	_ =	swait.ge [sflag:s18], $0x2000  }
0x1d7: {  	[sflag:s18] =	ssyncset.done $0x0  }
0x1d8: {  	s20 =	rddreg [dreg:$0x10];
	[sflag:s18] =	ssyncadd.s32 $0xFFFFE000  }
0x1d9: {  	[tilespmem:s2], [sflag:$0xA] =	stream.linear.gather [hbm4b:s20+s2], $0x10, $0x38;
	[tilespmem:$0x1EC80] =	vst v63  }
0x1da: {  	_ =	swait.ge [sflag:s21], $0x10  }
0x1db: {  	[sflag:s21] =	ssyncset.done $0x0  }
0x1dc: {  	s31 =	rddreg [dreg:$0x11];
	[sflag:s21] =	ssyncadd.s32 $0xFFFFFFF0  }
0x1dd: {  	[tilespmem:s22], [sflag:$0xA] =	stream.linear.gather [hbm4b:s31+s2], $0x10, $0x38;
	[tilespmem:$0x1EC80] =	vst v63  }
0x1de: {  	_ =	swait.ge [sflag:s21], $0x10  }
0x1df: {  	[sflag:s21] =	ssyncset.done $0x0  }
0x1e0: {  	[sflag:s21] =	ssyncadd.s32 $0xFFFFFFF0  }
0x1e1: {  	[tilespmem:s24], [sflag:$0x1] =	stream.indirect.gather [hbm4b:s4+s14], $0x80, s2, s14, $0xb8;
	[tilespmem:$0x1EC80] =	vst v63  }
0x1e2: {  	_ =	swait.ge [sflag:s26], $0x800  }
0x1e3: {  	[sflag:s26] =	ssyncset.done $0x0  }
0x1e4: {  	[sflag:s26] =	ssyncadd.s32 $0xFFFFF800  }
0x1e5: {  	[spmem:s1] =	stream.indirect.scatter.add.f32 [tilespmem:s24], [sflag:$0xA], $0x80, s22, s14, $0xb8;
	[tilespmem:$0x1EC80] =	vst v63  }
0x1e6: {  	_ =	swait.ge [sflag:s21], $0x800  }
0x1e7: {  	[sflag:s21] =	ssyncset.done $0x0  }
0x1e8: {  	[sflag:s21] =	ssyncadd.s32 $0xFFFFF800  }
0x1e9: {  	[bflag:$0x0] =	sbarrier.arrive $0xFFFF  }
0x1ea: {  	s20 =	rddreg [dreg:$0x6]  }
0x1eb: {  	s16 =	sor.u32 $0x1C0A, s16;
	s6 =	sadd.s32 s20, s19  }
0x1ec: {  	[hbm:s6], [sflag:s16] =	dma.local [spmem:s28], $0x2700  }
0x1ed: {  	_ =	swait.ge [sflag:s21], $0x2700  }
0x1ee: {  	[sflag:s21] =	ssyncset.done $0x0  }
0x1ef: {  	s20 =	sshrl.u32 @!p1 s9, $0x3;
	s6 =	sadd.s32 @!p1 $0x27000, s19;
	[sflag:s21] =	ssyncadd.s32 $0xFFFFD900  }
0x1f0: {  	[hbm:s6], [sflag:s16] =	dma.local @!p1 [spmem:s20], $0x100  }
0x1f1: {  	s6 =	simm.s32 @!p1 $0xA  }
0x1f2: {  	_ =	swait.ge @!p1 [sflag:s6], $0x100  }
0x1f3: {  	s15 =	sadd.s32 $0x1, s15;
	s31 =	rddreg [dreg:$0x12]  }
0x1f4: {  	p3 =	sne.s32 s15, s31  }
.Ltmp7:
0x1f5: {  	_ = 	snop;
	(pc) =	sbr.rel @p3 .LBB2_1-.Ltmp7, $3  }
0x1f6: {  	_ =	sdelay $0x1  }
0x1f7: {  	[sflag:s6] =	ssyncset.done @!p1 $0x0  }
0x1f8: {  	[sflag:s6] =	ssyncadd.s32 @!p1 $0xFFFFFF00  }
0x1f9: {  	_ =	sfence.sel $0x180000  }
0x1fa: {  	[bflag:$0x0] =	sbarrier.arrive $0xFFFF  }
0x1fb: {  	_ =	strace $0x9000004A  }
0x1fc: {  	s0 =	stileid.u32;
	[bflag:$0x2] =	sbarrier.arrive $0xFFFF  }
0x1fd: {  	p0 =	sne.s32 s0, $0x0;
	s0 =	rddreg [dreg:$0x4]  }
0x1fe: {  	s0 =	sadd.s32 @!p0 $0x100000, s0  }
0x1ff: {  	[sflag:s0] =	ssyncadd.tile.s32 @!p0 $0x1;
	_ =	shalt  }
.Lfunc_end2:
_tile_overlayer_lowered:
.L_overlay_start_2:
0x200: {  	(tag) =	ssettag $0x2  }
0x201: {  	s0 =	rddreg [dreg:$0x0];
	s2 =	stileid.u32  }
0x202: {  	s1 =	rddreg [dreg:$0x1];
	p0 =	sne.s32 s2, $0x0  }
0x203: {  	s3 =	rddreg [dreg:$0x2];
	[bflag:$0x3] =	sbarrier.arrive $0xFFFF;
	s2 =	simm.s32 @!p0 $0x1C0A  }
0x204: {  	[timem:s3], [sflag:s2] =	dma.local @!p0 [hbm:s0], s1  }
0x205: {  	s0 =	simm.s32 @!p0 $0xA  }
0x206: {  	_ =	swait.ge @!p0 [sflag:s0], s1  }
0x207: {  	s1 =	ssub.s32 @!p0 $0x0, s1;
	[sflag:s0] =	ssyncset.done @!p0 $0x0  }
0x208: {  	[sflag:s0] =	ssyncadd.s32 @!p0 s1  }
0x209: {  	[bflag:$0x3] =	sbarrier.arrive $0xFFFF  }
0x20a: {  	_ =	shalt  }

// kernel: kernel.14.cloned.1.call-start
scs
__scs_entry_jumppad:
0x0: {  	(pc) =	sbr.rel $0x88, $3  }
0x1: {  	(tag) =	ssettag $0x0;
	lr =	simm.s32 $0x1  }
0x2: {  	[smem:$0x3F99] =	sst lr;
	_ =	strace $0xD0000000  }
0x3: {  	_ = 	snop  }
0x4: {  	_ = 	snop  }
0x5: {  	_ = 	snop  }
0x6: {  	_ = 	snop  }
0x7: {  	_ = 	snop  }
__scs_overlays_trampoline_lowered:
0x8: {  	[smem:$0x3FA8] =	sst s0  }
0x9: {  	[smem:$0x3FA9] =	sst s1  }
0xa: {  	[smem:$0x3FAA] =	sst s2  }
0xb: {  	[smem:$0x3FAB] =	sst s3  }
0xc: {  	[smem:$0x3FAC] =	sst s4  }
0xd: {  	[smem:$0x3FAD] =	sst s5  }
0xe: {  	[smem:$0x3FAE] =	sst s6  }
0xf: {  	[smem:$0x3FAF] =	sst s7  }
0x10: {  	[smem:$0x3FB0] =	sst s8  }
0x11: {  	[smem:$0x3FB1] =	sst s9;
	s0 =	simm.s32 @!p0 $0x0  }
0x12: {  	s1 =	sld [smem:$0x3F97];
	s0 =	simm.s32 @p0 $0x1  }
0x13: {  	[smem:$0x3FB2] =	sst s0;
	s0 =	simm.s32 @!p1 $0x0  }
0x14: {  	s2 =	sld [smem:$0x3F96];
	s0 =	simm.s32 @p1 $0x1  }
0x15: {  	[smem:$0x3FB3] =	sst s0;
	s0 =	simm.s32 @!p2 $0x0  }
0x16: {  	s3 =	sld [smem:$0x3FDB];
	s0 =	simm.s32 @p2 $0x1  }
0x17: {  	s4 =	simm.s32 $0x1BF5;
	[smem:$0x3FB5] =	sst s0  }
0x18: {  	s0 =	sld [smem:$0x3F98];
	_ =	swait.ge [sflag:s4], $0x0  }
0x19: {  	s7 =	sld [smem:$0x3F99]  }
0x1a: {  	s8 =	sadd.s32 $0xFFFFE003, lr  }
0x1b: {  	s9 =	sadd.s32 $0xFFFFFEF7, lr;
	s5 =	simm.s32 $0xFFFFFFFF;
	p2 =	slt.u32 s8, $0xFFFFF086  }
0x1c: {  	p1 =	slt.u32 s9, $0xF7A;
	s5 =	simm.s32 @!p2 $0x0  }
0x1d: {  	s5 =	simm.s32 @p1 $0x1;
	p0 =	seq.s32 s7, s2  }
0x1e: {  	s7 =	smul.u32 @!p0 $0xF7A, s2;
	p2 =	seq.s32 @!p0 s5, $0x0  }
0x1f: {  	s9 =	smul.u32 $0xF7A, s1;
	s8 =	simm.s32 @!p0 $0x1BF5;
	p2 =	por !p2, p0  }
0x20: {  	[sflag:s8] =	ssyncset.s32 @!p0 $0xFFFFF086;
	s6 =	sadd.s32 @!p0 s3, s7;
	s7 =	simm.s32 @!p0 $0x108  }
0x21: {  	s3 =	sadd.s32 s3, s9;
	s6 =	sadd.s32 @!p0 $0x88, s6;
	s7 =	simm.s32 @p2 $0x1082  }
0x22: {  	[simem:s7], [sflag:s8] =	dma.local @!p0 [hbm:s6], $0xF7A  }
0x23: {  	s9 =	sor.u32 $0xD0000000, s2;
	s6 =	simm.s32 $0x108;
	_ =	swait.ge @!p0 [sflag:s8], $0x0  }
0x24: {  	s3 =	sadd.s32 $0x88, s3;
	s6 =	simm.s32 @!p1 $0x1082;
	[sflag:s4] =	ssyncset.s32 $0xFFFFF086  }
0x25: {  	[simem:s6], [sflag:s4] =	dma.local [hbm:s3], $0xF7A  }
0x26: {  	[smem:$0x3F99] =	sst s1;
	(tag) =	ssettag s2;
	_ =	strace s9  }
0x27: {  	s1 =	sld [smem:$0x3FA9]  }
0x28: {  	s2 =	sld [smem:$0x3FAA]  }
0x29: {  	s4 =	sld [smem:$0x3FAC]  }
0x2a: {  	p0 =	seq.s32 s5, $0x0;
	s5 =	sld [smem:$0x3FAD]  }
0x2b: {  	s6 =	sld [smem:$0x3FAE]  }
0x2c: {  	s7 =	sld [smem:$0x3FAF]  }
0x2d: {  	s3 =	simm.s32 $0x108;
	s8 =	sld [smem:$0x3FB0]  }
0x2e: {  	s3 =	simm.s32 @!p0 $0x1082;
	s9 =	sld [smem:$0x3FB1]  }
0x2f: {  	lr =	sadd.s32 s0, s3;
	s0 =	sld [smem:$0x3FA8]  }
0x30: {  	s3 =	sld [smem:$0x3FAB]  }
0x31: {  	[smem:$0x3FB4] =	sst s10  }
0x32: {  	s10 =	sld [smem:$0x3FB2];
	_ =	sdelay $0x3  }
0x33: {  	p0 =	seq.s32 s10, $0x1;
	s10 =	sld [smem:$0x3FB4];
	_ =	sdelay $0x3  }
0x34: {  	[smem:$0x3FB4] =	sst s10  }
0x35: {  	s10 =	sld [smem:$0x3FB3];
	_ =	sdelay $0x3  }
0x36: {  	p1 =	seq.s32 s10, $0x1;
	s10 =	sld [smem:$0x3FB4];
	_ =	sdelay $0x3  }
0x37: {  	[smem:$0x3FB4] =	sst s10  }
0x38: {  	s10 =	sld [smem:$0x3FB5]  }
0x39: {  	_ = 	snop;
	(pc) =	sbr.ind lr, $3  }
0x3a: {  	_ = 	snop  }
0x3b: {  	_ = 	snop  }
0x3c: {  	p2 =	seq.s32 s10, $0x1;
	s10 =	sld [smem:$0x3FB4]  }
0x3d: {  	_ =	shalt  }
0x3e: {  	_ =	shalt  }
0x3f: {  	_ =	shalt  }
0x40: {  	_ =	shalt  }
0x41: {  	_ =	shalt  }
0x42: {  	_ =	shalt  }
0x43: {  	_ =	shalt  }
0x44: {  	_ =	shalt  }
0x45: {  	_ =	shalt  }
0x46: {  	_ =	shalt  }
0x47: {  	_ =	shalt  }
0x48: {  	_ =	shalt  }
0x49: {  	_ =	shalt  }
0x4a: {  	_ =	shalt  }
0x4b: {  	_ =	shalt  }
0x4c: {  	_ =	shalt  }
0x4d: {  	_ =	shalt  }
0x4e: {  	_ =	shalt  }
0x4f: {  	_ =	shalt  }
0x50: {  	_ =	shalt  }
0x51: {  	_ =	shalt  }
0x52: {  	_ =	shalt  }
0x53: {  	_ =	shalt  }
0x54: {  	_ =	shalt  }
0x55: {  	_ =	shalt  }
0x56: {  	_ =	shalt  }
0x57: {  	_ =	shalt  }
0x58: {  	_ =	shalt  }
0x59: {  	_ =	shalt  }
0x5a: {  	_ =	shalt  }
0x5b: {  	_ =	shalt  }
0x5c: {  	_ =	shalt  }
0x5d: {  	_ =	shalt  }
0x5e: {  	_ =	shalt  }
0x5f: {  	_ =	shalt  }
0x60: {  	_ =	shalt  }
0x61: {  	_ =	shalt  }
0x62: {  	_ =	shalt  }
0x63: {  	_ =	shalt  }
0x64: {  	_ =	shalt  }
0x65: {  	_ =	shalt  }
0x66: {  	_ =	shalt  }
0x67: {  	_ =	shalt  }
0x68: {  	_ =	shalt  }
0x69: {  	_ =	shalt  }
0x6a: {  	_ =	shalt  }
0x6b: {  	_ =	shalt  }
0x6c: {  	_ =	shalt  }
0x6d: {  	_ =	shalt  }
0x6e: {  	_ =	shalt  }
0x6f: {  	_ =	shalt  }
0x70: {  	_ =	shalt  }
0x71: {  	_ =	shalt  }
0x72: {  	_ =	shalt  }
0x73: {  	_ =	shalt  }
0x74: {  	_ =	shalt  }
0x75: {  	_ =	shalt  }
0x76: {  	_ =	shalt  }
0x77: {  	_ =	shalt  }
0x78: {  	_ =	shalt  }
0x79: {  	_ =	shalt  }
0x7a: {  	_ =	shalt  }
0x7b: {  	_ =	shalt  }
0x7c: {  	_ =	shalt  }
0x7d: {  	_ =	shalt  }
0x7e: {  	_ =	shalt  }
0x7f: {  	_ =	shalt  }
0x80: {  	_ =	shalt  }
0x81: {  	_ =	shalt  }
0x82: {  	_ =	shalt  }
0x83: {  	_ =	shalt  }
0x84: {  	_ =	shalt  }
0x85: {  	_ =	shalt  }
0x86: {  	_ =	shalt  }
0x87: {  	_ =	shalt  }
.Lfunc_end0:
.L_simem_size_0:
called_computation.2_lowered:
.L_overlay_start_0:
0x88: {  	s2 =	sld [smem:$0x3FD9]  }
0x89: {  	s3 =	sld [smem:$0x3FFE];
	_ =	sdelay $0x1  }
0x8a: {  	s1 =	srdreg.scid  }
0x8b: {  	s0 =	sand.u32 $0x1, s1  }
0x8c: {  	s14 =	sshll.u32 s0, $0xA;
	s2 =	sadd.s32 s3, s2  }
0x8d: {  	s2 =	sadd.s32 s2, s14  }
0x8e: {  	[smem:$0x3FC0] =	sst s2  }
0x8f: {  	_ = 	snop  }
0x90: {  	s2 =	sld [smem:$0x3FD0];
	_ =	sdelay $0x2  }
0x91: {  	s15 =	simm.s32 $0xA;
	s4 =	simm.s32 $0x10  }
0x92: {  	[smem:s4], [sflag:s15] =	dma.local [hbm:s2], $0x1  }
0x93: {  	_ =	swait.eq [sflag:s15], $0x1  }
0x94: {  	[sflag:s15] =	ssyncset.done $0x0  }
0x95: {  	s16 =	sld [smem:$0x10];
	[sflag:s15] =	ssyncadd.s32 $0xFFFFFFFF  }
0x96: {  	s17 =	sld [smem:$0x11];
	(tm) =	ssettm $0x1  }
0x97: {  	s18 =	sld [smem:$0x3FFB];
	_ =	sdelay $0x3  }
0x98: {  	_ =	strace s18  }
0x99: {  	s4 =	sld [smem:$0x3FFC];
	_ =	sdelay $0x3  }
0x9a: {  	_ =	strace s4  }
0x9b: {  	s4 =	sld [smem:$0x3FFD];
	_ =	sdelay $0x3  }
0x9c: {  	_ =	strace s4  }
0x9d: {  	_ =	strace $0x8FFFFFFF  }
0x9e: {  	s19 =	sld [smem:$0x3FDB];
	_ =	sdelay $0x1  }
0x9f: {  	s5 =	simm.s32 $_scs_section_size  }
0xa0: {  	s6 =	simm.s32 $_size__tile_overlayer_lowered;
	s7 =	simm.s32 $_tile_overlayer_lowered  }
0xa1: {  	s22 =	simm.s32 $0x1BFF;
	s21 =	sshll.u32 s7, $0x1;
	s4 =	sadd.s32 s5, s19  }
0xa2: {  	s8 =	simm.s32 $0x0;
	s20 =	sshll.u32 s6, $0x1;
	s6 =	sadd.s32 s21, s4  }
0xa3: {  	[timem:s8], [sflag:s22] =	dma.local [hbm:s6], s20  }
0xa4: {  	_ =	swait.ge [sflag:s22], s20  }
0xa5: {  	s5 =	ssub.s32 $0x0, s20;
	[sflag:s22] =	ssyncset.done $0x0  }
0xa6: {  	[sflag:s22] =	ssyncadd.s32 s5;
	_ =	sdelay $0x1  }
0xa7: {  	s23 =	simm.s32 $0x1B8B  }
0xa8: {  	_ =	swait.ge [sflag:s23], $0x1  }
0xa9: {  	[sflag:s23] =	ssyncset.done $0x0  }
0xaa: {  	s25 =	simm.s32 $0x1B8E;
	s24 =	sld [smem:$0x3FFE];
	[sflag:s23] =	ssyncadd.s32 $0xFFFFFFFF  }
0xab: {  	s26 =	simm.s32 $execute0_lowered;
	[smem:$0x3FD2] =	sst s25  }
0xac: {  	s6 =	sshll.u32 s26, $0x1;
	_ =	strace $0x8000004C;
	[dreg:$0x1] =	wrdreg $0xFFFFFFFF  }
0xad: {  	s28 =	simm.s32 $_size_execute0_lowered;
	s4 =	sadd.s32 s4, s6;
	[dreg:$0x0] =	wrdreg $0x0  }
0xae: {  	s6 =	sshll.u32 s28, $0x1;
	[dreg:$0x2] =	wrdreg s4  }
0xaf: {  	[dreg:$0x3] =	wrdreg s6  }
0xb0: {  	[dreg:$0x4] =	wrdreg $0xC0  }
0xb1: {  	_ =	task [dreg:s8], $0x5FFFF  }
0xb2: {  	[dreg:$0x1] =	wrdreg $0xFFFFFFFF  }
0xb3: {  	[dreg:$0x0] =	wrdreg $0x60  }
0xb4: {  	[dreg:$0x2] =	wrdreg s24  }
0xb5: {  	[dreg:$0x3] =	wrdreg s17  }
0xb6: {  	[dreg:$0x4] =	wrdreg s16  }
0xb7: {  	[dreg:$0x5] =	wrdreg $0xB4000  }
0xb8: {  	[dreg:$0x6] =	wrdreg $0x9  }
0xb9: {  	_ =	task.clear_ibuf [dreg:s8], $0x7FFFF;
	_ =	strace $0x9000004C  }
0xba: {  	s29 =	simm.s32 $0x9;
	_ =	strace $0x8000004E  }
0xbb: {  	_ =	swait.ge [sflag:s29], $0x1  }
0xbc: {  	[sflag:s29] =	ssyncadd.s32 $0xFFFFFFFF  }
0xbd: {  	_ =	strace $0x9000004E  }
0xbe: {  	_ =	sfence  }
0xbf: {  	s30 =	sld [smem:$0x0];
	_ =	sdelay $0x2  }
0xc0: {  	s31 =	sshll.u32 s1, $0xD;
	s1 =	sshrl.u32 s1, $0x2  }
0xc1: {  	s3 =	sand.u32 $0x4000, s31;
	s1 =	sadd.s32 s1, s30  }
0xc2: {  	s0 =	sor.u32 s3, s0;
	s1 =	sshll.u32 s1, $0x11  }
0xc3: {  	s0 =	sor.u32 s1, s0  }
0xc4: {  	s0 =	sadd.s32 $0x8F2B, s0  }
0xc5: {  	[sflag:s0] =	ssyncadd.remote.s32 $0x1  }
0xc6: {  	_ =	sfence.sel $0xFFFF  }
0xc7: {  	[dreg:$0x0] =	wrdreg $0xFFFFFFFF;
	(pc) =	sbr.abs _section_cstart, $3  }
0xc8: {  	[dreg:$0x1] =	wrdreg $0xFFFFFFFF  }
0xc9: {  	_ =	task.clear_ibuf [dreg:s8], $0x2FFFF;
	_ =	strace $0x9FFFFFFF  }
0xca: {  	(tm) =	ssettm $0x7FFFFFFF  }
0xcb: {  	_ =	shalt  }
tec
execute0_lowered:
.L_overlay_start_1:
0x0: {  	(tag) =	ssettag $0x1  }
0x1: {  	s0 =	rddreg [dreg:$0x0]  }
0x2: {  	s3 =	rddreg [dreg:$0x1]  }
0x3: {  	s5 =	rddreg [dreg:$0x2]  }
0x4: {  	s1 =	rddreg [dreg:$0x3]  }
0x5: {  	s2 =	simm.s32 $0x0;
	s4 =	srdreg.scid;
	s13 =	stileid.u32  }
0x6: {  	s29 =	simm.s32 $0x7400;
	s30 =	simm.s32 $0x2;
	[smem:$0x7FF] =	sst s2  }
0x7: {  	s7 =	sand.u32 $0x1, s4;
	s4 =	sadd.s32 $0x2200, s0;
	s8 =	smul.u32 $0x4E000, s13  }
0x8: {  	s14 =	sadd.s32 $0x29400, s0;
	s15 =	smul.u32 $0x2700, s13;
	p1 =	sne.s32 s13, $0xF  }
0x9: {  	p2 =	seq.s32 s13, $0xF;
	_ =	strace $0x8000004D;
	s6 =	smul.u32 $0x27100, s7  }
0xa: {  	s9 =	sshll.u32 s7, $0x4;
	s10 =	ssub.s32 $0x2, s7;
	p0 =	seq.s32 s7, $0x1  }
0xb: {  	[dreg:$0x5] =	wrdreg s14;
	s9 =	sor.u32 s13, s9;
	s11 =	sshrl.u32 s10, $0x1  }
0xc: {  	s8 =	sshrl.u32 s8, $0x2;
	s17 =	sadd.s32 s4, s15;
	[dreg:$0x6] =	wrdreg s15  }
0xd: {  	s13 =	simm.s32 $0x6;
	s0 =	sadd.s32 s6, s0;
	s12 =	smul.u32 $0x2710, s9  }
0xe: {  	s10 =	ssub.s32 s10, s11;
	s16 =	sadd.s32 s8, s1;
	[dreg:$0x8] =	wrdreg s17  }
0xf: {  	s9 =	sadd.s32 $0x138000, s1;
	s6 =	sadd.s32 s14, s15;
	s8 =	simm.s32 $0x9400  }
0x10: {  	s11 =	simm.s32 $0x4;
	s17 =	simm.s32 $0x7;
	[dreg:$0x7] =	wrdreg s16  }
0x11: {  	s14 =	simm.s32 $0x10;
	s15 =	simm.s32 $0x0;
	[dreg:$0x9] =	wrdreg s6  }
0x12: {  	s31 =	smax.u32 s10, $0x1;
	s10 =	simm.s32 $0x3;
	s18 =	sshrl.u32 s12, $0x3  }
0x13: {  	[dreg:$0x12] =	wrdreg s31;
	s12 =	simm.s32 $0x26C0;
	s19 =	sadd.s32 s3, s18  }
0x14: {  	s20 =	sadd.s32 $0x1A0, s18;
	s21 =	sadd.s32 s5, s18;
	s23 =	sadd.s32 $0x340, s18  }
0x15: {  	s7 =	sadd.s32 $0x4E0, s18;
	s18 =	simm.s32 $0x8;
	[dreg:$0xa] =	wrdreg s19  }
0x16: {  	[dreg:$0xb] =	wrdreg s21;
	s22 =	sadd.s32 s3, s20;
	s24 =	sadd.s32 s5, s20  }
0x17: {  	s25 =	sadd.s32 s3, s23;
	s26 =	sadd.s32 s5, s23;
	[dreg:$0xc] =	wrdreg s22  }
0x18: {  	s3 =	sadd.s32 s3, s7;
	s28 =	sadd.s32 s5, s7;
	[dreg:$0xd] =	wrdreg s24  }
0x19: {  	s19 =	sadd.s32 $0x50600, s0;
	s21 =	simm.s32 $0xA;
	[dreg:$0xe] =	wrdreg s25  }
0x1a: {  	s23 =	simm.s32 $0x40;
	s0 =	simm.s32 $0xCC0;
	[dreg:$0xf] =	wrdreg s26  }
0x1b: {  	s5 =	simm.s32 $0x2680;
	s7 =	simm.s32 $0x9;
	[dreg:$0x10] =	wrdreg s3  }
0x1c: {  	[dreg:$0x11] =	wrdreg s28;
	s22 =	simm.s32 $0x1A00;
	s24 =	simm.s32 $0x3400  }
0x1d: {  	s25 =	simm.s32 $0x5400;
	s26 =	simm.s32 $0x1;
	s3 =	simm.s32 $0x5  }
.LBB2_1:
.Ltmp0:
0x1e: {  	(pc) =	sbr.rel @!p0 .LBB2_2-.Ltmp0, $4  }
0x1f: {  	_ = 	snop  }
0x20: {  	s6 =	stileid.u32  }
0x21: {  	s31 =	rddreg [dreg:$0x7];
	s16 =	sshll.u32 s6, $0x6  }
0x22: {  	s28 =	sshrl.u32 s31, $0x3;
	s20 =	sor.u32 $0x1C0A, s16  }
0x23: {  	s20 =	sor.u32 $0x1C0A, s16;
	s6 =	rddreg [dreg:$0x9]  }
0x24: {  	[spmem:s28], [sflag:s20] =	dma.local [hbm:s6], $0x2700  }
.Ltmp1:
0x25: {  	_ = 	snop;
	(pc) =	sbr.rel @p1 .LBB2_5-.Ltmp1, $4  }
.Ltmp2:
0x26: {  	_ = 	snop;
	(pc) =	sbr.rel @!p1 .LBB2_4-.Ltmp2, $4  }
0x27: {  	_ =	swait.ge [sflag:s21], $0x2700  }
0x28: {  	[sflag:s21] =	ssyncset.done $0x0  }
0x29: {  	s31 =	rddreg [dreg:$0x5];
	[sflag:s21] =	ssyncadd.s32 $0xFFFFD900  }
0x2a: {  	_ = 	snop  }
.LBB2_2:
.Ltmp3:
0x2b: {  	s6 =	rddreg [dreg:$0x8];
	(pc) =	sbr.rel @!p2 .LBB2_5-.Ltmp3, $4  }
0x2c: {  	[spmem:s28], [sflag:s20] =	dma.local [hbm:s6], $0x2700  }
0x2d: {  	_ =	swait.ge [sflag:s21], $0x2700  }
0x2e: {  	[sflag:s21] =	ssyncset.done $0x0  }
0x2f: {  	s31 =	smov.u32 s4;
	[sflag:s21] =	ssyncadd.s32 $0xFFFFD900  }
.LBB2_4:
0x30: {  	s31 =	sadd.s32 $0x27000, s31;
	s6 =	sshrl.u32 s9, $0x3  }
0x31: {  	[spmem:s6], [sflag:s20] =	dma.local [hbm:s31], $0x100  }
0x32: {  	_ =	swait.ge [sflag:s21], $0x100  }
0x33: {  	[sflag:s21] =	ssyncset.done $0x0  }
0x34: {  	[sflag:s21] =	ssyncadd.s32 $0xFFFFFF00  }
.LBB2_5:
0x35: {  	[bflag:$0x0] =	sbarrier.arrive $0xFFFF  }
0x36: {  	s6 =	simm.s32 $0x0;
	s20 =	rddreg [dreg:$0xa]  }
0x37: {  	[tilespmem:s6], [sflag:$0xA] =	stream.linear.gather [hbm4b:s20+s6], $0xD00, $0x38;
	[tilespmem:$0x1EC80] =	vst v63  }
0x38: {  	_ =	swait.ge [sflag:s21], $0xD00  }
0x39: {  	[sflag:s21] =	ssyncset.done $0x0  }
0x3a: {  	s20 =	rddreg [dreg:$0xb];
	[sflag:s21] =	ssyncadd.s32 $0xFFFFF300  }
0x3b: {  	[tilespmem:s22], [sflag:$0xA] =	stream.linear.gather [hbm4b:s20+s6], $0xD00, $0x38;
	[tilespmem:$0x1EC80] =	vst v63  }
0x3c: {  	_ =	swait.ge [sflag:s21], $0xD00  }
0x3d: {  	[sflag:s21] =	ssyncset.done $0x0  }
0x3e: {  	[sflag:s21] =	ssyncadd.s32 $0xFFFFF300  }
0x3f: {  	[tilespmem:s24], [sflag:$0x1] =	stream.indirect.gather [hbm4b:s4+s23], $0x80, s6, s23, $0xb8;
	[tilespmem:$0x1EC80] =	vst v63  }
0x40: {  	_ = 	snop  }
0x41: {  	[tilespmem:s25], [sflag:$0x2] =	stream.indirect.gather [hbm4b:s4+s23], $0x80, s23, s23, $0xb8;
	[tilespmem:$0x1EC80] =	vst v63  }
0x42: {  	_ =	swait.ge [sflag:s26], $0x2000  }
0x43: {  	[sflag:s26] =	ssyncset.done $0x0  }
0x44: {  	[sflag:s26] =	ssyncadd.s32 $0xFFFFE000  }
0x45: {  	[spmem:s1] =	stream.indirect.scatter.add.f32 [tilespmem:s24], [sflag:$0x5], $0x80, s22, s23, $0xb8;
	[tilespmem:$0x1EC80] =	vst v63  }
0x46: {  	s20 =	simm.s32 $0x80  }
0x47: {  	[tilespmem:s29], [sflag:$0x3] =	stream.indirect.gather [hbm4b:s4+s23], $0x80, s20, s23, $0xb8;
	[tilespmem:$0x1EC80] =	vst v63  }
0x48: {  	_ =	swait.ge [sflag:s30], $0x2000  }
0x49: {  	[sflag:s30] =	ssyncset.done $0x0  }
0x4a: {  	s20 =	simm.s32 $0x1A40;
	[sflag:s30] =	ssyncadd.s32 $0xFFFFE000  }
0x4b: {  	[spmem:s1] =	stream.indirect.scatter.add.f32 [tilespmem:s25], [sflag:$0x6], $0x80, s20, s23, $0xb8;
	[tilespmem:$0x1EC80] =	vst v63  }
0x4c: {  	s20 =	simm.s32 $0xC0  }
0x4d: {  	[tilespmem:s8], [sflag:$0x4] =	stream.indirect.gather [hbm4b:s4+s23], $0x80, s20, s23, $0xb8;
	[tilespmem:$0x1EC80] =	vst v63  }
0x4e: {  	_ =	swait.ge [sflag:s10], $0x2000  }
0x4f: {  	[sflag:s10] =	ssyncset.done $0x0  }
0x50: {  	s20 =	simm.s32 $0x1A80;
	[sflag:s10] =	ssyncadd.s32 $0xFFFFE000  }
0x51: {  	[spmem:s1] =	stream.indirect.scatter.add.f32 [tilespmem:s29], [sflag:$0x7], $0x80, s20, s23, $0xb8;
	[tilespmem:$0x1EC80] =	vst v63  }
0x52: {  	_ =	swait.ge [sflag:s3], $0x2000  }
0x53: {  	[sflag:s3] =	ssyncset.done $0x0  }
0x54: {  	s20 =	simm.s32 $0x100;
	[sflag:s3] =	ssyncadd.s32 $0xFFFFE000  }
0x55: {  	[tilespmem:s24], [sflag:$0x1] =	stream.indirect.gather [hbm4b:s4+s23], $0x80, s20, s23, $0xb8;
	[tilespmem:$0x1EC80] =	vst v63  }
0x56: {  	_ =	swait.ge [sflag:s11], $0x2000  }
0x57: {  	[sflag:s11] =	ssyncset.done $0x0  }
0x58: {  	s20 =	simm.s32 $0x1AC0;
	[sflag:s11] =	ssyncadd.s32 $0xFFFFE000  }
0x59: {  	[spmem:s1] =	stream.indirect.scatter.add.f32 [tilespmem:s8], [sflag:$0x8], $0x80, s20, s23, $0xb8;
	[tilespmem:$0x1EC80] =	vst v63  }
0x5a: {  	_ =	swait.ge [sflag:s13], $0x2000  }
0x5b: {  	[sflag:s13] =	ssyncset.done $0x0  }
0x5c: {  	s20 =	simm.s32 $0x140;
	[sflag:s13] =	ssyncadd.s32 $0xFFFFE000  }
0x5d: {  	[tilespmem:s25], [sflag:$0x2] =	stream.indirect.gather [hbm4b:s4+s23], $0x80, s20, s23, $0xb8;
	[tilespmem:$0x1EC80] =	vst v63  }
0x5e: {  	s31 =	simm.s32 $0xD00;
	s20 =	rddreg [dreg:$0xc]  }
0x5f: {  	[tilespmem:s31], [sflag:$0x9] =	stream.linear.gather [hbm4b:s20+s6], $0xD00, $0x38;
	[tilespmem:$0x1EC80] =	vst v63  }
0x60: {  	s20 =	rddreg [dreg:$0xd];
	s31 =	simm.s32 $0x2700  }
0x61: {  	[tilespmem:s31], [sflag:$0x9] =	stream.linear.gather [hbm4b:s20+s6], $0xD00, $0x38;
	[tilespmem:$0x1EC80] =	vst v63  }
0x62: {  	_ =	swait.ge [sflag:s26], $0x2000  }
0x63: {  	[sflag:s26] =	ssyncset.done $0x0  }
0x64: {  	s20 =	simm.s32 $0x1B00;
	[sflag:s26] =	ssyncadd.s32 $0xFFFFE000  }
0x65: {  	[spmem:s1] =	stream.indirect.scatter.add.f32 [tilespmem:s24], [sflag:$0x5], $0x80, s20, s23, $0xb8;
	[tilespmem:$0x1EC80] =	vst v63  }
0x66: {  	_ =	swait.ge [sflag:s17], $0x2000  }
0x67: {  	[sflag:s17] =	ssyncset.done $0x0  }
0x68: {  	s20 =	simm.s32 $0x180;
	[sflag:s17] =	ssyncadd.s32 $0xFFFFE000  }
0x69: {  	[tilespmem:s29], [sflag:$0x3] =	stream.indirect.gather [hbm4b:s4+s23], $0x80, s20, s23, $0xb8;
	[tilespmem:$0x1EC80] =	vst v63  }
0x6a: {  	_ =	swait.ge [sflag:s30], $0x2000  }
0x6b: {  	[sflag:s30] =	ssyncset.done $0x0  }
0x6c: {  	s20 =	simm.s32 $0x1B40;
	[sflag:s30] =	ssyncadd.s32 $0xFFFFE000  }
0x6d: {  	[spmem:s1] =	stream.indirect.scatter.add.f32 [tilespmem:s25], [sflag:$0x6], $0x80, s20, s23, $0xb8;
	[tilespmem:$0x1EC80] =	vst v63  }
0x6e: {  	_ =	swait.ge [sflag:s18], $0x2000  }
0x6f: {  	[sflag:s18] =	ssyncset.done $0x0  }
0x70: {  	s20 =	simm.s32 $0x1C0;
	[sflag:s18] =	ssyncadd.s32 $0xFFFFE000  }
0x71: {  	[tilespmem:s8], [sflag:$0x4] =	stream.indirect.gather [hbm4b:s4+s23], $0x80, s20, s23, $0xb8;
	[tilespmem:$0x1EC80] =	vst v63  }
0x72: {  	_ =	swait.ge [sflag:s10], $0x2000  }
0x73: {  	[sflag:s10] =	ssyncset.done $0x0  }
0x74: {  	s20 =	simm.s32 $0x1B80;
	[sflag:s10] =	ssyncadd.s32 $0xFFFFE000  }
0x75: {  	[spmem:s1] =	stream.indirect.scatter.add.f32 [tilespmem:s29], [sflag:$0x7], $0x80, s20, s23, $0xb8;
	[tilespmem:$0x1EC80] =	vst v63  }
0x76: {  	_ =	swait.ge [sflag:s3], $0x2000  }
0x77: {  	[sflag:s3] =	ssyncset.done $0x0  }
0x78: {  	s20 =	simm.s32 $0x200;
	[sflag:s3] =	ssyncadd.s32 $0xFFFFE000  }
0x79: {  	[tilespmem:s24], [sflag:$0x1] =	stream.indirect.gather [hbm4b:s4+s23], $0x80, s20, s23, $0xb8;
	[tilespmem:$0x1EC80] =	vst v63  }
0x7a: {  	_ =	swait.ge [sflag:s11], $0x2000  }
0x7b: {  	[sflag:s11] =	ssyncset.done $0x0  }
0x7c: {  	s20 =	simm.s32 $0x1BC0;
	[sflag:s11] =	ssyncadd.s32 $0xFFFFE000  }
0x7d: {  	[spmem:s1] =	stream.indirect.scatter.add.f32 [tilespmem:s8], [sflag:$0x8], $0x80, s20, s23, $0xb8;
	[tilespmem:$0x1EC80] =	vst v63  }
0x7e: {  	_ =	swait.ge [sflag:s13], $0x2000  }
0x7f: {  	[sflag:s13] =	ssyncset.done $0x0  }
0x80: {  	s31 =	simm.s32 $0x240;
	s20 =	simm.s32 $0x400;
	[sflag:s13] =	ssyncadd.s32 $0xFFFFE000  }
.LBB2_6:
0x81: {  	[tilespmem:s25], [sflag:$0x2] =	stream.indirect.gather [hbm4b:s4+s23], $0x80, s31, s23, $0xb8;
	[tilespmem:$0x1EC80] =	vst v63  }
0x82: {  	s6 =	smov.u32 s20  }
0x83: {  	p3 =	sne.s32 s20, $0x2800;
	s20 =	sadd.s32 $0x400, s20;
	_ =	swait.ge [sflag:s26], $0x2000  }
0x84: {  	s31 =	sshra.s32 s6, $0x2;
	[sflag:s26] =	ssyncset.done $0x0  }
0x85: {  	s6 =	sadd.s32 $0x1B00, s31;
	[sflag:s26] =	ssyncadd.s32 $0xFFFFE000  }
0x86: {  	[spmem:s1] =	stream.indirect.scatter.add.f32 [tilespmem:s24], [sflag:$0x5], $0x80, s6, s23, $0xb8;
	[tilespmem:$0x1EC80] =	vst v63  }
0x87: {  	_ =	swait.ge [sflag:s17], $0x2000  }
0x88: {  	[sflag:s17] =	ssyncset.done $0x0  }
0x89: {  	s6 =	sadd.s32 $0x180, s31;
	[sflag:s17] =	ssyncadd.s32 $0xFFFFE000  }
0x8a: {  	[tilespmem:s29], [sflag:$0x3] =	stream.indirect.gather [hbm4b:s4+s23], $0x80, s6, s23, $0xb8;
	[tilespmem:$0x1EC80] =	vst v63  }
0x8b: {  	_ =	swait.ge [sflag:s30], $0x2000  }
0x8c: {  	[sflag:s30] =	ssyncset.done $0x0  }
0x8d: {  	s6 =	sadd.s32 $0x1B40, s31;
	[sflag:s30] =	ssyncadd.s32 $0xFFFFE000  }
0x8e: {  	[spmem:s1] =	stream.indirect.scatter.add.f32 [tilespmem:s25], [sflag:$0x6], $0x80, s6, s23, $0xb8;
	[tilespmem:$0x1EC80] =	vst v63  }
0x8f: {  	_ =	swait.ge [sflag:s18], $0x2000  }
0x90: {  	[sflag:s18] =	ssyncset.done $0x0  }
0x91: {  	s6 =	sadd.s32 $0x1C0, s31;
	[sflag:s18] =	ssyncadd.s32 $0xFFFFE000  }
0x92: {  	[tilespmem:s8], [sflag:$0x4] =	stream.indirect.gather [hbm4b:s4+s23], $0x80, s6, s23, $0xb8;
	[tilespmem:$0x1EC80] =	vst v63  }
0x93: {  	_ =	swait.ge [sflag:s10], $0x2000  }
0x94: {  	[sflag:s10] =	ssyncset.done $0x0  }
0x95: {  	s6 =	sadd.s32 $0x1B80, s31;
	[sflag:s10] =	ssyncadd.s32 $0xFFFFE000  }
0x96: {  	[spmem:s1] =	stream.indirect.scatter.add.f32 [tilespmem:s29], [sflag:$0x7], $0x80, s6, s23, $0xb8;
	[tilespmem:$0x1EC80] =	vst v63  }
0x97: {  	_ =	swait.ge [sflag:s3], $0x2000  }
0x98: {  	[sflag:s3] =	ssyncset.done $0x0  }
0x99: {  	s6 =	sadd.s32 $0x200, s31;
	[sflag:s3] =	ssyncadd.s32 $0xFFFFE000  }
0x9a: {  	[tilespmem:s24], [sflag:$0x1] =	stream.indirect.gather [hbm4b:s4+s23], $0x80, s6, s23, $0xb8;
	[tilespmem:$0x1EC80] =	vst v63  }
0x9b: {  	_ =	swait.ge [sflag:s11], $0x2000  }
0x9c: {  	[sflag:s11] =	ssyncset.done $0x0  }
.Ltmp4:
0x9d: {  	s6 =	sadd.s32 $0x1BC0, s31;
	[sflag:s11] =	ssyncadd.s32 $0xFFFFE000;
	(pc) =	sbr.rel @p3 .LBB2_6-.Ltmp4, $4  }
0x9e: {  	[spmem:s1] =	stream.indirect.scatter.add.f32 [tilespmem:s8], [sflag:$0x8], $0x80, s6, s23, $0xb8;
	[tilespmem:$0x1EC80] =	vst v63  }
0x9f: {  	_ =	swait.ge [sflag:s13], $0x2000  }
0xa0: {  	[sflag:s13] =	ssyncset.done $0x0  }
0xa1: {  	s31 =	sadd.s32 $0x240, s31;
	[sflag:s13] =	ssyncadd.s32 $0xFFFFE000  }
0xa2: {  	[tilespmem:s25], [sflag:$0x2] =	stream.indirect.gather [hbm4b:s4+s23], $0x80, s31, s23, $0xb8;
	[tilespmem:$0x1EC80] =	vst v63  }
0xa3: {  	_ =	swait.ge [sflag:s26], $0x2000  }
0xa4: {  	[sflag:s26] =	ssyncset.done $0x0  }
0xa5: {  	s6 =	simm.s32 $0x2600;
	[sflag:s26] =	ssyncadd.s32 $0xFFFFE000  }
0xa6: {  	[spmem:s1] =	stream.indirect.scatter.add.f32 [tilespmem:s24], [sflag:$0x5], $0x80, s6, s23, $0xb8;
	[tilespmem:$0x1EC80] =	vst v63  }
0xa7: {  	_ =	swait.ge [sflag:s17], $0x2000  }
0xa8: {  	[sflag:s17] =	ssyncset.done $0x0  }
0xa9: {  	s20 =	simm.s32 $0xC80;
	[sflag:s17] =	ssyncadd.s32 $0xFFFFE000  }
0xaa: {  	[tilespmem:s29], [sflag:$0x3] =	stream.indirect.gather [hbm4b:s4+s23], $0x80, s20, s23, $0xb8;
	[tilespmem:$0x1EC80] =	vst v63  }
0xab: {  	_ =	swait.ge [sflag:s30], $0x2000  }
0xac: {  	[sflag:s30] =	ssyncset.done $0x0  }
0xad: {  	s20 =	simm.s32 $0x2640;
	[sflag:s30] =	ssyncadd.s32 $0xFFFFE000  }
0xae: {  	[spmem:s1] =	stream.indirect.scatter.add.f32 [tilespmem:s25], [sflag:$0x6], $0x80, s20, s23, $0xb8;
	[tilespmem:$0x1EC80] =	vst v63  }
0xaf: {  	_ =	swait.ge [sflag:s18], $0x2000  }
0xb0: {  	[sflag:s18] =	ssyncset.done $0x0  }
0xb1: {  	[sflag:s18] =	ssyncadd.s32 $0xFFFFE000  }
0xb2: {  	[tilespmem:s8], [sflag:$0x4] =	stream.indirect.gather [hbm4b:s4+s23], $0x80, s0, s23, $0xb8;
	[tilespmem:$0x1EC80] =	vst v63  }
0xb3: {  	_ =	swait.ge [sflag:s10], $0x2000  }
0xb4: {  	[sflag:s10] =	ssyncset.done $0x0  }
0xb5: {  	[sflag:s10] =	ssyncadd.s32 $0xFFFFE000  }
0xb6: {  	[spmem:s1] =	stream.indirect.scatter.add.f32 [tilespmem:s29], [sflag:$0x7], $0x80, s5, s23, $0xb8;
	[tilespmem:$0x1EC80] =	vst v63  }
0xb7: {  	_ =	swait.ge [sflag:s3], $0x2000  }
0xb8: {  	[sflag:s3] =	ssyncset.done $0x0  }
0xb9: {  	[sflag:s3] =	ssyncadd.s32 $0xFFFFE000  }
0xba: {  	_ =	swait.ge [sflag:s7], $0xD00  }
0xbb: {  	[sflag:s7] =	ssyncset.done $0x0  }
0xbc: {  	[sflag:s7] =	ssyncadd.s32 $0xFFFFF300  }
0xbd: {  	_ =	swait.ge [sflag:s7], $0xD00  }
0xbe: {  	[sflag:s7] =	ssyncset.done $0x0  }
0xbf: {  	s20 =	simm.s32 $0xD00;
	[sflag:s7] =	ssyncadd.s32 $0xFFFFF300  }
0xc0: {  	[tilespmem:s24], [sflag:$0x1] =	stream.indirect.gather [hbm4b:s4+s23], $0x80, s20, s23, $0xb8;
	[tilespmem:$0x1EC80] =	vst v63  }
0xc1: {  	_ =	swait.ge [sflag:s11], $0x2000  }
0xc2: {  	[sflag:s11] =	ssyncset.done $0x0  }
0xc3: {  	[sflag:s11] =	ssyncadd.s32 $0xFFFFE000  }
0xc4: {  	[spmem:s1] =	stream.indirect.scatter.add.f32 [tilespmem:s8], [sflag:$0x8], $0x80, s12, s23, $0xb8;
	[tilespmem:$0x1EC80] =	vst v63  }
0xc5: {  	_ =	swait.ge [sflag:s13], $0x2000  }
0xc6: {  	[sflag:s13] =	ssyncset.done $0x0  }
0xc7: {  	s20 =	simm.s32 $0xD40;
	[sflag:s13] =	ssyncadd.s32 $0xFFFFE000  }
0xc8: {  	[tilespmem:s25], [sflag:$0x2] =	stream.indirect.gather [hbm4b:s4+s23], $0x80, s20, s23, $0xb8;
	[tilespmem:$0x1EC80] =	vst v63  }
0xc9: {  	_ =	swait.ge [sflag:s26], $0x2000  }
0xca: {  	[sflag:s26] =	ssyncset.done $0x0  }
0xcb: {  	s20 =	simm.s32 $0x2700;
	[sflag:s26] =	ssyncadd.s32 $0xFFFFE000  }
0xcc: {  	[spmem:s1] =	stream.indirect.scatter.add.f32 [tilespmem:s24], [sflag:$0x5], $0x80, s20, s23, $0xb8;
	[tilespmem:$0x1EC80] =	vst v63  }
0xcd: {  	_ =	swait.ge [sflag:s17], $0x2000  }
0xce: {  	[sflag:s17] =	ssyncset.done $0x0  }
0xcf: {  	s20 =	simm.s32 $0xD80;
	[sflag:s17] =	ssyncadd.s32 $0xFFFFE000  }
0xd0: {  	[tilespmem:s29], [sflag:$0x3] =	stream.indirect.gather [hbm4b:s4+s23], $0x80, s20, s23, $0xb8;
	[tilespmem:$0x1EC80] =	vst v63  }
0xd1: {  	_ =	swait.ge [sflag:s30], $0x2000  }
0xd2: {  	[sflag:s30] =	ssyncset.done $0x0  }
0xd3: {  	s20 =	simm.s32 $0x2740;
	[sflag:s30] =	ssyncadd.s32 $0xFFFFE000  }
0xd4: {  	[spmem:s1] =	stream.indirect.scatter.add.f32 [tilespmem:s25], [sflag:$0x6], $0x80, s20, s23, $0xb8;
	[tilespmem:$0x1EC80] =	vst v63  }
0xd5: {  	_ =	swait.ge [sflag:s18], $0x2000  }
0xd6: {  	[sflag:s18] =	ssyncset.done $0x0  }
0xd7: {  	s20 =	simm.s32 $0xDC0;
	[sflag:s18] =	ssyncadd.s32 $0xFFFFE000  }
0xd8: {  	[tilespmem:s8], [sflag:$0x4] =	stream.indirect.gather [hbm4b:s4+s23], $0x80, s20, s23, $0xb8;
	[tilespmem:$0x1EC80] =	vst v63  }
0xd9: {  	_ =	swait.ge [sflag:s10], $0x2000  }
0xda: {  	[sflag:s10] =	ssyncset.done $0x0  }
0xdb: {  	s20 =	simm.s32 $0x2780;
	[sflag:s10] =	ssyncadd.s32 $0xFFFFE000  }
0xdc: {  	[spmem:s1] =	stream.indirect.scatter.add.f32 [tilespmem:s29], [sflag:$0x7], $0x80, s20, s23, $0xb8;
	[tilespmem:$0x1EC80] =	vst v63  }
0xdd: {  	_ =	swait.ge [sflag:s3], $0x2000  }
0xde: {  	[sflag:s3] =	ssyncset.done $0x0  }
0xdf: {  	s20 =	simm.s32 $0xE00;
	[sflag:s3] =	ssyncadd.s32 $0xFFFFE000  }
0xe0: {  	[tilespmem:s24], [sflag:$0x1] =	stream.indirect.gather [hbm4b:s4+s23], $0x80, s20, s23, $0xb8;
	[tilespmem:$0x1EC80] =	vst v63  }
0xe1: {  	_ =	swait.ge [sflag:s11], $0x2000  }
0xe2: {  	[sflag:s11] =	ssyncset.done $0x0  }
0xe3: {  	s20 =	simm.s32 $0x27C0;
	[sflag:s11] =	ssyncadd.s32 $0xFFFFE000  }
0xe4: {  	[spmem:s1] =	stream.indirect.scatter.add.f32 [tilespmem:s8], [sflag:$0x8], $0x80, s20, s23, $0xb8;
	[tilespmem:$0x1EC80] =	vst v63  }
0xe5: {  	_ =	swait.ge [sflag:s13], $0x2000  }
0xe6: {  	[sflag:s13] =	ssyncset.done $0x0  }
0xe7: {  	s20 =	simm.s32 $0xE40;
	[sflag:s13] =	ssyncadd.s32 $0xFFFFE000  }
0xe8: {  	[tilespmem:s25], [sflag:$0x2] =	stream.indirect.gather [hbm4b:s4+s23], $0x80, s20, s23, $0xb8;
	[tilespmem:$0x1EC80] =	vst v63  }
0xe9: {  	s6 =	simm.s32 $0x0;
	s20 =	rddreg [dreg:$0xe]  }
0xea: {  	[tilespmem:s6], [sflag:$0x9] =	stream.linear.gather [hbm4b:s20+s6], $0xD00, $0x38;
	[tilespmem:$0x1EC80] =	vst v63  }
0xeb: {  	s20 =	rddreg [dreg:$0xf]  }
0xec: {  	[tilespmem:s22], [sflag:$0x9] =	stream.linear.gather [hbm4b:s20+s6], $0xD00, $0x38;
	[tilespmem:$0x1EC80] =	vst v63  }
0xed: {  	_ =	swait.ge [sflag:s26], $0x2000  }
0xee: {  	[sflag:s26] =	ssyncset.done $0x0  }
0xef: {  	s20 =	simm.s32 $0x2800;
	[sflag:s26] =	ssyncadd.s32 $0xFFFFE000  }
0xf0: {  	[spmem:s1] =	stream.indirect.scatter.add.f32 [tilespmem:s24], [sflag:$0x5], $0x80, s20, s23, $0xb8;
	[tilespmem:$0x1EC80] =	vst v63  }
0xf1: {  	_ =	swait.ge [sflag:s17], $0x2000  }
0xf2: {  	[sflag:s17] =	ssyncset.done $0x0  }
0xf3: {  	s20 =	simm.s32 $0xE80;
	[sflag:s17] =	ssyncadd.s32 $0xFFFFE000  }
0xf4: {  	[tilespmem:s29], [sflag:$0x3] =	stream.indirect.gather [hbm4b:s4+s23], $0x80, s20, s23, $0xb8;
	[tilespmem:$0x1EC80] =	vst v63  }
0xf5: {  	_ =	swait.ge [sflag:s30], $0x2000  }
0xf6: {  	[sflag:s30] =	ssyncset.done $0x0  }
0xf7: {  	s20 =	simm.s32 $0x2840;
	[sflag:s30] =	ssyncadd.s32 $0xFFFFE000  }
0xf8: {  	[spmem:s1] =	stream.indirect.scatter.add.f32 [tilespmem:s25], [sflag:$0x6], $0x80, s20, s23, $0xb8;
	[tilespmem:$0x1EC80] =	vst v63  }
0xf9: {  	_ =	swait.ge [sflag:s18], $0x2000  }
0xfa: {  	[sflag:s18] =	ssyncset.done $0x0  }
0xfb: {  	s20 =	simm.s32 $0xEC0;
	[sflag:s18] =	ssyncadd.s32 $0xFFFFE000  }
0xfc: {  	[tilespmem:s8], [sflag:$0x4] =	stream.indirect.gather [hbm4b:s4+s23], $0x80, s20, s23, $0xb8;
	[tilespmem:$0x1EC80] =	vst v63  }
0xfd: {  	_ =	swait.ge [sflag:s10], $0x2000  }
0xfe: {  	[sflag:s10] =	ssyncset.done $0x0  }
0xff: {  	s20 =	simm.s32 $0x2880;
	[sflag:s10] =	ssyncadd.s32 $0xFFFFE000  }
0x100: {  	[spmem:s1] =	stream.indirect.scatter.add.f32 [tilespmem:s29], [sflag:$0x7], $0x80, s20, s23, $0xb8;
	[tilespmem:$0x1EC80] =	vst v63  }
0x101: {  	_ =	swait.ge [sflag:s3], $0x2000  }
0x102: {  	[sflag:s3] =	ssyncset.done $0x0  }
0x103: {  	s20 =	simm.s32 $0xF00;
	[sflag:s3] =	ssyncadd.s32 $0xFFFFE000  }
0x104: {  	[tilespmem:s24], [sflag:$0x1] =	stream.indirect.gather [hbm4b:s4+s23], $0x80, s20, s23, $0xb8;
	[tilespmem:$0x1EC80] =	vst v63  }
0x105: {  	_ =	swait.ge [sflag:s11], $0x2000  }
0x106: {  	[sflag:s11] =	ssyncset.done $0x0  }
0x107: {  	s20 =	simm.s32 $0x28C0;
	[sflag:s11] =	ssyncadd.s32 $0xFFFFE000  }
0x108: {  	[spmem:s1] =	stream.indirect.scatter.add.f32 [tilespmem:s8], [sflag:$0x8], $0x80, s20, s23, $0xb8;
	[tilespmem:$0x1EC80] =	vst v63  }
0x109: {  	_ =	swait.ge [sflag:s13], $0x2000  }
0x10a: {  	[sflag:s13] =	ssyncset.done $0x0  }
0x10b: {  	s31 =	simm.s32 $0xF40;
	s20 =	simm.s32 $0x400;
	[sflag:s13] =	ssyncadd.s32 $0xFFFFE000  }
.LBB2_8:
0x10c: {  	[tilespmem:s25], [sflag:$0x2] =	stream.indirect.gather [hbm4b:s4+s23], $0x80, s31, s23, $0xb8;
	[tilespmem:$0x1EC80] =	vst v63  }
0x10d: {  	s6 =	smov.u32 s20  }
0x10e: {  	p3 =	sne.s32 s20, $0x2800;
	s20 =	sadd.s32 $0x400, s20;
	_ =	swait.ge [sflag:s26], $0x2000  }
0x10f: {  	s31 =	sshra.s32 s6, $0x2;
	[sflag:s26] =	ssyncset.done $0x0  }
0x110: {  	s6 =	sadd.s32 $0x2800, s31;
	[sflag:s26] =	ssyncadd.s32 $0xFFFFE000  }
0x111: {  	[spmem:s1] =	stream.indirect.scatter.add.f32 [tilespmem:s24], [sflag:$0x5], $0x80, s6, s23, $0xb8;
	[tilespmem:$0x1EC80] =	vst v63  }
0x112: {  	_ =	swait.ge [sflag:s17], $0x2000  }
0x113: {  	[sflag:s17] =	ssyncset.done $0x0  }
0x114: {  	s6 =	sadd.s32 $0xE80, s31;
	[sflag:s17] =	ssyncadd.s32 $0xFFFFE000  }
0x115: {  	[tilespmem:s29], [sflag:$0x3] =	stream.indirect.gather [hbm4b:s4+s23], $0x80, s6, s23, $0xb8;
	[tilespmem:$0x1EC80] =	vst v63  }
0x116: {  	_ =	swait.ge [sflag:s30], $0x2000  }
0x117: {  	[sflag:s30] =	ssyncset.done $0x0  }
0x118: {  	s6 =	sadd.s32 $0x2840, s31;
	[sflag:s30] =	ssyncadd.s32 $0xFFFFE000  }
0x119: {  	[spmem:s1] =	stream.indirect.scatter.add.f32 [tilespmem:s25], [sflag:$0x6], $0x80, s6, s23, $0xb8;
	[tilespmem:$0x1EC80] =	vst v63  }
0x11a: {  	_ =	swait.ge [sflag:s18], $0x2000  }
0x11b: {  	[sflag:s18] =	ssyncset.done $0x0  }
0x11c: {  	s6 =	sadd.s32 $0xEC0, s31;
	[sflag:s18] =	ssyncadd.s32 $0xFFFFE000  }
0x11d: {  	[tilespmem:s8], [sflag:$0x4] =	stream.indirect.gather [hbm4b:s4+s23], $0x80, s6, s23, $0xb8;
	[tilespmem:$0x1EC80] =	vst v63  }
0x11e: {  	_ =	swait.ge [sflag:s10], $0x2000  }
0x11f: {  	[sflag:s10] =	ssyncset.done $0x0  }
0x120: {  	s6 =	sadd.s32 $0x2880, s31;
	[sflag:s10] =	ssyncadd.s32 $0xFFFFE000  }
0x121: {  	[spmem:s1] =	stream.indirect.scatter.add.f32 [tilespmem:s29], [sflag:$0x7], $0x80, s6, s23, $0xb8;
	[tilespmem:$0x1EC80] =	vst v63  }
0x122: {  	_ =	swait.ge [sflag:s3], $0x2000  }
0x123: {  	[sflag:s3] =	ssyncset.done $0x0  }
0x124: {  	s6 =	sadd.s32 $0xF00, s31;
	[sflag:s3] =	ssyncadd.s32 $0xFFFFE000  }
0x125: {  	[tilespmem:s24], [sflag:$0x1] =	stream.indirect.gather [hbm4b:s4+s23], $0x80, s6, s23, $0xb8;
	[tilespmem:$0x1EC80] =	vst v63  }
0x126: {  	_ =	swait.ge [sflag:s11], $0x2000  }
0x127: {  	[sflag:s11] =	ssyncset.done $0x0  }
.Ltmp5:
0x128: {  	s6 =	sadd.s32 $0x28C0, s31;
	[sflag:s11] =	ssyncadd.s32 $0xFFFFE000;
	(pc) =	sbr.rel @p3 .LBB2_8-.Ltmp5, $4  }
0x129: {  	[spmem:s1] =	stream.indirect.scatter.add.f32 [tilespmem:s8], [sflag:$0x8], $0x80, s6, s23, $0xb8;
	[tilespmem:$0x1EC80] =	vst v63  }
0x12a: {  	_ =	swait.ge [sflag:s13], $0x2000  }
0x12b: {  	[sflag:s13] =	ssyncset.done $0x0  }
0x12c: {  	s31 =	sadd.s32 $0xF40, s31;
	[sflag:s13] =	ssyncadd.s32 $0xFFFFE000  }
0x12d: {  	[tilespmem:s25], [sflag:$0x2] =	stream.indirect.gather [hbm4b:s4+s23], $0x80, s31, s23, $0xb8;
	[tilespmem:$0x1EC80] =	vst v63  }
0x12e: {  	_ =	swait.ge [sflag:s26], $0x2000  }
0x12f: {  	[sflag:s26] =	ssyncset.done $0x0  }
0x130: {  	s6 =	simm.s32 $0x3300;
	[sflag:s26] =	ssyncadd.s32 $0xFFFFE000  }
0x131: {  	[spmem:s1] =	stream.indirect.scatter.add.f32 [tilespmem:s24], [sflag:$0x5], $0x80, s6, s23, $0xb8;
	[tilespmem:$0x1EC80] =	vst v63  }
0x132: {  	_ =	swait.ge [sflag:s17], $0x2000  }
0x133: {  	[sflag:s17] =	ssyncset.done $0x0  }
0x134: {  	s20 =	simm.s32 $0x1980;
	[sflag:s17] =	ssyncadd.s32 $0xFFFFE000  }
0x135: {  	[tilespmem:s29], [sflag:$0x3] =	stream.indirect.gather [hbm4b:s4+s23], $0x80, s20, s23, $0xb8;
	[tilespmem:$0x1EC80] =	vst v63  }
0x136: {  	_ =	swait.ge [sflag:s30], $0x2000  }
0x137: {  	[sflag:s30] =	ssyncset.done $0x0  }
0x138: {  	s20 =	simm.s32 $0x3340;
	[sflag:s30] =	ssyncadd.s32 $0xFFFFE000  }
0x139: {  	[spmem:s1] =	stream.indirect.scatter.add.f32 [tilespmem:s25], [sflag:$0x6], $0x80, s20, s23, $0xb8;
	[tilespmem:$0x1EC80] =	vst v63  }
0x13a: {  	_ =	swait.ge [sflag:s18], $0x2000  }
0x13b: {  	[sflag:s18] =	ssyncset.done $0x0  }
0x13c: {  	s20 =	simm.s32 $0x19C0;
	[sflag:s18] =	ssyncadd.s32 $0xFFFFE000  }
0x13d: {  	[tilespmem:s8], [sflag:$0x4] =	stream.indirect.gather [hbm4b:s4+s23], $0x80, s20, s23, $0xb8;
	[tilespmem:$0x1EC80] =	vst v63  }
0x13e: {  	_ =	swait.ge [sflag:s10], $0x2000  }
0x13f: {  	[sflag:s10] =	ssyncset.done $0x0  }
0x140: {  	s20 =	simm.s32 $0x3380;
	[sflag:s10] =	ssyncadd.s32 $0xFFFFE000  }
0x141: {  	[spmem:s1] =	stream.indirect.scatter.add.f32 [tilespmem:s29], [sflag:$0x7], $0x80, s20, s23, $0xb8;
	[tilespmem:$0x1EC80] =	vst v63  }
0x142: {  	_ =	swait.ge [sflag:s3], $0x2000  }
0x143: {  	[sflag:s3] =	ssyncset.done $0x0  }
0x144: {  	[sflag:s3] =	ssyncadd.s32 $0xFFFFE000  }
0x145: {  	_ =	swait.ge [sflag:s7], $0xD00  }
0x146: {  	[sflag:s7] =	ssyncset.done $0x0  }
0x147: {  	[sflag:s7] =	ssyncadd.s32 $0xFFFFF300  }
0x148: {  	_ =	swait.ge [sflag:s7], $0xD00  }
0x149: {  	[sflag:s7] =	ssyncset.done $0x0  }
0x14a: {  	s20 =	simm.s32 $0x0;
	[sflag:s7] =	ssyncadd.s32 $0xFFFFF300  }
0x14b: {  	[tilespmem:s24], [sflag:$0x1] =	stream.indirect.gather [hbm4b:s4+s23], $0x80, s20, s23, $0xb8;
	[tilespmem:$0x1EC80] =	vst v63  }
0x14c: {  	_ =	swait.ge [sflag:s11], $0x2000  }
0x14d: {  	[sflag:s11] =	ssyncset.done $0x0  }
0x14e: {  	s20 =	simm.s32 $0x33C0;
	[sflag:s11] =	ssyncadd.s32 $0xFFFFE000  }
0x14f: {  	[spmem:s1] =	stream.indirect.scatter.add.f32 [tilespmem:s8], [sflag:$0x8], $0x80, s20, s23, $0xb8;
	[tilespmem:$0x1EC80] =	vst v63  }
0x150: {  	_ =	swait.ge [sflag:s13], $0x2000  }
0x151: {  	[sflag:s13] =	ssyncset.done $0x0  }
0x152: {  	[sflag:s13] =	ssyncadd.s32 $0xFFFFE000  }
0x153: {  	[tilespmem:s25], [sflag:$0x2] =	stream.indirect.gather [hbm4b:s4+s23], $0x80, s23, s23, $0xb8;
	[tilespmem:$0x1EC80] =	vst v63  }
0x154: {  	_ =	swait.ge [sflag:s26], $0x2000  }
0x155: {  	[sflag:s26] =	ssyncset.done $0x0  }
0x156: {  	[sflag:s26] =	ssyncadd.s32 $0xFFFFE000  }
0x157: {  	[spmem:s1] =	stream.indirect.scatter.add.f32 [tilespmem:s24], [sflag:$0x5], $0x80, s22, s23, $0xb8;
	[tilespmem:$0x1EC80] =	vst v63  }
0x158: {  	_ =	swait.ge [sflag:s17], $0x2000  }
0x159: {  	[sflag:s17] =	ssyncset.done $0x0  }
0x15a: {  	s20 =	simm.s32 $0x80;
	[sflag:s17] =	ssyncadd.s32 $0xFFFFE000  }
0x15b: {  	[tilespmem:s29], [sflag:$0x3] =	stream.indirect.gather [hbm4b:s4+s23], $0x80, s20, s23, $0xb8;
	[tilespmem:$0x1EC80] =	vst v63  }
0x15c: {  	_ =	swait.ge [sflag:s30], $0x2000  }
0x15d: {  	[sflag:s30] =	ssyncset.done $0x0  }
0x15e: {  	s20 =	simm.s32 $0x1A40;
	[sflag:s30] =	ssyncadd.s32 $0xFFFFE000  }
0x15f: {  	[spmem:s1] =	stream.indirect.scatter.add.f32 [tilespmem:s25], [sflag:$0x6], $0x80, s20, s23, $0xb8;
	[tilespmem:$0x1EC80] =	vst v63  }
0x160: {  	_ =	swait.ge [sflag:s18], $0x2000  }
0x161: {  	[sflag:s18] =	ssyncset.done $0x0  }
0x162: {  	s20 =	simm.s32 $0xC0;
	[sflag:s18] =	ssyncadd.s32 $0xFFFFE000  }
0x163: {  	[tilespmem:s8], [sflag:$0x4] =	stream.indirect.gather [hbm4b:s4+s23], $0x80, s20, s23, $0xb8;
	[tilespmem:$0x1EC80] =	vst v63  }
0x164: {  	_ =	swait.ge [sflag:s10], $0x2000  }
0x165: {  	[sflag:s10] =	ssyncset.done $0x0  }
0x166: {  	s20 =	simm.s32 $0x1A80;
	[sflag:s10] =	ssyncadd.s32 $0xFFFFE000  }
0x167: {  	[spmem:s1] =	stream.indirect.scatter.add.f32 [tilespmem:s29], [sflag:$0x7], $0x80, s20, s23, $0xb8;
	[tilespmem:$0x1EC80] =	vst v63  }
0x168: {  	_ =	swait.ge [sflag:s3], $0x2000  }
0x169: {  	[sflag:s3] =	ssyncset.done $0x0  }
0x16a: {  	s20 =	simm.s32 $0x100;
	[sflag:s3] =	ssyncadd.s32 $0xFFFFE000  }
0x16b: {  	[tilespmem:s24], [sflag:$0x1] =	stream.indirect.gather [hbm4b:s4+s23], $0x80, s20, s23, $0xb8;
	[tilespmem:$0x1EC80] =	vst v63  }
0x16c: {  	_ =	swait.ge [sflag:s11], $0x2000  }
0x16d: {  	[sflag:s11] =	ssyncset.done $0x0  }
0x16e: {  	s20 =	simm.s32 $0x1AC0;
	[sflag:s11] =	ssyncadd.s32 $0xFFFFE000  }
0x16f: {  	[spmem:s1] =	stream.indirect.scatter.add.f32 [tilespmem:s8], [sflag:$0x8], $0x80, s20, s23, $0xb8;
	[tilespmem:$0x1EC80] =	vst v63  }
0x170: {  	_ =	swait.ge [sflag:s13], $0x2000  }
0x171: {  	[sflag:s13] =	ssyncset.done $0x0  }
0x172: {  	s20 =	simm.s32 $0x140;
	[sflag:s13] =	ssyncadd.s32 $0xFFFFE000  }
0x173: {  	[tilespmem:s25], [sflag:$0x2] =	stream.indirect.gather [hbm4b:s4+s23], $0x80, s20, s23, $0xb8;
	[tilespmem:$0x1EC80] =	vst v63  }
0x174: {  	_ =	swait.ge [sflag:s26], $0x2000  }
0x175: {  	[sflag:s26] =	ssyncset.done $0x0  }
0x176: {  	s20 =	simm.s32 $0x1B00;
	[sflag:s26] =	ssyncadd.s32 $0xFFFFE000  }
0x177: {  	[spmem:s1] =	stream.indirect.scatter.add.f32 [tilespmem:s24], [sflag:$0x5], $0x80, s20, s23, $0xb8;
	[tilespmem:$0x1EC80] =	vst v63  }
0x178: {  	_ =	swait.ge [sflag:s17], $0x2000  }
0x179: {  	[sflag:s17] =	ssyncset.done $0x0  }
0x17a: {  	s20 =	simm.s32 $0x180;
	[sflag:s17] =	ssyncadd.s32 $0xFFFFE000  }
0x17b: {  	[tilespmem:s29], [sflag:$0x3] =	stream.indirect.gather [hbm4b:s4+s23], $0x80, s20, s23, $0xb8;
	[tilespmem:$0x1EC80] =	vst v63  }
0x17c: {  	_ =	swait.ge [sflag:s30], $0x2000  }
0x17d: {  	[sflag:s30] =	ssyncset.done $0x0  }
0x17e: {  	s20 =	simm.s32 $0x1B40;
	[sflag:s30] =	ssyncadd.s32 $0xFFFFE000  }
0x17f: {  	[spmem:s1] =	stream.indirect.scatter.add.f32 [tilespmem:s25], [sflag:$0x6], $0x80, s20, s23, $0xb8;
	[tilespmem:$0x1EC80] =	vst v63  }
0x180: {  	_ =	swait.ge [sflag:s18], $0x2000  }
0x181: {  	[sflag:s18] =	ssyncset.done $0x0  }
0x182: {  	s20 =	simm.s32 $0x1C0;
	[sflag:s18] =	ssyncadd.s32 $0xFFFFE000  }
0x183: {  	[tilespmem:s8], [sflag:$0x4] =	stream.indirect.gather [hbm4b:s4+s23], $0x80, s20, s23, $0xb8;
	[tilespmem:$0x1EC80] =	vst v63  }
0x184: {  	_ =	swait.ge [sflag:s10], $0x2000  }
0x185: {  	[sflag:s10] =	ssyncset.done $0x0  }
0x186: {  	s20 =	simm.s32 $0x1B80;
	[sflag:s10] =	ssyncadd.s32 $0xFFFFE000  }
0x187: {  	[spmem:s1] =	stream.indirect.scatter.add.f32 [tilespmem:s29], [sflag:$0x7], $0x80, s20, s23, $0xb8;
	[tilespmem:$0x1EC80] =	vst v63  }
0x188: {  	_ =	swait.ge [sflag:s3], $0x2000  }
0x189: {  	[sflag:s3] =	ssyncset.done $0x0  }
0x18a: {  	s20 =	simm.s32 $0x200;
	[sflag:s3] =	ssyncadd.s32 $0xFFFFE000  }
0x18b: {  	[tilespmem:s24], [sflag:$0x1] =	stream.indirect.gather [hbm4b:s4+s23], $0x80, s20, s23, $0xb8;
	[tilespmem:$0x1EC80] =	vst v63  }
0x18c: {  	_ =	swait.ge [sflag:s11], $0x2000  }
0x18d: {  	[sflag:s11] =	ssyncset.done $0x0  }
0x18e: {  	s20 =	simm.s32 $0x1BC0;
	[sflag:s11] =	ssyncadd.s32 $0xFFFFE000  }
0x18f: {  	[spmem:s1] =	stream.indirect.scatter.add.f32 [tilespmem:s8], [sflag:$0x8], $0x80, s20, s23, $0xb8;
	[tilespmem:$0x1EC80] =	vst v63  }
0x190: {  	_ =	swait.ge [sflag:s13], $0x2000  }
0x191: {  	[sflag:s13] =	ssyncset.done $0x0  }
0x192: {  	s31 =	simm.s32 $0x240;
	s20 =	simm.s32 $0x400;
	[sflag:s13] =	ssyncadd.s32 $0xFFFFE000  }
.LBB2_10:
0x193: {  	[tilespmem:s25], [sflag:$0x2] =	stream.indirect.gather [hbm4b:s4+s23], $0x80, s31, s23, $0xb8;
	[tilespmem:$0x1EC80] =	vst v63  }
0x194: {  	s6 =	smov.u32 s20  }
0x195: {  	p3 =	sne.s32 s20, $0x2800;
	s20 =	sadd.s32 $0x400, s20;
	_ =	swait.ge [sflag:s26], $0x2000  }
0x196: {  	s31 =	sshra.s32 s6, $0x2;
	[sflag:s26] =	ssyncset.done $0x0  }
0x197: {  	s6 =	sadd.s32 $0x1B00, s31;
	[sflag:s26] =	ssyncadd.s32 $0xFFFFE000  }
0x198: {  	[spmem:s1] =	stream.indirect.scatter.add.f32 [tilespmem:s24], [sflag:$0x5], $0x80, s6, s23, $0xb8;
	[tilespmem:$0x1EC80] =	vst v63  }
0x199: {  	_ =	swait.ge [sflag:s17], $0x2000  }
0x19a: {  	[sflag:s17] =	ssyncset.done $0x0  }
0x19b: {  	s6 =	sadd.s32 $0x180, s31;
	[sflag:s17] =	ssyncadd.s32 $0xFFFFE000  }
0x19c: {  	[tilespmem:s29], [sflag:$0x3] =	stream.indirect.gather [hbm4b:s4+s23], $0x80, s6, s23, $0xb8;
	[tilespmem:$0x1EC80] =	vst v63  }
0x19d: {  	_ =	swait.ge [sflag:s30], $0x2000  }
0x19e: {  	[sflag:s30] =	ssyncset.done $0x0  }
0x19f: {  	s6 =	sadd.s32 $0x1B40, s31;
	[sflag:s30] =	ssyncadd.s32 $0xFFFFE000  }
0x1a0: {  	[spmem:s1] =	stream.indirect.scatter.add.f32 [tilespmem:s25], [sflag:$0x6], $0x80, s6, s23, $0xb8;
	[tilespmem:$0x1EC80] =	vst v63  }
0x1a1: {  	_ =	swait.ge [sflag:s18], $0x2000  }
0x1a2: {  	[sflag:s18] =	ssyncset.done $0x0  }
0x1a3: {  	s6 =	sadd.s32 $0x1C0, s31;
	[sflag:s18] =	ssyncadd.s32 $0xFFFFE000  }
0x1a4: {  	[tilespmem:s8], [sflag:$0x4] =	stream.indirect.gather [hbm4b:s4+s23], $0x80, s6, s23, $0xb8;
	[tilespmem:$0x1EC80] =	vst v63  }
0x1a5: {  	_ =	swait.ge [sflag:s10], $0x2000  }
0x1a6: {  	[sflag:s10] =	ssyncset.done $0x0  }
0x1a7: {  	s6 =	sadd.s32 $0x1B80, s31;
	[sflag:s10] =	ssyncadd.s32 $0xFFFFE000  }
0x1a8: {  	[spmem:s1] =	stream.indirect.scatter.add.f32 [tilespmem:s29], [sflag:$0x7], $0x80, s6, s23, $0xb8;
	[tilespmem:$0x1EC80] =	vst v63  }
0x1a9: {  	_ =	swait.ge [sflag:s3], $0x2000  }
0x1aa: {  	[sflag:s3] =	ssyncset.done $0x0  }
0x1ab: {  	s6 =	sadd.s32 $0x200, s31;
	[sflag:s3] =	ssyncadd.s32 $0xFFFFE000  }
0x1ac: {  	[tilespmem:s24], [sflag:$0x1] =	stream.indirect.gather [hbm4b:s4+s23], $0x80, s6, s23, $0xb8;
	[tilespmem:$0x1EC80] =	vst v63  }
0x1ad: {  	_ =	swait.ge [sflag:s11], $0x2000  }
0x1ae: {  	[sflag:s11] =	ssyncset.done $0x0  }
.Ltmp6:
0x1af: {  	s6 =	sadd.s32 $0x1BC0, s31;
	[sflag:s11] =	ssyncadd.s32 $0xFFFFE000;
	(pc) =	sbr.rel @p3 .LBB2_10-.Ltmp6, $4  }
0x1b0: {  	[spmem:s1] =	stream.indirect.scatter.add.f32 [tilespmem:s8], [sflag:$0x8], $0x80, s6, s23, $0xb8;
	[tilespmem:$0x1EC80] =	vst v63  }
0x1b1: {  	_ =	swait.ge [sflag:s13], $0x2000  }
0x1b2: {  	[sflag:s13] =	ssyncset.done $0x0  }
0x1b3: {  	s31 =	sadd.s32 $0x240, s31;
	[sflag:s13] =	ssyncadd.s32 $0xFFFFE000  }
0x1b4: {  	[tilespmem:s25], [sflag:$0x2] =	stream.indirect.gather [hbm4b:s4+s23], $0x80, s31, s23, $0xb8;
	[tilespmem:$0x1EC80] =	vst v63  }
0x1b5: {  	_ =	swait.ge [sflag:s26], $0x2000  }
0x1b6: {  	[sflag:s26] =	ssyncset.done $0x0  }
0x1b7: {  	s6 =	simm.s32 $0x2600;
	[sflag:s26] =	ssyncadd.s32 $0xFFFFE000  }
0x1b8: {  	[spmem:s1] =	stream.indirect.scatter.add.f32 [tilespmem:s24], [sflag:$0x5], $0x80, s6, s23, $0xb8;
	[tilespmem:$0x1EC80] =	vst v63  }
0x1b9: {  	_ =	swait.ge [sflag:s17], $0x2000  }
0x1ba: {  	[sflag:s17] =	ssyncset.done $0x0  }
0x1bb: {  	s20 =	simm.s32 $0xC80;
	[sflag:s17] =	ssyncadd.s32 $0xFFFFE000  }
0x1bc: {  	[tilespmem:s29], [sflag:$0x3] =	stream.indirect.gather [hbm4b:s4+s23], $0x80, s20, s23, $0xb8;
	[tilespmem:$0x1EC80] =	vst v63  }
0x1bd: {  	_ =	swait.ge [sflag:s30], $0x2000  }
0x1be: {  	[sflag:s30] =	ssyncset.done $0x0  }
0x1bf: {  	s31 =	simm.s32 $0x2640;
	[sflag:s30] =	ssyncadd.s32 $0xFFFFE000  }
0x1c0: {  	[spmem:s1] =	stream.indirect.scatter.add.f32 [tilespmem:s25], [sflag:$0x6], $0x80, s31, s23, $0xb8;
	[tilespmem:$0x1EC80] =	vst v63  }
0x1c1: {  	_ =	swait.ge [sflag:s18], $0x2000  }
0x1c2: {  	[sflag:s18] =	ssyncset.done $0x0  }
0x1c3: {  	[sflag:s18] =	ssyncadd.s32 $0xFFFFE000  }
0x1c4: {  	[tilespmem:s8], [sflag:$0x4] =	stream.indirect.gather [hbm4b:s4+s23], $0x80, s0, s23, $0xb8;
	[tilespmem:$0x1EC80] =	vst v63  }
0x1c5: {  	_ =	swait.ge [sflag:s10], $0x2000  }
0x1c6: {  	[sflag:s10] =	ssyncset.done $0x0  }
0x1c7: {  	[sflag:s10] =	ssyncadd.s32 $0xFFFFE000  }
0x1c8: {  	[spmem:s1] =	stream.indirect.scatter.add.f32 [tilespmem:s29], [sflag:$0x7], $0x80, s5, s23, $0xb8;
	[tilespmem:$0x1EC80] =	vst v63  }
0x1c9: {  	_ =	swait.ge [sflag:s3], $0x2000  }
0x1ca: {  	[sflag:s3] =	ssyncset.done $0x0  }
0x1cb: {  	[sflag:s3] =	ssyncadd.s32 $0xFFFFE000  }
0x1cc: {  	_ =	swait.ge [sflag:s11], $0x2000  }
0x1cd: {  	[sflag:s11] =	ssyncset.done $0x0  }
0x1ce: {  	[sflag:s11] =	ssyncadd.s32 $0xFFFFE000  }
0x1cf: {  	[spmem:s1] =	stream.indirect.scatter.add.f32 [tilespmem:s8], [sflag:$0x8], $0x80, s12, s23, $0xb8;
	[tilespmem:$0x1EC80] =	vst v63  }
0x1d0: {  	_ =	swait.ge [sflag:s13], $0x2000  }
0x1d1: {  	[sflag:s13] =	ssyncset.done $0x0  }
0x1d2: {  	[sflag:s13] =	ssyncadd.s32 $0xFFFFE000  }
0x1d3: {  	_ =	swait.ge [sflag:s17], $0x2000  }
0x1d4: {  	[sflag:s17] =	ssyncset.done $0x0  }
0x1d5: {  	[sflag:s17] =	ssyncadd.s32 $0xFFFFE000  }
0x1d6: {  	_ =	swait.ge [sflag:s18], $0x2000  }
0x1d7: {  	[sflag:s18] =	ssyncset.done $0x0  }
0x1d8: {  	s20 =	rddreg [dreg:$0x10];
	[sflag:s18] =	ssyncadd.s32 $0xFFFFE000  }
0x1d9: {  	[tilespmem:s2], [sflag:$0xA] =	stream.linear.gather [hbm4b:s20+s2], $0x10, $0x38;
	[tilespmem:$0x1EC80] =	vst v63  }
0x1da: {  	_ =	swait.ge [sflag:s21], $0x10  }
0x1db: {  	[sflag:s21] =	ssyncset.done $0x0  }
0x1dc: {  	s31 =	rddreg [dreg:$0x11];
	[sflag:s21] =	ssyncadd.s32 $0xFFFFFFF0  }
0x1dd: {  	[tilespmem:s22], [sflag:$0xA] =	stream.linear.gather [hbm4b:s31+s2], $0x10, $0x38;
	[tilespmem:$0x1EC80] =	vst v63  }
0x1de: {  	_ =	swait.ge [sflag:s21], $0x10  }
0x1df: {  	[sflag:s21] =	ssyncset.done $0x0  }
0x1e0: {  	[sflag:s21] =	ssyncadd.s32 $0xFFFFFFF0  }
0x1e1: {  	[tilespmem:s24], [sflag:$0x1] =	stream.indirect.gather [hbm4b:s4+s14], $0x80, s2, s14, $0xb8;
	[tilespmem:$0x1EC80] =	vst v63  }
0x1e2: {  	_ =	swait.ge [sflag:s26], $0x800  }
0x1e3: {  	[sflag:s26] =	ssyncset.done $0x0  }
0x1e4: {  	[sflag:s26] =	ssyncadd.s32 $0xFFFFF800  }
0x1e5: {  	[spmem:s1] =	stream.indirect.scatter.add.f32 [tilespmem:s24], [sflag:$0xA], $0x80, s22, s14, $0xb8;
	[tilespmem:$0x1EC80] =	vst v63  }
0x1e6: {  	_ =	swait.ge [sflag:s21], $0x800  }
0x1e7: {  	[sflag:s21] =	ssyncset.done $0x0  }
0x1e8: {  	[sflag:s21] =	ssyncadd.s32 $0xFFFFF800  }
0x1e9: {  	[bflag:$0x0] =	sbarrier.arrive $0xFFFF  }
0x1ea: {  	s20 =	rddreg [dreg:$0x6]  }
0x1eb: {  	s16 =	sor.u32 $0x1C0A, s16;
	s6 =	sadd.s32 s20, s19  }
0x1ec: {  	[hbm:s6], [sflag:s16] =	dma.local [spmem:s28], $0x2700  }
0x1ed: {  	_ =	swait.ge [sflag:s21], $0x2700  }
0x1ee: {  	[sflag:s21] =	ssyncset.done $0x0  }
0x1ef: {  	s20 =	sshrl.u32 @!p1 s9, $0x3;
	s6 =	sadd.s32 @!p1 $0x27000, s19;
	[sflag:s21] =	ssyncadd.s32 $0xFFFFD900  }
0x1f0: {  	[hbm:s6], [sflag:s16] =	dma.local @!p1 [spmem:s20], $0x100  }
0x1f1: {  	s6 =	simm.s32 @!p1 $0xA  }
0x1f2: {  	_ =	swait.ge @!p1 [sflag:s6], $0x100  }
0x1f3: {  	s15 =	sadd.s32 $0x1, s15;
	s31 =	rddreg [dreg:$0x12]  }
0x1f4: {  	p3 =	sne.s32 s15, s31  }
.Ltmp7:
0x1f5: {  	_ = 	snop;
	(pc) =	sbr.rel @p3 .LBB2_1-.Ltmp7, $3  }
0x1f6: {  	_ =	sdelay $0x1  }
0x1f7: {  	[sflag:s6] =	ssyncset.done @!p1 $0x0  }
0x1f8: {  	[sflag:s6] =	ssyncadd.s32 @!p1 $0xFFFFFF00  }
0x1f9: {  	_ =	sfence.sel $0x180000  }
0x1fa: {  	[bflag:$0x0] =	sbarrier.arrive $0xFFFF  }
0x1fb: {  	_ =	strace $0x9000004D  }
0x1fc: {  	s0 =	stileid.u32;
	[bflag:$0x2] =	sbarrier.arrive $0xFFFF  }
0x1fd: {  	p0 =	sne.s32 s0, $0x0;
	s0 =	rddreg [dreg:$0x4]  }
0x1fe: {  	s0 =	sadd.s32 @!p0 $0x100000, s0  }
0x1ff: {  	[sflag:s0] =	ssyncadd.tile.s32 @!p0 $0x1;
	_ =	shalt  }
.Lfunc_end2:
_tile_overlayer_lowered:
.L_overlay_start_2:
0x200: {  	(tag) =	ssettag $0x2  }
0x201: {  	s0 =	rddreg [dreg:$0x0];
	s2 =	stileid.u32  }
0x202: {  	s1 =	rddreg [dreg:$0x1];
	p0 =	sne.s32 s2, $0x0  }
0x203: {  	s3 =	rddreg [dreg:$0x2];
	[bflag:$0x3] =	sbarrier.arrive $0xFFFF;
	s2 =	simm.s32 @!p0 $0x1C0A  }
0x204: {  	[timem:s3], [sflag:s2] =	dma.local @!p0 [hbm:s0], s1  }
0x205: {  	s0 =	simm.s32 @!p0 $0xA  }
0x206: {  	_ =	swait.ge @!p0 [sflag:s0], s1  }
0x207: {  	s1 =	ssub.s32 @!p0 $0x0, s1;
	[sflag:s0] =	ssyncset.done @!p0 $0x0  }
0x208: {  	[sflag:s0] =	ssyncadd.s32 @!p0 s1  }
0x209: {  	[bflag:$0x3] =	sbarrier.arrive $0xFFFF  }
0x20a: {  	_ =	shalt  }

// kernel: kernel.8.cloned.1.call-start
scs
__scs_entry_jumppad:
0x0: {  	(pc) =	sbr.rel $0x88, $3  }
0x1: {  	(tag) =	ssettag $0x0;
	lr =	simm.s32 $0x1  }
0x2: {  	[smem:$0x3F99] =	sst lr;
	_ =	strace $0xD0000000  }
0x3: {  	_ = 	snop  }
0x4: {  	_ = 	snop  }
0x5: {  	_ = 	snop  }
0x6: {  	_ = 	snop  }
0x7: {  	_ = 	snop  }
__scs_overlays_trampoline_lowered:
0x8: {  	[smem:$0x3FA8] =	sst s0  }
0x9: {  	[smem:$0x3FA9] =	sst s1  }
0xa: {  	[smem:$0x3FAA] =	sst s2  }
0xb: {  	[smem:$0x3FAB] =	sst s3  }
0xc: {  	[smem:$0x3FAC] =	sst s4  }
0xd: {  	[smem:$0x3FAD] =	sst s5  }
0xe: {  	[smem:$0x3FAE] =	sst s6  }
0xf: {  	[smem:$0x3FAF] =	sst s7  }
0x10: {  	[smem:$0x3FB0] =	sst s8  }
0x11: {  	[smem:$0x3FB1] =	sst s9;
	s0 =	simm.s32 @!p0 $0x0  }
0x12: {  	s1 =	sld [smem:$0x3F97];
	s0 =	simm.s32 @p0 $0x1  }
0x13: {  	[smem:$0x3FB2] =	sst s0;
	s0 =	simm.s32 @!p1 $0x0  }
0x14: {  	s2 =	sld [smem:$0x3F96];
	s0 =	simm.s32 @p1 $0x1  }
0x15: {  	[smem:$0x3FB3] =	sst s0;
	s0 =	simm.s32 @!p2 $0x0  }
0x16: {  	s3 =	sld [smem:$0x3FDB];
	s0 =	simm.s32 @p2 $0x1  }
0x17: {  	s4 =	simm.s32 $0x1BF5;
	[smem:$0x3FB5] =	sst s0  }
0x18: {  	s0 =	sld [smem:$0x3F98];
	_ =	swait.ge [sflag:s4], $0x0  }
0x19: {  	s7 =	sld [smem:$0x3F99]  }
0x1a: {  	s8 =	sadd.s32 $0xFFFFE003, lr  }
0x1b: {  	s9 =	sadd.s32 $0xFFFFFEF7, lr;
	s5 =	simm.s32 $0xFFFFFFFF;
	p2 =	slt.u32 s8, $0xFFFFF086  }
0x1c: {  	p1 =	slt.u32 s9, $0xF7A;
	s5 =	simm.s32 @!p2 $0x0  }
0x1d: {  	s5 =	simm.s32 @p1 $0x1;
	p0 =	seq.s32 s7, s2  }
0x1e: {  	s7 =	smul.u32 @!p0 $0xF7A, s2;
	p2 =	seq.s32 @!p0 s5, $0x0  }
0x1f: {  	s9 =	smul.u32 $0xF7A, s1;
	s8 =	simm.s32 @!p0 $0x1BF5;
	p2 =	por !p2, p0  }
0x20: {  	[sflag:s8] =	ssyncset.s32 @!p0 $0xFFFFF086;
	s6 =	sadd.s32 @!p0 s3, s7;
	s7 =	simm.s32 @!p0 $0x108  }
0x21: {  	s3 =	sadd.s32 s3, s9;
	s6 =	sadd.s32 @!p0 $0x88, s6;
	s7 =	simm.s32 @p2 $0x1082  }
0x22: {  	[simem:s7], [sflag:s8] =	dma.local @!p0 [hbm:s6], $0xF7A  }
0x23: {  	s9 =	sor.u32 $0xD0000000, s2;
	s6 =	simm.s32 $0x108;
	_ =	swait.ge @!p0 [sflag:s8], $0x0  }
0x24: {  	s3 =	sadd.s32 $0x88, s3;
	s6 =	simm.s32 @!p1 $0x1082;
	[sflag:s4] =	ssyncset.s32 $0xFFFFF086  }
0x25: {  	[simem:s6], [sflag:s4] =	dma.local [hbm:s3], $0xF7A  }
0x26: {  	[smem:$0x3F99] =	sst s1;
	(tag) =	ssettag s2;
	_ =	strace s9  }
0x27: {  	s1 =	sld [smem:$0x3FA9]  }
0x28: {  	s2 =	sld [smem:$0x3FAA]  }
0x29: {  	s4 =	sld [smem:$0x3FAC]  }
0x2a: {  	p0 =	seq.s32 s5, $0x0;
	s5 =	sld [smem:$0x3FAD]  }
0x2b: {  	s6 =	sld [smem:$0x3FAE]  }
0x2c: {  	s7 =	sld [smem:$0x3FAF]  }
0x2d: {  	s3 =	simm.s32 $0x108;
	s8 =	sld [smem:$0x3FB0]  }
0x2e: {  	s3 =	simm.s32 @!p0 $0x1082;
	s9 =	sld [smem:$0x3FB1]  }
0x2f: {  	lr =	sadd.s32 s0, s3;
	s0 =	sld [smem:$0x3FA8]  }
0x30: {  	s3 =	sld [smem:$0x3FAB]  }
0x31: {  	[smem:$0x3FB4] =	sst s10  }
0x32: {  	s10 =	sld [smem:$0x3FB2];
	_ =	sdelay $0x3  }
0x33: {  	p0 =	seq.s32 s10, $0x1;
	s10 =	sld [smem:$0x3FB4];
	_ =	sdelay $0x3  }
0x34: {  	[smem:$0x3FB4] =	sst s10  }
0x35: {  	s10 =	sld [smem:$0x3FB3];
	_ =	sdelay $0x3  }
0x36: {  	p1 =	seq.s32 s10, $0x1;
	s10 =	sld [smem:$0x3FB4];
	_ =	sdelay $0x3  }
0x37: {  	[smem:$0x3FB4] =	sst s10  }
0x38: {  	s10 =	sld [smem:$0x3FB5]  }
0x39: {  	_ = 	snop;
	(pc) =	sbr.ind lr, $3  }
0x3a: {  	_ = 	snop  }
0x3b: {  	_ = 	snop  }
0x3c: {  	p2 =	seq.s32 s10, $0x1;
	s10 =	sld [smem:$0x3FB4]  }
0x3d: {  	_ =	shalt  }
0x3e: {  	_ =	shalt  }
0x3f: {  	_ =	shalt  }
0x40: {  	_ =	shalt  }
0x41: {  	_ =	shalt  }
0x42: {  	_ =	shalt  }
0x43: {  	_ =	shalt  }
0x44: {  	_ =	shalt  }
0x45: {  	_ =	shalt  }
0x46: {  	_ =	shalt  }
0x47: {  	_ =	shalt  }
0x48: {  	_ =	shalt  }
0x49: {  	_ =	shalt  }
0x4a: {  	_ =	shalt  }
0x4b: {  	_ =	shalt  }
0x4c: {  	_ =	shalt  }
0x4d: {  	_ =	shalt  }
0x4e: {  	_ =	shalt  }
0x4f: {  	_ =	shalt  }
0x50: {  	_ =	shalt  }
0x51: {  	_ =	shalt  }
0x52: {  	_ =	shalt  }
0x53: {  	_ =	shalt  }
0x54: {  	_ =	shalt  }
0x55: {  	_ =	shalt  }
0x56: {  	_ =	shalt  }
0x57: {  	_ =	shalt  }
0x58: {  	_ =	shalt  }
0x59: {  	_ =	shalt  }
0x5a: {  	_ =	shalt  }
0x5b: {  	_ =	shalt  }
0x5c: {  	_ =	shalt  }
0x5d: {  	_ =	shalt  }
0x5e: {  	_ =	shalt  }
0x5f: {  	_ =	shalt  }
0x60: {  	_ =	shalt  }
0x61: {  	_ =	shalt  }
0x62: {  	_ =	shalt  }
0x63: {  	_ =	shalt  }
0x64: {  	_ =	shalt  }
0x65: {  	_ =	shalt  }
0x66: {  	_ =	shalt  }
0x67: {  	_ =	shalt  }
0x68: {  	_ =	shalt  }
0x69: {  	_ =	shalt  }
0x6a: {  	_ =	shalt  }
0x6b: {  	_ =	shalt  }
0x6c: {  	_ =	shalt  }
0x6d: {  	_ =	shalt  }
0x6e: {  	_ =	shalt  }
0x6f: {  	_ =	shalt  }
0x70: {  	_ =	shalt  }
0x71: {  	_ =	shalt  }
0x72: {  	_ =	shalt  }
0x73: {  	_ =	shalt  }
0x74: {  	_ =	shalt  }
0x75: {  	_ =	shalt  }
0x76: {  	_ =	shalt  }
0x77: {  	_ =	shalt  }
0x78: {  	_ =	shalt  }
0x79: {  	_ =	shalt  }
0x7a: {  	_ =	shalt  }
0x7b: {  	_ =	shalt  }
0x7c: {  	_ =	shalt  }
0x7d: {  	_ =	shalt  }
0x7e: {  	_ =	shalt  }
0x7f: {  	_ =	shalt  }
0x80: {  	_ =	shalt  }
0x81: {  	_ =	shalt  }
0x82: {  	_ =	shalt  }
0x83: {  	_ =	shalt  }
0x84: {  	_ =	shalt  }
0x85: {  	_ =	shalt  }
0x86: {  	_ =	shalt  }
0x87: {  	_ =	shalt  }
.Lfunc_end0:
.L_simem_size_0:
called_computation_lowered:
.L_overlay_start_0:
0x88: {  	s2 =	sld [smem:$0x3FD9]  }
0x89: {  	s3 =	sld [smem:$0x3FFE];
	_ =	sdelay $0x1  }
0x8a: {  	s1 =	srdreg.scid  }
0x8b: {  	s0 =	sand.u32 $0x1, s1  }
0x8c: {  	s14 =	sshll.u32 s0, $0xA;
	s2 =	sadd.s32 s3, s2  }
0x8d: {  	s2 =	sadd.s32 s2, s14  }
0x8e: {  	[smem:$0x3FC0] =	sst s2  }
0x8f: {  	_ = 	snop  }
0x90: {  	s2 =	sld [smem:$0x3FD0];
	_ =	sdelay $0x2  }
0x91: {  	s15 =	simm.s32 $0xA;
	s4 =	simm.s32 $0x10  }
0x92: {  	[smem:s4], [sflag:s15] =	dma.local [hbm:s2], $0x1  }
0x93: {  	_ =	swait.eq [sflag:s15], $0x1  }
0x94: {  	[sflag:s15] =	ssyncset.done $0x0  }
0x95: {  	[sflag:s15] =	ssyncadd.s32 $0xFFFFFFFF  }
0x96: {  	s16 =	sld [smem:$0x10];
	(tm) =	ssettm $0x1  }
0x97: {  	s17 =	sld [smem:$0x3FFB];
	_ =	sdelay $0x3  }
0x98: {  	_ =	strace s17  }
0x99: {  	s3 =	sld [smem:$0x3FFC];
	_ =	sdelay $0x3  }
0x9a: {  	_ =	strace s3  }
0x9b: {  	s3 =	sld [smem:$0x3FFD];
	_ =	sdelay $0x3  }
0x9c: {  	_ =	strace s3  }
0x9d: {  	_ =	strace $0x8FFFFFFF  }
0x9e: {  	s18 =	sld [smem:$0x3FDB];
	_ =	sdelay $0x1  }
0x9f: {  	s19 =	simm.s32 $_scs_section_size  }
0xa0: {  	s5 =	simm.s32 $_size__tile_overlayer_lowered;
	s6 =	simm.s32 $_tile_overlayer_lowered  }
0xa1: {  	s22 =	simm.s32 $0x1BFF;
	s21 =	sshll.u32 s6, $0x1;
	s3 =	sadd.s32 s19, s18  }
0xa2: {  	s7 =	simm.s32 $0x0;
	s20 =	sshll.u32 s5, $0x1;
	s5 =	sadd.s32 s21, s3  }
0xa3: {  	[timem:s7], [sflag:s22] =	dma.local [hbm:s5], s20  }
0xa4: {  	_ =	swait.ge [sflag:s22], s20  }
0xa5: {  	s4 =	ssub.s32 $0x0, s20;
	[sflag:s22] =	ssyncset.done $0x0  }
0xa6: {  	[sflag:s22] =	ssyncadd.s32 s4;
	_ =	sdelay $0x1  }
0xa7: {  	s23 =	simm.s32 $0x1B8B  }
0xa8: {  	_ =	swait.ge [sflag:s23], $0x1  }
0xa9: {  	[sflag:s23] =	ssyncset.done $0x0  }
0xaa: {  	s25 =	simm.s32 $0x1B8E;
	s24 =	sld [smem:$0x3FFE];
	[sflag:s23] =	ssyncadd.s32 $0xFFFFFFFF  }
0xab: {  	s26 =	simm.s32 $execute0_lowered;
	[smem:$0x3FD2] =	sst s25  }
0xac: {  	s5 =	sshll.u32 s26, $0x1;
	_ =	strace $0x80000046;
	[dreg:$0x1] =	wrdreg $0xFFFFFFFF  }
0xad: {  	s28 =	simm.s32 $_size_execute0_lowered;
	s3 =	sadd.s32 s3, s5;
	[dreg:$0x0] =	wrdreg $0x0  }
0xae: {  	s5 =	sshll.u32 s28, $0x1;
	[dreg:$0x2] =	wrdreg s3  }
0xaf: {  	[dreg:$0x3] =	wrdreg s5  }
0xb0: {  	[dreg:$0x4] =	wrdreg $0xC0  }
0xb1: {  	_ =	task [dreg:s7], $0x5FFFF  }
0xb2: {  	[dreg:$0x1] =	wrdreg $0xFFFFFFFF  }
0xb3: {  	[dreg:$0x0] =	wrdreg $0x60  }
0xb4: {  	[dreg:$0x2] =	wrdreg s16  }
0xb5: {  	[dreg:$0x3] =	wrdreg s24  }
0xb6: {  	[dreg:$0x4] =	wrdreg $0x9  }
0xb7: {  	_ =	task.clear_ibuf [dreg:s7], $0x5FFFF;
	_ =	strace $0x90000046  }
0xb8: {  	s29 =	simm.s32 $0x9;
	_ =	strace $0x80000048  }
0xb9: {  	_ =	swait.ge [sflag:s29], $0x1  }
0xba: {  	[sflag:s29] =	ssyncadd.s32 $0xFFFFFFFF  }
0xbb: {  	_ =	strace $0x90000048  }
0xbc: {  	_ =	sfence  }
0xbd: {  	s30 =	sld [smem:$0x0];
	_ =	sdelay $0x2  }
0xbe: {  	s31 =	sshll.u32 s1, $0xD;
	s1 =	sshrl.u32 s1, $0x2  }
0xbf: {  	s3 =	sand.u32 $0x4000, s31;
	s1 =	sadd.s32 s1, s30  }
0xc0: {  	s0 =	sor.u32 s3, s0;
	s1 =	sshll.u32 s1, $0x11  }
0xc1: {  	s0 =	sor.u32 s1, s0  }
0xc2: {  	s0 =	sadd.s32 $0x8F2B, s0  }
0xc3: {  	[sflag:s0] =	ssyncadd.remote.s32 $0x1  }
0xc4: {  	_ =	sfence.sel $0xFFFF  }
0xc5: {  	[dreg:$0x0] =	wrdreg $0xFFFFFFFF;
	(pc) =	sbr.abs _section_cstart, $3  }
0xc6: {  	[dreg:$0x1] =	wrdreg $0xFFFFFFFF  }
0xc7: {  	_ =	task.clear_ibuf [dreg:s7], $0x2FFFF;
	_ =	strace $0x9FFFFFFF  }
0xc8: {  	(tm) =	ssettm $0x7FFFFFFF  }
0xc9: {  	_ =	shalt  }
tec
execute0_lowered:
.L_overlay_start_1:
0x0: {  	(tag) =	ssettag $0x1  }
0x1: {  	s0 =	srdreg.scid;
	s4 =	rddreg [dreg:$0x0]  }
0x2: {  	s5 =	rddreg [dreg:$0x1];
	s1 =	stileid.u32  }
0x3: {  	s2 =	simm.s32 $0x0;
	s16 =	simm.s32 $0x1;
	s17 =	simm.s32 $0x2780  }
0x4: {  	s18 =	simm.s32 $0x2B68;
	s19 =	simm.s32 $0x2F50;
	s20 =	simm.s32 $0x3338  }
0x5: {  	s21 =	simm.s32 $0x3720;
	s22 =	simm.s32 $0x3B08;
	s3 =	sand.u32 $0x1, s0  }
0x6: {  	s23 =	simm.s32 $0x3EF0;
	s24 =	simm.s32 $0x42D8;
	s6 =	sshll.u32 s3, $0x4  }
0x7: {  	s25 =	simm.s32 $0x46C0;
	s26 =	simm.s32 $0x4AA8;
	s6 =	sor.u32 s1, s6  }
0x8: {  	s28 =	simm.s32 $0x0;
	[smem:$0x7FF] =	sst s2;
	s7 =	smul.u32 $0x3E8, s6  }
0x9: {  	s0 =	rddreg [dreg:$0x2];
	_ =	strace $0x80000047;
	s8 =	ssub.s32 $0x2, s3  }
0xa: {  	s9 =	sshrl.u32 s8, $0x1;
	s6 =	smul.u32 $0x4E2, s6;
	s7 =	sshrl.u32 s7, $0x3  }
0xb: {  	s3 =	sadd.s32 $0x2200, s5;
	s15 =	ssub.s32 s8, s9;
	s14 =	sadd.s32 s7, s5  }
0xc: {  	s15 =	smax.u32 s15, $0x1;
	s4 =	sadd.s32 s4, s6;
	s5 =	sadd.s32 $0x2800, s14  }
0xd: {  	s6 =	sadd.s32 $0x37A0, s14;
	s7 =	sadd.s32 $0x4740, s14;
	s8 =	sadd.s32 $0x56E0, s14  }
0xe: {  	s9 =	sadd.s32 $0x6680, s14;
	s10 =	sadd.s32 $0x7620, s14;
	s11 =	sadd.s32 $0x85C0, s14  }
0xf: {  	v0 =	vimm.f32 $1.000000000e+00;
	s12 =	sadd.s32 $0x9560, s14;
	s13 =	sadd.s32 $0xA500, s14;
	s14 =	sadd.s32 $0xB4A0, s14  }
.LBB2_1:
0x10: {  	[tilespmem:s2], [sflag:$0x1] =	stream.linear.gather [hbm4b:s4+s2], $0x2710, $0x38;
	[tilespmem:$0x4F00] =	vst v63  }
0x11: {  	_ =	swait.ge [sflag:s16], $0x2710  }
0x12: {  	[sflag:s16] =	ssyncset.done $0x0  }
0x13: {  	[sflag:s16] =	ssyncadd.s32 $0xFFFFD8F0  }
0x14: {  	[tilespmem:s17], [sflag:$0x1] =	stream.linear.gather [hbm4b:s3+s2], $0x2780, $0x38;
	[tilespmem:$0x4F00] =	vst v63  }
0x15: {  	_ =	swait.ge [sflag:s16], $0x2780  }
0x16: {  	[sflag:s16] =	ssyncset.done $0x0  }
0x17: {  	s29 =	simm.s32 $0x0;
	[sflag:s16] =	ssyncadd.s32 $0xFFFFD880  }
.LBB2_2:
0x18: {  	s30 =	sshra.s32 s29, $0x2  }
0x19: {  	v1 =	vld [tilespmem:s30+$0x0];
	_ =	sdelay $0x7  }
0x1a: {  	[tilespmem:v1+s17+$0x0] =	vst.idx.add.f32.msk $0xffff, v0  }
0x1b: {  	v1 =	vld [tilespmem:s30+$0x10];
	_ =	sdelay $0x7  }
0x1c: {  	[tilespmem:v1+s17+$0x0] =	vst.idx.add.f32.msk $0xffff, v0  }
0x1d: {  	v1 =	vld [tilespmem:s30+$0x20];
	_ =	sdelay $0x7  }
0x1e: {  	[tilespmem:v1+s17+$0x0] =	vst.idx.add.f32.msk $0xffff, v0  }
0x1f: {  	v1 =	vld [tilespmem:s30+$0x30];
	_ =	sdelay $0x2  }
0x20: {  	p0 =	sne.s32 s29, $0x9B00  }
.Ltmp0:
0x21: {  	_ = 	snop;
	(pc) =	sbr.rel @p0 .LBB2_2-.Ltmp0, $2  }
0x22: {  	_ =	sdelay $0x2  }
0x23: {  	s29 =	sadd.s32 $0x100, s29;
	[tilespmem:v1+s17+$0x0] =	vst.idx.add.f32.msk $0xffff, v0  }
0x24: {  	v1 =	vld [tilespmem:$0x2700];
	_ =	sdelay $0x7  }
0x25: {  	[tilespmem:v1+s17+$0x0] =	vst.idx.add.f32.msk $0xffff, v0  }
0x26: {  	[hbm4b:s5+s2] =	stream.linear.scatter [tilespmem:s17], [sflag:$0x1], $0x3E8, $0x38;
	[tilespmem:$0x4F00] =	vst v63  }
0x27: {  	_ =	swait.ge [sflag:s16], $0x3E8  }
0x28: {  	[sflag:s16] =	ssyncset.done $0x0  }
0x29: {  	[sflag:s16] =	ssyncadd.s32 $0xFFFFFC18  }
0x2a: {  	[hbm4b:s6+s2] =	stream.linear.scatter [tilespmem:s18], [sflag:$0x1], $0x3E8, $0x38;
	[tilespmem:$0x4F00] =	vst v63  }
0x2b: {  	_ =	swait.ge [sflag:s16], $0x3E8  }
0x2c: {  	[sflag:s16] =	ssyncset.done $0x0  }
0x2d: {  	[sflag:s16] =	ssyncadd.s32 $0xFFFFFC18  }
0x2e: {  	[hbm4b:s7+s2] =	stream.linear.scatter [tilespmem:s19], [sflag:$0x1], $0x3E8, $0x38;
	[tilespmem:$0x4F00] =	vst v63  }
0x2f: {  	_ =	swait.ge [sflag:s16], $0x3E8  }
0x30: {  	[sflag:s16] =	ssyncset.done $0x0  }
0x31: {  	[sflag:s16] =	ssyncadd.s32 $0xFFFFFC18  }
0x32: {  	[hbm4b:s8+s2] =	stream.linear.scatter [tilespmem:s20], [sflag:$0x1], $0x3E8, $0x38;
	[tilespmem:$0x4F00] =	vst v63  }
0x33: {  	_ =	swait.ge [sflag:s16], $0x3E8  }
0x34: {  	[sflag:s16] =	ssyncset.done $0x0  }
0x35: {  	[sflag:s16] =	ssyncadd.s32 $0xFFFFFC18  }
0x36: {  	[hbm4b:s9+s2] =	stream.linear.scatter [tilespmem:s21], [sflag:$0x1], $0x3E8, $0x38;
	[tilespmem:$0x4F00] =	vst v63  }
0x37: {  	_ =	swait.ge [sflag:s16], $0x3E8  }
0x38: {  	[sflag:s16] =	ssyncset.done $0x0  }
0x39: {  	[sflag:s16] =	ssyncadd.s32 $0xFFFFFC18  }
0x3a: {  	[hbm4b:s10+s2] =	stream.linear.scatter [tilespmem:s22], [sflag:$0x1], $0x3E8, $0x38;
	[tilespmem:$0x4F00] =	vst v63  }
0x3b: {  	_ =	swait.ge [sflag:s16], $0x3E8  }
0x3c: {  	[sflag:s16] =	ssyncset.done $0x0  }
0x3d: {  	[sflag:s16] =	ssyncadd.s32 $0xFFFFFC18  }
0x3e: {  	[hbm4b:s11+s2] =	stream.linear.scatter [tilespmem:s23], [sflag:$0x1], $0x3E8, $0x38;
	[tilespmem:$0x4F00] =	vst v63  }
0x3f: {  	_ =	swait.ge [sflag:s16], $0x3E8  }
0x40: {  	[sflag:s16] =	ssyncset.done $0x0  }
0x41: {  	[sflag:s16] =	ssyncadd.s32 $0xFFFFFC18  }
0x42: {  	[hbm4b:s12+s2] =	stream.linear.scatter [tilespmem:s24], [sflag:$0x1], $0x3E8, $0x38;
	[tilespmem:$0x4F00] =	vst v63  }
0x43: {  	_ =	swait.ge [sflag:s16], $0x3E8  }
0x44: {  	[sflag:s16] =	ssyncset.done $0x0  }
0x45: {  	[sflag:s16] =	ssyncadd.s32 $0xFFFFFC18  }
0x46: {  	[hbm4b:s13+s2] =	stream.linear.scatter [tilespmem:s25], [sflag:$0x1], $0x3E8, $0x38;
	[tilespmem:$0x4F00] =	vst v63  }
0x47: {  	s28 =	sadd.s32 $0x1, s28;
	_ =	swait.ge [sflag:s16], $0x3E8  }
0x48: {  	p0 =	sne.s32 s28, s15;
	[sflag:s16] =	ssyncset.done $0x0  }
.Ltmp1:
0x49: {  	[sflag:s16] =	ssyncadd.s32 $0xFFFFFC18;
	(pc) =	sbr.rel @p0 .LBB2_1-.Ltmp1, $4  }
0x4a: {  	[hbm4b:s14+s2] =	stream.linear.scatter [tilespmem:s26], [sflag:$0x1], $0x3E8, $0x38;
	[tilespmem:$0x4F00] =	vst v63  }
0x4b: {  	_ =	swait.ge [sflag:s16], $0x3E8  }
0x4c: {  	[sflag:s16] =	ssyncset.done $0x0  }
0x4d: {  	[sflag:s16] =	ssyncadd.s32 $0xFFFFFC18  }
0x4e: {  	_ =	sfence.sel $0x180000  }
0x4f: {  	[bflag:$0x0] =	sbarrier.arrive $0xFFFF  }
0x50: {  	p0 =	sne.s32 s1, $0x0;
	_ =	strace $0x90000047  }
0x51: {  	s0 =	sadd.s32 @!p0 $0x100000, s0;
	[bflag:$0x2] =	sbarrier.arrive $0xFFFF  }
0x52: {  	[sflag:s0] =	ssyncadd.tile.s32 @!p0 $0x1;
	_ =	shalt  }
.Lfunc_end2:
_tile_overlayer_lowered:
.L_overlay_start_2:
0x53: {  	(tag) =	ssettag $0x2  }
0x54: {  	s0 =	rddreg [dreg:$0x0];
	s2 =	stileid.u32  }
0x55: {  	s1 =	rddreg [dreg:$0x1];
	p0 =	sne.s32 s2, $0x0  }
0x56: {  	s3 =	rddreg [dreg:$0x2];
	[bflag:$0x3] =	sbarrier.arrive $0xFFFF;
	s2 =	simm.s32 @!p0 $0x1C01  }
0x57: {  	[timem:s3], [sflag:s2] =	dma.local @!p0 [hbm:s0], s1  }
0x58: {  	s0 =	simm.s32 @!p0 $0x1  }
0x59: {  	_ =	swait.ge @!p0 [sflag:s0], s1  }
0x5a: {  	s1 =	ssub.s32 @!p0 $0x0, s1;
	[sflag:s0] =	ssyncset.done @!p0 $0x0  }
0x5b: {  	[sflag:s0] =	ssyncadd.s32 @!p0 s1  }
0x5c: {  	[bflag:$0x3] =	sbarrier.arrive $0xFFFF  }
0x5d: {  	_ =	shalt  }

</sc_bundles>
